<compile_context>
chip_gen: v7x
topology: tpu7x:2x2x1
jax: 0.10.2.dev20260603
libtpu: 0.0.44.dev20260713+nightly
codegen_flags: <defaults>
</compile_context>

<pallas_src>
import functools

import jax
import jax.numpy as jnp
from jax import lax
from jax.experimental import pallas as pl
from jax.experimental.pallas import tpu as pltpu
import jax.experimental.pallas.tpu_sc as plsc

_N = 10000
_E = 320000
_IN = 128
_H = 64
_L = 4
_NP = 10240
_EP = 327680
_NC = 2
_NS = 16
_NW = _NC * _NS
_EPW = _EP // _NW
_BB = 128
_NB = _EPW // _BB
_RPT = _NP // _NS
_DW = 16



def _degree_body(dst_hbm, ones_hbm, z_hbm, out_hbm, dst_v, ones_v, deg_sh):
    c = lax.axis_index("c")
    s = lax.axis_index("s")
    wid = s * _NC + c
    pltpu.sync_copy(z_hbm.at[pl.ds(s * _RPT, _RPT)],
                    deg_sh.at[pl.ds(s * _RPT, _RPT)])
    pltpu.sync_copy(dst_hbm.at[wid], dst_v)
    pltpu.sync_copy(ones_hbm, ones_v)
    plsc.subcore_barrier()

    def body(j, carry):
        pltpu.sync_copy(ones_v, deg_sh.at[dst_v.at[j]], add=True)
        return carry

    lax.fori_loop(0, _NB, body, 0)
    plsc.subcore_barrier()
    pltpu.sync_copy(deg_sh.at[pl.ds(s * _RPT, _RPT)],
                    out_hbm.at[c, pl.ds(s * _RPT, _RPT)])


def _sc_degree(dstp, ones, zeros):
    mesh = plsc.VectorSubcoreMesh(core_axis_name="c", subcore_axis_name="s")
    f = pl.kernel(
        _degree_body,
        out_type=jax.ShapeDtypeStruct((_NC, _NP, _DW), jnp.float32),
        mesh=mesh,
        scratch_types=[
            pltpu.VMEM((_NB, _BB), jnp.int32),
            pltpu.VMEM((_BB, _DW), jnp.float32),
            pltpu.VMEM_SHARED((_NP, _DW), jnp.float32),
        ],
        compiler_params=pltpu.CompilerParams(use_tc_tiling_on_sc=False),
    )
    return f(dstp, ones, zeros)


_KB = 4
_NSUP = _NB // (2 * _KB)


def _scatter_body(y_hbm, src_hbm, dst_hbm, z_hbm, out_hbm,
                  src_v, dst_v, rows_a, rows_b, acc_sh, sga, sgb, ssa, ssb):
    c = lax.axis_index("c")
    s = lax.axis_index("s")
    wid = s * _NC + c
    pltpu.sync_copy(z_hbm.at[pl.ds(s * _RPT, _RPT)],
                    acc_sh.at[pl.ds(s * _RPT, _RPT)])
    pltpu.sync_copy(src_hbm.at[wid], src_v)
    pltpu.sync_copy(dst_hbm.at[wid], dst_v)
    plsc.subcore_barrier()

    def _gather(b, buf, sem, k):
        pltpu.async_copy(y_hbm.at[src_v.at[b]],
                         buf.at[pl.ds(k * _BB, _BB)], sem)

    def _gather_wait(buf, sem, k):
        pltpu.make_async_copy(y_hbm.at[src_v.at[0]],
                              buf.at[pl.ds(k * _BB, _BB)], sem).wait()

    def _scat(b, buf, sem, k):
        pltpu.async_copy(buf.at[pl.ds(k * _BB, _BB)],
                         acc_sh.at[dst_v.at[b]], sem, add=True)

    def _scat_wait(buf, sem, k):
        pltpu.make_async_copy(buf.at[pl.ds(k * _BB, _BB)],
                              acc_sh.at[dst_v.at[0]], sem).wait()

    for k in range(_KB):
        _gather(k, rows_a, sga, k)
        _gather(_KB + k, rows_b, sgb, k)

    def body(i, carry):
        b0 = i * (2 * _KB)
        for k in range(_KB):
            _gather_wait(rows_a, sga, k)
        for k in range(_KB):
            _scat(b0 + k, rows_a, ssa, k)
        for k in range(_KB):
            _gather_wait(rows_b, sgb, k)
        for k in range(_KB):
            _scat(b0 + _KB + k, rows_b, ssb, k)
        for k in range(_KB):
            _scat_wait(rows_a, ssa, k)

        @pl.when(i + 1 < _NSUP)
        def _():
            for k in range(_KB):
                _gather(b0 + 2 * _KB + k, rows_a, sga, k)

        for k in range(_KB):
            _scat_wait(rows_b, ssb, k)

        @pl.when(i + 1 < _NSUP)
        def _():
            for k in range(_KB):
                _gather(b0 + 3 * _KB + k, rows_b, sgb, k)

        return carry

    lax.fori_loop(0, _NSUP, body, 0)
    plsc.subcore_barrier()
    pltpu.sync_copy(acc_sh.at[pl.ds(s * _RPT, _RPT)],
                    out_hbm.at[c, pl.ds(s * _RPT, _RPT)])


def _sc_scatter(y, srcp, dstp, zeros):
    mesh = plsc.VectorSubcoreMesh(core_axis_name="c", subcore_axis_name="s")
    f = pl.kernel(
        _scatter_body,
        out_type=jax.ShapeDtypeStruct((_NC, _NP, _H), jnp.float32),
        mesh=mesh,
        scratch_types=[
            pltpu.VMEM((_NB, _BB), jnp.int32),
            pltpu.VMEM((_NB, _BB), jnp.int32),
            pltpu.VMEM((_KB * _BB, _H), jnp.float32),
            pltpu.VMEM((_KB * _BB, _H), jnp.float32),
            pltpu.VMEM_SHARED((_NP, _H), jnp.float32),
            pltpu.SemaphoreType.DMA,
            pltpu.SemaphoreType.DMA,
            pltpu.SemaphoreType.DMA,
            pltpu.SemaphoreType.DMA,
        ],
        compiler_params=pltpu.CompilerParams(use_tc_tiling_on_sc=False),
    )
    return f(y, srcp, dstp, zeros)



_NH = _NP // 2
_NR = _N // 2


def _dot(a, b):
    return jnp.dot(a, b, preferred_element_type=jnp.float32)


def _fe_body(x_ref, deg_ref, w1_ref, b1_ref, w2_ref, b2_ref, w0_ref,
             dinv_ref, y0_ref):
    lane = lax.broadcasted_iota(jnp.int32, (2, 2 * _H), 1)
    row = lax.broadcasted_iota(jnp.int32, (2, 2 * _H), 0)
    spread = ((lane // _H) == row).astype(jnp.float32)
    dinv = jnp.dot(lax.rsqrt(deg_ref[...] + 1.0), spread,
                   precision=lax.Precision.HIGHEST,
                   preferred_element_type=jnp.float32)
    h = jnp.maximum(_dot(x_ref[...], w1_ref[...]) + b1_ref[...], 0.0)
    h = _dot(h, w2_ref[...]) + b2_ref[...]
    dinv_ref[...] = dinv
    y0_ref[...] = dinv * _dot(h, w0_ref[...])


def _tc_fe(x2, degp, bd):
    return pl.pallas_call(
        _fe_body,
        out_shape=[
            jax.ShapeDtypeStruct((_NH, 2 * _H), jnp.float32),
            jax.ShapeDtypeStruct((_NH, 2 * _H), jnp.float32),
        ],
    )(x2, degp, bd['fe_W1'], bd['fe_b1'], bd['fe_W2'], bd['fe_b2'],
      bd['gcn_W0'])


def _bn_block(accp_ref, y_ref, dinv_ref, gb_ref, bng_ref, bnb_ref, fold_ref):
    dinv = dinv_ref[...]
    t = dinv * (accp_ref[0] + accp_ref[1] + y_ref[...]) + gb_ref[...]
    mask = (lax.broadcasted_iota(jnp.int32, (_NH, 1), 0) < _NR
            ).astype(jnp.float32)
    fold = fold_ref[...]
    m = jnp.dot(jnp.sum(t * mask, axis=0, keepdims=True) * (1.0 / _N),
                fold, precision=lax.Precision.HIGHEST,
                preferred_element_type=jnp.float32)
    d = (t - m) * mask
    v = jnp.dot(jnp.sum(d * d, axis=0, keepdims=True) * (1.0 / _N),
                fold, precision=lax.Precision.HIGHEST,
                preferred_element_type=jnp.float32)
    return bng_ref[...] * (t - m) * lax.rsqrt(v + 1e-5) + bnb_ref[...], dinv


def _mid_body(accp_ref, y_ref, dinv_ref, fold_ref, gb_ref, bng_ref, bnb_ref,
              wn_ref, ynext_ref):
    xh, dinv = _bn_block(accp_ref, y_ref, dinv_ref, gb_ref, bng_ref,
                         bnb_ref, fold_ref)
    ynext_ref[...] = dinv * _dot(jnp.maximum(xh, 0.0), wn_ref[...])


def _tc_mid(accp, y, dinv, fold, bd, i):
    return pl.pallas_call(
        _mid_body,
        out_shape=jax.ShapeDtypeStruct((_NH, 2 * _H), jnp.float32),
    )(accp, y, dinv, fold, bd[f'gcn_b{i}'], bd[f'bn_g{i}'], bd[f'bn_b{i}'],
      bd[f'gcn_W{i + 1}'])


def _final_body(accp_ref, y_ref, dinv_ref, fold_ref, gb_ref, bng_ref,
                bnb_ref, cw1_ref, cb1_ref, cw2_ref, cb2_ref,
                fw1_ref, fb1_ref, fw2_ref, fb2_ref,
                rw1_ref, rb1_ref, rw2_ref, rb2_ref,
                logits_ref, conf_ref, corr_ref):
    h, _ = _bn_block(accp_ref, y_ref, dinv_ref, gb_ref, bng_ref, bnb_ref,
                     fold_ref)
    cc = jnp.maximum(_dot(h, cw1_ref[...]) + cb1_ref[...], 0.0)
    logits_ref[...] = _dot(cc, cw2_ref[...]) + cb2_ref[...]
    cf = jnp.maximum(_dot(h, fw1_ref[...]) + fb1_ref[...], 0.0)
    conf_ref[...] = jax.nn.sigmoid(_dot(cf, fw2_ref[...]) + fb2_ref[...])
    cr = jnp.maximum(_dot(h, rw1_ref[...]) + rb1_ref[...], 0.0)
    corr_ref[...] = _dot(cr, rw2_ref[...]) + rb2_ref[...]


def _tc_final(accp, y, dinv, fold, bd, i):
    return pl.pallas_call(
        _final_body,
        out_shape=[
            jax.ShapeDtypeStruct((_NH, 6), jnp.float32),
            jax.ShapeDtypeStruct((_NH, 2), jnp.float32),
            jax.ShapeDtypeStruct((_NH, 2), jnp.float32),
        ],
    )(accp, y, dinv, fold, bd[f'gcn_b{i}'], bd[f'bn_g{i}'], bd[f'bn_b{i}'],
      bd['cls_W1'], bd['cls_b1'], bd['cls_W2'], bd['cls_b2'],
      bd['conf_W1'], bd['conf_b1'], bd['conf_W2'], bd['conf_b2'],
      bd['corr_W1'], bd['corr_b1'], bd['corr_W2'], bd['corr_b2'])



def _bdiag(w):
    z1 = jnp.zeros_like(w)
    return jnp.concatenate(
        [jnp.concatenate([w, z1], axis=1),
         jnp.concatenate([z1, w], axis=1)], axis=0)


def _pairb(b):
    return jnp.concatenate([b, b]).reshape(1, -1)


def kernel(x, edge_index, params):
    p = params
    pad = _N + (jnp.arange(_EP - _E, dtype=jnp.int32) % (_NP - _N))
    srcp = jnp.concatenate([edge_index[0], pad]).reshape(_NW, _NB, _BB)
    dstp = jnp.concatenate([edge_index[1], pad]).reshape(_NW, _NB, _BB)
    x2 = jnp.pad(x, ((0, _NP - _N), (0, 0))).reshape(_NH, 2 * _IN)
    zeros_deg = jnp.zeros((_NP, _DW), jnp.float32)
    ones_deg = jnp.ones((_BB, _DW), jnp.float32)
    zeros_acc = jnp.zeros((_NP, _H), jnp.float32)
    fold = jnp.tile(jnp.eye(_H, dtype=jnp.float32), (2, 2))
    bd = {}
    for k, w in p.items():
        bd[k] = _bdiag(w) if w.ndim == 2 else _pairb(w)

    degraw = _sc_degree(dstp, ones_deg, zeros_deg)
    degp = (degraw[0, :, 0] + degraw[1, :, 0]).reshape(_NH, 2)
    dinv, y = _tc_fe(x2, degp, bd)
    for i in range(_L - 1):
        accp = _sc_scatter(y.reshape(_NP, _H), srcp, dstp, zeros_acc)
        y = _tc_mid(accp.reshape(_NC, _NH, 2 * _H), y, dinv, fold, bd, i)
    accp = _sc_scatter(y.reshape(_NP, _H), srcp, dstp, zeros_acc)
    logits, conf, corr = _tc_final(accp.reshape(_NC, _NH, 2 * _H), y, dinv,
                                   fold, bd, _L - 1)
    return (logits.reshape(_NP, 3)[:_N],
            conf.reshape(_NP)[:_N],
            corr.reshape(_NP)[:_N])

# --- scband reference (transcript-rebuilt; emitter-appended) ---
"""Pipeline reference for scband-bathymetric-gnn-11450382811841 (READ-ONLY COPY).

The authoritative reference and input builder live on the scoring server;
editing this copy changes nothing except your own understanding.
"""

import jax, jax.numpy as jnp
import numpy as np

N = 10000
E = 320000
IN = 128
H = 64
L = 4


def _lin_init(k, i, o):
    kk = jax.random.split(k)
    W = (jax.random.normal(kk[0], (i, o)) * (1.0 / np.sqrt(i))).astype(jnp.float32)
    b = jnp.zeros((o,), jnp.float32)
    return W, b


def setup_inputs(seed: int = 0) -> dict:
    key = jax.random.key(seed)
    ks = jax.random.split(key, 32)
    x = jax.random.normal(ks[0], (N, IN), dtype=jnp.float32)
    edge_index = jax.random.randint(ks[1], (2, E), 0, N, dtype=jnp.int32)
    p = {}
    p['fe_W1'], p['fe_b1'] = _lin_init(ks[2], IN, H)
    p['fe_W2'], p['fe_b2'] = _lin_init(ks[3], H, H)
    for i in range(L):
        p[f'gcn_W{i}'], p[f'gcn_b{i}'] = _lin_init(ks[4 + i], H, H)
        p[f'bn_g{i}'] = jnp.ones((H,), jnp.float32)
        p[f'bn_b{i}'] = jnp.zeros((H,), jnp.float32)
    p['cls_W1'], p['cls_b1'] = _lin_init(ks[10], H, H // 2)
    p['cls_W2'], p['cls_b2'] = _lin_init(ks[11], H // 2, 3)
    p['conf_W1'], p['conf_b1'] = _lin_init(ks[12], H, H // 2)
    p['conf_W2'], p['conf_b2'] = _lin_init(ks[13], H // 2, 1)
    p['corr_W1'], p['corr_b1'] = _lin_init(ks[14], H, H // 2)
    p['corr_W2'], p['corr_b2'] = _lin_init(ks[15], H // 2, 1)
    return {'x': x, 'edge_index': edge_index, 'params': p}


def _gcn_conv(x, ei, W, b):
    # GCNConv with self-loops and symmetric normalization
    src = ei[0]
    dst = ei[1]
    sl = jnp.arange(N, dtype=ei.dtype)
    s = jnp.concatenate([src, sl])
    d = jnp.concatenate([dst, sl])
    deg = jnp.zeros((N,), jnp.float32).at[d].add(1.0)
    dinv = jnp.where(deg > 0, 1.0 / jnp.sqrt(deg), 0.0)
    norm = dinv[s] * dinv[d]
    xw = x @ W
    out = jnp.zeros((N, W.shape[1]), jnp.float32).at[d].add(xw[s] * norm[:, None])
    return out + b


def _bn(x, g, b):
    m = x.mean(0)
    v = x.var(0)
    return g * (x - m) / jnp.sqrt(v + 1e-5) + b


def _forward(x, params, edge_index):
    p = params
    # LocalFeatureExtractor (2-layer MLP, dropout off)
    h = jax.nn.relu(x @ p['fe_W1'] + p['fe_b1'])
    h = h @ p['fe_W2'] + p['fe_b2']
    # GNN backbone: GCN layers + BatchNorm + ReLU (except last)
    for i in range(L):
        h = _gcn_conv(h, edge_index, p[f'gcn_W{i}'], p[f'gcn_b{i}'])
        h = _bn(h, p[f'bn_g{i}'], p[f'bn_b{i}'])
        if i < L - 1:
            h = jax.nn.relu(h)
    # Heads
    c = jax.nn.relu(h @ p['cls_W1'] + p['cls_b1'])
    logits = c @ p['cls_W2'] + p['cls_b2']
    cf = jax.nn.relu(h @ p['conf_W1'] + p['conf_b1'])
    conf = jax.nn.sigmoid(cf @ p['conf_W2'] + p['conf_b2']).squeeze(-1)
    cr = jax.nn.relu(h @ p['corr_W1'] + p['corr_b1'])
    corr = (cr @ p['corr_W2'] + p['corr_b2']).squeeze(-1)
    return (logits, conf, corr)


def reference(x, edge_index, params):
    return _forward(x, params, edge_index)

if __name__ == "__main__":
    import jax
    _d = setup_inputs()
    print(jax.jit(kernel)(*tuple(_d.values())))

</pallas_src>

<mosaic_0001>
#map = affine_map<(d0, d1) -> (0, 0, 0)>
#map1 = affine_map<(d0, d1) -> (0, 0)>
module attributes {stable_mosaic.version = 14 : i64} {
  func.func @_degree_body(%arg0: i32, %arg1: i32, %arg2: memref<32x80x128xi32, #tpu.memory_space<hbm>>, %arg3: memref<128x16xf32, #tpu.memory_space<hbm>>, %arg4: memref<10240x16xf32, #tpu.memory_space<hbm>>, %arg5: memref<2x10240x16xf32, #tpu.memory_space<hbm>>, %arg6: memref<80x128xi32, #tpu.memory_space<vmem>>, %arg7: memref<128x16xf32, #tpu.memory_space<vmem>>, %arg8: memref<10240x16xf32, #tpu.memory_space<vmem_shared>>) attributes {dimension_semantics = [#tpu.dimension_semantics<core_parallel>, #tpu.dimension_semantics<subcore_parallel>], iteration_bounds = array<i64: 2, 16>, scalar_prefetch = 0 : i64, scratch_operands = 3 : i64, tpu.core_type = #tpu.core_type<sc_vector_subcore>, window_params = [{transform_indices = #map}, {transform_indices = #map1}, {transform_indices = #map1}, {transform_indices = #map}]} {
    %mul3A = arith.constant 2 : i32
    %mul3A_0 = arith.muli %arg1, %mul3A : i32
    %add3A = arith.addi %mul3A_0, %arg0 : i32
    %mul3A_1 = arith.constant 640 : i32
    %mul3A_2 = arith.muli %arg1, %mul3A_1 : i32
    %mul3A_3 = arith.constant 640 : i32
    %mul3A_4 = arith.muli %arg1, %mul3A_3 : i32
    "tpu.region"() ({
      %run_scoped3A = tpu.sem_alloc : memref<!tpu.dma_semaphore, #tpu.memory_space<semaphore_mem>>
      %dma_start3A = arith.constant 0 : i32
      %dma_start3A_15 = tpu.memref_slice %arg8[%mul3A_4, %dma_start3A] : memref<10240x16xf32, #tpu.memory_space<vmem_shared>> -> memref<640x16xf32, #tpu.memory_space<vmem_shared>>
      %dma_start3A_16 = arith.constant 0 : i32
      %dma_start3A_17 = tpu.memref_slice %arg4[%mul3A_2, %dma_start3A_16] : memref<10240x16xf32, #tpu.memory_space<hbm>> -> memref<640x16xf32, #tpu.memory_space<hbm>>
      tpu.enqueue_dma source(%dma_start3A_17 : memref<640x16xf32, #tpu.memory_space<hbm>>) target(%dma_start3A_15 : memref<640x16xf32, #tpu.memory_space<vmem_shared>>) target_semaphore(%run_scoped3A : memref<!tpu.dma_semaphore, #tpu.memory_space<semaphore_mem>>)
      %dma_wait3A = arith.constant 0 : i32
      %dma_wait3A_18 = tpu.memref_slice %arg8[%mul3A_4, %dma_wait3A] : memref<10240x16xf32, #tpu.memory_space<vmem_shared>> -> memref<640x16xf32, #tpu.memory_space<vmem_shared>>
      %dma_wait3A_19 = arith.constant 0 : i32
      %dma_wait3A_20 = tpu.memref_slice %arg4[%mul3A_2, %dma_wait3A_19] : memref<10240x16xf32, #tpu.memory_space<hbm>> -> memref<640x16xf32, #tpu.memory_space<hbm>>
      tpu.wait_dma2 semaphore(%run_scoped3A : memref<!tpu.dma_semaphore, #tpu.memory_space<semaphore_mem>>) src(%dma_wait3A_20 : memref<640x16xf32, #tpu.memory_space<hbm>>) dst(%dma_wait3A_18 : memref<640x16xf32, #tpu.memory_space<vmem_shared>>)
      tpu.yield
    }) : () -> ()
    "tpu.region"() ({
      %run_scoped3A = tpu.sem_alloc : memref<!tpu.dma_semaphore, #tpu.memory_space<semaphore_mem>>
      %dma_start3A = arith.constant 0 : i32
      %dma_start3A_15 = arith.constant 0 : i32
      %dma_start3A_16 = tpu.memref_slice %arg2[%add3A, %dma_start3A, %dma_start3A_15] : memref<32x80x128xi32, #tpu.memory_space<hbm>> -> memref<1x80x128xi32, #tpu.memory_space<hbm>>
      %dma_start3A_17 = tpu.memref_squeeze %dma_start3A_16 : memref<1x80x128xi32, #tpu.memory_space<hbm>> -> memref<80x128xi32, #tpu.memory_space<hbm>>
      %dma_start3A_18 = arith.constant 0 : i32
      %dma_start3A_19 = arith.constant 0 : i32
      %dma_start3A_20 = tpu.memref_slice %arg2[%add3A, %dma_start3A_18, %dma_start3A_19] : memref<32x80x128xi32, #tpu.memory_space<hbm>> -> memref<1x80x128xi32, #tpu.memory_space<hbm>>
      %dma_start3A_21 = tpu.memref_squeeze %dma_start3A_20 : memref<1x80x128xi32, #tpu.memory_space<hbm>> -> memref<80x128xi32, #tpu.memory_space<hbm>>
      tpu.enqueue_dma source(%dma_start3A_21 : memref<80x128xi32, #tpu.memory_space<hbm>>) target(%arg6 : memref<80x128xi32, #tpu.memory_space<vmem>>) target_semaphore(%run_scoped3A : memref<!tpu.dma_semaphore, #tpu.memory_space<semaphore_mem>>)
      %dma_wait3A = arith.constant 0 : i32
      %dma_wait3A_22 = arith.constant 0 : i32
      %dma_wait3A_23 = tpu.memref_slice %arg2[%add3A, %dma_wait3A, %dma_wait3A_22] : memref<32x80x128xi32, #tpu.memory_space<hbm>> -> memref<1x80x128xi32, #tpu.memory_space<hbm>>
      %dma_wait3A_24 = tpu.memref_squeeze %dma_wait3A_23 : memref<1x80x128xi32, #tpu.memory_space<hbm>> -> memref<80x128xi32, #tpu.memory_space<hbm>>
      %dma_wait3A_25 = arith.constant 0 : i32
      %dma_wait3A_26 = arith.constant 0 : i32
      %dma_wait3A_27 = tpu.memref_slice %arg2[%add3A, %dma_wait3A_25, %dma_wait3A_26] : memref<32x80x128xi32, #tpu.memory_space<hbm>> -> memref<1x80x128xi32, #tpu.memory_space<hbm>>
      %dma_wait3A_28 = tpu.memref_squeeze %dma_wait3A_27 : memref<1x80x128xi32, #tpu.memory_space<hbm>> -> memref<80x128xi32, #tpu.memory_space<hbm>>
      tpu.wait_dma2 semaphore(%run_scoped3A : memref<!tpu.dma_semaphore, #tpu.memory_space<semaphore_mem>>) src(%dma_wait3A_28 : memref<80x128xi32, #tpu.memory_space<hbm>>) dst(%arg6 : memref<80x128xi32, #tpu.memory_space<vmem>>)
      tpu.yield
    }) : () -> ()
    "tpu.region"() ({
      %run_scoped3A = tpu.sem_alloc : memref<!tpu.dma_semaphore, #tpu.memory_space<semaphore_mem>>
      tpu.enqueue_dma source(%arg3 : memref<128x16xf32, #tpu.memory_space<hbm>>) target(%arg7 : memref<128x16xf32, #tpu.memory_space<vmem>>) target_semaphore(%run_scoped3A : memref<!tpu.dma_semaphore, #tpu.memory_space<semaphore_mem>>)
      tpu.wait_dma2 semaphore(%run_scoped3A : memref<!tpu.dma_semaphore, #tpu.memory_space<semaphore_mem>>) src(%arg3 : memref<128x16xf32, #tpu.memory_space<hbm>>) dst(%arg7 : memref<128x16xf32, #tpu.memory_space<vmem>>)
      tpu.yield
    }) : () -> ()
    %barrier3A = arith.constant 0 : index
    tpu.barrier barrier_id(%barrier3A)
    %scan3A = arith.constant 0 : i32
    %scan3A_5 = arith.constant 0 : i32
    %scan3A_6 = arith.constant 80 : i32
    %scan3A_7 = arith.addi %scan3A_5, %scan3A_6 : i32
    %scan3A_8 = arith.constant 1 : i32
    scf.for %scan3A_15 = %scan3A_5 to %scan3A_7 step %scan3A_8  : i32 {
      "tpu.region"() ({
        %run_scoped3A = tpu.sem_alloc : memref<!tpu.dma_semaphore, #tpu.memory_space<semaphore_mem>>
        %dma_start3A = arith.constant 0 : i32
        %dma_start3A_16 = tpu.memref_slice %arg6[%scan3A_15, %dma_start3A] : memref<80x128xi32, #tpu.memory_space<vmem>> -> memref<1x128xi32, #tpu.memory_space<vmem>>
        %dma_start3A_17 = tpu.memref_squeeze %dma_start3A_16 : memref<1x128xi32, #tpu.memory_space<vmem>> -> memref<128xi32, #tpu.memory_space<vmem>>
        %dma_start3A_18 = arith.constant 0 : i32
        %dma_start3A_19 = arith.constant 0 : i32
        %dma_start3A_20 = tpu.memref_slice %arg8[%dma_start3A_18, %dma_start3A_19] : memref<10240x16xf32, #tpu.memory_space<vmem_shared>> -> memref<10240x16xf32, #tpu.memory_space<vmem_shared>>
        tpu.enqueue_indirect_dma source(%arg7 : memref<128x16xf32, #tpu.memory_space<vmem>>) target(%dma_start3A_20 : memref<10240x16xf32, #tpu.memory_space<vmem_shared>>) offsets(%dma_start3A_17 : memref<128xi32, #tpu.memory_space<vmem>>) semaphore(%run_scoped3A : memref<!tpu.dma_semaphore, #tpu.memory_space<semaphore_mem>>) {add = true}
        %dma_wait3A = arith.constant 0 : i32
        %dma_wait3A_21 = tpu.memref_slice %arg6[%scan3A_15, %dma_wait3A] : memref<80x128xi32, #tpu.memory_space<vmem>> -> memref<1x128xi32, #tpu.memory_space<vmem>>
        %dma_wait3A_22 = tpu.memref_squeeze %dma_wait3A_21 : memref<1x128xi32, #tpu.memory_space<vmem>> -> memref<128xi32, #tpu.memory_space<vmem>>
        %dma_wait3A_23 = arith.constant 0 : i32
        %dma_wait3A_24 = arith.constant 0 : i32
        %dma_wait3A_25 = tpu.memref_slice %arg8[%dma_wait3A_23, %dma_wait3A_24] : memref<10240x16xf32, #tpu.memory_space<vmem_shared>> -> memref<10240x16xf32, #tpu.memory_space<vmem_shared>>
        tpu.wait_indirect_dma semaphore(%run_scoped3A : memref<!tpu.dma_semaphore, #tpu.memory_space<semaphore_mem>>) src(%arg7 : memref<128x16xf32, #tpu.memory_space<vmem>>) dst(%dma_wait3A_25 : memref<10240x16xf32, #tpu.memory_space<vmem_shared>>)
        tpu.yield
      }) : () -> ()
    }
    %scan3A_9 = arith.constant 80 : i32
    %barrier3A_10 = arith.constant 0 : index
    tpu.barrier barrier_id(%barrier3A_10)
    %mul3A_11 = arith.constant 640 : i32
    %mul3A_12 = arith.muli %arg1, %mul3A_11 : i32
    %mul3A_13 = arith.constant 640 : i32
    %mul3A_14 = arith.muli %arg1, %mul3A_13 : i32
    "tpu.region"() ({
      %run_scoped3A = tpu.sem_alloc : memref<!tpu.dma_semaphore, #tpu.memory_space<semaphore_mem>>
      %dma_start3A = arith.constant 0 : i32
      %dma_start3A_15 = tpu.memref_slice %arg5[%arg0, %mul3A_14, %dma_start3A] : memref<2x10240x16xf32, #tpu.memory_space<hbm>> -> memref<1x640x16xf32, #tpu.memory_space<hbm>>
      %dma_start3A_16 = tpu.memref_squeeze %dma_start3A_15 : memref<1x640x16xf32, #tpu.memory_space<hbm>> -> memref<640x16xf32, #tpu.memory_space<hbm>>
      %dma_start3A_17 = arith.constant 0 : i32
      %dma_start3A_18 = tpu.memref_slice %arg8[%mul3A_12, %dma_start3A_17] : memref<10240x16xf32, #tpu.memory_space<vmem_shared>> -> memref<640x16xf32, #tpu.memory_space<vmem_shared>>
      tpu.enqueue_dma source(%dma_start3A_18 : memref<640x16xf32, #tpu.memory_space<vmem_shared>>) target(%dma_start3A_16 : memref<640x16xf32, #tpu.memory_space<hbm>>) target_semaphore(%run_scoped3A : memref<!tpu.dma_semaphore, #tpu.memory_space<semaphore_mem>>)
      %dma_wait3A = arith.constant 0 : i32
      %dma_wait3A_19 = tpu.memref_slice %arg5[%arg0, %mul3A_14, %dma_wait3A] : memref<2x10240x16xf32, #tpu.memory_space<hbm>> -> memref<1x640x16xf32, #tpu.memory_space<hbm>>
      %dma_wait3A_20 = tpu.memref_squeeze %dma_wait3A_19 : memref<1x640x16xf32, #tpu.memory_space<hbm>> -> memref<640x16xf32, #tpu.memory_space<hbm>>
      %dma_wait3A_21 = arith.constant 0 : i32
      %dma_wait3A_22 = tpu.memref_slice %arg8[%mul3A_12, %dma_wait3A_21] : memref<10240x16xf32, #tpu.memory_space<vmem_shared>> -> memref<640x16xf32, #tpu.memory_space<vmem_shared>>
      tpu.wait_dma2 semaphore(%run_scoped3A : memref<!tpu.dma_semaphore, #tpu.memory_space<semaphore_mem>>) src(%dma_wait3A_22 : memref<640x16xf32, #tpu.memory_space<vmem_shared>>) dst(%dma_wait3A_20 : memref<640x16xf32, #tpu.memory_space<hbm>>)
      tpu.yield
    }) : () -> ()
    return
  }
}

#map = affine_map<(d0, d1) -> (0, 0)>
#map1 = affine_map<(d0, d1) -> (0, 0, 0)>
module attributes {stable_mosaic.version = 14 : i64} {
  func.func @_scatter_body(%arg0: i32, %arg1: i32, %arg2: memref<10240x64xf32, #tpu.memory_space<hbm>>, %arg3: memref<32x80x128xi32, #tpu.memory_space<hbm>>, %arg4: memref<32x80x128xi32, #tpu.memory_space<hbm>>, %arg5: memref<10240x64xf32, #tpu.memory_space<hbm>>, %arg6: memref<2x10240x64xf32, #tpu.memory_space<hbm>>, %arg7: memref<80x128xi32, #tpu.memory_space<vmem>>, %arg8: memref<80x128xi32, #tpu.memory_space<vmem>>, %arg9: memref<512x64xf32, #tpu.memory_space<vmem>>, %arg10: memref<512x64xf32, #tpu.memory_space<vmem>>, %arg11: memref<10240x64xf32, #tpu.memory_space<vmem_shared>>, %arg12: memref<!tpu.dma_semaphore, #tpu.memory_space<semaphore_mem>>, %arg13: memref<!tpu.dma_semaphore, #tpu.memory_space<semaphore_mem>>, %arg14: memref<!tpu.dma_semaphore, #tpu.memory_space<semaphore_mem>>, %arg15: memref<!tpu.dma_semaphore, #tpu.memory_space<semaphore_mem>>) attributes {dimension_semantics = [#tpu.dimension_semantics<core_parallel>, #tpu.dimension_semantics<subcore_parallel>], iteration_bounds = array<i64: 2, 16>, scalar_prefetch = 0 : i64, scratch_operands = 9 : i64, tpu.core_type = #tpu.core_type<sc_vector_subcore>, window_params = [{transform_indices = #map}, {transform_indices = #map1}, {transform_indices = #map1}, {transform_indices = #map}, {transform_indices = #map1}]} {
    %mul3A = arith.constant 2 : i32
    %mul3A_0 = arith.muli %arg1, %mul3A : i32
    %add3A = arith.addi %mul3A_0, %arg0 : i32
    %mul3A_1 = arith.constant 640 : i32
    %mul3A_2 = arith.muli %arg1, %mul3A_1 : i32
    %mul3A_3 = arith.constant 640 : i32
    %mul3A_4 = arith.muli %arg1, %mul3A_3 : i32
    "tpu.region"() ({
      %run_scoped3A = tpu.sem_alloc : memref<!tpu.dma_semaphore, #tpu.memory_space<semaphore_mem>>
      %dma_start3A_94 = arith.constant 0 : i32
      %dma_start3A_95 = tpu.memref_slice %arg11[%mul3A_4, %dma_start3A_94] : memref<10240x64xf32, #tpu.memory_space<vmem_shared>> -> memref<640x64xf32, #tpu.memory_space<vmem_shared>>
      %dma_start3A_96 = arith.constant 0 : i32
      %dma_start3A_97 = tpu.memref_slice %arg5[%mul3A_2, %dma_start3A_96] : memref<10240x64xf32, #tpu.memory_space<hbm>> -> memref<640x64xf32, #tpu.memory_space<hbm>>
      tpu.enqueue_dma source(%dma_start3A_97 : memref<640x64xf32, #tpu.memory_space<hbm>>) target(%dma_start3A_95 : memref<640x64xf32, #tpu.memory_space<vmem_shared>>) target_semaphore(%run_scoped3A : memref<!tpu.dma_semaphore, #tpu.memory_space<semaphore_mem>>)
      %dma_wait3A = arith.constant 0 : i32
      %dma_wait3A_98 = tpu.memref_slice %arg11[%mul3A_4, %dma_wait3A] : memref<10240x64xf32, #tpu.memory_space<vmem_shared>> -> memref<640x64xf32, #tpu.memory_space<vmem_shared>>
      %dma_wait3A_99 = arith.constant 0 : i32
      %dma_wait3A_100 = tpu.memref_slice %arg5[%mul3A_2, %dma_wait3A_99] : memref<10240x64xf32, #tpu.memory_space<hbm>> -> memref<640x64xf32, #tpu.memory_space<hbm>>
      tpu.wait_dma2 semaphore(%run_scoped3A : memref<!tpu.dma_semaphore, #tpu.memory_space<semaphore_mem>>) src(%dma_wait3A_100 : memref<640x64xf32, #tpu.memory_space<hbm>>) dst(%dma_wait3A_98 : memref<640x64xf32, #tpu.memory_space<vmem_shared>>)
      tpu.yield
    }) : () -> ()
    "tpu.region"() ({
      %run_scoped3A = tpu.sem_alloc : memref<!tpu.dma_semaphore, #tpu.memory_space<semaphore_mem>>
      %dma_start3A_94 = arith.constant 0 : i32
      %dma_start3A_95 = arith.constant 0 : i32
      %dma_start3A_96 = tpu.memref_slice %arg3[%add3A, %dma_start3A_94, %dma_start3A_95] : memref<32x80x128xi32, #tpu.memory_space<hbm>> -> memref<1x80x128xi32, #tpu.memory_space<hbm>>
      %dma_start3A_97 = tpu.memref_squeeze %dma_start3A_96 : memref<1x80x128xi32, #tpu.memory_space<hbm>> -> memref<80x128xi32, #tpu.memory_space<hbm>>
      %dma_start3A_98 = arith.constant 0 : i32
      %dma_start3A_99 = arith.constant 0 : i32
      %dma_start3A_100 = tpu.memref_slice %arg3[%add3A, %dma_start3A_98, %dma_start3A_99] : memref<32x80x128xi32, #tpu.memory_space<hbm>> -> memref<1x80x128xi32, #tpu.memory_space<hbm>>
      %dma_start3A_101 = tpu.memref_squeeze %dma_start3A_100 : memref<1x80x128xi32, #tpu.memory_space<hbm>> -> memref<80x128xi32, #tpu.memory_space<hbm>>
      tpu.enqueue_dma source(%dma_start3A_101 : memref<80x128xi32, #tpu.memory_space<hbm>>) target(%arg7 : memref<80x128xi32, #tpu.memory_space<vmem>>) target_semaphore(%run_scoped3A : memref<!tpu.dma_semaphore, #tpu.memory_space<semaphore_mem>>)
      %dma_wait3A = arith.constant 0 : i32
      %dma_wait3A_102 = arith.constant 0 : i32
      %dma_wait3A_103 = tpu.memref_slice %arg3[%add3A, %dma_wait3A, %dma_wait3A_102] : memref<32x80x128xi32, #tpu.memory_space<hbm>> -> memref<1x80x128xi32, #tpu.memory_space<hbm>>
      %dma_wait3A_104 = tpu.memref_squeeze %dma_wait3A_103 : memref<1x80x128xi32, #tpu.memory_space<hbm>> -> memref<80x128xi32, #tpu.memory_space<hbm>>
      %dma_wait3A_105 = arith.constant 0 : i32
      %dma_wait3A_106 = arith.constant 0 : i32
      %dma_wait3A_107 = tpu.memref_slice %arg3[%add3A, %dma_wait3A_105, %dma_wait3A_106] : memref<32x80x128xi32, #tpu.memory_space<hbm>> -> memref<1x80x128xi32, #tpu.memory_space<hbm>>
      %dma_wait3A_108 = tpu.memref_squeeze %dma_wait3A_107 : memref<1x80x128xi32, #tpu.memory_space<hbm>> -> memref<80x128xi32, #tpu.memory_space<hbm>>
      tpu.wait_dma2 semaphore(%run_scoped3A : memref<!tpu.dma_semaphore, #tpu.memory_space<semaphore_mem>>) src(%dma_wait3A_108 : memref<80x128xi32, #tpu.memory_space<hbm>>) dst(%arg7 : memref<80x128xi32, #tpu.memory_space<vmem>>)
      tpu.yield
    }) : () -> ()
    "tpu.region"() ({
      %run_scoped3A = tpu.sem_alloc : memref<!tpu.dma_semaphore, #tpu.memory_space<semaphore_mem>>
      %dma_start3A_94 = arith.constant 0 : i32
      %dma_start3A_95 = arith.constant 0 : i32
      %dma_start3A_96 = tpu.memref_slice %arg4[%add3A, %dma_start3A_94, %dma_start3A_95] : memref<32x80x128xi32, #tpu.memory_space<hbm>> -> memref<1x80x128xi32, #tpu.memory_space<hbm>>
      %dma_start3A_97 = tpu.memref_squeeze %dma_start3A_96 : memref<1x80x128xi32, #tpu.memory_space<hbm>> -> memref<80x128xi32, #tpu.memory_space<hbm>>
      %dma_start3A_98 = arith.constant 0 : i32
      %dma_start3A_99 = arith.constant 0 : i32
      %dma_start3A_100 = tpu.memref_slice %arg4[%add3A, %dma_start3A_98, %dma_start3A_99] : memref<32x80x128xi32, #tpu.memory_space<hbm>> -> memref<1x80x128xi32, #tpu.memory_space<hbm>>
      %dma_start3A_101 = tpu.memref_squeeze %dma_start3A_100 : memref<1x80x128xi32, #tpu.memory_space<hbm>> -> memref<80x128xi32, #tpu.memory_space<hbm>>
      tpu.enqueue_dma source(%dma_start3A_101 : memref<80x128xi32, #tpu.memory_space<hbm>>) target(%arg8 : memref<80x128xi32, #tpu.memory_space<vmem>>) target_semaphore(%run_scoped3A : memref<!tpu.dma_semaphore, #tpu.memory_space<semaphore_mem>>)
      %dma_wait3A = arith.constant 0 : i32
      %dma_wait3A_102 = arith.constant 0 : i32
      %dma_wait3A_103 = tpu.memref_slice %arg4[%add3A, %dma_wait3A, %dma_wait3A_102] : memref<32x80x128xi32, #tpu.memory_space<hbm>> -> memref<1x80x128xi32, #tpu.memory_space<hbm>>
      %dma_wait3A_104 = tpu.memref_squeeze %dma_wait3A_103 : memref<1x80x128xi32, #tpu.memory_space<hbm>> -> memref<80x128xi32, #tpu.memory_space<hbm>>
      %dma_wait3A_105 = arith.constant 0 : i32
      %dma_wait3A_106 = arith.constant 0 : i32
      %dma_wait3A_107 = tpu.memref_slice %arg4[%add3A, %dma_wait3A_105, %dma_wait3A_106] : memref<32x80x128xi32, #tpu.memory_space<hbm>> -> memref<1x80x128xi32, #tpu.memory_space<hbm>>
      %dma_wait3A_108 = tpu.memref_squeeze %dma_wait3A_107 : memref<1x80x128xi32, #tpu.memory_space<hbm>> -> memref<80x128xi32, #tpu.memory_space<hbm>>
      tpu.wait_dma2 semaphore(%run_scoped3A : memref<!tpu.dma_semaphore, #tpu.memory_space<semaphore_mem>>) src(%dma_wait3A_108 : memref<80x128xi32, #tpu.memory_space<hbm>>) dst(%arg8 : memref<80x128xi32, #tpu.memory_space<vmem>>)
      tpu.yield
    }) : () -> ()
    %barrier3A = arith.constant 0 : index
    tpu.barrier barrier_id(%barrier3A)
    %dma_start3A = arith.constant 0 : i32
    %dma_start3A_5 = arith.constant 0 : i32
    %dma_start3A_6 = arith.constant 0 : i32
    %dma_start3A_7 = tpu.memref_slice %arg9[%dma_start3A_5, %dma_start3A_6] : memref<512x64xf32, #tpu.memory_space<vmem>> -> memref<128x64xf32, #tpu.memory_space<vmem>>
    %dma_start3A_8 = arith.constant 0 : i32
    %dma_start3A_9 = tpu.memref_slice %arg7[%dma_start3A, %dma_start3A_8] : memref<80x128xi32, #tpu.memory_space<vmem>> -> memref<1x128xi32, #tpu.memory_space<vmem>>
    %dma_start3A_10 = tpu.memref_squeeze %dma_start3A_9 : memref<1x128xi32, #tpu.memory_space<vmem>> -> memref<128xi32, #tpu.memory_space<vmem>>
    %dma_start3A_11 = arith.constant 0 : i32
    %dma_start3A_12 = arith.constant 0 : i32
    %dma_start3A_13 = tpu.memref_slice %arg2[%dma_start3A_11, %dma_start3A_12] : memref<10240x64xf32, #tpu.memory_space<hbm>> -> memref<10240x64xf32, #tpu.memory_space<hbm>>
    tpu.enqueue_indirect_dma source(%dma_start3A_13 : memref<10240x64xf32, #tpu.memory_space<hbm>>) target(%dma_start3A_7 : memref<128x64xf32, #tpu.memory_space<vmem>>) offsets(%dma_start3A_10 : memref<128xi32, #tpu.memory_space<vmem>>) semaphore(%arg12 : memref<!tpu.dma_semaphore, #tpu.memory_space<semaphore_mem>>)
    %dma_start3A_14 = arith.constant 4 : i32
    %dma_start3A_15 = arith.constant 0 : i32
    %dma_start3A_16 = arith.constant 0 : i32
    %dma_start3A_17 = tpu.memref_slice %arg10[%dma_start3A_15, %dma_start3A_16] : memref<512x64xf32, #tpu.memory_space<vmem>> -> memref<128x64xf32, #tpu.memory_space<vmem>>
    %dma_start3A_18 = arith.constant 0 : i32
    %dma_start3A_19 = tpu.memref_slice %arg7[%dma_start3A_14, %dma_start3A_18] : memref<80x128xi32, #tpu.memory_space<vmem>> -> memref<1x128xi32, #tpu.memory_space<vmem>>
    %dma_start3A_20 = tpu.memref_squeeze %dma_start3A_19 : memref<1x128xi32, #tpu.memory_space<vmem>> -> memref<128xi32, #tpu.memory_space<vmem>>
    %dma_start3A_21 = arith.constant 0 : i32
    %dma_start3A_22 = arith.constant 0 : i32
    %dma_start3A_23 = tpu.memref_slice %arg2[%dma_start3A_21, %dma_start3A_22] : memref<10240x64xf32, #tpu.memory_space<hbm>> -> memref<10240x64xf32, #tpu.memory_space<hbm>>
    tpu.enqueue_indirect_dma source(%dma_start3A_23 : memref<10240x64xf32, #tpu.memory_space<hbm>>) target(%dma_start3A_17 : memref<128x64xf32, #tpu.memory_space<vmem>>) offsets(%dma_start3A_20 : memref<128xi32, #tpu.memory_space<vmem>>) semaphore(%arg13 : memref<!tpu.dma_semaphore, #tpu.memory_space<semaphore_mem>>)
    %dma_start3A_24 = arith.constant 1 : i32
    %dma_start3A_25 = arith.constant 128 : i32
    %dma_start3A_26 = arith.constant 0 : i32
    %dma_start3A_27 = tpu.memref_slice %arg9[%dma_start3A_25, %dma_start3A_26] : memref<512x64xf32, #tpu.memory_space<vmem>> -> memref<128x64xf32, #tpu.memory_space<vmem>>
    %dma_start3A_28 = arith.constant 0 : i32
    %dma_start3A_29 = tpu.memref_slice %arg7[%dma_start3A_24, %dma_start3A_28] : memref<80x128xi32, #tpu.memory_space<vmem>> -> memref<1x128xi32, #tpu.memory_space<vmem>>
    %dma_start3A_30 = tpu.memref_squeeze %dma_start3A_29 : memref<1x128xi32, #tpu.memory_space<vmem>> -> memref<128xi32, #tpu.memory_space<vmem>>
    %dma_start3A_31 = arith.constant 0 : i32
    %dma_start3A_32 = arith.constant 0 : i32
    %dma_start3A_33 = tpu.memref_slice %arg2[%dma_start3A_31, %dma_start3A_32] : memref<10240x64xf32, #tpu.memory_space<hbm>> -> memref<10240x64xf32, #tpu.memory_space<hbm>>
    tpu.enqueue_indirect_dma source(%dma_start3A_33 : memref<10240x64xf32, #tpu.memory_space<hbm>>) target(%dma_start3A_27 : memref<128x64xf32, #tpu.memory_space<vmem>>) offsets(%dma_start3A_30 : memref<128xi32, #tpu.memory_space<vmem>>) semaphore(%arg12 : memref<!tpu.dma_semaphore, #tpu.memory_space<semaphore_mem>>)
    %dma_start3A_34 = arith.constant 5 : i32
    %dma_start3A_35 = arith.constant 128 : i32
    %dma_start3A_36 = arith.constant 0 : i32
    %dma_start3A_37 = tpu.memref_slice %arg10[%dma_start3A_35, %dma_start3A_36] : memref<512x64xf32, #tpu.memory_space<vmem>> -> memref<128x64xf32, #tpu.memory_space<vmem>>
    %dma_start3A_38 = arith.constant 0 : i32
    %dma_start3A_39 = tpu.memref_slice %arg7[%dma_start3A_34, %dma_start3A_38] : memref<80x128xi32, #tpu.memory_space<vmem>> -> memref<1x128xi32, #tpu.memory_space<vmem>>
    %dma_start3A_40 = tpu.memref_squeeze %dma_start3A_39 : memref<1x128xi32, #tpu.memory_space<vmem>> -> memref<128xi32, #tpu.memory_space<vmem>>
    %dma_start3A_41 = arith.constant 0 : i32
    %dma_start3A_42 = arith.constant 0 : i32
    %dma_start3A_43 = tpu.memref_slice %arg2[%dma_start3A_41, %dma_start3A_42] : memref<10240x64xf32, #tpu.memory_space<hbm>> -> memref<10240x64xf32, #tpu.memory_space<hbm>>
    tpu.enqueue_indirect_dma source(%dma_start3A_43 : memref<10240x64xf32, #tpu.memory_space<hbm>>) target(%dma_start3A_37 : memref<128x64xf32, #tpu.memory_space<vmem>>) offsets(%dma_start3A_40 : memref<128xi32, #tpu.memory_space<vmem>>) semaphore(%arg13 : memref<!tpu.dma_semaphore, #tpu.memory_space<semaphore_mem>>)
    %dma_start3A_44 = arith.constant 2 : i32
    %dma_start3A_45 = arith.constant 256 : i32
    %dma_start3A_46 = arith.constant 0 : i32
    %dma_start3A_47 = tpu.memref_slice %arg9[%dma_start3A_45, %dma_start3A_46] : memref<512x64xf32, #tpu.memory_space<vmem>> -> memref<128x64xf32, #tpu.memory_space<vmem>>
    %dma_start3A_48 = arith.constant 0 : i32
    %dma_start3A_49 = tpu.memref_slice %arg7[%dma_start3A_44, %dma_start3A_48] : memref<80x128xi32, #tpu.memory_space<vmem>> -> memref<1x128xi32, #tpu.memory_space<vmem>>
    %dma_start3A_50 = tpu.memref_squeeze %dma_start3A_49 : memref<1x128xi32, #tpu.memory_space<vmem>> -> memref<128xi32, #tpu.memory_space<vmem>>
    %dma_start3A_51 = arith.constant 0 : i32
    %dma_start3A_52 = arith.constant 0 : i32
    %dma_start3A_53 = tpu.memref_slice %arg2[%dma_start3A_51, %dma_start3A_52] : memref<10240x64xf32, #tpu.memory_space<hbm>> -> memref<10240x64xf32, #tpu.memory_space<hbm>>
    tpu.enqueue_indirect_dma source(%dma_start3A_53 : memref<10240x64xf32, #tpu.memory_space<hbm>>) target(%dma_start3A_47 : memref<128x64xf32, #tpu.memory_space<vmem>>) offsets(%dma_start3A_50 : memref<128xi32, #tpu.memory_space<vmem>>) semaphore(%arg12 : memref<!tpu.dma_semaphore, #tpu.memory_space<semaphore_mem>>)
    %dma_start3A_54 = arith.constant 6 : i32
    %dma_start3A_55 = arith.constant 256 : i32
    %dma_start3A_56 = arith.constant 0 : i32
    %dma_start3A_57 = tpu.memref_slice %arg10[%dma_start3A_55, %dma_start3A_56] : memref<512x64xf32, #tpu.memory_space<vmem>> -> memref<128x64xf32, #tpu.memory_space<vmem>>
    %dma_start3A_58 = arith.constant 0 : i32
    %dma_start3A_59 = tpu.memref_slice %arg7[%dma_start3A_54, %dma_start3A_58] : memref<80x128xi32, #tpu.memory_space<vmem>> -> memref<1x128xi32, #tpu.memory_space<vmem>>
    %dma_start3A_60 = tpu.memref_squeeze %dma_start3A_59 : memref<1x128xi32, #tpu.memory_space<vmem>> -> memref<128xi32, #tpu.memory_space<vmem>>
    %dma_start3A_61 = arith.constant 0 : i32
    %dma_start3A_62 = arith.constant 0 : i32
    %dma_start3A_63 = tpu.memref_slice %arg2[%dma_start3A_61, %dma_start3A_62] : memref<10240x64xf32, #tpu.memory_space<hbm>> -> memref<10240x64xf32, #tpu.memory_space<hbm>>
    tpu.enqueue_indirect_dma source(%dma_start3A_63 : memref<10240x64xf32, #tpu.memory_space<hbm>>) target(%dma_start3A_57 : memref<128x64xf32, #tpu.memory_space<vmem>>) offsets(%dma_start3A_60 : memref<128xi32, #tpu.memory_space<vmem>>) semaphore(%arg13 : memref<!tpu.dma_semaphore, #tpu.memory_space<semaphore_mem>>)
    %dma_start3A_64 = arith.constant 3 : i32
    %dma_start3A_65 = arith.constant 384 : i32
    %dma_start3A_66 = arith.constant 0 : i32
    %dma_start3A_67 = tpu.memref_slice %arg9[%dma_start3A_65, %dma_start3A_66] : memref<512x64xf32, #tpu.memory_space<vmem>> -> memref<128x64xf32, #tpu.memory_space<vmem>>
    %dma_start3A_68 = arith.constant 0 : i32
    %dma_start3A_69 = tpu.memref_slice %arg7[%dma_start3A_64, %dma_start3A_68] : memref<80x128xi32, #tpu.memory_space<vmem>> -> memref<1x128xi32, #tpu.memory_space<vmem>>
    %dma_start3A_70 = tpu.memref_squeeze %dma_start3A_69 : memref<1x128xi32, #tpu.memory_space<vmem>> -> memref<128xi32, #tpu.memory_space<vmem>>
    %dma_start3A_71 = arith.constant 0 : i32
    %dma_start3A_72 = arith.constant 0 : i32
    %dma_start3A_73 = tpu.memref_slice %arg2[%dma_start3A_71, %dma_start3A_72] : memref<10240x64xf32, #tpu.memory_space<hbm>> -> memref<10240x64xf32, #tpu.memory_space<hbm>>
    tpu.enqueue_indirect_dma source(%dma_start3A_73 : memref<10240x64xf32, #tpu.memory_space<hbm>>) target(%dma_start3A_67 : memref<128x64xf32, #tpu.memory_space<vmem>>) offsets(%dma_start3A_70 : memref<128xi32, #tpu.memory_space<vmem>>) semaphore(%arg12 : memref<!tpu.dma_semaphore, #tpu.memory_space<semaphore_mem>>)
    %dma_start3A_74 = arith.constant 7 : i32
    %dma_start3A_75 = arith.constant 384 : i32
    %dma_start3A_76 = arith.constant 0 : i32
    %dma_start3A_77 = tpu.memref_slice %arg10[%dma_start3A_75, %dma_start3A_76] : memref<512x64xf32, #tpu.memory_space<vmem>> -> memref<128x64xf32, #tpu.memory_space<vmem>>
    %dma_start3A_78 = arith.constant 0 : i32
    %dma_start3A_79 = tpu.memref_slice %arg7[%dma_start3A_74, %dma_start3A_78] : memref<80x128xi32, #tpu.memory_space<vmem>> -> memref<1x128xi32, #tpu.memory_space<vmem>>
    %dma_start3A_80 = tpu.memref_squeeze %dma_start3A_79 : memref<1x128xi32, #tpu.memory_space<vmem>> -> memref<128xi32, #tpu.memory_space<vmem>>
    %dma_start3A_81 = arith.constant 0 : i32
    %dma_start3A_82 = arith.constant 0 : i32
    %dma_start3A_83 = tpu.memref_slice %arg2[%dma_start3A_81, %dma_start3A_82] : memref<10240x64xf32, #tpu.memory_space<hbm>> -> memref<10240x64xf32, #tpu.memory_space<hbm>>
    tpu.enqueue_indirect_dma source(%dma_start3A_83 : memref<10240x64xf32, #tpu.memory_space<hbm>>) target(%dma_start3A_77 : memref<128x64xf32, #tpu.memory_space<vmem>>) offsets(%dma_start3A_80 : memref<128xi32, #tpu.memory_space<vmem>>) semaphore(%arg13 : memref<!tpu.dma_semaphore, #tpu.memory_space<semaphore_mem>>)
    %scan3A = arith.constant 0 : i32
    %scan3A_84 = arith.constant 0 : i32
    %scan3A_85 = arith.constant 10 : i32
    %scan3A_86 = arith.addi %scan3A_84, %scan3A_85 : i32
    %scan3A_87 = arith.constant 1 : i32
    scf.for %scan3A_94 = %scan3A_84 to %scan3A_86 step %scan3A_87  : i32 {
      %mul3A_95 = arith.constant 8 : i32
      %mul3A_96 = arith.muli %scan3A_94, %mul3A_95 : i32
      %dma_wait3A = arith.constant 0 : i32
      %dma_wait3A_97 = arith.constant 0 : i32
      %dma_wait3A_98 = arith.constant 0 : i32
      %dma_wait3A_99 = tpu.memref_slice %arg9[%dma_wait3A_97, %dma_wait3A_98] : memref<512x64xf32, #tpu.memory_space<vmem>> -> memref<128x64xf32, #tpu.memory_space<vmem>>
      %dma_wait3A_100 = arith.constant 0 : i32
      %dma_wait3A_101 = tpu.memref_slice %arg7[%dma_wait3A, %dma_wait3A_100] : memref<80x128xi32, #tpu.memory_space<vmem>> -> memref<1x128xi32, #tpu.memory_space<vmem>>
      %dma_wait3A_102 = tpu.memref_squeeze %dma_wait3A_101 : memref<1x128xi32, #tpu.memory_space<vmem>> -> memref<128xi32, #tpu.memory_space<vmem>>
      %dma_wait3A_103 = arith.constant 0 : i32
      %dma_wait3A_104 = arith.constant 0 : i32
      %dma_wait3A_105 = tpu.memref_slice %arg2[%dma_wait3A_103, %dma_wait3A_104] : memref<10240x64xf32, #tpu.memory_space<hbm>> -> memref<10240x64xf32, #tpu.memory_space<hbm>>
      tpu.wait_indirect_dma semaphore(%arg12 : memref<!tpu.dma_semaphore, #tpu.memory_space<semaphore_mem>>) src(%dma_wait3A_105 : memref<10240x64xf32, #tpu.memory_space<hbm>>) dst(%dma_wait3A_99 : memref<128x64xf32, #tpu.memory_space<vmem>>)
      %dma_wait3A_106 = arith.constant 0 : i32
      %dma_wait3A_107 = arith.constant 128 : i32
      %dma_wait3A_108 = arith.constant 0 : i32
      %dma_wait3A_109 = tpu.memref_slice %arg9[%dma_wait3A_107, %dma_wait3A_108] : memref<512x64xf32, #tpu.memory_space<vmem>> -> memref<128x64xf32, #tpu.memory_space<vmem>>
      %dma_wait3A_110 = arith.constant 0 : i32
      %dma_wait3A_111 = tpu.memref_slice %arg7[%dma_wait3A_106, %dma_wait3A_110] : memref<80x128xi32, #tpu.memory_space<vmem>> -> memref<1x128xi32, #tpu.memory_space<vmem>>
      %dma_wait3A_112 = tpu.memref_squeeze %dma_wait3A_111 : memref<1x128xi32, #tpu.memory_space<vmem>> -> memref<128xi32, #tpu.memory_space<vmem>>
      %dma_wait3A_113 = arith.constant 0 : i32
      %dma_wait3A_114 = arith.constant 0 : i32
      %dma_wait3A_115 = tpu.memref_slice %arg2[%dma_wait3A_113, %dma_wait3A_114] : memref<10240x64xf32, #tpu.memory_space<hbm>> -> memref<10240x64xf32, #tpu.memory_space<hbm>>
      tpu.wait_indirect_dma semaphore(%arg12 : memref<!tpu.dma_semaphore, #tpu.memory_space<semaphore_mem>>) src(%dma_wait3A_115 : memref<10240x64xf32, #tpu.memory_space<hbm>>) dst(%dma_wait3A_109 : memref<128x64xf32, #tpu.memory_space<vmem>>)
      %dma_wait3A_116 = arith.constant 0 : i32
      %dma_wait3A_117 = arith.constant 256 : i32
      %dma_wait3A_118 = arith.constant 0 : i32
      %dma_wait3A_119 = tpu.memref_slice %arg9[%dma_wait3A_117, %dma_wait3A_118] : memref<512x64xf32, #tpu.memory_space<vmem>> -> memref<128x64xf32, #tpu.memory_space<vmem>>
      %dma_wait3A_120 = arith.constant 0 : i32
      %dma_wait3A_121 = tpu.memref_slice %arg7[%dma_wait3A_116, %dma_wait3A_120] : memref<80x128xi32, #tpu.memory_space<vmem>> -> memref<1x128xi32, #tpu.memory_space<vmem>>
      %dma_wait3A_122 = tpu.memref_squeeze %dma_wait3A_121 : memref<1x128xi32, #tpu.memory_space<vmem>> -> memref<128xi32, #tpu.memory_space<vmem>>
      %dma_wait3A_123 = arith.constant 0 : i32
      %dma_wait3A_124 = arith.constant 0 : i32
      %dma_wait3A_125 = tpu.memref_slice %arg2[%dma_wait3A_123, %dma_wait3A_124] : memref<10240x64xf32, #tpu.memory_space<hbm>> -> memref<10240x64xf32, #tpu.memory_space<hbm>>
      tpu.wait_indirect_dma semaphore(%arg12 : memref<!tpu.dma_semaphore, #tpu.memory_space<semaphore_mem>>) src(%dma_wait3A_125 : memref<10240x64xf32, #tpu.memory_space<hbm>>) dst(%dma_wait3A_119 : memref<128x64xf32, #tpu.memory_space<vmem>>)
      %dma_wait3A_126 = arith.constant 0 : i32
      %dma_wait3A_127 = arith.constant 384 : i32
      %dma_wait3A_128 = arith.constant 0 : i32
      %dma_wait3A_129 = tpu.memref_slice %arg9[%dma_wait3A_127, %dma_wait3A_128] : memref<512x64xf32, #tpu.memory_space<vmem>> -> memref<128x64xf32, #tpu.memory_space<vmem>>
      %dma_wait3A_130 = arith.constant 0 : i32
      %dma_wait3A_131 = tpu.memref_slice %arg7[%dma_wait3A_126, %dma_wait3A_130] : memref<80x128xi32, #tpu.memory_space<vmem>> -> memref<1x128xi32, #tpu.memory_space<vmem>>
      %dma_wait3A_132 = tpu.memref_squeeze %dma_wait3A_131 : memref<1x128xi32, #tpu.memory_space<vmem>> -> memref<128xi32, #tpu.memory_space<vmem>>
      %dma_wait3A_133 = arith.constant 0 : i32
      %dma_wait3A_134 = arith.constant 0 : i32
      %dma_wait3A_135 = tpu.memref_slice %arg2[%dma_wait3A_133, %dma_wait3A_134] : memref<10240x64xf32, #tpu.memory_space<hbm>> -> memref<10240x64xf32, #tpu.memory_space<hbm>>
      tpu.wait_indirect_dma semaphore(%arg12 : memref<!tpu.dma_semaphore, #tpu.memory_space<semaphore_mem>>) src(%dma_wait3A_135 : memref<10240x64xf32, #tpu.memory_space<hbm>>) dst(%dma_wait3A_129 : memref<128x64xf32, #tpu.memory_space<vmem>>)
      %add3A_136 = arith.constant 0 : i32
      %add3A_137 = arith.addi %mul3A_96, %add3A_136 : i32
      %dma_start3A_138 = arith.constant 0 : i32
      %dma_start3A_139 = arith.constant 0 : i32
      %dma_start3A_140 = tpu.memref_slice %arg9[%dma_start3A_138, %dma_start3A_139] : memref<512x64xf32, #tpu.memory_space<vmem>> -> memref<128x64xf32, #tpu.memory_space<vmem>>
      %dma_start3A_141 = arith.constant 0 : i32
      %dma_start3A_142 = tpu.memref_slice %arg8[%add3A_137, %dma_start3A_141] : memref<80x128xi32, #tpu.memory_space<vmem>> -> memref<1x128xi32, #tpu.memory_space<vmem>>
      %dma_start3A_143 = tpu.memref_squeeze %dma_start3A_142 : memref<1x128xi32, #tpu.memory_space<vmem>> -> memref<128xi32, #tpu.memory_space<vmem>>
      %dma_start3A_144 = arith.constant 0 : i32
      %dma_start3A_145 = arith.constant 0 : i32
      %dma_start3A_146 = tpu.memref_slice %arg11[%dma_start3A_144, %dma_start3A_145] : memref<10240x64xf32, #tpu.memory_space<vmem_shared>> -> memref<10240x64xf32, #tpu.memory_space<vmem_shared>>
      tpu.enqueue_indirect_dma source(%dma_start3A_140 : memref<128x64xf32, #tpu.memory_space<vmem>>) target(%dma_start3A_146 : memref<10240x64xf32, #tpu.memory_space<vmem_shared>>) offsets(%dma_start3A_143 : memref<128xi32, #tpu.memory_space<vmem>>) semaphore(%arg14 : memref<!tpu.dma_semaphore, #tpu.memory_space<semaphore_mem>>) {add = true}
      %add3A_147 = arith.constant 1 : i32
      %add3A_148 = arith.addi %mul3A_96, %add3A_147 : i32
      %dma_start3A_149 = arith.constant 128 : i32
      %dma_start3A_150 = arith.constant 0 : i32
      %dma_start3A_151 = tpu.memref_slice %arg9[%dma_start3A_149, %dma_start3A_150] : memref<512x64xf32, #tpu.memory_space<vmem>> -> memref<128x64xf32, #tpu.memory_space<vmem>>
      %dma_start3A_152 = arith.constant 0 : i32
      %dma_start3A_153 = tpu.memref_slice %arg8[%add3A_148, %dma_start3A_152] : memref<80x128xi32, #tpu.memory_space<vmem>> -> memref<1x128xi32, #tpu.memory_space<vmem>>
      %dma_start3A_154 = tpu.memref_squeeze %dma_start3A_153 : memref<1x128xi32, #tpu.memory_space<vmem>> -> memref<128xi32, #tpu.memory_space<vmem>>
      %dma_start3A_155 = arith.constant 0 : i32
      %dma_start3A_156 = arith.constant 0 : i32
      %dma_start3A_157 = tpu.memref_slice %arg11[%dma_start3A_155, %dma_start3A_156] : memref<10240x64xf32, #tpu.memory_space<vmem_shared>> -> memref<10240x64xf32, #tpu.memory_space<vmem_shared>>
      tpu.enqueue_indirect_dma source(%dma_start3A_151 : memref<128x64xf32, #tpu.memory_space<vmem>>) target(%dma_start3A_157 : memref<10240x64xf32, #tpu.memory_space<vmem_shared>>) offsets(%dma_start3A_154 : memref<128xi32, #tpu.memory_space<vmem>>) semaphore(%arg14 : memref<!tpu.dma_semaphore, #tpu.memory_space<semaphore_mem>>) {add = true}
      %add3A_158 = arith.constant 2 : i32
      %add3A_159 = arith.addi %mul3A_96, %add3A_158 : i32
      %dma_start3A_160 = arith.constant 256 : i32
      %dma_start3A_161 = arith.constant 0 : i32
      %dma_start3A_162 = tpu.memref_slice %arg9[%dma_start3A_160, %dma_start3A_161] : memref<512x64xf32, #tpu.memory_space<vmem>> -> memref<128x64xf32, #tpu.memory_space<vmem>>
      %dma_start3A_163 = arith.constant 0 : i32
      %dma_start3A_164 = tpu.memref_slice %arg8[%add3A_159, %dma_start3A_163] : memref<80x128xi32, #tpu.memory_space<vmem>> -> memref<1x128xi32, #tpu.memory_space<vmem>>
      %dma_start3A_165 = tpu.memref_squeeze %dma_start3A_164 : memref<1x128xi32, #tpu.memory_space<vmem>> -> memref<128xi32, #tpu.memory_space<vmem>>
      %dma_start3A_166 = arith.constant 0 : i32
      %dma_start3A_167 = arith.constant 0 : i32
      %dma_start3A_168 = tpu.memref_slice %arg11[%dma_start3A_166, %dma_start3A_167] : memref<10240x64xf32, #tpu.memory_space<vmem_shared>> -> memref<10240x64xf32, #tpu.memory_space<vmem_shared>>
      tpu.enqueue_indirect_dma source(%dma_start3A_162 : memref<128x64xf32, #tpu.memory_space<vmem>>) target(%dma_start3A_168 : memref<10240x64xf32, #tpu.memory_space<vmem_shared>>) offsets(%dma_start3A_165 : memref<128xi32, #tpu.memory_space<vmem>>) semaphore(%arg14 : memref<!tpu.dma_semaphore, #tpu.memory_space<semaphore_mem>>) {add = true}
      %add3A_169 = arith.constant 3 : i32
      %add3A_170 = arith.addi %mul3A_96, %add3A_169 : i32
      %dma_start3A_171 = arith.constant 384 : i32
      %dma_start3A_172 = arith.constant 0 : i32
      %dma_start3A_173 = tpu.memref_slice %arg9[%dma_start3A_171, %dma_start3A_172] : memref<512x64xf32, #tpu.memory_space<vmem>> -> memref<128x64xf32, #tpu.memory_space<vmem>>
      %dma_start3A_174 = arith.constant 0 : i32
      %dma_start3A_175 = tpu.memref_slice %arg8[%add3A_170, %dma_start3A_174] : memref<80x128xi32, #tpu.memory_space<vmem>> -> memref<1x128xi32, #tpu.memory_space<vmem>>
      %dma_start3A_176 = tpu.memref_squeeze %dma_start3A_175 : memref<1x128xi32, #tpu.memory_space<vmem>> -> memref<128xi32, #tpu.memory_space<vmem>>
      %dma_start3A_177 = arith.constant 0 : i32
      %dma_start3A_178 = arith.constant 0 : i32
      %dma_start3A_179 = tpu.memref_slice %arg11[%dma_start3A_177, %dma_start3A_178] : memref<10240x64xf32, #tpu.memory_space<vmem_shared>> -> memref<10240x64xf32, #tpu.memory_space<vmem_shared>>
      tpu.enqueue_indirect_dma source(%dma_start3A_173 : memref<128x64xf32, #tpu.memory_space<vmem>>) target(%dma_start3A_179 : memref<10240x64xf32, #tpu.memory_space<vmem_shared>>) offsets(%dma_start3A_176 : memref<128xi32, #tpu.memory_space<vmem>>) semaphore(%arg14 : memref<!tpu.dma_semaphore, #tpu.memory_space<semaphore_mem>>) {add = true}
      %dma_wait3A_180 = arith.constant 0 : i32
      %dma_wait3A_181 = arith.constant 0 : i32
      %dma_wait3A_182 = arith.constant 0 : i32
      %dma_wait3A_183 = tpu.memref_slice %arg10[%dma_wait3A_181, %dma_wait3A_182] : memref<512x64xf32, #tpu.memory_space<vmem>> -> memref<128x64xf32, #tpu.memory_space<vmem>>
      %dma_wait3A_184 = arith.constant 0 : i32
      %dma_wait3A_185 = tpu.memref_slice %arg7[%dma_wait3A_180, %dma_wait3A_184] : memref<80x128xi32, #tpu.memory_space<vmem>> -> memref<1x128xi32, #tpu.memory_space<vmem>>
      %dma_wait3A_186 = tpu.memref_squeeze %dma_wait3A_185 : memref<1x128xi32, #tpu.memory_space<vmem>> -> memref<128xi32, #tpu.memory_space<vmem>>
      %dma_wait3A_187 = arith.constant 0 : i32
      %dma_wait3A_188 = arith.constant 0 : i32
      %dma_wait3A_189 = tpu.memref_slice %arg2[%dma_wait3A_187, %dma_wait3A_188] : memref<10240x64xf32, #tpu.memory_space<hbm>> -> memref<10240x64xf32, #tpu.memory_space<hbm>>
      tpu.wait_indirect_dma semaphore(%arg13 : memref<!tpu.dma_semaphore, #tpu.memory_space<semaphore_mem>>) src(%dma_wait3A_189 : memref<10240x64xf32, #tpu.memory_space<hbm>>) dst(%dma_wait3A_183 : memref<128x64xf32, #tpu.memory_space<vmem>>)
      %dma_wait3A_190 = arith.constant 0 : i32
      %dma_wait3A_191 = arith.constant 128 : i32
      %dma_wait3A_192 = arith.constant 0 : i32
      %dma_wait3A_193 = tpu.memref_slice %arg10[%dma_wait3A_191, %dma_wait3A_192] : memref<512x64xf32, #tpu.memory_space<vmem>> -> memref<128x64xf32, #tpu.memory_space<vmem>>
      %dma_wait3A_194 = arith.constant 0 : i32
      %dma_wait3A_195 = tpu.memref_slice %arg7[%dma_wait3A_190, %dma_wait3A_194] : memref<80x128xi32, #tpu.memory_space<vmem>> -> memref<1x128xi32, #tpu.memory_space<vmem>>
      %dma_wait3A_196 = tpu.memref_squeeze %dma_wait3A_195 : memref<1x128xi32, #tpu.memory_space<vmem>> -> memref<128xi32, #tpu.memory_space<vmem>>
      %dma_wait3A_197 = arith.constant 0 : i32
      %dma_wait3A_198 = arith.constant 0 : i32
      %dma_wait3A_199 = tpu.memref_slice %arg2[%dma_wait3A_197, %dma_wait3A_198] : memref<10240x64xf32, #tpu.memory_space<hbm>> -> memref<10240x64xf32, #tpu.memory_space<hbm>>
      tpu.wait_indirect_dma semaphore(%arg13 : memref<!tpu.dma_semaphore, #tpu.memory_space<semaphore_mem>>) src(%dma_wait3A_199 : memref<10240x64xf32, #tpu.memory_space<hbm>>) dst(%dma_wait3A_193 : memref<128x64xf32, #tpu.memory_space<vmem>>)
      %dma_wait3A_200 = arith.constant 0 : i32
      %dma_wait3A_201 = arith.constant 256 : i32
      %dma_wait3A_202 = arith.constant 0 : i32
      %dma_wait3A_203 = tpu.memref_slice %arg10[%dma_wait3A_201, %dma_wait3A_202] : memref<512x64xf32, #tpu.memory_space<vmem>> -> memref<128x64xf32, #tpu.memory_space<vmem>>
      %dma_wait3A_204 = arith.constant 0 : i32
      %dma_wait3A_205 = tpu.memref_slice %arg7[%dma_wait3A_200, %dma_wait3A_204] : memref<80x128xi32, #tpu.memory_space<vmem>> -> memref<1x128xi32, #tpu.memory_space<vmem>>
      %dma_wait3A_206 = tpu.memref_squeeze %dma_wait3A_205 : memref<1x128xi32, #tpu.memory_space<vmem>> -> memref<128xi32, #tpu.memory_space<vmem>>
      %dma_wait3A_207 = arith.constant 0 : i32
      %dma_wait3A_208 = arith.constant 0 : i32
      %dma_wait3A_209 = tpu.memref_slice %arg2[%dma_wait3A_207, %dma_wait3A_208] : memref<10240x64xf32, #tpu.memory_space<hbm>> -> memref<10240x64xf32, #tpu.memory_space<hbm>>
      tpu.wait_indirect_dma semaphore(%arg13 : memref<!tpu.dma_semaphore, #tpu.memory_space<semaphore_mem>>) src(%dma_wait3A_209 : memref<10240x64xf32, #tpu.memory_space<hbm>>) dst(%dma_wait3A_203 : memref<128x64xf32, #tpu.memory_space<vmem>>)
      %dma_wait3A_210 = arith.constant 0 : i32
      %dma_wait3A_211 = arith.constant 384 : i32
      %dma_wait3A_212 = arith.constant 0 : i32
      %dma_wait3A_213 = tpu.memref_slice %arg10[%dma_wait3A_211, %dma_wait3A_212] : memref<512x64xf32, #tpu.memory_space<vmem>> -> memref<128x64xf32, #tpu.memory_space<vmem>>
      %dma_wait3A_214 = arith.constant 0 : i32
      %dma_wait3A_215 = tpu.memref_slice %arg7[%dma_wait3A_210, %dma_wait3A_214] : memref<80x128xi32, #tpu.memory_space<vmem>> -> memref<1x128xi32, #tpu.memory_space<vmem>>
      %dma_wait3A_216 = tpu.memref_squeeze %dma_wait3A_215 : memref<1x128xi32, #tpu.memory_space<vmem>> -> memref<128xi32, #tpu.memory_space<vmem>>
      %dma_wait3A_217 = arith.constant 0 : i32
      %dma_wait3A_218 = arith.constant 0 : i32
      %dma_wait3A_219 = tpu.memref_slice %arg2[%dma_wait3A_217, %dma_wait3A_218] : memref<10240x64xf32, #tpu.memory_space<hbm>> -> memref<10240x64xf32, #tpu.memory_space<hbm>>
      tpu.wait_indirect_dma semaphore(%arg13 : memref<!tpu.dma_semaphore, #tpu.memory_space<semaphore_mem>>) src(%dma_wait3A_219 : memref<10240x64xf32, #tpu.memory_space<hbm>>) dst(%dma_wait3A_213 : memref<128x64xf32, #tpu.memory_space<vmem>>)
      %add3A_220 = arith.constant 4 : i32
      %add3A_221 = arith.addi %mul3A_96, %add3A_220 : i32
      %add3A_222 = arith.constant 0 : i32
      %add3A_223 = arith.addi %add3A_221, %add3A_222 : i32
      %dma_start3A_224 = arith.constant 0 : i32
      %dma_start3A_225 = arith.constant 0 : i32
      %dma_start3A_226 = tpu.memref_slice %arg10[%dma_start3A_224, %dma_start3A_225] : memref<512x64xf32, #tpu.memory_space<vmem>> -> memref<128x64xf32, #tpu.memory_space<vmem>>
      %dma_start3A_227 = arith.constant 0 : i32
      %dma_start3A_228 = tpu.memref_slice %arg8[%add3A_223, %dma_start3A_227] : memref<80x128xi32, #tpu.memory_space<vmem>> -> memref<1x128xi32, #tpu.memory_space<vmem>>
      %dma_start3A_229 = tpu.memref_squeeze %dma_start3A_228 : memref<1x128xi32, #tpu.memory_space<vmem>> -> memref<128xi32, #tpu.memory_space<vmem>>
      %dma_start3A_230 = arith.constant 0 : i32
      %dma_start3A_231 = arith.constant 0 : i32
      %dma_start3A_232 = tpu.memref_slice %arg11[%dma_start3A_230, %dma_start3A_231] : memref<10240x64xf32, #tpu.memory_space<vmem_shared>> -> memref<10240x64xf32, #tpu.memory_space<vmem_shared>>
      tpu.enqueue_indirect_dma source(%dma_start3A_226 : memref<128x64xf32, #tpu.memory_space<vmem>>) target(%dma_start3A_232 : memref<10240x64xf32, #tpu.memory_space<vmem_shared>>) offsets(%dma_start3A_229 : memref<128xi32, #tpu.memory_space<vmem>>) semaphore(%arg15 : memref<!tpu.dma_semaphore, #tpu.memory_space<semaphore_mem>>) {add = true}
      %add3A_233 = arith.constant 4 : i32
      %add3A_234 = arith.addi %mul3A_96, %add3A_233 : i32
      %add3A_235 = arith.constant 1 : i32
      %add3A_236 = arith.addi %add3A_234, %add3A_235 : i32
      %dma_start3A_237 = arith.constant 128 : i32
      %dma_start3A_238 = arith.constant 0 : i32
      %dma_start3A_239 = tpu.memref_slice %arg10[%dma_start3A_237, %dma_start3A_238] : memref<512x64xf32, #tpu.memory_space<vmem>> -> memref<128x64xf32, #tpu.memory_space<vmem>>
      %dma_start3A_240 = arith.constant 0 : i32
      %dma_start3A_241 = tpu.memref_slice %arg8[%add3A_236, %dma_start3A_240] : memref<80x128xi32, #tpu.memory_space<vmem>> -> memref<1x128xi32, #tpu.memory_space<vmem>>
      %dma_start3A_242 = tpu.memref_squeeze %dma_start3A_241 : memref<1x128xi32, #tpu.memory_space<vmem>> -> memref<128xi32, #tpu.memory_space<vmem>>
      %dma_start3A_243 = arith.constant 0 : i32
      %dma_start3A_244 = arith.constant 0 : i32
      %dma_start3A_245 = tpu.memref_slice %arg11[%dma_start3A_243, %dma_start3A_244] : memref<10240x64xf32, #tpu.memory_space<vmem_shared>> -> memref<10240x64xf32, #tpu.memory_space<vmem_shared>>
      tpu.enqueue_indirect_dma source(%dma_start3A_239 : memref<128x64xf32, #tpu.memory_space<vmem>>) target(%dma_start3A_245 : memref<10240x64xf32, #tpu.memory_space<vmem_shared>>) offsets(%dma_start3A_242 : memref<128xi32, #tpu.memory_space<vmem>>) semaphore(%arg15 : memref<!tpu.dma_semaphore, #tpu.memory_space<semaphore_mem>>) {add = true}
      %add3A_246 = arith.constant 4 : i32
      %add3A_247 = arith.addi %mul3A_96, %add3A_246 : i32
      %add3A_248 = arith.constant 2 : i32
      %add3A_249 = arith.addi %add3A_247, %add3A_248 : i32
      %dma_start3A_250 = arith.constant 256 : i32
      %dma_start3A_251 = arith.constant 0 : i32
      %dma_start3A_252 = tpu.memref_slice %arg10[%dma_start3A_250, %dma_start3A_251] : memref<512x64xf32, #tpu.memory_space<vmem>> -> memref<128x64xf32, #tpu.memory_space<vmem>>
      %dma_start3A_253 = arith.constant 0 : i32
      %dma_start3A_254 = tpu.memref_slice %arg8[%add3A_249, %dma_start3A_253] : memref<80x128xi32, #tpu.memory_space<vmem>> -> memref<1x128xi32, #tpu.memory_space<vmem>>
      %dma_start3A_255 = tpu.memref_squeeze %dma_start3A_254 : memref<1x128xi32, #tpu.memory_space<vmem>> -> memref<128xi32, #tpu.memory_space<vmem>>
      %dma_start3A_256 = arith.constant 0 : i32
      %dma_start3A_257 = arith.constant 0 : i32
      %dma_start3A_258 = tpu.memref_slice %arg11[%dma_start3A_256, %dma_start3A_257] : memref<10240x64xf32, #tpu.memory_space<vmem_shared>> -> memref<10240x64xf32, #tpu.memory_space<vmem_shared>>
      tpu.enqueue_indirect_dma source(%dma_start3A_252 : memref<128x64xf32, #tpu.memory_space<vmem>>) target(%dma_start3A_258 : memref<10240x64xf32, #tpu.memory_space<vmem_shared>>) offsets(%dma_start3A_255 : memref<128xi32, #tpu.memory_space<vmem>>) semaphore(%arg15 : memref<!tpu.dma_semaphore, #tpu.memory_space<semaphore_mem>>) {add = true}
      %add3A_259 = arith.constant 4 : i32
      %add3A_260 = arith.addi %mul3A_96, %add3A_259 : i32
      %add3A_261 = arith.constant 3 : i32
      %add3A_262 = arith.addi %add3A_260, %add3A_261 : i32
      %dma_start3A_263 = arith.constant 384 : i32
      %dma_start3A_264 = arith.constant 0 : i32
      %dma_start3A_265 = tpu.memref_slice %arg10[%dma_start3A_263, %dma_start3A_264] : memref<512x64xf32, #tpu.memory_space<vmem>> -> memref<128x64xf32, #tpu.memory_space<vmem>>
      %dma_start3A_266 = arith.constant 0 : i32
      %dma_start3A_267 = tpu.memref_slice %arg8[%add3A_262, %dma_start3A_266] : memref<80x128xi32, #tpu.memory_space<vmem>> -> memref<1x128xi32, #tpu.memory_space<vmem>>
      %dma_start3A_268 = tpu.memref_squeeze %dma_start3A_267 : memref<1x128xi32, #tpu.memory_space<vmem>> -> memref<128xi32, #tpu.memory_space<vmem>>
      %dma_start3A_269 = arith.constant 0 : i32
      %dma_start3A_270 = arith.constant 0 : i32
      %dma_start3A_271 = tpu.memref_slice %arg11[%dma_start3A_269, %dma_start3A_270] : memref<10240x64xf32, #tpu.memory_space<vmem_shared>> -> memref<10240x64xf32, #tpu.memory_space<vmem_shared>>
      tpu.enqueue_indirect_dma source(%dma_start3A_265 : memref<128x64xf32, #tpu.memory_space<vmem>>) target(%dma_start3A_271 : memref<10240x64xf32, #tpu.memory_space<vmem_shared>>) offsets(%dma_start3A_268 : memref<128xi32, #tpu.memory_space<vmem>>) semaphore(%arg15 : memref<!tpu.dma_semaphore, #tpu.memory_space<semaphore_mem>>) {add = true}
      %dma_wait3A_272 = arith.constant 0 : i32
      %dma_wait3A_273 = arith.constant 0 : i32
      %dma_wait3A_274 = arith.constant 0 : i32
      %dma_wait3A_275 = tpu.memref_slice %arg9[%dma_wait3A_273, %dma_wait3A_274] : memref<512x64xf32, #tpu.memory_space<vmem>> -> memref<128x64xf32, #tpu.memory_space<vmem>>
      %dma_wait3A_276 = arith.constant 0 : i32
      %dma_wait3A_277 = tpu.memref_slice %arg8[%dma_wait3A_272, %dma_wait3A_276] : memref<80x128xi32, #tpu.memory_space<vmem>> -> memref<1x128xi32, #tpu.memory_space<vmem>>
      %dma_wait3A_278 = tpu.memref_squeeze %dma_wait3A_277 : memref<1x128xi32, #tpu.memory_space<vmem>> -> memref<128xi32, #tpu.memory_space<vmem>>
      %dma_wait3A_279 = arith.constant 0 : i32
      %dma_wait3A_280 = arith.constant 0 : i32
      %dma_wait3A_281 = tpu.memref_slice %arg11[%dma_wait3A_279, %dma_wait3A_280] : memref<10240x64xf32, #tpu.memory_space<vmem_shared>> -> memref<10240x64xf32, #tpu.memory_space<vmem_shared>>
      tpu.wait_indirect_dma semaphore(%arg14 : memref<!tpu.dma_semaphore, #tpu.memory_space<semaphore_mem>>) src(%dma_wait3A_275 : memref<128x64xf32, #tpu.memory_space<vmem>>) dst(%dma_wait3A_281 : memref<10240x64xf32, #tpu.memory_space<vmem_shared>>)
      %dma_wait3A_282 = arith.constant 0 : i32
      %dma_wait3A_283 = arith.constant 128 : i32
      %dma_wait3A_284 = arith.constant 0 : i32
      %dma_wait3A_285 = tpu.memref_slice %arg9[%dma_wait3A_283, %dma_wait3A_284] : memref<512x64xf32, #tpu.memory_space<vmem>> -> memref<128x64xf32, #tpu.memory_space<vmem>>
      %dma_wait3A_286 = arith.constant 0 : i32
      %dma_wait3A_287 = tpu.memref_slice %arg8[%dma_wait3A_282, %dma_wait3A_286] : memref<80x128xi32, #tpu.memory_space<vmem>> -> memref<1x128xi32, #tpu.memory_space<vmem>>
      %dma_wait3A_288 = tpu.memref_squeeze %dma_wait3A_287 : memref<1x128xi32, #tpu.memory_space<vmem>> -> memref<128xi32, #tpu.memory_space<vmem>>
      %dma_wait3A_289 = arith.constant 0 : i32
      %dma_wait3A_290 = arith.constant 0 : i32
      %dma_wait3A_291 = tpu.memref_slice %arg11[%dma_wait3A_289, %dma_wait3A_290] : memref<10240x64xf32, #tpu.memory_space<vmem_shared>> -> memref<10240x64xf32, #tpu.memory_space<vmem_shared>>
      tpu.wait_indirect_dma semaphore(%arg14 : memref<!tpu.dma_semaphore, #tpu.memory_space<semaphore_mem>>) src(%dma_wait3A_285 : memref<128x64xf32, #tpu.memory_space<vmem>>) dst(%dma_wait3A_291 : memref<10240x64xf32, #tpu.memory_space<vmem_shared>>)
      %dma_wait3A_292 = arith.constant 0 : i32
      %dma_wait3A_293 = arith.constant 256 : i32
      %dma_wait3A_294 = arith.constant 0 : i32
      %dma_wait3A_295 = tpu.memref_slice %arg9[%dma_wait3A_293, %dma_wait3A_294] : memref<512x64xf32, #tpu.memory_space<vmem>> -> memref<128x64xf32, #tpu.memory_space<vmem>>
      %dma_wait3A_296 = arith.constant 0 : i32
      %dma_wait3A_297 = tpu.memref_slice %arg8[%dma_wait3A_292, %dma_wait3A_296] : memref<80x128xi32, #tpu.memory_space<vmem>> -> memref<1x128xi32, #tpu.memory_space<vmem>>
      %dma_wait3A_298 = tpu.memref_squeeze %dma_wait3A_297 : memref<1x128xi32, #tpu.memory_space<vmem>> -> memref<128xi32, #tpu.memory_space<vmem>>
      %dma_wait3A_299 = arith.constant 0 : i32
      %dma_wait3A_300 = arith.constant 0 : i32
      %dma_wait3A_301 = tpu.memref_slice %arg11[%dma_wait3A_299, %dma_wait3A_300] : memref<10240x64xf32, #tpu.memory_space<vmem_shared>> -> memref<10240x64xf32, #tpu.memory_space<vmem_shared>>
      tpu.wait_indirect_dma semaphore(%arg14 : memref<!tpu.dma_semaphore, #tpu.memory_space<semaphore_mem>>) src(%dma_wait3A_295 : memref<128x64xf32, #tpu.memory_space<vmem>>) dst(%dma_wait3A_301 : memref<10240x64xf32, #tpu.memory_space<vmem_shared>>)
      %dma_wait3A_302 = arith.constant 0 : i32
      %dma_wait3A_303 = arith.constant 384 : i32
      %dma_wait3A_304 = arith.constant 0 : i32
      %dma_wait3A_305 = tpu.memref_slice %arg9[%dma_wait3A_303, %dma_wait3A_304] : memref<512x64xf32, #tpu.memory_space<vmem>> -> memref<128x64xf32, #tpu.memory_space<vmem>>
      %dma_wait3A_306 = arith.constant 0 : i32
      %dma_wait3A_307 = tpu.memref_slice %arg8[%dma_wait3A_302, %dma_wait3A_306] : memref<80x128xi32, #tpu.memory_space<vmem>> -> memref<1x128xi32, #tpu.memory_space<vmem>>
      %dma_wait3A_308 = tpu.memref_squeeze %dma_wait3A_307 : memref<1x128xi32, #tpu.memory_space<vmem>> -> memref<128xi32, #tpu.memory_space<vmem>>
      %dma_wait3A_309 = arith.constant 0 : i32
      %dma_wait3A_310 = arith.constant 0 : i32
      %dma_wait3A_311 = tpu.memref_slice %arg11[%dma_wait3A_309, %dma_wait3A_310] : memref<10240x64xf32, #tpu.memory_space<vmem_shared>> -> memref<10240x64xf32, #tpu.memory_space<vmem_shared>>
      tpu.wait_indirect_dma semaphore(%arg14 : memref<!tpu.dma_semaphore, #tpu.memory_space<semaphore_mem>>) src(%dma_wait3A_305 : memref<128x64xf32, #tpu.memory_space<vmem>>) dst(%dma_wait3A_311 : memref<10240x64xf32, #tpu.memory_space<vmem_shared>>)
      %add3A_312 = arith.constant 1 : i32
      %add3A_313 = arith.addi %scan3A_94, %add3A_312 : i32
      %lt3A = arith.constant 10 : i32
      %lt3A_314 = arith.cmpi slt, %add3A_313, %lt3A : i32
      %convert_element_type3A = arith.extui %lt3A_314 : i1 to i32
      %cond3A = arith.constant 0 : i32
      %cond3A_315 = arith.cmpi ne, %convert_element_type3A, %cond3A : i32
      scf.if %cond3A_315 {
        %add3A_363 = arith.constant 8 : i32
        %add3A_364 = arith.addi %mul3A_96, %add3A_363 : i32
        %add3A_365 = arith.constant 0 : i32
        %add3A_366 = arith.addi %add3A_364, %add3A_365 : i32
        %dma_start3A_367 = arith.constant 0 : i32
        %dma_start3A_368 = arith.constant 0 : i32
        %dma_start3A_369 = tpu.memref_slice %arg9[%dma_start3A_367, %dma_start3A_368] : memref<512x64xf32, #tpu.memory_space<vmem>> -> memref<128x64xf32, #tpu.memory_space<vmem>>
        %dma_start3A_370 = arith.constant 0 : i32
        %dma_start3A_371 = tpu.memref_slice %arg7[%add3A_366, %dma_start3A_370] : memref<80x128xi32, #tpu.memory_space<vmem>> -> memref<1x128xi32, #tpu.memory_space<vmem>>
        %dma_start3A_372 = tpu.memref_squeeze %dma_start3A_371 : memref<1x128xi32, #tpu.memory_space<vmem>> -> memref<128xi32, #tpu.memory_space<vmem>>
        %dma_start3A_373 = arith.constant 0 : i32
        %dma_start3A_374 = arith.constant 0 : i32
        %dma_start3A_375 = tpu.memref_slice %arg2[%dma_start3A_373, %dma_start3A_374] : memref<10240x64xf32, #tpu.memory_space<hbm>> -> memref<10240x64xf32, #tpu.memory_space<hbm>>
        tpu.enqueue_indirect_dma source(%dma_start3A_375 : memref<10240x64xf32, #tpu.memory_space<hbm>>) target(%dma_start3A_369 : memref<128x64xf32, #tpu.memory_space<vmem>>) offsets(%dma_start3A_372 : memref<128xi32, #tpu.memory_space<vmem>>) semaphore(%arg12 : memref<!tpu.dma_semaphore, #tpu.memory_space<semaphore_mem>>)
        %add3A_376 = arith.constant 8 : i32
        %add3A_377 = arith.addi %mul3A_96, %add3A_376 : i32
        %add3A_378 = arith.constant 1 : i32
        %add3A_379 = arith.addi %add3A_377, %add3A_378 : i32
        %dma_start3A_380 = arith.constant 128 : i32
        %dma_start3A_381 = arith.constant 0 : i32
        %dma_start3A_382 = tpu.memref_slice %arg9[%dma_start3A_380, %dma_start3A_381] : memref<512x64xf32, #tpu.memory_space<vmem>> -> memref<128x64xf32, #tpu.memory_space<vmem>>
        %dma_start3A_383 = arith.constant 0 : i32
        %dma_start3A_384 = tpu.memref_slice %arg7[%add3A_379, %dma_start3A_383] : memref<80x128xi32, #tpu.memory_space<vmem>> -> memref<1x128xi32, #tpu.memory_space<vmem>>
        %dma_start3A_385 = tpu.memref_squeeze %dma_start3A_384 : memref<1x128xi32, #tpu.memory_space<vmem>> -> memref<128xi32, #tpu.memory_space<vmem>>
        %dma_start3A_386 = arith.constant 0 : i32
        %dma_start3A_387 = arith.constant 0 : i32
        %dma_start3A_388 = tpu.memref_slice %arg2[%dma_start3A_386, %dma_start3A_387] : memref<10240x64xf32, #tpu.memory_space<hbm>> -> memref<10240x64xf32, #tpu.memory_space<hbm>>
        tpu.enqueue_indirect_dma source(%dma_start3A_388 : memref<10240x64xf32, #tpu.memory_space<hbm>>) target(%dma_start3A_382 : memref<128x64xf32, #tpu.memory_space<vmem>>) offsets(%dma_start3A_385 : memref<128xi32, #tpu.memory_space<vmem>>) semaphore(%arg12 : memref<!tpu.dma_semaphore, #tpu.memory_space<semaphore_mem>>)
        %add3A_389 = arith.constant 8 : i32
        %add3A_390 = arith.addi %mul3A_96, %add3A_389 : i32
        %add3A_391 = arith.constant 2 : i32
        %add3A_392 = arith.addi %add3A_390, %add3A_391 : i32
        %dma_start3A_393 = arith.constant 256 : i32
        %dma_start3A_394 = arith.constant 0 : i32
        %dma_start3A_395 = tpu.memref_slice %arg9[%dma_start3A_393, %dma_start3A_394] : memref<512x64xf32, #tpu.memory_space<vmem>> -> memref<128x64xf32, #tpu.memory_space<vmem>>
        %dma_start3A_396 = arith.constant 0 : i32
        %dma_start3A_397 = tpu.memref_slice %arg7[%add3A_392, %dma_start3A_396] : memref<80x128xi32, #tpu.memory_space<vmem>> -> memref<1x128xi32, #tpu.memory_space<vmem>>
        %dma_start3A_398 = tpu.memref_squeeze %dma_start3A_397 : memref<1x128xi32, #tpu.memory_space<vmem>> -> memref<128xi32, #tpu.memory_space<vmem>>
        %dma_start3A_399 = arith.constant 0 : i32
        %dma_start3A_400 = arith.constant 0 : i32
        %dma_start3A_401 = tpu.memref_slice %arg2[%dma_start3A_399, %dma_start3A_400] : memref<10240x64xf32, #tpu.memory_space<hbm>> -> memref<10240x64xf32, #tpu.memory_space<hbm>>
        tpu.enqueue_indirect_dma source(%dma_start3A_401 : memref<10240x64xf32, #tpu.memory_space<hbm>>) target(%dma_start3A_395 : memref<128x64xf32, #tpu.memory_space<vmem>>) offsets(%dma_start3A_398 : memref<128xi32, #tpu.memory_space<vmem>>) semaphore(%arg12 : memref<!tpu.dma_semaphore, #tpu.memory_space<semaphore_mem>>)
        %add3A_402 = arith.constant 8 : i32
        %add3A_403 = arith.addi %mul3A_96, %add3A_402 : i32
        %add3A_404 = arith.constant 3 : i32
        %add3A_405 = arith.addi %add3A_403, %add3A_404 : i32
        %dma_start3A_406 = arith.constant 384 : i32
        %dma_start3A_407 = arith.constant 0 : i32
        %dma_start3A_408 = tpu.memref_slice %arg9[%dma_start3A_406, %dma_start3A_407] : memref<512x64xf32, #tpu.memory_space<vmem>> -> memref<128x64xf32, #tpu.memory_space<vmem>>
        %dma_start3A_409 = arith.constant 0 : i32
        %dma_start3A_410 = tpu.memref_slice %arg7[%add3A_405, %dma_start3A_409] : memref<80x128xi32, #tpu.memory_space<vmem>> -> memref<1x128xi32, #tpu.memory_space<vmem>>
        %dma_start3A_411 = tpu.memref_squeeze %dma_start3A_410 : memref<1x128xi32, #tpu.memory_space<vmem>> -> memref<128xi32, #tpu.memory_space<vmem>>
        %dma_start3A_412 = arith.constant 0 : i32
        %dma_start3A_413 = arith.constant 0 : i32
        %dma_start3A_414 = tpu.memref_slice %arg2[%dma_start3A_412, %dma_start3A_413] : memref<10240x64xf32, #tpu.memory_space<hbm>> -> memref<10240x64xf32, #tpu.memory_space<hbm>>
        tpu.enqueue_indirect_dma source(%dma_start3A_414 : memref<10240x64xf32, #tpu.memory_space<hbm>>) target(%dma_start3A_408 : memref<128x64xf32, #tpu.memory_space<vmem>>) offsets(%dma_start3A_411 : memref<128xi32, #tpu.memory_space<vmem>>) semaphore(%arg12 : memref<!tpu.dma_semaphore, #tpu.memory_space<semaphore_mem>>)
      } else {
      }
      %dma_wait3A_316 = arith.constant 0 : i32
      %dma_wait3A_317 = arith.constant 0 : i32
      %dma_wait3A_318 = arith.constant 0 : i32
      %dma_wait3A_319 = tpu.memref_slice %arg10[%dma_wait3A_317, %dma_wait3A_318] : memref<512x64xf32, #tpu.memory_space<vmem>> -> memref<128x64xf32, #tpu.memory_space<vmem>>
      %dma_wait3A_320 = arith.constant 0 : i32
      %dma_wait3A_321 = tpu.memref_slice %arg8[%dma_wait3A_316, %dma_wait3A_320] : memref<80x128xi32, #tpu.memory_space<vmem>> -> memref<1x128xi32, #tpu.memory_space<vmem>>
      %dma_wait3A_322 = tpu.memref_squeeze %dma_wait3A_321 : memref<1x128xi32, #tpu.memory_space<vmem>> -> memref<128xi32, #tpu.memory_space<vmem>>
      %dma_wait3A_323 = arith.constant 0 : i32
      %dma_wait3A_324 = arith.constant 0 : i32
      %dma_wait3A_325 = tpu.memref_slice %arg11[%dma_wait3A_323, %dma_wait3A_324] : memref<10240x64xf32, #tpu.memory_space<vmem_shared>> -> memref<10240x64xf32, #tpu.memory_space<vmem_shared>>
      tpu.wait_indirect_dma semaphore(%arg15 : memref<!tpu.dma_semaphore, #tpu.memory_space<semaphore_mem>>) src(%dma_wait3A_319 : memref<128x64xf32, #tpu.memory_space<vmem>>) dst(%dma_wait3A_325 : memref<10240x64xf32, #tpu.memory_space<vmem_shared>>)
      %dma_wait3A_326 = arith.constant 0 : i32
      %dma_wait3A_327 = arith.constant 128 : i32
      %dma_wait3A_328 = arith.constant 0 : i32
      %dma_wait3A_329 = tpu.memref_slice %arg10[%dma_wait3A_327, %dma_wait3A_328] : memref<512x64xf32, #tpu.memory_space<vmem>> -> memref<128x64xf32, #tpu.memory_space<vmem>>
      %dma_wait3A_330 = arith.constant 0 : i32
      %dma_wait3A_331 = tpu.memref_slice %arg8[%dma_wait3A_326, %dma_wait3A_330] : memref<80x128xi32, #tpu.memory_space<vmem>> -> memref<1x128xi32, #tpu.memory_space<vmem>>
      %dma_wait3A_332 = tpu.memref_squeeze %dma_wait3A_331 : memref<1x128xi32, #tpu.memory_space<vmem>> -> memref<128xi32, #tpu.memory_space<vmem>>
      %dma_wait3A_333 = arith.constant 0 : i32
      %dma_wait3A_334 = arith.constant 0 : i32
      %dma_wait3A_335 = tpu.memref_slice %arg11[%dma_wait3A_333, %dma_wait3A_334] : memref<10240x64xf32, #tpu.memory_space<vmem_shared>> -> memref<10240x64xf32, #tpu.memory_space<vmem_shared>>
      tpu.wait_indirect_dma semaphore(%arg15 : memref<!tpu.dma_semaphore, #tpu.memory_space<semaphore_mem>>) src(%dma_wait3A_329 : memref<128x64xf32, #tpu.memory_space<vmem>>) dst(%dma_wait3A_335 : memref<10240x64xf32, #tpu.memory_space<vmem_shared>>)
      %dma_wait3A_336 = arith.constant 0 : i32
      %dma_wait3A_337 = arith.constant 256 : i32
      %dma_wait3A_338 = arith.constant 0 : i32
      %dma_wait3A_339 = tpu.memref_slice %arg10[%dma_wait3A_337, %dma_wait3A_338] : memref<512x64xf32, #tpu.memory_space<vmem>> -> memref<128x64xf32, #tpu.memory_space<vmem>>
      %dma_wait3A_340 = arith.constant 0 : i32
      %dma_wait3A_341 = tpu.memref_slice %arg8[%dma_wait3A_336, %dma_wait3A_340] : memref<80x128xi32, #tpu.memory_space<vmem>> -> memref<1x128xi32, #tpu.memory_space<vmem>>
      %dma_wait3A_342 = tpu.memref_squeeze %dma_wait3A_341 : memref<1x128xi32, #tpu.memory_space<vmem>> -> memref<128xi32, #tpu.memory_space<vmem>>
      %dma_wait3A_343 = arith.constant 0 : i32
      %dma_wait3A_344 = arith.constant 0 : i32
      %dma_wait3A_345 = tpu.memref_slice %arg11[%dma_wait3A_343, %dma_wait3A_344] : memref<10240x64xf32, #tpu.memory_space<vmem_shared>> -> memref<10240x64xf32, #tpu.memory_space<vmem_shared>>
      tpu.wait_indirect_dma semaphore(%arg15 : memref<!tpu.dma_semaphore, #tpu.memory_space<semaphore_mem>>) src(%dma_wait3A_339 : memref<128x64xf32, #tpu.memory_space<vmem>>) dst(%dma_wait3A_345 : memref<10240x64xf32, #tpu.memory_space<vmem_shared>>)
      %dma_wait3A_346 = arith.constant 0 : i32
      %dma_wait3A_347 = arith.constant 384 : i32
      %dma_wait3A_348 = arith.constant 0 : i32
      %dma_wait3A_349 = tpu.memref_slice %arg10[%dma_wait3A_347, %dma_wait3A_348] : memref<512x64xf32, #tpu.memory_space<vmem>> -> memref<128x64xf32, #tpu.memory_space<vmem>>
      %dma_wait3A_350 = arith.constant 0 : i32
      %dma_wait3A_351 = tpu.memref_slice %arg8[%dma_wait3A_346, %dma_wait3A_350] : memref<80x128xi32, #tpu.memory_space<vmem>> -> memref<1x128xi32, #tpu.memory_space<vmem>>
      %dma_wait3A_352 = tpu.memref_squeeze %dma_wait3A_351 : memref<1x128xi32, #tpu.memory_space<vmem>> -> memref<128xi32, #tpu.memory_space<vmem>>
      %dma_wait3A_353 = arith.constant 0 : i32
      %dma_wait3A_354 = arith.constant 0 : i32
      %dma_wait3A_355 = tpu.memref_slice %arg11[%dma_wait3A_353, %dma_wait3A_354] : memref<10240x64xf32, #tpu.memory_space<vmem_shared>> -> memref<10240x64xf32, #tpu.memory_space<vmem_shared>>
      tpu.wait_indirect_dma semaphore(%arg15 : memref<!tpu.dma_semaphore, #tpu.memory_space<semaphore_mem>>) src(%dma_wait3A_349 : memref<128x64xf32, #tpu.memory_space<vmem>>) dst(%dma_wait3A_355 : memref<10240x64xf32, #tpu.memory_space<vmem_shared>>)
      %add3A_356 = arith.constant 1 : i32
      %add3A_357 = arith.addi %scan3A_94, %add3A_356 : i32
      %lt3A_358 = arith.constant 10 : i32
      %lt3A_359 = arith.cmpi slt, %add3A_357, %lt3A_358 : i32
      %convert_element_type3A_360 = arith.extui %lt3A_359 : i1 to i32
      %cond3A_361 = arith.constant 0 : i32
      %cond3A_362 = arith.cmpi ne, %convert_element_type3A_360, %cond3A_361 : i32
      scf.if %cond3A_362 {
        %add3A_363 = arith.constant 12 : i32
        %add3A_364 = arith.addi %mul3A_96, %add3A_363 : i32
        %add3A_365 = arith.constant 0 : i32
        %add3A_366 = arith.addi %add3A_364, %add3A_365 : i32
        %dma_start3A_367 = arith.constant 0 : i32
        %dma_start3A_368 = arith.constant 0 : i32
        %dma_start3A_369 = tpu.memref_slice %arg10[%dma_start3A_367, %dma_start3A_368] : memref<512x64xf32, #tpu.memory_space<vmem>> -> memref<128x64xf32, #tpu.memory_space<vmem>>
        %dma_start3A_370 = arith.constant 0 : i32
        %dma_start3A_371 = tpu.memref_slice %arg7[%add3A_366, %dma_start3A_370] : memref<80x128xi32, #tpu.memory_space<vmem>> -> memref<1x128xi32, #tpu.memory_space<vmem>>
        %dma_start3A_372 = tpu.memref_squeeze %dma_start3A_371 : memref<1x128xi32, #tpu.memory_space<vmem>> -> memref<128xi32, #tpu.memory_space<vmem>>
        %dma_start3A_373 = arith.constant 0 : i32
        %dma_start3A_374 = arith.constant 0 : i32
        %dma_start3A_375 = tpu.memref_slice %arg2[%dma_start3A_373, %dma_start3A_374] : memref<10240x64xf32, #tpu.memory_space<hbm>> -> memref<10240x64xf32, #tpu.memory_space<hbm>>
        tpu.enqueue_indirect_dma source(%dma_start3A_375 : memref<10240x64xf32, #tpu.memory_space<hbm>>) target(%dma_start3A_369 : memref<128x64xf32, #tpu.memory_space<vmem>>) offsets(%dma_start3A_372 : memref<128xi32, #tpu.memory_space<vmem>>) semaphore(%arg13 : memref<!tpu.dma_semaphore, #tpu.memory_space<semaphore_mem>>)
        %add3A_376 = arith.constant 12 : i32
        %add3A_377 = arith.addi %mul3A_96, %add3A_376 : i32
        %add3A_378 = arith.constant 1 : i32
        %add3A_379 = arith.addi %add3A_377, %add3A_378 : i32
        %dma_start3A_380 = arith.constant 128 : i32
        %dma_start3A_381 = arith.constant 0 : i32
        %dma_start3A_382 = tpu.memref_slice %arg10[%dma_start3A_380, %dma_start3A_381] : memref<512x64xf32, #tpu.memory_space<vmem>> -> memref<128x64xf32, #tpu.memory_space<vmem>>
        %dma_start3A_383 = arith.constant 0 : i32
        %dma_start3A_384 = tpu.memref_slice %arg7[%add3A_379, %dma_start3A_383] : memref<80x128xi32, #tpu.memory_space<vmem>> -> memref<1x128xi32, #tpu.memory_space<vmem>>
        %dma_start3A_385 = tpu.memref_squeeze %dma_start3A_384 : memref<1x128xi32, #tpu.memory_space<vmem>> -> memref<128xi32, #tpu.memory_space<vmem>>
        %dma_start3A_386 = arith.constant 0 : i32
        %dma_start3A_387 = arith.constant 0 : i32
        %dma_start3A_388 = tpu.memref_slice %arg2[%dma_start3A_386, %dma_start3A_387] : memref<10240x64xf32, #tpu.memory_space<hbm>> -> memref<10240x64xf32, #tpu.memory_space<hbm>>
        tpu.enqueue_indirect_dma source(%dma_start3A_388 : memref<10240x64xf32, #tpu.memory_space<hbm>>) target(%dma_start3A_382 : memref<128x64xf32, #tpu.memory_space<vmem>>) offsets(%dma_start3A_385 : memref<128xi32, #tpu.memory_space<vmem>>) semaphore(%arg13 : memref<!tpu.dma_semaphore, #tpu.memory_space<semaphore_mem>>)
        %add3A_389 = arith.constant 12 : i32
        %add3A_390 = arith.addi %mul3A_96, %add3A_389 : i32
        %add3A_391 = arith.constant 2 : i32
        %add3A_392 = arith.addi %add3A_390, %add3A_391 : i32
        %dma_start3A_393 = arith.constant 256 : i32
        %dma_start3A_394 = arith.constant 0 : i32
        %dma_start3A_395 = tpu.memref_slice %arg10[%dma_start3A_393, %dma_start3A_394] : memref<512x64xf32, #tpu.memory_space<vmem>> -> memref<128x64xf32, #tpu.memory_space<vmem>>
        %dma_start3A_396 = arith.constant 0 : i32
        %dma_start3A_397 = tpu.memref_slice %arg7[%add3A_392, %dma_start3A_396] : memref<80x128xi32, #tpu.memory_space<vmem>> -> memref<1x128xi32, #tpu.memory_space<vmem>>
        %dma_start3A_398 = tpu.memref_squeeze %dma_start3A_397 : memref<1x128xi32, #tpu.memory_space<vmem>> -> memref<128xi32, #tpu.memory_space<vmem>>
        %dma_start3A_399 = arith.constant 0 : i32
        %dma_start3A_400 = arith.constant 0 : i32
        %dma_start3A_401 = tpu.memref_slice %arg2[%dma_start3A_399, %dma_start3A_400] : memref<10240x64xf32, #tpu.memory_space<hbm>> -> memref<10240x64xf32, #tpu.memory_space<hbm>>
        tpu.enqueue_indirect_dma source(%dma_start3A_401 : memref<10240x64xf32, #tpu.memory_space<hbm>>) target(%dma_start3A_395 : memref<128x64xf32, #tpu.memory_space<vmem>>) offsets(%dma_start3A_398 : memref<128xi32, #tpu.memory_space<vmem>>) semaphore(%arg13 : memref<!tpu.dma_semaphore, #tpu.memory_space<semaphore_mem>>)
        %add3A_402 = arith.constant 12 : i32
        %add3A_403 = arith.addi %mul3A_96, %add3A_402 : i32
        %add3A_404 = arith.constant 3 : i32
        %add3A_405 = arith.addi %add3A_403, %add3A_404 : i32
        %dma_start3A_406 = arith.constant 384 : i32
        %dma_start3A_407 = arith.constant 0 : i32
        %dma_start3A_408 = tpu.memref_slice %arg10[%dma_start3A_406, %dma_start3A_407] : memref<512x64xf32, #tpu.memory_space<vmem>> -> memref<128x64xf32, #tpu.memory_space<vmem>>
        %dma_start3A_409 = arith.constant 0 : i32
        %dma_start3A_410 = tpu.memref_slice %arg7[%add3A_405, %dma_start3A_409] : memref<80x128xi32, #tpu.memory_space<vmem>> -> memref<1x128xi32, #tpu.memory_space<vmem>>
        %dma_start3A_411 = tpu.memref_squeeze %dma_start3A_410 : memref<1x128xi32, #tpu.memory_space<vmem>> -> memref<128xi32, #tpu.memory_space<vmem>>
        %dma_start3A_412 = arith.constant 0 : i32
        %dma_start3A_413 = arith.constant 0 : i32
        %dma_start3A_414 = tpu.memref_slice %arg2[%dma_start3A_412, %dma_start3A_413] : memref<10240x64xf32, #tpu.memory_space<hbm>> -> memref<10240x64xf32, #tpu.memory_space<hbm>>
        tpu.enqueue_indirect_dma source(%dma_start3A_414 : memref<10240x64xf32, #tpu.memory_space<hbm>>) target(%dma_start3A_408 : memref<128x64xf32, #tpu.memory_space<vmem>>) offsets(%dma_start3A_411 : memref<128xi32, #tpu.memory_space<vmem>>) semaphore(%arg13 : memref<!tpu.dma_semaphore, #tpu.memory_space<semaphore_mem>>)
      } else {
      }
    }
    %scan3A_88 = arith.constant 10 : i32
    %barrier3A_89 = arith.constant 0 : index
    tpu.barrier barrier_id(%barrier3A_89)
    %mul3A_90 = arith.constant 640 : i32
    %mul3A_91 = arith.muli %arg1, %mul3A_90 : i32
    %mul3A_92 = arith.constant 640 : i32
    %mul3A_93 = arith.muli %arg1, %mul3A_92 : i32
    "tpu.region"() ({
      %run_scoped3A = tpu.sem_alloc : memref<!tpu.dma_semaphore, #tpu.memory_space<semaphore_mem>>
      %dma_start3A_94 = arith.constant 0 : i32
      %dma_start3A_95 = tpu.memref_slice %arg6[%arg0, %mul3A_93, %dma_start3A_94] : memref<2x10240x64xf32, #tpu.memory_space<hbm>> -> memref<1x640x64xf32, #tpu.memory_space<hbm>>
      %dma_start3A_96 = tpu.memref_squeeze %dma_start3A_95 : memref<1x640x64xf32, #tpu.memory_space<hbm>> -> memref<640x64xf32, #tpu.memory_space<hbm>>
      %dma_start3A_97 = arith.constant 0 : i32
      %dma_start3A_98 = tpu.memref_slice %arg11[%mul3A_91, %dma_start3A_97] : memref<10240x64xf32, #tpu.memory_space<vmem_shared>> -> memref<640x64xf32, #tpu.memory_space<vmem_shared>>
      tpu.enqueue_dma source(%dma_start3A_98 : memref<640x64xf32, #tpu.memory_space<vmem_shared>>) target(%dma_start3A_96 : memref<640x64xf32, #tpu.memory_space<hbm>>) target_semaphore(%run_scoped3A : memref<!tpu.dma_semaphore, #tpu.memory_space<semaphore_mem>>)
      %dma_wait3A = arith.constant 0 : i32
      %dma_wait3A_99 = tpu.memref_slice %arg6[%arg0, %mul3A_93, %dma_wait3A] : memref<2x10240x64xf32, #tpu.memory_space<hbm>> -> memref<1x640x64xf32, #tpu.memory_space<hbm>>
      %dma_wait3A_100 = tpu.memref_squeeze %dma_wait3A_99 : memref<1x640x64xf32, #tpu.memory_space<hbm>> -> memref<640x64xf32, #tpu.memory_space<hbm>>
      %dma_wait3A_101 = arith.constant 0 : i32
      %dma_wait3A_102 = tpu.memref_slice %arg11[%mul3A_91, %dma_wait3A_101] : memref<10240x64xf32, #tpu.memory_space<vmem_shared>> -> memref<640x64xf32, #tpu.memory_space<vmem_shared>>
      tpu.wait_dma2 semaphore(%run_scoped3A : memref<!tpu.dma_semaphore, #tpu.memory_space<semaphore_mem>>) src(%dma_wait3A_102 : memref<640x64xf32, #tpu.memory_space<vmem_shared>>) dst(%dma_wait3A_100 : memref<640x64xf32, #tpu.memory_space<hbm>>)
      tpu.yield
    }) : () -> ()
    return
  }
}

#map = affine_map<(d0, d1) -> (0, 0)>
#map1 = affine_map<(d0, d1) -> (0, 0, 0)>
module attributes {stable_mosaic.version = 14 : i64} {
  func.func @_scatter_body(%arg0: i32, %arg1: i32, %arg2: memref<10240x64xf32, #tpu.memory_space<hbm>>, %arg3: memref<32x80x128xi32, #tpu.memory_space<hbm>>, %arg4: memref<32x80x128xi32, #tpu.memory_space<hbm>>, %arg5: memref<10240x64xf32, #tpu.memory_space<hbm>>, %arg6: memref<2x10240x64xf32, #tpu.memory_space<hbm>>, %arg7: memref<80x128xi32, #tpu.memory_space<vmem>>, %arg8: memref<80x128xi32, #tpu.memory_space<vmem>>, %arg9: memref<512x64xf32, #tpu.memory_space<vmem>>, %arg10: memref<512x64xf32, #tpu.memory_space<vmem>>, %arg11: memref<10240x64xf32, #tpu.memory_space<vmem_shared>>, %arg12: memref<!tpu.dma_semaphore, #tpu.memory_space<semaphore_mem>>, %arg13: memref<!tpu.dma_semaphore, #tpu.memory_space<semaphore_mem>>, %arg14: memref<!tpu.dma_semaphore, #tpu.memory_space<semaphore_mem>>, %arg15: memref<!tpu.dma_semaphore, #tpu.memory_space<semaphore_mem>>) attributes {dimension_semantics = [#tpu.dimension_semantics<core_parallel>, #tpu.dimension_semantics<subcore_parallel>], iteration_bounds = array<i64: 2, 16>, scalar_prefetch = 0 : i64, scratch_operands = 9 : i64, tpu.core_type = #tpu.core_type<sc_vector_subcore>, window_params = [{transform_indices = #map}, {transform_indices = #map1}, {transform_indices = #map1}, {transform_indices = #map}, {transform_indices = #map1}]} {
    %mul3A = arith.constant 2 : i32
    %mul3A_0 = arith.muli %arg1, %mul3A : i32
    %add3A = arith.addi %mul3A_0, %arg0 : i32
    %mul3A_1 = arith.constant 640 : i32
    %mul3A_2 = arith.muli %arg1, %mul3A_1 : i32
    %mul3A_3 = arith.constant 640 : i32
    %mul3A_4 = arith.muli %arg1, %mul3A_3 : i32
    "tpu.region"() ({
      %run_scoped3A = tpu.sem_alloc : memref<!tpu.dma_semaphore, #tpu.memory_space<semaphore_mem>>
      %dma_start3A_94 = arith.constant 0 : i32
      %dma_start3A_95 = tpu.memref_slice %arg11[%mul3A_4, %dma_start3A_94] : memref<10240x64xf32, #tpu.memory_space<vmem_shared>> -> memref<640x64xf32, #tpu.memory_space<vmem_shared>>
      %dma_start3A_96 = arith.constant 0 : i32
      %dma_start3A_97 = tpu.memref_slice %arg5[%mul3A_2, %dma_start3A_96] : memref<10240x64xf32, #tpu.memory_space<hbm>> -> memref<640x64xf32, #tpu.memory_space<hbm>>
      tpu.enqueue_dma source(%dma_start3A_97 : memref<640x64xf32, #tpu.memory_space<hbm>>) target(%dma_start3A_95 : memref<640x64xf32, #tpu.memory_space<vmem_shared>>) target_semaphore(%run_scoped3A : memref<!tpu.dma_semaphore, #tpu.memory_space<semaphore_mem>>)
      %dma_wait3A = arith.constant 0 : i32
      %dma_wait3A_98 = tpu.memref_slice %arg11[%mul3A_4, %dma_wait3A] : memref<10240x64xf32, #tpu.memory_space<vmem_shared>> -> memref<640x64xf32, #tpu.memory_space<vmem_shared>>
      %dma_wait3A_99 = arith.constant 0 : i32
      %dma_wait3A_100 = tpu.memref_slice %arg5[%mul3A_2, %dma_wait3A_99] : memref<10240x64xf32, #tpu.memory_space<hbm>> -> memref<640x64xf32, #tpu.memory_space<hbm>>
      tpu.wait_dma2 semaphore(%run_scoped3A : memref<!tpu.dma_semaphore, #tpu.memory_space<semaphore_mem>>) src(%dma_wait3A_100 : memref<640x64xf32, #tpu.memory_space<hbm>>) dst(%dma_wait3A_98 : memref<640x64xf32, #tpu.memory_space<vmem_shared>>)
      tpu.yield
    }) : () -> ()
    "tpu.region"() ({
      %run_scoped3A = tpu.sem_alloc : memref<!tpu.dma_semaphore, #tpu.memory_space<semaphore_mem>>
      %dma_start3A_94 = arith.constant 0 : i32
      %dma_start3A_95 = arith.constant 0 : i32
      %dma_start3A_96 = tpu.memref_slice %arg3[%add3A, %dma_start3A_94, %dma_start3A_95] : memref<32x80x128xi32, #tpu.memory_space<hbm>> -> memref<1x80x128xi32, #tpu.memory_space<hbm>>
      %dma_start3A_97 = tpu.memref_squeeze %dma_start3A_96 : memref<1x80x128xi32, #tpu.memory_space<hbm>> -> memref<80x128xi32, #tpu.memory_space<hbm>>
      %dma_start3A_98 = arith.constant 0 : i32
      %dma_start3A_99 = arith.constant 0 : i32
      %dma_start3A_100 = tpu.memref_slice %arg3[%add3A, %dma_start3A_98, %dma_start3A_99] : memref<32x80x128xi32, #tpu.memory_space<hbm>> -> memref<1x80x128xi32, #tpu.memory_space<hbm>>
      %dma_start3A_101 = tpu.memref_squeeze %dma_start3A_100 : memref<1x80x128xi32, #tpu.memory_space<hbm>> -> memref<80x128xi32, #tpu.memory_space<hbm>>
      tpu.enqueue_dma source(%dma_start3A_101 : memref<80x128xi32, #tpu.memory_space<hbm>>) target(%arg7 : memref<80x128xi32, #tpu.memory_space<vmem>>) target_semaphore(%run_scoped3A : memref<!tpu.dma_semaphore, #tpu.memory_space<semaphore_mem>>)
      %dma_wait3A = arith.constant 0 : i32
      %dma_wait3A_102 = arith.constant 0 : i32
      %dma_wait3A_103 = tpu.memref_slice %arg3[%add3A, %dma_wait3A, %dma_wait3A_102] : memref<32x80x128xi32, #tpu.memory_space<hbm>> -> memref<1x80x128xi32, #tpu.memory_space<hbm>>
      %dma_wait3A_104 = tpu.memref_squeeze %dma_wait3A_103 : memref<1x80x128xi32, #tpu.memory_space<hbm>> -> memref<80x128xi32, #tpu.memory_space<hbm>>
      %dma_wait3A_105 = arith.constant 0 : i32
      %dma_wait3A_106 = arith.constant 0 : i32
      %dma_wait3A_107 = tpu.memref_slice %arg3[%add3A, %dma_wait3A_105, %dma_wait3A_106] : memref<32x80x128xi32, #tpu.memory_space<hbm>> -> memref<1x80x128xi32, #tpu.memory_space<hbm>>
      %dma_wait3A_108 = tpu.memref_squeeze %dma_wait3A_107 : memref<1x80x128xi32, #tpu.memory_space<hbm>> -> memref<80x128xi32, #tpu.memory_space<hbm>>
      tpu.wait_dma2 semaphore(%run_scoped3A : memref<!tpu.dma_semaphore, #tpu.memory_space<semaphore_mem>>) src(%dma_wait3A_108 : memref<80x128xi32, #tpu.memory_space<hbm>>) dst(%arg7 : memref<80x128xi32, #tpu.memory_space<vmem>>)
      tpu.yield
    }) : () -> ()
    "tpu.region"() ({
      %run_scoped3A = tpu.sem_alloc : memref<!tpu.dma_semaphore, #tpu.memory_space<semaphore_mem>>
      %dma_start3A_94 = arith.constant 0 : i32
      %dma_start3A_95 = arith.constant 0 : i32
      %dma_start3A_96 = tpu.memref_slice %arg4[%add3A, %dma_start3A_94, %dma_start3A_95] : memref<32x80x128xi32, #tpu.memory_space<hbm>> -> memref<1x80x128xi32, #tpu.memory_space<hbm>>
      %dma_start3A_97 = tpu.memref_squeeze %dma_start3A_96 : memref<1x80x128xi32, #tpu.memory_space<hbm>> -> memref<80x128xi32, #tpu.memory_space<hbm>>
      %dma_start3A_98 = arith.constant 0 : i32
      %dma_start3A_99 = arith.constant 0 : i32
      %dma_start3A_100 = tpu.memref_slice %arg4[%add3A, %dma_start3A_98, %dma_start3A_99] : memref<32x80x128xi32, #tpu.memory_space<hbm>> -> memref<1x80x128xi32, #tpu.memory_space<hbm>>
      %dma_start3A_101 = tpu.memref_squeeze %dma_start3A_100 : memref<1x80x128xi32, #tpu.memory_space<hbm>> -> memref<80x128xi32, #tpu.memory_space<hbm>>
      tpu.enqueue_dma source(%dma_start3A_101 : memref<80x128xi32, #tpu.memory_space<hbm>>) target(%arg8 : memref<80x128xi32, #tpu.memory_space<vmem>>) target_semaphore(%run_scoped3A : memref<!tpu.dma_semaphore, #tpu.memory_space<semaphore_mem>>)
      %dma_wait3A = arith.constant 0 : i32
      %dma_wait3A_102 = arith.constant 0 : i32
      %dma_wait3A_103 = tpu.memref_slice %arg4[%add3A, %dma_wait3A, %dma_wait3A_102] : memref<32x80x128xi32, #tpu.memory_space<hbm>> -> memref<1x80x128xi32, #tpu.memory_space<hbm>>
      %dma_wait3A_104 = tpu.memref_squeeze %dma_wait3A_103 : memref<1x80x128xi32, #tpu.memory_space<hbm>> -> memref<80x128xi32, #tpu.memory_space<hbm>>
      %dma_wait3A_105 = arith.constant 0 : i32
      %dma_wait3A_106 = arith.constant 0 : i32
      %dma_wait3A_107 = tpu.memref_slice %arg4[%add3A, %dma_wait3A_105, %dma_wait3A_106] : memref<32x80x128xi32, #tpu.memory_space<hbm>> -> memref<1x80x128xi32, #tpu.memory_space<hbm>>
      %dma_wait3A_108 = tpu.memref_squeeze %dma_wait3A_107 : memref<1x80x128xi32, #tpu.memory_space<hbm>> -> memref<80x128xi32, #tpu.memory_space<hbm>>
      tpu.wait_dma2 semaphore(%run_scoped3A : memref<!tpu.dma_semaphore, #tpu.memory_space<semaphore_mem>>) src(%dma_wait3A_108 : memref<80x128xi32, #tpu.memory_space<hbm>>) dst(%arg8 : memref<80x128xi32, #tpu.memory_space<vmem>>)
      tpu.yield
    }) : () -> ()
    %barrier3A = arith.constant 0 : index
    tpu.barrier barrier_id(%barrier3A)
    %dma_start3A = arith.constant 0 : i32
    %dma_start3A_5 = arith.constant 0 : i32
    %dma_start3A_6 = arith.constant 0 : i32
    %dma_start3A_7 = tpu.memref_slice %arg9[%dma_start3A_5, %dma_start3A_6] : memref<512x64xf32, #tpu.memory_space<vmem>> -> memref<128x64xf32, #tpu.memory_space<vmem>>
    %dma_start3A_8 = arith.constant 0 : i32
    %dma_start3A_9 = tpu.memref_slice %arg7[%dma_start3A, %dma_start3A_8] : memref<80x128xi32, #tpu.memory_space<vmem>> -> memref<1x128xi32, #tpu.memory_space<vmem>>
    %dma_start3A_10 = tpu.memref_squeeze %dma_start3A_9 : memref<1x128xi32, #tpu.memory_space<vmem>> -> memref<128xi32, #tpu.memory_space<vmem>>
    %dma_start3A_11 = arith.constant 0 : i32
    %dma_start3A_12 = arith.constant 0 : i32
    %dma_start3A_13 = tpu.memref_slice %arg2[%dma_start3A_11, %dma_start3A_12] : memref<10240x64xf32, #tpu.memory_space<hbm>> -> memref<10240x64xf32, #tpu.memory_space<hbm>>
    tpu.enqueue_indirect_dma source(%dma_start3A_13 : memref<10240x64xf32, #tpu.memory_space<hbm>>) target(%dma_start3A_7 : memref<128x64xf32, #tpu.memory_space<vmem>>) offsets(%dma_start3A_10 : memref<128xi32, #tpu.memory_space<vmem>>) semaphore(%arg12 : memref<!tpu.dma_semaphore, #tpu.memory_space<semaphore_mem>>)
    %dma_start3A_14 = arith.constant 4 : i32
    %dma_start3A_15 = arith.constant 0 : i32
    %dma_start3A_16 = arith.constant 0 : i32
    %dma_start3A_17 = tpu.memref_slice %arg10[%dma_start3A_15, %dma_start3A_16] : memref<512x64xf32, #tpu.memory_space<vmem>> -> memref<128x64xf32, #tpu.memory_space<vmem>>
    %dma_start3A_18 = arith.constant 0 : i32
    %dma_start3A_19 = tpu.memref_slice %arg7[%dma_start3A_14, %dma_start3A_18] : memref<80x128xi32, #tpu.memory_space<vmem>> -> memref<1x128xi32, #tpu.memory_space<vmem>>
    %dma_start3A_20 = tpu.memref_squeeze %dma_start3A_19 : memref<1x128xi32, #tpu.memory_space<vmem>> -> memref<128xi32, #tpu.memory_space<vmem>>
    %dma_start3A_21 = arith.constant 0 : i32
    %dma_start3A_22 = arith.constant 0 : i32
    %dma_start3A_23 = tpu.memref_slice %arg2[%dma_start3A_21, %dma_start3A_22] : memref<10240x64xf32, #tpu.memory_space<hbm>> -> memref<10240x64xf32, #tpu.memory_space<hbm>>
    tpu.enqueue_indirect_dma source(%dma_start3A_23 : memref<10240x64xf32, #tpu.memory_space<hbm>>) target(%dma_start3A_17 : memref<128x64xf32, #tpu.memory_space<vmem>>) offsets(%dma_start3A_20 : memref<128xi32, #tpu.memory_space<vmem>>) semaphore(%arg13 : memref<!tpu.dma_semaphore, #tpu.memory_space<semaphore_mem>>)
    %dma_start3A_24 = arith.constant 1 : i32
    %dma_start3A_25 = arith.constant 128 : i32
    %dma_start3A_26 = arith.constant 0 : i32
    %dma_start3A_27 = tpu.memref_slice %arg9[%dma_start3A_25, %dma_start3A_26] : memref<512x64xf32, #tpu.memory_space<vmem>> -> memref<128x64xf32, #tpu.memory_space<vmem>>
    %dma_start3A_28 = arith.constant 0 : i32
    %dma_start3A_29 = tpu.memref_slice %arg7[%dma_start3A_24, %dma_start3A_28] : memref<80x128xi32, #tpu.memory_space<vmem>> -> memref<1x128xi32, #tpu.memory_space<vmem>>
    %dma_start3A_30 = tpu.memref_squeeze %dma_start3A_29 : memref<1x128xi32, #tpu.memory_space<vmem>> -> memref<128xi32, #tpu.memory_space<vmem>>
    %dma_start3A_31 = arith.constant 0 : i32
    %dma_start3A_32 = arith.constant 0 : i32
    %dma_start3A_33 = tpu.memref_slice %arg2[%dma_start3A_31, %dma_start3A_32] : memref<10240x64xf32, #tpu.memory_space<hbm>> -> memref<10240x64xf32, #tpu.memory_space<hbm>>
    tpu.enqueue_indirect_dma source(%dma_start3A_33 : memref<10240x64xf32, #tpu.memory_space<hbm>>) target(%dma_start3A_27 : memref<128x64xf32, #tpu.memory_space<vmem>>) offsets(%dma_start3A_30 : memref<128xi32, #tpu.memory_space<vmem>>) semaphore(%arg12 : memref<!tpu.dma_semaphore, #tpu.memory_space<semaphore_mem>>)
    %dma_start3A_34 = arith.constant 5 : i32
    %dma_start3A_35 = arith.constant 128 : i32
    %dma_start3A_36 = arith.constant 0 : i32
    %dma_start3A_37 = tpu.memref_slice %arg10[%dma_start3A_35, %dma_start3A_36] : memref<512x64xf32, #tpu.memory_space<vmem>> -> memref<128x64xf32, #tpu.memory_space<vmem>>
    %dma_start3A_38 = arith.constant 0 : i32
    %dma_start3A_39 = tpu.memref_slice %arg7[%dma_start3A_34, %dma_start3A_38] : memref<80x128xi32, #tpu.memory_space<vmem>> -> memref<1x128xi32, #tpu.memory_space<vmem>>
    %dma_start3A_40 = tpu.memref_squeeze %dma_start3A_39 : memref<1x128xi32, #tpu.memory_space<vmem>> -> memref<128xi32, #tpu.memory_space<vmem>>
    %dma_start3A_41 = arith.constant 0 : i32
    %dma_start3A_42 = arith.constant 0 : i32
    %dma_start3A_43 = tpu.memref_slice %arg2[%dma_start3A_41, %dma_start3A_42] : memref<10240x64xf32, #tpu.memory_space<hbm>> -> memref<10240x64xf32, #tpu.memory_space<hbm>>
    tpu.enqueue_indirect_dma source(%dma_start3A_43 : memref<10240x64xf32, #tpu.memory_space<hbm>>) target(%dma_start3A_37 : memref<128x64xf32, #tpu.memory_space<vmem>>) offsets(%dma_start3A_40 : memref<128xi32, #tpu.memory_space<vmem>>) semaphore(%arg13 : memref<!tpu.dma_semaphore, #tpu.memory_space<semaphore_mem>>)
    %dma_start3A_44 = arith.constant 2 : i32
    %dma_start3A_45 = arith.constant 256 : i32
    %dma_start3A_46 = arith.constant 0 : i32
    %dma_start3A_47 = tpu.memref_slice %arg9[%dma_start3A_45, %dma_start3A_46] : memref<512x64xf32, #tpu.memory_space<vmem>> -> memref<128x64xf32, #tpu.memory_space<vmem>>
    %dma_start3A_48 = arith.constant 0 : i32
    %dma_start3A_49 = tpu.memref_slice %arg7[%dma_start3A_44, %dma_start3A_48] : memref<80x128xi32, #tpu.memory_space<vmem>> -> memref<1x128xi32, #tpu.memory_space<vmem>>
    %dma_start3A_50 = tpu.memref_squeeze %dma_start3A_49 : memref<1x128xi32, #tpu.memory_space<vmem>> -> memref<128xi32, #tpu.memory_space<vmem>>
    %dma_start3A_51 = arith.constant 0 : i32
    %dma_start3A_52 = arith.constant 0 : i32
    %dma_start3A_53 = tpu.memref_slice %arg2[%dma_start3A_51, %dma_start3A_52] : memref<10240x64xf32, #tpu.memory_space<hbm>> -> memref<10240x64xf32, #tpu.memory_space<hbm>>
    tpu.enqueue_indirect_dma source(%dma_start3A_53 : memref<10240x64xf32, #tpu.memory_space<hbm>>) target(%dma_start3A_47 : memref<128x64xf32, #tpu.memory_space<vmem>>) offsets(%dma_start3A_50 : memref<128xi32, #tpu.memory_space<vmem>>) semaphore(%arg12 : memref<!tpu.dma_semaphore, #tpu.memory_space<semaphore_mem>>)
    %dma_start3A_54 = arith.constant 6 : i32
    %dma_start3A_55 = arith.constant 256 : i32
    %dma_start3A_56 = arith.constant 0 : i32
    %dma_start3A_57 = tpu.memref_slice %arg10[%dma_start3A_55, %dma_start3A_56] : memref<512x64xf32, #tpu.memory_space<vmem>> -> memref<128x64xf32, #tpu.memory_space<vmem>>
    %dma_start3A_58 = arith.constant 0 : i32
    %dma_start3A_59 = tpu.memref_slice %arg7[%dma_start3A_54, %dma_start3A_58] : memref<80x128xi32, #tpu.memory_space<vmem>> -> memref<1x128xi32, #tpu.memory_space<vmem>>
    %dma_start3A_60 = tpu.memref_squeeze %dma_start3A_59 : memref<1x128xi32, #tpu.memory_space<vmem>> -> memref<128xi32, #tpu.memory_space<vmem>>
    %dma_start3A_61 = arith.constant 0 : i32
    %dma_start3A_62 = arith.constant 0 : i32
    %dma_start3A_63 = tpu.memref_slice %arg2[%dma_start3A_61, %dma_start3A_62] : memref<10240x64xf32, #tpu.memory_space<hbm>> -> memref<10240x64xf32, #tpu.memory_space<hbm>>
    tpu.enqueue_indirect_dma source(%dma_start3A_63 : memref<10240x64xf32, #tpu.memory_space<hbm>>) target(%dma_start3A_57 : memref<128x64xf32, #tpu.memory_space<vmem>>) offsets(%dma_start3A_60 : memref<128xi32, #tpu.memory_space<vmem>>) semaphore(%arg13 : memref<!tpu.dma_semaphore, #tpu.memory_space<semaphore_mem>>)
    %dma_start3A_64 = arith.constant 3 : i32
    %dma_start3A_65 = arith.constant 384 : i32
    %dma_start3A_66 = arith.constant 0 : i32
    %dma_start3A_67 = tpu.memref_slice %arg9[%dma_start3A_65, %dma_start3A_66] : memref<512x64xf32, #tpu.memory_space<vmem>> -> memref<128x64xf32, #tpu.memory_space<vmem>>
    %dma_start3A_68 = arith.constant 0 : i32
    %dma_start3A_69 = tpu.memref_slice %arg7[%dma_start3A_64, %dma_start3A_68] : memref<80x128xi32, #tpu.memory_space<vmem>> -> memref<1x128xi32, #tpu.memory_space<vmem>>
    %dma_start3A_70 = tpu.memref_squeeze %dma_start3A_69 : memref<1x128xi32, #tpu.memory_space<vmem>> -> memref<128xi32, #tpu.memory_space<vmem>>
    %dma_start3A_71 = arith.constant 0 : i32
    %dma_start3A_72 = arith.constant 0 : i32
    %dma_start3A_73 = tpu.memref_slice %arg2[%dma_start3A_71, %dma_start3A_72] : memref<10240x64xf32, #tpu.memory_space<hbm>> -> memref<10240x64xf32, #tpu.memory_space<hbm>>
    tpu.enqueue_indirect_dma source(%dma_start3A_73 : memref<10240x64xf32, #tpu.memory_space<hbm>>) target(%dma_start3A_67 : memref<128x64xf32, #tpu.memory_space<vmem>>) offsets(%dma_start3A_70 : memref<128xi32, #tpu.memory_space<vmem>>) semaphore(%arg12 : memref<!tpu.dma_semaphore, #tpu.memory_space<semaphore_mem>>)
    %dma_start3A_74 = arith.constant 7 : i32
    %dma_start3A_75 = arith.constant 384 : i32
    %dma_start3A_76 = arith.constant 0 : i32
    %dma_start3A_77 = tpu.memref_slice %arg10[%dma_start3A_75, %dma_start3A_76] : memref<512x64xf32, #tpu.memory_space<vmem>> -> memref<128x64xf32, #tpu.memory_space<vmem>>
    %dma_start3A_78 = arith.constant 0 : i32
    %dma_start3A_79 = tpu.memref_slice %arg7[%dma_start3A_74, %dma_start3A_78] : memref<80x128xi32, #tpu.memory_space<vmem>> -> memref<1x128xi32, #tpu.memory_space<vmem>>
    %dma_start3A_80 = tpu.memref_squeeze %dma_start3A_79 : memref<1x128xi32, #tpu.memory_space<vmem>> -> memref<128xi32, #tpu.memory_space<vmem>>
    %dma_start3A_81 = arith.constant 0 : i32
    %dma_start3A_82 = arith.constant 0 : i32
    %dma_start3A_83 = tpu.memref_slice %arg2[%dma_start3A_81, %dma_start3A_82] : memref<10240x64xf32, #tpu.memory_space<hbm>> -> memref<10240x64xf32, #tpu.memory_space<hbm>>
    tpu.enqueue_indirect_dma source(%dma_start3A_83 : memref<10240x64xf32, #tpu.memory_space<hbm>>) target(%dma_start3A_77 : memref<128x64xf32, #tpu.memory_space<vmem>>) offsets(%dma_start3A_80 : memref<128xi32, #tpu.memory_space<vmem>>) semaphore(%arg13 : memref<!tpu.dma_semaphore, #tpu.memory_space<semaphore_mem>>)
    %scan3A = arith.constant 0 : i32
    %scan3A_84 = arith.constant 0 : i32
    %scan3A_85 = arith.constant 10 : i32
    %scan3A_86 = arith.addi %scan3A_84, %scan3A_85 : i32
    %scan3A_87 = arith.constant 1 : i32
    scf.for %scan3A_94 = %scan3A_84 to %scan3A_86 step %scan3A_87  : i32 {
      %mul3A_95 = arith.constant 8 : i32
      %mul3A_96 = arith.muli %scan3A_94, %mul3A_95 : i32
      %dma_wait3A = arith.constant 0 : i32
      %dma_wait3A_97 = arith.constant 0 : i32
      %dma_wait3A_98 = arith.constant 0 : i32
      %dma_wait3A_99 = tpu.memref_slice %arg9[%dma_wait3A_97, %dma_wait3A_98] : memref<512x64xf32, #tpu.memory_space<vmem>> -> memref<128x64xf32, #tpu.memory_space<vmem>>
      %dma_wait3A_100 = arith.constant 0 : i32
      %dma_wait3A_101 = tpu.memref_slice %arg7[%dma_wait3A, %dma_wait3A_100] : memref<80x128xi32, #tpu.memory_space<vmem>> -> memref<1x128xi32, #tpu.memory_space<vmem>>
      %dma_wait3A_102 = tpu.memref_squeeze %dma_wait3A_101 : memref<1x128xi32, #tpu.memory_space<vmem>> -> memref<128xi32, #tpu.memory_space<vmem>>
      %dma_wait3A_103 = arith.constant 0 : i32
      %dma_wait3A_104 = arith.constant 0 : i32
      %dma_wait3A_105 = tpu.memref_slice %arg2[%dma_wait3A_103, %dma_wait3A_104] : memref<10240x64xf32, #tpu.memory_space<hbm>> -> memref<10240x64xf32, #tpu.memory_space<hbm>>
      tpu.wait_indirect_dma semaphore(%arg12 : memref<!tpu.dma_semaphore, #tpu.memory_space<semaphore_mem>>) src(%dma_wait3A_105 : memref<10240x64xf32, #tpu.memory_space<hbm>>) dst(%dma_wait3A_99 : memref<128x64xf32, #tpu.memory_space<vmem>>)
      %dma_wait3A_106 = arith.constant 0 : i32
      %dma_wait3A_107 = arith.constant 128 : i32
      %dma_wait3A_108 = arith.constant 0 : i32
      %dma_wait3A_109 = tpu.memref_slice %arg9[%dma_wait3A_107, %dma_wait3A_108] : memref<512x64xf32, #tpu.memory_space<vmem>> -> memref<128x64xf32, #tpu.memory_space<vmem>>
      %dma_wait3A_110 = arith.constant 0 : i32
      %dma_wait3A_111 = tpu.memref_slice %arg7[%dma_wait3A_106, %dma_wait3A_110] : memref<80x128xi32, #tpu.memory_space<vmem>> -> memref<1x128xi32, #tpu.memory_space<vmem>>
      %dma_wait3A_112 = tpu.memref_squeeze %dma_wait3A_111 : memref<1x128xi32, #tpu.memory_space<vmem>> -> memref<128xi32, #tpu.memory_space<vmem>>
      %dma_wait3A_113 = arith.constant 0 : i32
      %dma_wait3A_114 = arith.constant 0 : i32
      %dma_wait3A_115 = tpu.memref_slice %arg2[%dma_wait3A_113, %dma_wait3A_114] : memref<10240x64xf32, #tpu.memory_space<hbm>> -> memref<10240x64xf32, #tpu.memory_space<hbm>>
      tpu.wait_indirect_dma semaphore(%arg12 : memref<!tpu.dma_semaphore, #tpu.memory_space<semaphore_mem>>) src(%dma_wait3A_115 : memref<10240x64xf32, #tpu.memory_space<hbm>>) dst(%dma_wait3A_109 : memref<128x64xf32, #tpu.memory_space<vmem>>)
      %dma_wait3A_116 = arith.constant 0 : i32
      %dma_wait3A_117 = arith.constant 256 : i32
      %dma_wait3A_118 = arith.constant 0 : i32
      %dma_wait3A_119 = tpu.memref_slice %arg9[%dma_wait3A_117, %dma_wait3A_118] : memref<512x64xf32, #tpu.memory_space<vmem>> -> memref<128x64xf32, #tpu.memory_space<vmem>>
      %dma_wait3A_120 = arith.constant 0 : i32
      %dma_wait3A_121 = tpu.memref_slice %arg7[%dma_wait3A_116, %dma_wait3A_120] : memref<80x128xi32, #tpu.memory_space<vmem>> -> memref<1x128xi32, #tpu.memory_space<vmem>>
      %dma_wait3A_122 = tpu.memref_squeeze %dma_wait3A_121 : memref<1x128xi32, #tpu.memory_space<vmem>> -> memref<128xi32, #tpu.memory_space<vmem>>
      %dma_wait3A_123 = arith.constant 0 : i32
      %dma_wait3A_124 = arith.constant 0 : i32
      %dma_wait3A_125 = tpu.memref_slice %arg2[%dma_wait3A_123, %dma_wait3A_124] : memref<10240x64xf32, #tpu.memory_space<hbm>> -> memref<10240x64xf32, #tpu.memory_space<hbm>>
      tpu.wait_indirect_dma semaphore(%arg12 : memref<!tpu.dma_semaphore, #tpu.memory_space<semaphore_mem>>) src(%dma_wait3A_125 : memref<10240x64xf32, #tpu.memory_space<hbm>>) dst(%dma_wait3A_119 : memref<128x64xf32, #tpu.memory_space<vmem>>)
      %dma_wait3A_126 = arith.constant 0 : i32
      %dma_wait3A_127 = arith.constant 384 : i32
      %dma_wait3A_128 = arith.constant 0 : i32
      %dma_wait3A_129 = tpu.memref_slice %arg9[%dma_wait3A_127, %dma_wait3A_128] : memref<512x64xf32, #tpu.memory_space<vmem>> -> memref<128x64xf32, #tpu.memory_space<vmem>>
      %dma_wait3A_130 = arith.constant 0 : i32
      %dma_wait3A_131 = tpu.memref_slice %arg7[%dma_wait3A_126, %dma_wait3A_130] : memref<80x128xi32, #tpu.memory_space<vmem>> -> memref<1x128xi32, #tpu.memory_space<vmem>>
      %dma_wait3A_132 = tpu.memref_squeeze %dma_wait3A_131 : memref<1x128xi32, #tpu.memory_space<vmem>> -> memref<128xi32, #tpu.memory_space<vmem>>
      %dma_wait3A_133 = arith.constant 0 : i32
      %dma_wait3A_134 = arith.constant 0 : i32
      %dma_wait3A_135 = tpu.memref_slice %arg2[%dma_wait3A_133, %dma_wait3A_134] : memref<10240x64xf32, #tpu.memory_space<hbm>> -> memref<10240x64xf32, #tpu.memory_space<hbm>>
      tpu.wait_indirect_dma semaphore(%arg12 : memref<!tpu.dma_semaphore, #tpu.memory_space<semaphore_mem>>) src(%dma_wait3A_135 : memref<10240x64xf32, #tpu.memory_space<hbm>>) dst(%dma_wait3A_129 : memref<128x64xf32, #tpu.memory_space<vmem>>)
      %add3A_136 = arith.constant 0 : i32
      %add3A_137 = arith.addi %mul3A_96, %add3A_136 : i32
      %dma_start3A_138 = arith.constant 0 : i32
      %dma_start3A_139 = arith.constant 0 : i32
      %dma_start3A_140 = tpu.memref_slice %arg9[%dma_start3A_138, %dma_start3A_139] : memref<512x64xf32, #tpu.memory_space<vmem>> -> memref<128x64xf32, #tpu.memory_space<vmem>>
      %dma_start3A_141 = arith.constant 0 : i32
      %dma_start3A_142 = tpu.memref_slice %arg8[%add3A_137, %dma_start3A_141] : memref<80x128xi32, #tpu.memory_space<vmem>> -> memref<1x128xi32, #tpu.memory_space<vmem>>
      %dma_start3A_143 = tpu.memref_squeeze %dma_start3A_142 : memref<1x128xi32, #tpu.memory_space<vmem>> -> memref<128xi32, #tpu.memory_space<vmem>>
      %dma_start3A_144 = arith.constant 0 : i32
      %dma_start3A_145 = arith.constant 0 : i32
      %dma_start3A_146 = tpu.memref_slice %arg11[%dma_start3A_144, %dma_start3A_145] : memref<10240x64xf32, #tpu.memory_space<vmem_shared>> -> memref<10240x64xf32, #tpu.memory_space<vmem_shared>>
      tpu.enqueue_indirect_dma source(%dma_start3A_140 : memref<128x64xf32, #tpu.memory_space<vmem>>) target(%dma_start3A_146 : memref<10240x64xf32, #tpu.memory_space<vmem_shared>>) offsets(%dma_start3A_143 : memref<128xi32, #tpu.memory_space<vmem>>) semaphore(%arg14 : memref<!tpu.dma_semaphore, #tpu.memory_space<semaphore_mem>>) {add = true}
      %add3A_147 = arith.constant 1 : i32
      %add3A_148 = arith.addi %mul3A_96, %add3A_147 : i32
      %dma_start3A_149 = arith.constant 128 : i32
      %dma_start3A_150 = arith.constant 0 : i32
      %dma_start3A_151 = tpu.memref_slice %arg9[%dma_start3A_149, %dma_start3A_150] : memref<512x64xf32, #tpu.memory_space<vmem>> -> memref<128x64xf32, #tpu.memory_space<vmem>>
      %dma_start3A_152 = arith.constant 0 : i32
      %dma_start3A_153 = tpu.memref_slice %arg8[%add3A_148, %dma_start3A_152] : memref<80x128xi32, #tpu.memory_space<vmem>> -> memref<1x128xi32, #tpu.memory_space<vmem>>
      %dma_start3A_154 = tpu.memref_squeeze %dma_start3A_153 : memref<1x128xi32, #tpu.memory_space<vmem>> -> memref<128xi32, #tpu.memory_space<vmem>>
      %dma_start3A_155 = arith.constant 0 : i32
      %dma_start3A_156 = arith.constant 0 : i32
      %dma_start3A_157 = tpu.memref_slice %arg11[%dma_start3A_155, %dma_start3A_156] : memref<10240x64xf32, #tpu.memory_space<vmem_shared>> -> memref<10240x64xf32, #tpu.memory_space<vmem_shared>>
      tpu.enqueue_indirect_dma source(%dma_start3A_151 : memref<128x64xf32, #tpu.memory_space<vmem>>) target(%dma_start3A_157 : memref<10240x64xf32, #tpu.memory_space<vmem_shared>>) offsets(%dma_start3A_154 : memref<128xi32, #tpu.memory_space<vmem>>) semaphore(%arg14 : memref<!tpu.dma_semaphore, #tpu.memory_space<semaphore_mem>>) {add = true}
      %add3A_158 = arith.constant 2 : i32
      %add3A_159 = arith.addi %mul3A_96, %add3A_158 : i32
      %dma_start3A_160 = arith.constant 256 : i32
      %dma_start3A_161 = arith.constant 0 : i32
      %dma_start3A_162 = tpu.memref_slice %arg9[%dma_start3A_160, %dma_start3A_161] : memref<512x64xf32, #tpu.memory_space<vmem>> -> memref<128x64xf32, #tpu.memory_space<vmem>>
      %dma_start3A_163 = arith.constant 0 : i32
      %dma_start3A_164 = tpu.memref_slice %arg8[%add3A_159, %dma_start3A_163] : memref<80x128xi32, #tpu.memory_space<vmem>> -> memref<1x128xi32, #tpu.memory_space<vmem>>
      %dma_start3A_165 = tpu.memref_squeeze %dma_start3A_164 : memref<1x128xi32, #tpu.memory_space<vmem>> -> memref<128xi32, #tpu.memory_space<vmem>>
      %dma_start3A_166 = arith.constant 0 : i32
      %dma_start3A_167 = arith.constant 0 : i32
      %dma_start3A_168 = tpu.memref_slice %arg11[%dma_start3A_166, %dma_start3A_167] : memref<10240x64xf32, #tpu.memory_space<vmem_shared>> -> memref<10240x64xf32, #tpu.memory_space<vmem_shared>>
      tpu.enqueue_indirect_dma source(%dma_start3A_162 : memref<128x64xf32, #tpu.memory_space<vmem>>) target(%dma_start3A_168 : memref<10240x64xf32, #tpu.memory_space<vmem_shared>>) offsets(%dma_start3A_165 : memref<128xi32, #tpu.memory_space<vmem>>) semaphore(%arg14 : memref<!tpu.dma_semaphore, #tpu.memory_space<semaphore_mem>>) {add = true}
      %add3A_169 = arith.constant 3 : i32
      %add3A_170 = arith.addi %mul3A_96, %add3A_169 : i32
      %dma_start3A_171 = arith.constant 384 : i32
      %dma_start3A_172 = arith.constant 0 : i32
      %dma_start3A_173 = tpu.memref_slice %arg9[%dma_start3A_171, %dma_start3A_172] : memref<512x64xf32, #tpu.memory_space<vmem>> -> memref<128x64xf32, #tpu.memory_space<vmem>>
      %dma_start3A_174 = arith.constant 0 : i32
      %dma_start3A_175 = tpu.memref_slice %arg8[%add3A_170, %dma_start3A_174] : memref<80x128xi32, #tpu.memory_space<vmem>> -> memref<1x128xi32, #tpu.memory_space<vmem>>
      %dma_start3A_176 = tpu.memref_squeeze %dma_start3A_175 : memref<1x128xi32, #tpu.memory_space<vmem>> -> memref<128xi32, #tpu.memory_space<vmem>>
      %dma_start3A_177 = arith.constant 0 : i32
      %dma_start3A_178 = arith.constant 0 : i32
      %dma_start3A_179 = tpu.memref_slice %arg11[%dma_start3A_177, %dma_start3A_178] : memref<10240x64xf32, #tpu.memory_space<vmem_shared>> -> memref<10240x64xf32, #tpu.memory_space<vmem_shared>>
      tpu.enqueue_indirect_dma source(%dma_start3A_173 : memref<128x64xf32, #tpu.memory_space<vmem>>) target(%dma_start3A_179 : memref<10240x64xf32, #tpu.memory_space<vmem_shared>>) offsets(%dma_start3A_176 : memref<128xi32, #tpu.memory_space<vmem>>) semaphore(%arg14 : memref<!tpu.dma_semaphore, #tpu.memory_space<semaphore_mem>>) {add = true}
      %dma_wait3A_180 = arith.constant 0 : i32
      %dma_wait3A_181 = arith.constant 0 : i32
      %dma_wait3A_182 = arith.constant 0 : i32
      %dma_wait3A_183 = tpu.memref_slice %arg10[%dma_wait3A_181, %dma_wait3A_182] : memref<512x64xf32, #tpu.memory_space<vmem>> -> memref<128x64xf32, #tpu.memory_space<vmem>>
      %dma_wait3A_184 = arith.constant 0 : i32
      %dma_wait3A_185 = tpu.memref_slice %arg7[%dma_wait3A_180, %dma_wait3A_184] : memref<80x128xi32, #tpu.memory_space<vmem>> -> memref<1x128xi32, #tpu.memory_space<vmem>>
      %dma_wait3A_186 = tpu.memref_squeeze %dma_wait3A_185 : memref<1x128xi32, #tpu.memory_space<vmem>> -> memref<128xi32, #tpu.memory_space<vmem>>
      %dma_wait3A_187 = arith.constant 0 : i32
      %dma_wait3A_188 = arith.constant 0 : i32
      %dma_wait3A_189 = tpu.memref_slice %arg2[%dma_wait3A_187, %dma_wait3A_188] : memref<10240x64xf32, #tpu.memory_space<hbm>> -> memref<10240x64xf32, #tpu.memory_space<hbm>>
      tpu.wait_indirect_dma semaphore(%arg13 : memref<!tpu.dma_semaphore, #tpu.memory_space<semaphore_mem>>) src(%dma_wait3A_189 : memref<10240x64xf32, #tpu.memory_space<hbm>>) dst(%dma_wait3A_183 : memref<128x64xf32, #tpu.memory_space<vmem>>)
      %dma_wait3A_190 = arith.constant 0 : i32
      %dma_wait3A_191 = arith.constant 128 : i32
      %dma_wait3A_192 = arith.constant 0 : i32
      %dma_wait3A_193 = tpu.memref_slice %arg10[%dma_wait3A_191, %dma_wait3A_192] : memref<512x64xf32, #tpu.memory_space<vmem>> -> memref<128x64xf32, #tpu.memory_space<vmem>>
      %dma_wait3A_194 = arith.constant 0 : i32
      %dma_wait3A_195 = tpu.memref_slice %arg7[%dma_wait3A_190, %dma_wait3A_194] : memref<80x128xi32, #tpu.memory_space<vmem>> -> memref<1x128xi32, #tpu.memory_space<vmem>>
      %dma_wait3A_196 = tpu.memref_squeeze %dma_wait3A_195 : memref<1x128xi32, #tpu.memory_space<vmem>> -> memref<128xi32, #tpu.memory_space<vmem>>
      %dma_wait3A_197 = arith.constant 0 : i32
      %dma_wait3A_198 = arith.constant 0 : i32
      %dma_wait3A_199 = tpu.memref_slice %arg2[%dma_wait3A_197, %dma_wait3A_198] : memref<10240x64xf32, #tpu.memory_space<hbm>> -> memref<10240x64xf32, #tpu.memory_space<hbm>>
      tpu.wait_indirect_dma semaphore(%arg13 : memref<!tpu.dma_semaphore, #tpu.memory_space<semaphore_mem>>) src(%dma_wait3A_199 : memref<10240x64xf32, #tpu.memory_space<hbm>>) dst(%dma_wait3A_193 : memref<128x64xf32, #tpu.memory_space<vmem>>)
      %dma_wait3A_200 = arith.constant 0 : i32
      %dma_wait3A_201 = arith.constant 256 : i32
      %dma_wait3A_202 = arith.constant 0 : i32
      %dma_wait3A_203 = tpu.memref_slice %arg10[%dma_wait3A_201, %dma_wait3A_202] : memref<512x64xf32, #tpu.memory_space<vmem>> -> memref<128x64xf32, #tpu.memory_space<vmem>>
      %dma_wait3A_204 = arith.constant 0 : i32
      %dma_wait3A_205 = tpu.memref_slice %arg7[%dma_wait3A_200, %dma_wait3A_204] : memref<80x128xi32, #tpu.memory_space<vmem>> -> memref<1x128xi32, #tpu.memory_space<vmem>>
      %dma_wait3A_206 = tpu.memref_squeeze %dma_wait3A_205 : memref<1x128xi32, #tpu.memory_space<vmem>> -> memref<128xi32, #tpu.memory_space<vmem>>
      %dma_wait3A_207 = arith.constant 0 : i32
      %dma_wait3A_208 = arith.constant 0 : i32
      %dma_wait3A_209 = tpu.memref_slice %arg2[%dma_wait3A_207, %dma_wait3A_208] : memref<10240x64xf32, #tpu.memory_space<hbm>> -> memref<10240x64xf32, #tpu.memory_space<hbm>>
      tpu.wait_indirect_dma semaphore(%arg13 : memref<!tpu.dma_semaphore, #tpu.memory_space<semaphore_mem>>) src(%dma_wait3A_209 : memref<10240x64xf32, #tpu.memory_space<hbm>>) dst(%dma_wait3A_203 : memref<128x64xf32, #tpu.memory_space<vmem>>)
      %dma_wait3A_210 = arith.constant 0 : i32
      %dma_wait3A_211 = arith.constant 384 : i32
      %dma_wait3A_212 = arith.constant 0 : i32
      %dma_wait3A_213 = tpu.memref_slice %arg10[%dma_wait3A_211, %dma_wait3A_212] : memref<512x64xf32, #tpu.memory_space<vmem>> -> memref<128x64xf32, #tpu.memory_space<vmem>>
      %dma_wait3A_214 = arith.constant 0 : i32
      %dma_wait3A_215 = tpu.memref_slice %arg7[%dma_wait3A_210, %dma_wait3A_214] : memref<80x128xi32, #tpu.memory_space<vmem>> -> memref<1x128xi32, #tpu.memory_space<vmem>>
      %dma_wait3A_216 = tpu.memref_squeeze %dma_wait3A_215 : memref<1x128xi32, #tpu.memory_space<vmem>> -> memref<128xi32, #tpu.memory_space<vmem>>
      %dma_wait3A_217 = arith.constant 0 : i32
      %dma_wait3A_218 = arith.constant 0 : i32
      %dma_wait3A_219 = tpu.memref_slice %arg2[%dma_wait3A_217, %dma_wait3A_218] : memref<10240x64xf32, #tpu.memory_space<hbm>> -> memref<10240x64xf32, #tpu.memory_space<hbm>>
      tpu.wait_indirect_dma semaphore(%arg13 : memref<!tpu.dma_semaphore, #tpu.memory_space<semaphore_mem>>) src(%dma_wait3A_219 : memref<10240x64xf32, #tpu.memory_space<hbm>>) dst(%dma_wait3A_213 : memref<128x64xf32, #tpu.memory_space<vmem>>)
      %add3A_220 = arith.constant 4 : i32
      %add3A_221 = arith.addi %mul3A_96, %add3A_220 : i32
      %add3A_222 = arith.constant 0 : i32
      %add3A_223 = arith.addi %add3A_221, %add3A_222 : i32
      %dma_start3A_224 = arith.constant 0 : i32
      %dma_start3A_225 = arith.constant 0 : i32
      %dma_start3A_226 = tpu.memref_slice %arg10[%dma_start3A_224, %dma_start3A_225] : memref<512x64xf32, #tpu.memory_space<vmem>> -> memref<128x64xf32, #tpu.memory_space<vmem>>
      %dma_start3A_227 = arith.constant 0 : i32
      %dma_start3A_228 = tpu.memref_slice %arg8[%add3A_223, %dma_start3A_227] : memref<80x128xi32, #tpu.memory_space<vmem>> -> memref<1x128xi32, #tpu.memory_space<vmem>>
      %dma_start3A_229 = tpu.memref_squeeze %dma_start3A_228 : memref<1x128xi32, #tpu.memory_space<vmem>> -> memref<128xi32, #tpu.memory_space<vmem>>
      %dma_start3A_230 = arith.constant 0 : i32
      %dma_start3A_231 = arith.constant 0 : i32
      %dma_start3A_232 = tpu.memref_slice %arg11[%dma_start3A_230, %dma_start3A_231] : memref<10240x64xf32, #tpu.memory_space<vmem_shared>> -> memref<10240x64xf32, #tpu.memory_space<vmem_shared>>
      tpu.enqueue_indirect_dma source(%dma_start3A_226 : memref<128x64xf32, #tpu.memory_space<vmem>>) target(%dma_start3A_232 : memref<10240x64xf32, #tpu.memory_space<vmem_shared>>) offsets(%dma_start3A_229 : memref<128xi32, #tpu.memory_space<vmem>>) semaphore(%arg15 : memref<!tpu.dma_semaphore, #tpu.memory_space<semaphore_mem>>) {add = true}
      %add3A_233 = arith.constant 4 : i32
      %add3A_234 = arith.addi %mul3A_96, %add3A_233 : i32
      %add3A_235 = arith.constant 1 : i32
      %add3A_236 = arith.addi %add3A_234, %add3A_235 : i32
      %dma_start3A_237 = arith.constant 128 : i32
      %dma_start3A_238 = arith.constant 0 : i32
      %dma_start3A_239 = tpu.memref_slice %arg10[%dma_start3A_237, %dma_start3A_238] : memref<512x64xf32, #tpu.memory_space<vmem>> -> memref<128x64xf32, #tpu.memory_space<vmem>>
      %dma_start3A_240 = arith.constant 0 : i32
      %dma_start3A_241 = tpu.memref_slice %arg8[%add3A_236, %dma_start3A_240] : memref<80x128xi32, #tpu.memory_space<vmem>> -> memref<1x128xi32, #tpu.memory_space<vmem>>
      %dma_start3A_242 = tpu.memref_squeeze %dma_start3A_241 : memref<1x128xi32, #tpu.memory_space<vmem>> -> memref<128xi32, #tpu.memory_space<vmem>>
      %dma_start3A_243 = arith.constant 0 : i32
      %dma_start3A_244 = arith.constant 0 : i32
      %dma_start3A_245 = tpu.memref_slice %arg11[%dma_start3A_243, %dma_start3A_244] : memref<10240x64xf32, #tpu.memory_space<vmem_shared>> -> memref<10240x64xf32, #tpu.memory_space<vmem_shared>>
      tpu.enqueue_indirect_dma source(%dma_start3A_239 : memref<128x64xf32, #tpu.memory_space<vmem>>) target(%dma_start3A_245 : memref<10240x64xf32, #tpu.memory_space<vmem_shared>>) offsets(%dma_start3A_242 : memref<128xi32, #tpu.memory_space<vmem>>) semaphore(%arg15 : memref<!tpu.dma_semaphore, #tpu.memory_space<semaphore_mem>>) {add = true}
      %add3A_246 = arith.constant 4 : i32
      %add3A_247 = arith.addi %mul3A_96, %add3A_246 : i32
      %add3A_248 = arith.constant 2 : i32
      %add3A_249 = arith.addi %add3A_247, %add3A_248 : i32
      %dma_start3A_250 = arith.constant 256 : i32
      %dma_start3A_251 = arith.constant 0 : i32
      %dma_start3A_252 = tpu.memref_slice %arg10[%dma_start3A_250, %dma_start3A_251] : memref<512x64xf32, #tpu.memory_space<vmem>> -> memref<128x64xf32, #tpu.memory_space<vmem>>
      %dma_start3A_253 = arith.constant 0 : i32
      %dma_start3A_254 = tpu.memref_slice %arg8[%add3A_249, %dma_start3A_253] : memref<80x128xi32, #tpu.memory_space<vmem>> -> memref<1x128xi32, #tpu.memory_space<vmem>>
      %dma_start3A_255 = tpu.memref_squeeze %dma_start3A_254 : memref<1x128xi32, #tpu.memory_space<vmem>> -> memref<128xi32, #tpu.memory_space<vmem>>
      %dma_start3A_256 = arith.constant 0 : i32
      %dma_start3A_257 = arith.constant 0 : i32
      %dma_start3A_258 = tpu.memref_slice %arg11[%dma_start3A_256, %dma_start3A_257] : memref<10240x64xf32, #tpu.memory_space<vmem_shared>> -> memref<10240x64xf32, #tpu.memory_space<vmem_shared>>
      tpu.enqueue_indirect_dma source(%dma_start3A_252 : memref<128x64xf32, #tpu.memory_space<vmem>>) target(%dma_start3A_258 : memref<10240x64xf32, #tpu.memory_space<vmem_shared>>) offsets(%dma_start3A_255 : memref<128xi32, #tpu.memory_space<vmem>>) semaphore(%arg15 : memref<!tpu.dma_semaphore, #tpu.memory_space<semaphore_mem>>) {add = true}
      %add3A_259 = arith.constant 4 : i32
      %add3A_260 = arith.addi %mul3A_96, %add3A_259 : i32
      %add3A_261 = arith.constant 3 : i32
      %add3A_262 = arith.addi %add3A_260, %add3A_261 : i32
      %dma_start3A_263 = arith.constant 384 : i32
      %dma_start3A_264 = arith.constant 0 : i32
      %dma_start3A_265 = tpu.memref_slice %arg10[%dma_start3A_263, %dma_start3A_264] : memref<512x64xf32, #tpu.memory_space<vmem>> -> memref<128x64xf32, #tpu.memory_space<vmem>>
      %dma_start3A_266 = arith.constant 0 : i32
      %dma_start3A_267 = tpu.memref_slice %arg8[%add3A_262, %dma_start3A_266] : memref<80x128xi32, #tpu.memory_space<vmem>> -> memref<1x128xi32, #tpu.memory_space<vmem>>
      %dma_start3A_268 = tpu.memref_squeeze %dma_start3A_267 : memref<1x128xi32, #tpu.memory_space<vmem>> -> memref<128xi32, #tpu.memory_space<vmem>>
      %dma_start3A_269 = arith.constant 0 : i32
      %dma_start3A_270 = arith.constant 0 : i32
      %dma_start3A_271 = tpu.memref_slice %arg11[%dma_start3A_269, %dma_start3A_270] : memref<10240x64xf32, #tpu.memory_space<vmem_shared>> -> memref<10240x64xf32, #tpu.memory_space<vmem_shared>>
      tpu.enqueue_indirect_dma source(%dma_start3A_265 : memref<128x64xf32, #tpu.memory_space<vmem>>) target(%dma_start3A_271 : memref<10240x64xf32, #tpu.memory_space<vmem_shared>>) offsets(%dma_start3A_268 : memref<128xi32, #tpu.memory_space<vmem>>) semaphore(%arg15 : memref<!tpu.dma_semaphore, #tpu.memory_space<semaphore_mem>>) {add = true}
      %dma_wait3A_272 = arith.constant 0 : i32
      %dma_wait3A_273 = arith.constant 0 : i32
      %dma_wait3A_274 = arith.constant 0 : i32
      %dma_wait3A_275 = tpu.memref_slice %arg9[%dma_wait3A_273, %dma_wait3A_274] : memref<512x64xf32, #tpu.memory_space<vmem>> -> memref<128x64xf32, #tpu.memory_space<vmem>>
      %dma_wait3A_276 = arith.constant 0 : i32
      %dma_wait3A_277 = tpu.memref_slice %arg8[%dma_wait3A_272, %dma_wait3A_276] : memref<80x128xi32, #tpu.memory_space<vmem>> -> memref<1x128xi32, #tpu.memory_space<vmem>>
      %dma_wait3A_278 = tpu.memref_squeeze %dma_wait3A_277 : memref<1x128xi32, #tpu.memory_space<vmem>> -> memref<128xi32, #tpu.memory_space<vmem>>
      %dma_wait3A_279 = arith.constant 0 : i32
      %dma_wait3A_280 = arith.constant 0 : i32
      %dma_wait3A_281 = tpu.memref_slice %arg11[%dma_wait3A_279, %dma_wait3A_280] : memref<10240x64xf32, #tpu.memory_space<vmem_shared>> -> memref<10240x64xf32, #tpu.memory_space<vmem_shared>>
      tpu.wait_indirect_dma semaphore(%arg14 : memref<!tpu.dma_semaphore, #tpu.memory_space<semaphore_mem>>) src(%dma_wait3A_275 : memref<128x64xf32, #tpu.memory_space<vmem>>) dst(%dma_wait3A_281 : memref<10240x64xf32, #tpu.memory_space<vmem_shared>>)
      %dma_wait3A_282 = arith.constant 0 : i32
      %dma_wait3A_283 = arith.constant 128 : i32
      %dma_wait3A_284 = arith.constant 0 : i32
      %dma_wait3A_285 = tpu.memref_slice %arg9[%dma_wait3A_283, %dma_wait3A_284] : memref<512x64xf32, #tpu.memory_space<vmem>> -> memref<128x64xf32, #tpu.memory_space<vmem>>
      %dma_wait3A_286 = arith.constant 0 : i32
      %dma_wait3A_287 = tpu.memref_slice %arg8[%dma_wait3A_282, %dma_wait3A_286] : memref<80x128xi32, #tpu.memory_space<vmem>> -> memref<1x128xi32, #tpu.memory_space<vmem>>
      %dma_wait3A_288 = tpu.memref_squeeze %dma_wait3A_287 : memref<1x128xi32, #tpu.memory_space<vmem>> -> memref<128xi32, #tpu.memory_space<vmem>>
      %dma_wait3A_289 = arith.constant 0 : i32
      %dma_wait3A_290 = arith.constant 0 : i32
      %dma_wait3A_291 = tpu.memref_slice %arg11[%dma_wait3A_289, %dma_wait3A_290] : memref<10240x64xf32, #tpu.memory_space<vmem_shared>> -> memref<10240x64xf32, #tpu.memory_space<vmem_shared>>
      tpu.wait_indirect_dma semaphore(%arg14 : memref<!tpu.dma_semaphore, #tpu.memory_space<semaphore_mem>>) src(%dma_wait3A_285 : memref<128x64xf32, #tpu.memory_space<vmem>>) dst(%dma_wait3A_291 : memref<10240x64xf32, #tpu.memory_space<vmem_shared>>)
      %dma_wait3A_292 = arith.constant 0 : i32
      %dma_wait3A_293 = arith.constant 256 : i32
      %dma_wait3A_294 = arith.constant 0 : i32
      %dma_wait3A_295 = tpu.memref_slice %arg9[%dma_wait3A_293, %dma_wait3A_294] : memref<512x64xf32, #tpu.memory_space<vmem>> -> memref<128x64xf32, #tpu.memory_space<vmem>>
      %dma_wait3A_296 = arith.constant 0 : i32
      %dma_wait3A_297 = tpu.memref_slice %arg8[%dma_wait3A_292, %dma_wait3A_296] : memref<80x128xi32, #tpu.memory_space<vmem>> -> memref<1x128xi32, #tpu.memory_space<vmem>>
      %dma_wait3A_298 = tpu.memref_squeeze %dma_wait3A_297 : memref<1x128xi32, #tpu.memory_space<vmem>> -> memref<128xi32, #tpu.memory_space<vmem>>
      %dma_wait3A_299 = arith.constant 0 : i32
      %dma_wait3A_300 = arith.constant 0 : i32
      %dma_wait3A_301 = tpu.memref_slice %arg11[%dma_wait3A_299, %dma_wait3A_300] : memref<10240x64xf32, #tpu.memory_space<vmem_shared>> -> memref<10240x64xf32, #tpu.memory_space<vmem_shared>>
      tpu.wait_indirect_dma semaphore(%arg14 : memref<!tpu.dma_semaphore, #tpu.memory_space<semaphore_mem>>) src(%dma_wait3A_295 : memref<128x64xf32, #tpu.memory_space<vmem>>) dst(%dma_wait3A_301 : memref<10240x64xf32, #tpu.memory_space<vmem_shared>>)
      %dma_wait3A_302 = arith.constant 0 : i32
      %dma_wait3A_303 = arith.constant 384 : i32
      %dma_wait3A_304 = arith.constant 0 : i32
      %dma_wait3A_305 = tpu.memref_slice %arg9[%dma_wait3A_303, %dma_wait3A_304] : memref<512x64xf32, #tpu.memory_space<vmem>> -> memref<128x64xf32, #tpu.memory_space<vmem>>
      %dma_wait3A_306 = arith.constant 0 : i32
      %dma_wait3A_307 = tpu.memref_slice %arg8[%dma_wait3A_302, %dma_wait3A_306] : memref<80x128xi32, #tpu.memory_space<vmem>> -> memref<1x128xi32, #tpu.memory_space<vmem>>
      %dma_wait3A_308 = tpu.memref_squeeze %dma_wait3A_307 : memref<1x128xi32, #tpu.memory_space<vmem>> -> memref<128xi32, #tpu.memory_space<vmem>>
      %dma_wait3A_309 = arith.constant 0 : i32
      %dma_wait3A_310 = arith.constant 0 : i32
      %dma_wait3A_311 = tpu.memref_slice %arg11[%dma_wait3A_309, %dma_wait3A_310] : memref<10240x64xf32, #tpu.memory_space<vmem_shared>> -> memref<10240x64xf32, #tpu.memory_space<vmem_shared>>
      tpu.wait_indirect_dma semaphore(%arg14 : memref<!tpu.dma_semaphore, #tpu.memory_space<semaphore_mem>>) src(%dma_wait3A_305 : memref<128x64xf32, #tpu.memory_space<vmem>>) dst(%dma_wait3A_311 : memref<10240x64xf32, #tpu.memory_space<vmem_shared>>)
      %add3A_312 = arith.constant 1 : i32
      %add3A_313 = arith.addi %scan3A_94, %add3A_312 : i32
      %lt3A = arith.constant 10 : i32
      %lt3A_314 = arith.cmpi slt, %add3A_313, %lt3A : i32
      %convert_element_type3A = arith.extui %lt3A_314 : i1 to i32
      %cond3A = arith.constant 0 : i32
      %cond3A_315 = arith.cmpi ne, %convert_element_type3A, %cond3A : i32
      scf.if %cond3A_315 {
        %add3A_363 = arith.constant 8 : i32
        %add3A_364 = arith.addi %mul3A_96, %add3A_363 : i32
        %add3A_365 = arith.constant 0 : i32
        %add3A_366 = arith.addi %add3A_364, %add3A_365 : i32
        %dma_start3A_367 = arith.constant 0 : i32
        %dma_start3A_368 = arith.constant 0 : i32
        %dma_start3A_369 = tpu.memref_slice %arg9[%dma_start3A_367, %dma_start3A_368] : memref<512x64xf32, #tpu.memory_space<vmem>> -> memref<128x64xf32, #tpu.memory_space<vmem>>
        %dma_start3A_370 = arith.constant 0 : i32
        %dma_start3A_371 = tpu.memref_slice %arg7[%add3A_366, %dma_start3A_370] : memref<80x128xi32, #tpu.memory_space<vmem>> -> memref<1x128xi32, #tpu.memory_space<vmem>>
        %dma_start3A_372 = tpu.memref_squeeze %dma_start3A_371 : memref<1x128xi32, #tpu.memory_space<vmem>> -> memref<128xi32, #tpu.memory_space<vmem>>
        %dma_start3A_373 = arith.constant 0 : i32
        %dma_start3A_374 = arith.constant 0 : i32
        %dma_start3A_375 = tpu.memref_slice %arg2[%dma_start3A_373, %dma_start3A_374] : memref<10240x64xf32, #tpu.memory_space<hbm>> -> memref<10240x64xf32, #tpu.memory_space<hbm>>
        tpu.enqueue_indirect_dma source(%dma_start3A_375 : memref<10240x64xf32, #tpu.memory_space<hbm>>) target(%dma_start3A_369 : memref<128x64xf32, #tpu.memory_space<vmem>>) offsets(%dma_start3A_372 : memref<128xi32, #tpu.memory_space<vmem>>) semaphore(%arg12 : memref<!tpu.dma_semaphore, #tpu.memory_space<semaphore_mem>>)
        %add3A_376 = arith.constant 8 : i32
        %add3A_377 = arith.addi %mul3A_96, %add3A_376 : i32
        %add3A_378 = arith.constant 1 : i32
        %add3A_379 = arith.addi %add3A_377, %add3A_378 : i32
        %dma_start3A_380 = arith.constant 128 : i32
        %dma_start3A_381 = arith.constant 0 : i32
        %dma_start3A_382 = tpu.memref_slice %arg9[%dma_start3A_380, %dma_start3A_381] : memref<512x64xf32, #tpu.memory_space<vmem>> -> memref<128x64xf32, #tpu.memory_space<vmem>>
        %dma_start3A_383 = arith.constant 0 : i32
        %dma_start3A_384 = tpu.memref_slice %arg7[%add3A_379, %dma_start3A_383] : memref<80x128xi32, #tpu.memory_space<vmem>> -> memref<1x128xi32, #tpu.memory_space<vmem>>
        %dma_start3A_385 = tpu.memref_squeeze %dma_start3A_384 : memref<1x128xi32, #tpu.memory_space<vmem>> -> memref<128xi32, #tpu.memory_space<vmem>>
        %dma_start3A_386 = arith.constant 0 : i32
        %dma_start3A_387 = arith.constant 0 : i32
        %dma_start3A_388 = tpu.memref_slice %arg2[%dma_start3A_386, %dma_start3A_387] : memref<10240x64xf32, #tpu.memory_space<hbm>> -> memref<10240x64xf32, #tpu.memory_space<hbm>>
        tpu.enqueue_indirect_dma source(%dma_start3A_388 : memref<10240x64xf32, #tpu.memory_space<hbm>>) target(%dma_start3A_382 : memref<128x64xf32, #tpu.memory_space<vmem>>) offsets(%dma_start3A_385 : memref<128xi32, #tpu.memory_space<vmem>>) semaphore(%arg12 : memref<!tpu.dma_semaphore, #tpu.memory_space<semaphore_mem>>)
        %add3A_389 = arith.constant 8 : i32
        %add3A_390 = arith.addi %mul3A_96, %add3A_389 : i32
        %add3A_391 = arith.constant 2 : i32
        %add3A_392 = arith.addi %add3A_390, %add3A_391 : i32
        %dma_start3A_393 = arith.constant 256 : i32
        %dma_start3A_394 = arith.constant 0 : i32
        %dma_start3A_395 = tpu.memref_slice %arg9[%dma_start3A_393, %dma_start3A_394] : memref<512x64xf32, #tpu.memory_space<vmem>> -> memref<128x64xf32, #tpu.memory_space<vmem>>
        %dma_start3A_396 = arith.constant 0 : i32
        %dma_start3A_397 = tpu.memref_slice %arg7[%add3A_392, %dma_start3A_396] : memref<80x128xi32, #tpu.memory_space<vmem>> -> memref<1x128xi32, #tpu.memory_space<vmem>>
        %dma_start3A_398 = tpu.memref_squeeze %dma_start3A_397 : memref<1x128xi32, #tpu.memory_space<vmem>> -> memref<128xi32, #tpu.memory_space<vmem>>
        %dma_start3A_399 = arith.constant 0 : i32
        %dma_start3A_400 = arith.constant 0 : i32
        %dma_start3A_401 = tpu.memref_slice %arg2[%dma_start3A_399, %dma_start3A_400] : memref<10240x64xf32, #tpu.memory_space<hbm>> -> memref<10240x64xf32, #tpu.memory_space<hbm>>
        tpu.enqueue_indirect_dma source(%dma_start3A_401 : memref<10240x64xf32, #tpu.memory_space<hbm>>) target(%dma_start3A_395 : memref<128x64xf32, #tpu.memory_space<vmem>>) offsets(%dma_start3A_398 : memref<128xi32, #tpu.memory_space<vmem>>) semaphore(%arg12 : memref<!tpu.dma_semaphore, #tpu.memory_space<semaphore_mem>>)
        %add3A_402 = arith.constant 8 : i32
        %add3A_403 = arith.addi %mul3A_96, %add3A_402 : i32
        %add3A_404 = arith.constant 3 : i32
        %add3A_405 = arith.addi %add3A_403, %add3A_404 : i32
        %dma_start3A_406 = arith.constant 384 : i32
        %dma_start3A_407 = arith.constant 0 : i32
        %dma_start3A_408 = tpu.memref_slice %arg9[%dma_start3A_406, %dma_start3A_407] : memref<512x64xf32, #tpu.memory_space<vmem>> -> memref<128x64xf32, #tpu.memory_space<vmem>>
        %dma_start3A_409 = arith.constant 0 : i32
        %dma_start3A_410 = tpu.memref_slice %arg7[%add3A_405, %dma_start3A_409] : memref<80x128xi32, #tpu.memory_space<vmem>> -> memref<1x128xi32, #tpu.memory_space<vmem>>
        %dma_start3A_411 = tpu.memref_squeeze %dma_start3A_410 : memref<1x128xi32, #tpu.memory_space<vmem>> -> memref<128xi32, #tpu.memory_space<vmem>>
        %dma_start3A_412 = arith.constant 0 : i32
        %dma_start3A_413 = arith.constant 0 : i32
        %dma_start3A_414 = tpu.memref_slice %arg2[%dma_start3A_412, %dma_start3A_413] : memref<10240x64xf32, #tpu.memory_space<hbm>> -> memref<10240x64xf32, #tpu.memory_space<hbm>>
        tpu.enqueue_indirect_dma source(%dma_start3A_414 : memref<10240x64xf32, #tpu.memory_space<hbm>>) target(%dma_start3A_408 : memref<128x64xf32, #tpu.memory_space<vmem>>) offsets(%dma_start3A_411 : memref<128xi32, #tpu.memory_space<vmem>>) semaphore(%arg12 : memref<!tpu.dma_semaphore, #tpu.memory_space<semaphore_mem>>)
      } else {
      }
      %dma_wait3A_316 = arith.constant 0 : i32
      %dma_wait3A_317 = arith.constant 0 : i32
      %dma_wait3A_318 = arith.constant 0 : i32
      %dma_wait3A_319 = tpu.memref_slice %arg10[%dma_wait3A_317, %dma_wait3A_318] : memref<512x64xf32, #tpu.memory_space<vmem>> -> memref<128x64xf32, #tpu.memory_space<vmem>>
      %dma_wait3A_320 = arith.constant 0 : i32
      %dma_wait3A_321 = tpu.memref_slice %arg8[%dma_wait3A_316, %dma_wait3A_320] : memref<80x128xi32, #tpu.memory_space<vmem>> -> memref<1x128xi32, #tpu.memory_space<vmem>>
      %dma_wait3A_322 = tpu.memref_squeeze %dma_wait3A_321 : memref<1x128xi32, #tpu.memory_space<vmem>> -> memref<128xi32, #tpu.memory_space<vmem>>
      %dma_wait3A_323 = arith.constant 0 : i32
      %dma_wait3A_324 = arith.constant 0 : i32
      %dma_wait3A_325 = tpu.memref_slice %arg11[%dma_wait3A_323, %dma_wait3A_324] : memref<10240x64xf32, #tpu.memory_space<vmem_shared>> -> memref<10240x64xf32, #tpu.memory_space<vmem_shared>>
      tpu.wait_indirect_dma semaphore(%arg15 : memref<!tpu.dma_semaphore, #tpu.memory_space<semaphore_mem>>) src(%dma_wait3A_319 : memref<128x64xf32, #tpu.memory_space<vmem>>) dst(%dma_wait3A_325 : memref<10240x64xf32, #tpu.memory_space<vmem_shared>>)
      %dma_wait3A_326 = arith.constant 0 : i32
      %dma_wait3A_327 = arith.constant 128 : i32
      %dma_wait3A_328 = arith.constant 0 : i32
      %dma_wait3A_329 = tpu.memref_slice %arg10[%dma_wait3A_327, %dma_wait3A_328] : memref<512x64xf32, #tpu.memory_space<vmem>> -> memref<128x64xf32, #tpu.memory_space<vmem>>
      %dma_wait3A_330 = arith.constant 0 : i32
      %dma_wait3A_331 = tpu.memref_slice %arg8[%dma_wait3A_326, %dma_wait3A_330] : memref<80x128xi32, #tpu.memory_space<vmem>> -> memref<1x128xi32, #tpu.memory_space<vmem>>
      %dma_wait3A_332 = tpu.memref_squeeze %dma_wait3A_331 : memref<1x128xi32, #tpu.memory_space<vmem>> -> memref<128xi32, #tpu.memory_space<vmem>>
      %dma_wait3A_333 = arith.constant 0 : i32
      %dma_wait3A_334 = arith.constant 0 : i32
      %dma_wait3A_335 = tpu.memref_slice %arg11[%dma_wait3A_333, %dma_wait3A_334] : memref<10240x64xf32, #tpu.memory_space<vmem_shared>> -> memref<10240x64xf32, #tpu.memory_space<vmem_shared>>
      tpu.wait_indirect_dma semaphore(%arg15 : memref<!tpu.dma_semaphore, #tpu.memory_space<semaphore_mem>>) src(%dma_wait3A_329 : memref<128x64xf32, #tpu.memory_space<vmem>>) dst(%dma_wait3A_335 : memref<10240x64xf32, #tpu.memory_space<vmem_shared>>)
      %dma_wait3A_336 = arith.constant 0 : i32
      %dma_wait3A_337 = arith.constant 256 : i32
      %dma_wait3A_338 = arith.constant 0 : i32
      %dma_wait3A_339 = tpu.memref_slice %arg10[%dma_wait3A_337, %dma_wait3A_338] : memref<512x64xf32, #tpu.memory_space<vmem>> -> memref<128x64xf32, #tpu.memory_space<vmem>>
      %dma_wait3A_340 = arith.constant 0 : i32
      %dma_wait3A_341 = tpu.memref_slice %arg8[%dma_wait3A_336, %dma_wait3A_340] : memref<80x128xi32, #tpu.memory_space<vmem>> -> memref<1x128xi32, #tpu.memory_space<vmem>>
      %dma_wait3A_342 = tpu.memref_squeeze %dma_wait3A_341 : memref<1x128xi32, #tpu.memory_space<vmem>> -> memref<128xi32, #tpu.memory_space<vmem>>
      %dma_wait3A_343 = arith.constant 0 : i32
      %dma_wait3A_344 = arith.constant 0 : i32
      %dma_wait3A_345 = tpu.memref_slice %arg11[%dma_wait3A_343, %dma_wait3A_344] : memref<10240x64xf32, #tpu.memory_space<vmem_shared>> -> memref<10240x64xf32, #tpu.memory_space<vmem_shared>>
      tpu.wait_indirect_dma semaphore(%arg15 : memref<!tpu.dma_semaphore, #tpu.memory_space<semaphore_mem>>) src(%dma_wait3A_339 : memref<128x64xf32, #tpu.memory_space<vmem>>) dst(%dma_wait3A_345 : memref<10240x64xf32, #tpu.memory_space<vmem_shared>>)
      %dma_wait3A_346 = arith.constant 0 : i32
      %dma_wait3A_347 = arith.constant 384 : i32
      %dma_wait3A_348 = arith.constant 0 : i32
      %dma_wait3A_349 = tpu.memref_slice %arg10[%dma_wait3A_347, %dma_wait3A_348] : memref<512x64xf32, #tpu.memory_space<vmem>> -> memref<128x64xf32, #tpu.memory_space<vmem>>
      %dma_wait3A_350 = arith.constant 0 : i32
      %dma_wait3A_351 = tpu.memref_slice %arg8[%dma_wait3A_346, %dma_wait3A_350] : memref<80x128xi32, #tpu.memory_space<vmem>> -> memref<1x128xi32, #tpu.memory_space<vmem>>
      %dma_wait3A_352 = tpu.memref_squeeze %dma_wait3A_351 : memref<1x128xi32, #tpu.memory_space<vmem>> -> memref<128xi32, #tpu.memory_space<vmem>>
      %dma_wait3A_353 = arith.constant 0 : i32
      %dma_wait3A_354 = arith.constant 0 : i32
      %dma_wait3A_355 = tpu.memref_slice %arg11[%dma_wait3A_353, %dma_wait3A_354] : memref<10240x64xf32, #tpu.memory_space<vmem_shared>> -> memref<10240x64xf32, #tpu.memory_space<vmem_shared>>
      tpu.wait_indirect_dma semaphore(%arg15 : memref<!tpu.dma_semaphore, #tpu.memory_space<semaphore_mem>>) src(%dma_wait3A_349 : memref<128x64xf32, #tpu.memory_space<vmem>>) dst(%dma_wait3A_355 : memref<10240x64xf32, #tpu.memory_space<vmem_shared>>)
      %add3A_356 = arith.constant 1 : i32
      %add3A_357 = arith.addi %scan3A_94, %add3A_356 : i32
      %lt3A_358 = arith.constant 10 : i32
      %lt3A_359 = arith.cmpi slt, %add3A_357, %lt3A_358 : i32
      %convert_element_type3A_360 = arith.extui %lt3A_359 : i1 to i32
      %cond3A_361 = arith.constant 0 : i32
      %cond3A_362 = arith.cmpi ne, %convert_element_type3A_360, %cond3A_361 : i32
      scf.if %cond3A_362 {
        %add3A_363 = arith.constant 12 : i32
        %add3A_364 = arith.addi %mul3A_96, %add3A_363 : i32
        %add3A_365 = arith.constant 0 : i32
        %add3A_366 = arith.addi %add3A_364, %add3A_365 : i32
        %dma_start3A_367 = arith.constant 0 : i32
        %dma_start3A_368 = arith.constant 0 : i32
        %dma_start3A_369 = tpu.memref_slice %arg10[%dma_start3A_367, %dma_start3A_368] : memref<512x64xf32, #tpu.memory_space<vmem>> -> memref<128x64xf32, #tpu.memory_space<vmem>>
        %dma_start3A_370 = arith.constant 0 : i32
        %dma_start3A_371 = tpu.memref_slice %arg7[%add3A_366, %dma_start3A_370] : memref<80x128xi32, #tpu.memory_space<vmem>> -> memref<1x128xi32, #tpu.memory_space<vmem>>
        %dma_start3A_372 = tpu.memref_squeeze %dma_start3A_371 : memref<1x128xi32, #tpu.memory_space<vmem>> -> memref<128xi32, #tpu.memory_space<vmem>>
        %dma_start3A_373 = arith.constant 0 : i32
        %dma_start3A_374 = arith.constant 0 : i32
        %dma_start3A_375 = tpu.memref_slice %arg2[%dma_start3A_373, %dma_start3A_374] : memref<10240x64xf32, #tpu.memory_space<hbm>> -> memref<10240x64xf32, #tpu.memory_space<hbm>>
        tpu.enqueue_indirect_dma source(%dma_start3A_375 : memref<10240x64xf32, #tpu.memory_space<hbm>>) target(%dma_start3A_369 : memref<128x64xf32, #tpu.memory_space<vmem>>) offsets(%dma_start3A_372 : memref<128xi32, #tpu.memory_space<vmem>>) semaphore(%arg13 : memref<!tpu.dma_semaphore, #tpu.memory_space<semaphore_mem>>)
        %add3A_376 = arith.constant 12 : i32
        %add3A_377 = arith.addi %mul3A_96, %add3A_376 : i32
        %add3A_378 = arith.constant 1 : i32
        %add3A_379 = arith.addi %add3A_377, %add3A_378 : i32
        %dma_start3A_380 = arith.constant 128 : i32
        %dma_start3A_381 = arith.constant 0 : i32
        %dma_start3A_382 = tpu.memref_slice %arg10[%dma_start3A_380, %dma_start3A_381] : memref<512x64xf32, #tpu.memory_space<vmem>> -> memref<128x64xf32, #tpu.memory_space<vmem>>
        %dma_start3A_383 = arith.constant 0 : i32
        %dma_start3A_384 = tpu.memref_slice %arg7[%add3A_379, %dma_start3A_383] : memref<80x128xi32, #tpu.memory_space<vmem>> -> memref<1x128xi32, #tpu.memory_space<vmem>>
        %dma_start3A_385 = tpu.memref_squeeze %dma_start3A_384 : memref<1x128xi32, #tpu.memory_space<vmem>> -> memref<128xi32, #tpu.memory_space<vmem>>
        %dma_start3A_386 = arith.constant 0 : i32
        %dma_start3A_387 = arith.constant 0 : i32
        %dma_start3A_388 = tpu.memref_slice %arg2[%dma_start3A_386, %dma_start3A_387] : memref<10240x64xf32, #tpu.memory_space<hbm>> -> memref<10240x64xf32, #tpu.memory_space<hbm>>
        tpu.enqueue_indirect_dma source(%dma_start3A_388 : memref<10240x64xf32, #tpu.memory_space<hbm>>) target(%dma_start3A_382 : memref<128x64xf32, #tpu.memory_space<vmem>>) offsets(%dma_start3A_385 : memref<128xi32, #tpu.memory_space<vmem>>) semaphore(%arg13 : memref<!tpu.dma_semaphore, #tpu.memory_space<semaphore_mem>>)
        %add3A_389 = arith.constant 12 : i32
        %add3A_390 = arith.addi %mul3A_96, %add3A_389 : i32
        %add3A_391 = arith.constant 2 : i32
        %add3A_392 = arith.addi %add3A_390, %add3A_391 : i32
        %dma_start3A_393 = arith.constant 256 : i32
        %dma_start3A_394 = arith.constant 0 : i32
        %dma_start3A_395 = tpu.memref_slice %arg10[%dma_start3A_393, %dma_start3A_394] : memref<512x64xf32, #tpu.memory_space<vmem>> -> memref<128x64xf32, #tpu.memory_space<vmem>>
        %dma_start3A_396 = arith.constant 0 : i32
        %dma_start3A_397 = tpu.memref_slice %arg7[%add3A_392, %dma_start3A_396] : memref<80x128xi32, #tpu.memory_space<vmem>> -> memref<1x128xi32, #tpu.memory_space<vmem>>
        %dma_start3A_398 = tpu.memref_squeeze %dma_start3A_397 : memref<1x128xi32, #tpu.memory_space<vmem>> -> memref<128xi32, #tpu.memory_space<vmem>>
        %dma_start3A_399 = arith.constant 0 : i32
        %dma_start3A_400 = arith.constant 0 : i32
        %dma_start3A_401 = tpu.memref_slice %arg2[%dma_start3A_399, %dma_start3A_400] : memref<10240x64xf32, #tpu.memory_space<hbm>> -> memref<10240x64xf32, #tpu.memory_space<hbm>>
        tpu.enqueue_indirect_dma source(%dma_start3A_401 : memref<10240x64xf32, #tpu.memory_space<hbm>>) target(%dma_start3A_395 : memref<128x64xf32, #tpu.memory_space<vmem>>) offsets(%dma_start3A_398 : memref<128xi32, #tpu.memory_space<vmem>>) semaphore(%arg13 : memref<!tpu.dma_semaphore, #tpu.memory_space<semaphore_mem>>)
        %add3A_402 = arith.constant 12 : i32
        %add3A_403 = arith.addi %mul3A_96, %add3A_402 : i32
        %add3A_404 = arith.constant 3 : i32
        %add3A_405 = arith.addi %add3A_403, %add3A_404 : i32
        %dma_start3A_406 = arith.constant 384 : i32
        %dma_start3A_407 = arith.constant 0 : i32
        %dma_start3A_408 = tpu.memref_slice %arg10[%dma_start3A_406, %dma_start3A_407] : memref<512x64xf32, #tpu.memory_space<vmem>> -> memref<128x64xf32, #tpu.memory_space<vmem>>
        %dma_start3A_409 = arith.constant 0 : i32
        %dma_start3A_410 = tpu.memref_slice %arg7[%add3A_405, %dma_start3A_409] : memref<80x128xi32, #tpu.memory_space<vmem>> -> memref<1x128xi32, #tpu.memory_space<vmem>>
        %dma_start3A_411 = tpu.memref_squeeze %dma_start3A_410 : memref<1x128xi32, #tpu.memory_space<vmem>> -> memref<128xi32, #tpu.memory_space<vmem>>
        %dma_start3A_412 = arith.constant 0 : i32
        %dma_start3A_413 = arith.constant 0 : i32
        %dma_start3A_414 = tpu.memref_slice %arg2[%dma_start3A_412, %dma_start3A_413] : memref<10240x64xf32, #tpu.memory_space<hbm>> -> memref<10240x64xf32, #tpu.memory_space<hbm>>
        tpu.enqueue_indirect_dma source(%dma_start3A_414 : memref<10240x64xf32, #tpu.memory_space<hbm>>) target(%dma_start3A_408 : memref<128x64xf32, #tpu.memory_space<vmem>>) offsets(%dma_start3A_411 : memref<128xi32, #tpu.memory_space<vmem>>) semaphore(%arg13 : memref<!tpu.dma_semaphore, #tpu.memory_space<semaphore_mem>>)
      } else {
      }
    }
    %scan3A_88 = arith.constant 10 : i32
    %barrier3A_89 = arith.constant 0 : index
    tpu.barrier barrier_id(%barrier3A_89)
    %mul3A_90 = arith.constant 640 : i32
    %mul3A_91 = arith.muli %arg1, %mul3A_90 : i32
    %mul3A_92 = arith.constant 640 : i32
    %mul3A_93 = arith.muli %arg1, %mul3A_92 : i32
    "tpu.region"() ({
      %run_scoped3A = tpu.sem_alloc : memref<!tpu.dma_semaphore, #tpu.memory_space<semaphore_mem>>
      %dma_start3A_94 = arith.constant 0 : i32
      %dma_start3A_95 = tpu.memref_slice %arg6[%arg0, %mul3A_93, %dma_start3A_94] : memref<2x10240x64xf32, #tpu.memory_space<hbm>> -> memref<1x640x64xf32, #tpu.memory_space<hbm>>
      %dma_start3A_96 = tpu.memref_squeeze %dma_start3A_95 : memref<1x640x64xf32, #tpu.memory_space<hbm>> -> memref<640x64xf32, #tpu.memory_space<hbm>>
      %dma_start3A_97 = arith.constant 0 : i32
      %dma_start3A_98 = tpu.memref_slice %arg11[%mul3A_91, %dma_start3A_97] : memref<10240x64xf32, #tpu.memory_space<vmem_shared>> -> memref<640x64xf32, #tpu.memory_space<vmem_shared>>
      tpu.enqueue_dma source(%dma_start3A_98 : memref<640x64xf32, #tpu.memory_space<vmem_shared>>) target(%dma_start3A_96 : memref<640x64xf32, #tpu.memory_space<hbm>>) target_semaphore(%run_scoped3A : memref<!tpu.dma_semaphore, #tpu.memory_space<semaphore_mem>>)
      %dma_wait3A = arith.constant 0 : i32
      %dma_wait3A_99 = tpu.memref_slice %arg6[%arg0, %mul3A_93, %dma_wait3A] : memref<2x10240x64xf32, #tpu.memory_space<hbm>> -> memref<1x640x64xf32, #tpu.memory_space<hbm>>
      %dma_wait3A_100 = tpu.memref_squeeze %dma_wait3A_99 : memref<1x640x64xf32, #tpu.memory_space<hbm>> -> memref<640x64xf32, #tpu.memory_space<hbm>>
      %dma_wait3A_101 = arith.constant 0 : i32
      %dma_wait3A_102 = tpu.memref_slice %arg11[%mul3A_91, %dma_wait3A_101] : memref<10240x64xf32, #tpu.memory_space<vmem_shared>> -> memref<640x64xf32, #tpu.memory_space<vmem_shared>>
      tpu.wait_dma2 semaphore(%run_scoped3A : memref<!tpu.dma_semaphore, #tpu.memory_space<semaphore_mem>>) src(%dma_wait3A_102 : memref<640x64xf32, #tpu.memory_space<vmem_shared>>) dst(%dma_wait3A_100 : memref<640x64xf32, #tpu.memory_space<hbm>>)
      tpu.yield
    }) : () -> ()
    return
  }
}

#map = affine_map<(d0, d1) -> (0, 0)>
#map1 = affine_map<(d0, d1) -> (0, 0, 0)>
module attributes {stable_mosaic.version = 14 : i64} {
  func.func @_scatter_body(%arg0: i32, %arg1: i32, %arg2: memref<10240x64xf32, #tpu.memory_space<hbm>>, %arg3: memref<32x80x128xi32, #tpu.memory_space<hbm>>, %arg4: memref<32x80x128xi32, #tpu.memory_space<hbm>>, %arg5: memref<10240x64xf32, #tpu.memory_space<hbm>>, %arg6: memref<2x10240x64xf32, #tpu.memory_space<hbm>>, %arg7: memref<80x128xi32, #tpu.memory_space<vmem>>, %arg8: memref<80x128xi32, #tpu.memory_space<vmem>>, %arg9: memref<512x64xf32, #tpu.memory_space<vmem>>, %arg10: memref<512x64xf32, #tpu.memory_space<vmem>>, %arg11: memref<10240x64xf32, #tpu.memory_space<vmem_shared>>, %arg12: memref<!tpu.dma_semaphore, #tpu.memory_space<semaphore_mem>>, %arg13: memref<!tpu.dma_semaphore, #tpu.memory_space<semaphore_mem>>, %arg14: memref<!tpu.dma_semaphore, #tpu.memory_space<semaphore_mem>>, %arg15: memref<!tpu.dma_semaphore, #tpu.memory_space<semaphore_mem>>) attributes {dimension_semantics = [#tpu.dimension_semantics<core_parallel>, #tpu.dimension_semantics<subcore_parallel>], iteration_bounds = array<i64: 2, 16>, scalar_prefetch = 0 : i64, scratch_operands = 9 : i64, tpu.core_type = #tpu.core_type<sc_vector_subcore>, window_params = [{transform_indices = #map}, {transform_indices = #map1}, {transform_indices = #map1}, {transform_indices = #map}, {transform_indices = #map1}]} {
    %mul3A = arith.constant 2 : i32
    %mul3A_0 = arith.muli %arg1, %mul3A : i32
    %add3A = arith.addi %mul3A_0, %arg0 : i32
    %mul3A_1 = arith.constant 640 : i32
    %mul3A_2 = arith.muli %arg1, %mul3A_1 : i32
    %mul3A_3 = arith.constant 640 : i32
    %mul3A_4 = arith.muli %arg1, %mul3A_3 : i32
    "tpu.region"() ({
      %run_scoped3A = tpu.sem_alloc : memref<!tpu.dma_semaphore, #tpu.memory_space<semaphore_mem>>
      %dma_start3A_94 = arith.constant 0 : i32
      %dma_start3A_95 = tpu.memref_slice %arg11[%mul3A_4, %dma_start3A_94] : memref<10240x64xf32, #tpu.memory_space<vmem_shared>> -> memref<640x64xf32, #tpu.memory_space<vmem_shared>>
      %dma_start3A_96 = arith.constant 0 : i32
      %dma_start3A_97 = tpu.memref_slice %arg5[%mul3A_2, %dma_start3A_96] : memref<10240x64xf32, #tpu.memory_space<hbm>> -> memref<640x64xf32, #tpu.memory_space<hbm>>
      tpu.enqueue_dma source(%dma_start3A_97 : memref<640x64xf32, #tpu.memory_space<hbm>>) target(%dma_start3A_95 : memref<640x64xf32, #tpu.memory_space<vmem_shared>>) target_semaphore(%run_scoped3A : memref<!tpu.dma_semaphore, #tpu.memory_space<semaphore_mem>>)
      %dma_wait3A = arith.constant 0 : i32
      %dma_wait3A_98 = tpu.memref_slice %arg11[%mul3A_4, %dma_wait3A] : memref<10240x64xf32, #tpu.memory_space<vmem_shared>> -> memref<640x64xf32, #tpu.memory_space<vmem_shared>>
      %dma_wait3A_99 = arith.constant 0 : i32
      %dma_wait3A_100 = tpu.memref_slice %arg5[%mul3A_2, %dma_wait3A_99] : memref<10240x64xf32, #tpu.memory_space<hbm>> -> memref<640x64xf32, #tpu.memory_space<hbm>>
      tpu.wait_dma2 semaphore(%run_scoped3A : memref<!tpu.dma_semaphore, #tpu.memory_space<semaphore_mem>>) src(%dma_wait3A_100 : memref<640x64xf32, #tpu.memory_space<hbm>>) dst(%dma_wait3A_98 : memref<640x64xf32, #tpu.memory_space<vmem_shared>>)
      tpu.yield
    }) : () -> ()
    "tpu.region"() ({
      %run_scoped3A = tpu.sem_alloc : memref<!tpu.dma_semaphore, #tpu.memory_space<semaphore_mem>>
      %dma_start3A_94 = arith.constant 0 : i32
      %dma_start3A_95 = arith.constant 0 : i32
      %dma_start3A_96 = tpu.memref_slice %arg3[%add3A, %dma_start3A_94, %dma_start3A_95] : memref<32x80x128xi32, #tpu.memory_space<hbm>> -> memref<1x80x128xi32, #tpu.memory_space<hbm>>
      %dma_start3A_97 = tpu.memref_squeeze %dma_start3A_96 : memref<1x80x128xi32, #tpu.memory_space<hbm>> -> memref<80x128xi32, #tpu.memory_space<hbm>>
      %dma_start3A_98 = arith.constant 0 : i32
      %dma_start3A_99 = arith.constant 0 : i32
      %dma_start3A_100 = tpu.memref_slice %arg3[%add3A, %dma_start3A_98, %dma_start3A_99] : memref<32x80x128xi32, #tpu.memory_space<hbm>> -> memref<1x80x128xi32, #tpu.memory_space<hbm>>
      %dma_start3A_101 = tpu.memref_squeeze %dma_start3A_100 : memref<1x80x128xi32, #tpu.memory_space<hbm>> -> memref<80x128xi32, #tpu.memory_space<hbm>>
      tpu.enqueue_dma source(%dma_start3A_101 : memref<80x128xi32, #tpu.memory_space<hbm>>) target(%arg7 : memref<80x128xi32, #tpu.memory_space<vmem>>) target_semaphore(%run_scoped3A : memref<!tpu.dma_semaphore, #tpu.memory_space<semaphore_mem>>)
      %dma_wait3A = arith.constant 0 : i32
      %dma_wait3A_102 = arith.constant 0 : i32
      %dma_wait3A_103 = tpu.memref_slice %arg3[%add3A, %dma_wait3A, %dma_wait3A_102] : memref<32x80x128xi32, #tpu.memory_space<hbm>> -> memref<1x80x128xi32, #tpu.memory_space<hbm>>
      %dma_wait3A_104 = tpu.memref_squeeze %dma_wait3A_103 : memref<1x80x128xi32, #tpu.memory_space<hbm>> -> memref<80x128xi32, #tpu.memory_space<hbm>>
      %dma_wait3A_105 = arith.constant 0 : i32
      %dma_wait3A_106 = arith.constant 0 : i32
      %dma_wait3A_107 = tpu.memref_slice %arg3[%add3A, %dma_wait3A_105, %dma_wait3A_106] : memref<32x80x128xi32, #tpu.memory_space<hbm>> -> memref<1x80x128xi32, #tpu.memory_space<hbm>>
      %dma_wait3A_108 = tpu.memref_squeeze %dma_wait3A_107 : memref<1x80x128xi32, #tpu.memory_space<hbm>> -> memref<80x128xi32, #tpu.memory_space<hbm>>
      tpu.wait_dma2 semaphore(%run_scoped3A : memref<!tpu.dma_semaphore, #tpu.memory_space<semaphore_mem>>) src(%dma_wait3A_108 : memref<80x128xi32, #tpu.memory_space<hbm>>) dst(%arg7 : memref<80x128xi32, #tpu.memory_space<vmem>>)
      tpu.yield
    }) : () -> ()
    "tpu.region"() ({
      %run_scoped3A = tpu.sem_alloc : memref<!tpu.dma_semaphore, #tpu.memory_space<semaphore_mem>>
      %dma_start3A_94 = arith.constant 0 : i32
      %dma_start3A_95 = arith.constant 0 : i32
      %dma_start3A_96 = tpu.memref_slice %arg4[%add3A, %dma_start3A_94, %dma_start3A_95] : memref<32x80x128xi32, #tpu.memory_space<hbm>> -> memref<1x80x128xi32, #tpu.memory_space<hbm>>
      %dma_start3A_97 = tpu.memref_squeeze %dma_start3A_96 : memref<1x80x128xi32, #tpu.memory_space<hbm>> -> memref<80x128xi32, #tpu.memory_space<hbm>>
      %dma_start3A_98 = arith.constant 0 : i32
      %dma_start3A_99 = arith.constant 0 : i32
      %dma_start3A_100 = tpu.memref_slice %arg4[%add3A, %dma_start3A_98, %dma_start3A_99] : memref<32x80x128xi32, #tpu.memory_space<hbm>> -> memref<1x80x128xi32, #tpu.memory_space<hbm>>
      %dma_start3A_101 = tpu.memref_squeeze %dma_start3A_100 : memref<1x80x128xi32, #tpu.memory_space<hbm>> -> memref<80x128xi32, #tpu.memory_space<hbm>>
      tpu.enqueue_dma source(%dma_start3A_101 : memref<80x128xi32, #tpu.memory_space<hbm>>) target(%arg8 : memref<80x128xi32, #tpu.memory_space<vmem>>) target_semaphore(%run_scoped3A : memref<!tpu.dma_semaphore, #tpu.memory_space<semaphore_mem>>)
      %dma_wait3A = arith.constant 0 : i32
      %dma_wait3A_102 = arith.constant 0 : i32
      %dma_wait3A_103 = tpu.memref_slice %arg4[%add3A, %dma_wait3A, %dma_wait3A_102] : memref<32x80x128xi32, #tpu.memory_space<hbm>> -> memref<1x80x128xi32, #tpu.memory_space<hbm>>
      %dma_wait3A_104 = tpu.memref_squeeze %dma_wait3A_103 : memref<1x80x128xi32, #tpu.memory_space<hbm>> -> memref<80x128xi32, #tpu.memory_space<hbm>>
      %dma_wait3A_105 = arith.constant 0 : i32
      %dma_wait3A_106 = arith.constant 0 : i32
      %dma_wait3A_107 = tpu.memref_slice %arg4[%add3A, %dma_wait3A_105, %dma_wait3A_106] : memref<32x80x128xi32, #tpu.memory_space<hbm>> -> memref<1x80x128xi32, #tpu.memory_space<hbm>>
      %dma_wait3A_108 = tpu.memref_squeeze %dma_wait3A_107 : memref<1x80x128xi32, #tpu.memory_space<hbm>> -> memref<80x128xi32, #tpu.memory_space<hbm>>
      tpu.wait_dma2 semaphore(%run_scoped3A : memref<!tpu.dma_semaphore, #tpu.memory_space<semaphore_mem>>) src(%dma_wait3A_108 : memref<80x128xi32, #tpu.memory_space<hbm>>) dst(%arg8 : memref<80x128xi32, #tpu.memory_space<vmem>>)
      tpu.yield
    }) : () -> ()
    %barrier3A = arith.constant 0 : index
    tpu.barrier barrier_id(%barrier3A)
    %dma_start3A = arith.constant 0 : i32
    %dma_start3A_5 = arith.constant 0 : i32
    %dma_start3A_6 = arith.constant 0 : i32
    %dma_start3A_7 = tpu.memref_slice %arg9[%dma_start3A_5, %dma_start3A_6] : memref<512x64xf32, #tpu.memory_space<vmem>> -> memref<128x64xf32, #tpu.memory_space<vmem>>
    %dma_start3A_8 = arith.constant 0 : i32
    %dma_start3A_9 = tpu.memref_slice %arg7[%dma_start3A, %dma_start3A_8] : memref<80x128xi32, #tpu.memory_space<vmem>> -> memref<1x128xi32, #tpu.memory_space<vmem>>
    %dma_start3A_10 = tpu.memref_squeeze %dma_start3A_9 : memref<1x128xi32, #tpu.memory_space<vmem>> -> memref<128xi32, #tpu.memory_space<vmem>>
    %dma_start3A_11 = arith.constant 0 : i32
    %dma_start3A_12 = arith.constant 0 : i32
    %dma_start3A_13 = tpu.memref_slice %arg2[%dma_start3A_11, %dma_start3A_12] : memref<10240x64xf32, #tpu.memory_space<hbm>> -> memref<10240x64xf32, #tpu.memory_space<hbm>>
    tpu.enqueue_indirect_dma source(%dma_start3A_13 : memref<10240x64xf32, #tpu.memory_space<hbm>>) target(%dma_start3A_7 : memref<128x64xf32, #tpu.memory_space<vmem>>) offsets(%dma_start3A_10 : memref<128xi32, #tpu.memory_space<vmem>>) semaphore(%arg12 : memref<!tpu.dma_semaphore, #tpu.memory_space<semaphore_mem>>)
    %dma_start3A_14 = arith.constant 4 : i32
    %dma_start3A_15 = arith.constant 0 : i32
    %dma_start3A_16 = arith.constant 0 : i32
    %dma_start3A_17 = tpu.memref_slice %arg10[%dma_start3A_15, %dma_start3A_16] : memref<512x64xf32, #tpu.memory_space<vmem>> -> memref<128x64xf32, #tpu.memory_space<vmem>>
    %dma_start3A_18 = arith.constant 0 : i32
    %dma_start3A_19 = tpu.memref_slice %arg7[%dma_start3A_14, %dma_start3A_18] : memref<80x128xi32, #tpu.memory_space<vmem>> -> memref<1x128xi32, #tpu.memory_space<vmem>>
    %dma_start3A_20 = tpu.memref_squeeze %dma_start3A_19 : memref<1x128xi32, #tpu.memory_space<vmem>> -> memref<128xi32, #tpu.memory_space<vmem>>
    %dma_start3A_21 = arith.constant 0 : i32
    %dma_start3A_22 = arith.constant 0 : i32
    %dma_start3A_23 = tpu.memref_slice %arg2[%dma_start3A_21, %dma_start3A_22] : memref<10240x64xf32, #tpu.memory_space<hbm>> -> memref<10240x64xf32, #tpu.memory_space<hbm>>
    tpu.enqueue_indirect_dma source(%dma_start3A_23 : memref<10240x64xf32, #tpu.memory_space<hbm>>) target(%dma_start3A_17 : memref<128x64xf32, #tpu.memory_space<vmem>>) offsets(%dma_start3A_20 : memref<128xi32, #tpu.memory_space<vmem>>) semaphore(%arg13 : memref<!tpu.dma_semaphore, #tpu.memory_space<semaphore_mem>>)
    %dma_start3A_24 = arith.constant 1 : i32
    %dma_start3A_25 = arith.constant 128 : i32
    %dma_start3A_26 = arith.constant 0 : i32
    %dma_start3A_27 = tpu.memref_slice %arg9[%dma_start3A_25, %dma_start3A_26] : memref<512x64xf32, #tpu.memory_space<vmem>> -> memref<128x64xf32, #tpu.memory_space<vmem>>
    %dma_start3A_28 = arith.constant 0 : i32
    %dma_start3A_29 = tpu.memref_slice %arg7[%dma_start3A_24, %dma_start3A_28] : memref<80x128xi32, #tpu.memory_space<vmem>> -> memref<1x128xi32, #tpu.memory_space<vmem>>
    %dma_start3A_30 = tpu.memref_squeeze %dma_start3A_29 : memref<1x128xi32, #tpu.memory_space<vmem>> -> memref<128xi32, #tpu.memory_space<vmem>>
    %dma_start3A_31 = arith.constant 0 : i32
    %dma_start3A_32 = arith.constant 0 : i32
    %dma_start3A_33 = tpu.memref_slice %arg2[%dma_start3A_31, %dma_start3A_32] : memref<10240x64xf32, #tpu.memory_space<hbm>> -> memref<10240x64xf32, #tpu.memory_space<hbm>>
    tpu.enqueue_indirect_dma source(%dma_start3A_33 : memref<10240x64xf32, #tpu.memory_space<hbm>>) target(%dma_start3A_27 : memref<128x64xf32, #tpu.memory_space<vmem>>) offsets(%dma_start3A_30 : memref<128xi32, #tpu.memory_space<vmem>>) semaphore(%arg12 : memref<!tpu.dma_semaphore, #tpu.memory_space<semaphore_mem>>)
    %dma_start3A_34 = arith.constant 5 : i32
    %dma_start3A_35 = arith.constant 128 : i32
    %dma_start3A_36 = arith.constant 0 : i32
    %dma_start3A_37 = tpu.memref_slice %arg10[%dma_start3A_35, %dma_start3A_36] : memref<512x64xf32, #tpu.memory_space<vmem>> -> memref<128x64xf32, #tpu.memory_space<vmem>>
    %dma_start3A_38 = arith.constant 0 : i32
    %dma_start3A_39 = tpu.memref_slice %arg7[%dma_start3A_34, %dma_start3A_38] : memref<80x128xi32, #tpu.memory_space<vmem>> -> memref<1x128xi32, #tpu.memory_space<vmem>>
    %dma_start3A_40 = tpu.memref_squeeze %dma_start3A_39 : memref<1x128xi32, #tpu.memory_space<vmem>> -> memref<128xi32, #tpu.memory_space<vmem>>
    %dma_start3A_41 = arith.constant 0 : i32
    %dma_start3A_42 = arith.constant 0 : i32
    %dma_start3A_43 = tpu.memref_slice %arg2[%dma_start3A_41, %dma_start3A_42] : memref<10240x64xf32, #tpu.memory_space<hbm>> -> memref<10240x64xf32, #tpu.memory_space<hbm>>
    tpu.enqueue_indirect_dma source(%dma_start3A_43 : memref<10240x64xf32, #tpu.memory_space<hbm>>) target(%dma_start3A_37 : memref<128x64xf32, #tpu.memory_space<vmem>>) offsets(%dma_start3A_40 : memref<128xi32, #tpu.memory_space<vmem>>) semaphore(%arg13 : memref<!tpu.dma_semaphore, #tpu.memory_space<semaphore_mem>>)
    %dma_start3A_44 = arith.constant 2 : i32
    %dma_start3A_45 = arith.constant 256 : i32
    %dma_start3A_46 = arith.constant 0 : i32
    %dma_start3A_47 = tpu.memref_slice %arg9[%dma_start3A_45, %dma_start3A_46] : memref<512x64xf32, #tpu.memory_space<vmem>> -> memref<128x64xf32, #tpu.memory_space<vmem>>
    %dma_start3A_48 = arith.constant 0 : i32
    %dma_start3A_49 = tpu.memref_slice %arg7[%dma_start3A_44, %dma_start3A_48] : memref<80x128xi32, #tpu.memory_space<vmem>> -> memref<1x128xi32, #tpu.memory_space<vmem>>
    %dma_start3A_50 = tpu.memref_squeeze %dma_start3A_49 : memref<1x128xi32, #tpu.memory_space<vmem>> -> memref<128xi32, #tpu.memory_space<vmem>>
    %dma_start3A_51 = arith.constant 0 : i32
    %dma_start3A_52 = arith.constant 0 : i32
    %dma_start3A_53 = tpu.memref_slice %arg2[%dma_start3A_51, %dma_start3A_52] : memref<10240x64xf32, #tpu.memory_space<hbm>> -> memref<10240x64xf32, #tpu.memory_space<hbm>>
    tpu.enqueue_indirect_dma source(%dma_start3A_53 : memref<10240x64xf32, #tpu.memory_space<hbm>>) target(%dma_start3A_47 : memref<128x64xf32, #tpu.memory_space<vmem>>) offsets(%dma_start3A_50 : memref<128xi32, #tpu.memory_space<vmem>>) semaphore(%arg12 : memref<!tpu.dma_semaphore, #tpu.memory_space<semaphore_mem>>)
    %dma_start3A_54 = arith.constant 6 : i32
    %dma_start3A_55 = arith.constant 256 : i32
    %dma_start3A_56 = arith.constant 0 : i32
    %dma_start3A_57 = tpu.memref_slice %arg10[%dma_start3A_55, %dma_start3A_56] : memref<512x64xf32, #tpu.memory_space<vmem>> -> memref<128x64xf32, #tpu.memory_space<vmem>>
    %dma_start3A_58 = arith.constant 0 : i32
    %dma_start3A_59 = tpu.memref_slice %arg7[%dma_start3A_54, %dma_start3A_58] : memref<80x128xi32, #tpu.memory_space<vmem>> -> memref<1x128xi32, #tpu.memory_space<vmem>>
    %dma_start3A_60 = tpu.memref_squeeze %dma_start3A_59 : memref<1x128xi32, #tpu.memory_space<vmem>> -> memref<128xi32, #tpu.memory_space<vmem>>
    %dma_start3A_61 = arith.constant 0 : i32
    %dma_start3A_62 = arith.constant 0 : i32
    %dma_start3A_63 = tpu.memref_slice %arg2[%dma_start3A_61, %dma_start3A_62] : memref<10240x64xf32, #tpu.memory_space<hbm>> -> memref<10240x64xf32, #tpu.memory_space<hbm>>
    tpu.enqueue_indirect_dma source(%dma_start3A_63 : memref<10240x64xf32, #tpu.memory_space<hbm>>) target(%dma_start3A_57 : memref<128x64xf32, #tpu.memory_space<vmem>>) offsets(%dma_start3A_60 : memref<128xi32, #tpu.memory_space<vmem>>) semaphore(%arg13 : memref<!tpu.dma_semaphore, #tpu.memory_space<semaphore_mem>>)
    %dma_start3A_64 = arith.constant 3 : i32
    %dma_start3A_65 = arith.constant 384 : i32
    %dma_start3A_66 = arith.constant 0 : i32
    %dma_start3A_67 = tpu.memref_slice %arg9[%dma_start3A_65, %dma_start3A_66] : memref<512x64xf32, #tpu.memory_space<vmem>> -> memref<128x64xf32, #tpu.memory_space<vmem>>
    %dma_start3A_68 = arith.constant 0 : i32
    %dma_start3A_69 = tpu.memref_slice %arg7[%dma_start3A_64, %dma_start3A_68] : memref<80x128xi32, #tpu.memory_space<vmem>> -> memref<1x128xi32, #tpu.memory_space<vmem>>
    %dma_start3A_70 = tpu.memref_squeeze %dma_start3A_69 : memref<1x128xi32, #tpu.memory_space<vmem>> -> memref<128xi32, #tpu.memory_space<vmem>>
    %dma_start3A_71 = arith.constant 0 : i32
    %dma_start3A_72 = arith.constant 0 : i32
    %dma_start3A_73 = tpu.memref_slice %arg2[%dma_start3A_71, %dma_start3A_72] : memref<10240x64xf32, #tpu.memory_space<hbm>> -> memref<10240x64xf32, #tpu.memory_space<hbm>>
    tpu.enqueue_indirect_dma source(%dma_start3A_73 : memref<10240x64xf32, #tpu.memory_space<hbm>>) target(%dma_start3A_67 : memref<128x64xf32, #tpu.memory_space<vmem>>) offsets(%dma_start3A_70 : memref<128xi32, #tpu.memory_space<vmem>>) semaphore(%arg12 : memref<!tpu.dma_semaphore, #tpu.memory_space<semaphore_mem>>)
    %dma_start3A_74 = arith.constant 7 : i32
    %dma_start3A_75 = arith.constant 384 : i32
    %dma_start3A_76 = arith.constant 0 : i32
    %dma_start3A_77 = tpu.memref_slice %arg10[%dma_start3A_75, %dma_start3A_76] : memref<512x64xf32, #tpu.memory_space<vmem>> -> memref<128x64xf32, #tpu.memory_space<vmem>>
    %dma_start3A_78 = arith.constant 0 : i32
    %dma_start3A_79 = tpu.memref_slice %arg7[%dma_start3A_74, %dma_start3A_78] : memref<80x128xi32, #tpu.memory_space<vmem>> -> memref<1x128xi32, #tpu.memory_space<vmem>>
    %dma_start3A_80 = tpu.memref_squeeze %dma_start3A_79 : memref<1x128xi32, #tpu.memory_space<vmem>> -> memref<128xi32, #tpu.memory_space<vmem>>
    %dma_start3A_81 = arith.constant 0 : i32
    %dma_start3A_82 = arith.constant 0 : i32
    %dma_start3A_83 = tpu.memref_slice %arg2[%dma_start3A_81, %dma_start3A_82] : memref<10240x64xf32, #tpu.memory_space<hbm>> -> memref<10240x64xf32, #tpu.memory_space<hbm>>
    tpu.enqueue_indirect_dma source(%dma_start3A_83 : memref<10240x64xf32, #tpu.memory_space<hbm>>) target(%dma_start3A_77 : memref<128x64xf32, #tpu.memory_space<vmem>>) offsets(%dma_start3A_80 : memref<128xi32, #tpu.memory_space<vmem>>) semaphore(%arg13 : memref<!tpu.dma_semaphore, #tpu.memory_space<semaphore_mem>>)
    %scan3A = arith.constant 0 : i32
    %scan3A_84 = arith.constant 0 : i32
    %scan3A_85 = arith.constant 10 : i32
    %scan3A_86 = arith.addi %scan3A_84, %scan3A_85 : i32
    %scan3A_87 = arith.constant 1 : i32
    scf.for %scan3A_94 = %scan3A_84 to %scan3A_86 step %scan3A_87  : i32 {
      %mul3A_95 = arith.constant 8 : i32
      %mul3A_96 = arith.muli %scan3A_94, %mul3A_95 : i32
      %dma_wait3A = arith.constant 0 : i32
      %dma_wait3A_97 = arith.constant 0 : i32
      %dma_wait3A_98 = arith.constant 0 : i32
      %dma_wait3A_99 = tpu.memref_slice %arg9[%dma_wait3A_97, %dma_wait3A_98] : memref<512x64xf32, #tpu.memory_space<vmem>> -> memref<128x64xf32, #tpu.memory_space<vmem>>
      %dma_wait3A_100 = arith.constant 0 : i32
      %dma_wait3A_101 = tpu.memref_slice %arg7[%dma_wait3A, %dma_wait3A_100] : memref<80x128xi32, #tpu.memory_space<vmem>> -> memref<1x128xi32, #tpu.memory_space<vmem>>
      %dma_wait3A_102 = tpu.memref_squeeze %dma_wait3A_101 : memref<1x128xi32, #tpu.memory_space<vmem>> -> memref<128xi32, #tpu.memory_space<vmem>>
      %dma_wait3A_103 = arith.constant 0 : i32
      %dma_wait3A_104 = arith.constant 0 : i32
      %dma_wait3A_105 = tpu.memref_slice %arg2[%dma_wait3A_103, %dma_wait3A_104] : memref<10240x64xf32, #tpu.memory_space<hbm>> -> memref<10240x64xf32, #tpu.memory_space<hbm>>
      tpu.wait_indirect_dma semaphore(%arg12 : memref<!tpu.dma_semaphore, #tpu.memory_space<semaphore_mem>>) src(%dma_wait3A_105 : memref<10240x64xf32, #tpu.memory_space<hbm>>) dst(%dma_wait3A_99 : memref<128x64xf32, #tpu.memory_space<vmem>>)
      %dma_wait3A_106 = arith.constant 0 : i32
      %dma_wait3A_107 = arith.constant 128 : i32
      %dma_wait3A_108 = arith.constant 0 : i32
      %dma_wait3A_109 = tpu.memref_slice %arg9[%dma_wait3A_107, %dma_wait3A_108] : memref<512x64xf32, #tpu.memory_space<vmem>> -> memref<128x64xf32, #tpu.memory_space<vmem>>
      %dma_wait3A_110 = arith.constant 0 : i32
      %dma_wait3A_111 = tpu.memref_slice %arg7[%dma_wait3A_106, %dma_wait3A_110] : memref<80x128xi32, #tpu.memory_space<vmem>> -> memref<1x128xi32, #tpu.memory_space<vmem>>
      %dma_wait3A_112 = tpu.memref_squeeze %dma_wait3A_111 : memref<1x128xi32, #tpu.memory_space<vmem>> -> memref<128xi32, #tpu.memory_space<vmem>>
      %dma_wait3A_113 = arith.constant 0 : i32
      %dma_wait3A_114 = arith.constant 0 : i32
      %dma_wait3A_115 = tpu.memref_slice %arg2[%dma_wait3A_113, %dma_wait3A_114] : memref<10240x64xf32, #tpu.memory_space<hbm>> -> memref<10240x64xf32, #tpu.memory_space<hbm>>
      tpu.wait_indirect_dma semaphore(%arg12 : memref<!tpu.dma_semaphore, #tpu.memory_space<semaphore_mem>>) src(%dma_wait3A_115 : memref<10240x64xf32, #tpu.memory_space<hbm>>) dst(%dma_wait3A_109 : memref<128x64xf32, #tpu.memory_space<vmem>>)
      %dma_wait3A_116 = arith.constant 0 : i32
      %dma_wait3A_117 = arith.constant 256 : i32
      %dma_wait3A_118 = arith.constant 0 : i32
      %dma_wait3A_119 = tpu.memref_slice %arg9[%dma_wait3A_117, %dma_wait3A_118] : memref<512x64xf32, #tpu.memory_space<vmem>> -> memref<128x64xf32, #tpu.memory_space<vmem>>
      %dma_wait3A_120 = arith.constant 0 : i32
      %dma_wait3A_121 = tpu.memref_slice %arg7[%dma_wait3A_116, %dma_wait3A_120] : memref<80x128xi32, #tpu.memory_space<vmem>> -> memref<1x128xi32, #tpu.memory_space<vmem>>
      %dma_wait3A_122 = tpu.memref_squeeze %dma_wait3A_121 : memref<1x128xi32, #tpu.memory_space<vmem>> -> memref<128xi32, #tpu.memory_space<vmem>>
      %dma_wait3A_123 = arith.constant 0 : i32
      %dma_wait3A_124 = arith.constant 0 : i32
      %dma_wait3A_125 = tpu.memref_slice %arg2[%dma_wait3A_123, %dma_wait3A_124] : memref<10240x64xf32, #tpu.memory_space<hbm>> -> memref<10240x64xf32, #tpu.memory_space<hbm>>
      tpu.wait_indirect_dma semaphore(%arg12 : memref<!tpu.dma_semaphore, #tpu.memory_space<semaphore_mem>>) src(%dma_wait3A_125 : memref<10240x64xf32, #tpu.memory_space<hbm>>) dst(%dma_wait3A_119 : memref<128x64xf32, #tpu.memory_space<vmem>>)
      %dma_wait3A_126 = arith.constant 0 : i32
      %dma_wait3A_127 = arith.constant 384 : i32
      %dma_wait3A_128 = arith.constant 0 : i32
      %dma_wait3A_129 = tpu.memref_slice %arg9[%dma_wait3A_127, %dma_wait3A_128] : memref<512x64xf32, #tpu.memory_space<vmem>> -> memref<128x64xf32, #tpu.memory_space<vmem>>
      %dma_wait3A_130 = arith.constant 0 : i32
      %dma_wait3A_131 = tpu.memref_slice %arg7[%dma_wait3A_126, %dma_wait3A_130] : memref<80x128xi32, #tpu.memory_space<vmem>> -> memref<1x128xi32, #tpu.memory_space<vmem>>
      %dma_wait3A_132 = tpu.memref_squeeze %dma_wait3A_131 : memref<1x128xi32, #tpu.memory_space<vmem>> -> memref<128xi32, #tpu.memory_space<vmem>>
      %dma_wait3A_133 = arith.constant 0 : i32
      %dma_wait3A_134 = arith.constant 0 : i32
      %dma_wait3A_135 = tpu.memref_slice %arg2[%dma_wait3A_133, %dma_wait3A_134] : memref<10240x64xf32, #tpu.memory_space<hbm>> -> memref<10240x64xf32, #tpu.memory_space<hbm>>
      tpu.wait_indirect_dma semaphore(%arg12 : memref<!tpu.dma_semaphore, #tpu.memory_space<semaphore_mem>>) src(%dma_wait3A_135 : memref<10240x64xf32, #tpu.memory_space<hbm>>) dst(%dma_wait3A_129 : memref<128x64xf32, #tpu.memory_space<vmem>>)
      %add3A_136 = arith.constant 0 : i32
      %add3A_137 = arith.addi %mul3A_96, %add3A_136 : i32
      %dma_start3A_138 = arith.constant 0 : i32
      %dma_start3A_139 = arith.constant 0 : i32
      %dma_start3A_140 = tpu.memref_slice %arg9[%dma_start3A_138, %dma_start3A_139] : memref<512x64xf32, #tpu.memory_space<vmem>> -> memref<128x64xf32, #tpu.memory_space<vmem>>
      %dma_start3A_141 = arith.constant 0 : i32
      %dma_start3A_142 = tpu.memref_slice %arg8[%add3A_137, %dma_start3A_141] : memref<80x128xi32, #tpu.memory_space<vmem>> -> memref<1x128xi32, #tpu.memory_space<vmem>>
      %dma_start3A_143 = tpu.memref_squeeze %dma_start3A_142 : memref<1x128xi32, #tpu.memory_space<vmem>> -> memref<128xi32, #tpu.memory_space<vmem>>
      %dma_start3A_144 = arith.constant 0 : i32
      %dma_start3A_145 = arith.constant 0 : i32
      %dma_start3A_146 = tpu.memref_slice %arg11[%dma_start3A_144, %dma_start3A_145] : memref<10240x64xf32, #tpu.memory_space<vmem_shared>> -> memref<10240x64xf32, #tpu.memory_space<vmem_shared>>
      tpu.enqueue_indirect_dma source(%dma_start3A_140 : memref<128x64xf32, #tpu.memory_space<vmem>>) target(%dma_start3A_146 : memref<10240x64xf32, #tpu.memory_space<vmem_shared>>) offsets(%dma_start3A_143 : memref<128xi32, #tpu.memory_space<vmem>>) semaphore(%arg14 : memref<!tpu.dma_semaphore, #tpu.memory_space<semaphore_mem>>) {add = true}
      %add3A_147 = arith.constant 1 : i32
      %add3A_148 = arith.addi %mul3A_96, %add3A_147 : i32
      %dma_start3A_149 = arith.constant 128 : i32
      %dma_start3A_150 = arith.constant 0 : i32
      %dma_start3A_151 = tpu.memref_slice %arg9[%dma_start3A_149, %dma_start3A_150] : memref<512x64xf32, #tpu.memory_space<vmem>> -> memref<128x64xf32, #tpu.memory_space<vmem>>
      %dma_start3A_152 = arith.constant 0 : i32
      %dma_start3A_153 = tpu.memref_slice %arg8[%add3A_148, %dma_start3A_152] : memref<80x128xi32, #tpu.memory_space<vmem>> -> memref<1x128xi32, #tpu.memory_space<vmem>>
      %dma_start3A_154 = tpu.memref_squeeze %dma_start3A_153 : memref<1x128xi32, #tpu.memory_space<vmem>> -> memref<128xi32, #tpu.memory_space<vmem>>
      %dma_start3A_155 = arith.constant 0 : i32
      %dma_start3A_156 = arith.constant 0 : i32
      %dma_start3A_157 = tpu.memref_slice %arg11[%dma_start3A_155, %dma_start3A_156] : memref<10240x64xf32, #tpu.memory_space<vmem_shared>> -> memref<10240x64xf32, #tpu.memory_space<vmem_shared>>
      tpu.enqueue_indirect_dma source(%dma_start3A_151 : memref<128x64xf32, #tpu.memory_space<vmem>>) target(%dma_start3A_157 : memref<10240x64xf32, #tpu.memory_space<vmem_shared>>) offsets(%dma_start3A_154 : memref<128xi32, #tpu.memory_space<vmem>>) semaphore(%arg14 : memref<!tpu.dma_semaphore, #tpu.memory_space<semaphore_mem>>) {add = true}
      %add3A_158 = arith.constant 2 : i32
      %add3A_159 = arith.addi %mul3A_96, %add3A_158 : i32
      %dma_start3A_160 = arith.constant 256 : i32
      %dma_start3A_161 = arith.constant 0 : i32
      %dma_start3A_162 = tpu.memref_slice %arg9[%dma_start3A_160, %dma_start3A_161] : memref<512x64xf32, #tpu.memory_space<vmem>> -> memref<128x64xf32, #tpu.memory_space<vmem>>
      %dma_start3A_163 = arith.constant 0 : i32
      %dma_start3A_164 = tpu.memref_slice %arg8[%add3A_159, %dma_start3A_163] : memref<80x128xi32, #tpu.memory_space<vmem>> -> memref<1x128xi32, #tpu.memory_space<vmem>>
      %dma_start3A_165 = tpu.memref_squeeze %dma_start3A_164 : memref<1x128xi32, #tpu.memory_space<vmem>> -> memref<128xi32, #tpu.memory_space<vmem>>
      %dma_start3A_166 = arith.constant 0 : i32
      %dma_start3A_167 = arith.constant 0 : i32
      %dma_start3A_168 = tpu.memref_slice %arg11[%dma_start3A_166, %dma_start3A_167] : memref<10240x64xf32, #tpu.memory_space<vmem_shared>> -> memref<10240x64xf32, #tpu.memory_space<vmem_shared>>
      tpu.enqueue_indirect_dma source(%dma_start3A_162 : memref<128x64xf32, #tpu.memory_space<vmem>>) target(%dma_start3A_168 : memref<10240x64xf32, #tpu.memory_space<vmem_shared>>) offsets(%dma_start3A_165 : memref<128xi32, #tpu.memory_space<vmem>>) semaphore(%arg14 : memref<!tpu.dma_semaphore, #tpu.memory_space<semaphore_mem>>) {add = true}
      %add3A_169 = arith.constant 3 : i32
      %add3A_170 = arith.addi %mul3A_96, %add3A_169 : i32
      %dma_start3A_171 = arith.constant 384 : i32
      %dma_start3A_172 = arith.constant 0 : i32
      %dma_start3A_173 = tpu.memref_slice %arg9[%dma_start3A_171, %dma_start3A_172] : memref<512x64xf32, #tpu.memory_space<vmem>> -> memref<128x64xf32, #tpu.memory_space<vmem>>
      %dma_start3A_174 = arith.constant 0 : i32
      %dma_start3A_175 = tpu.memref_slice %arg8[%add3A_170, %dma_start3A_174] : memref<80x128xi32, #tpu.memory_space<vmem>> -> memref<1x128xi32, #tpu.memory_space<vmem>>
      %dma_start3A_176 = tpu.memref_squeeze %dma_start3A_175 : memref<1x128xi32, #tpu.memory_space<vmem>> -> memref<128xi32, #tpu.memory_space<vmem>>
      %dma_start3A_177 = arith.constant 0 : i32
      %dma_start3A_178 = arith.constant 0 : i32
      %dma_start3A_179 = tpu.memref_slice %arg11[%dma_start3A_177, %dma_start3A_178] : memref<10240x64xf32, #tpu.memory_space<vmem_shared>> -> memref<10240x64xf32, #tpu.memory_space<vmem_shared>>
      tpu.enqueue_indirect_dma source(%dma_start3A_173 : memref<128x64xf32, #tpu.memory_space<vmem>>) target(%dma_start3A_179 : memref<10240x64xf32, #tpu.memory_space<vmem_shared>>) offsets(%dma_start3A_176 : memref<128xi32, #tpu.memory_space<vmem>>) semaphore(%arg14 : memref<!tpu.dma_semaphore, #tpu.memory_space<semaphore_mem>>) {add = true}
      %dma_wait3A_180 = arith.constant 0 : i32
      %dma_wait3A_181 = arith.constant 0 : i32
      %dma_wait3A_182 = arith.constant 0 : i32
      %dma_wait3A_183 = tpu.memref_slice %arg10[%dma_wait3A_181, %dma_wait3A_182] : memref<512x64xf32, #tpu.memory_space<vmem>> -> memref<128x64xf32, #tpu.memory_space<vmem>>
      %dma_wait3A_184 = arith.constant 0 : i32
      %dma_wait3A_185 = tpu.memref_slice %arg7[%dma_wait3A_180, %dma_wait3A_184] : memref<80x128xi32, #tpu.memory_space<vmem>> -> memref<1x128xi32, #tpu.memory_space<vmem>>
      %dma_wait3A_186 = tpu.memref_squeeze %dma_wait3A_185 : memref<1x128xi32, #tpu.memory_space<vmem>> -> memref<128xi32, #tpu.memory_space<vmem>>
      %dma_wait3A_187 = arith.constant 0 : i32
      %dma_wait3A_188 = arith.constant 0 : i32
      %dma_wait3A_189 = tpu.memref_slice %arg2[%dma_wait3A_187, %dma_wait3A_188] : memref<10240x64xf32, #tpu.memory_space<hbm>> -> memref<10240x64xf32, #tpu.memory_space<hbm>>
      tpu.wait_indirect_dma semaphore(%arg13 : memref<!tpu.dma_semaphore, #tpu.memory_space<semaphore_mem>>) src(%dma_wait3A_189 : memref<10240x64xf32, #tpu.memory_space<hbm>>) dst(%dma_wait3A_183 : memref<128x64xf32, #tpu.memory_space<vmem>>)
      %dma_wait3A_190 = arith.constant 0 : i32
      %dma_wait3A_191 = arith.constant 128 : i32
      %dma_wait3A_192 = arith.constant 0 : i32
      %dma_wait3A_193 = tpu.memref_slice %arg10[%dma_wait3A_191, %dma_wait3A_192] : memref<512x64xf32, #tpu.memory_space<vmem>> -> memref<128x64xf32, #tpu.memory_space<vmem>>
      %dma_wait3A_194 = arith.constant 0 : i32
      %dma_wait3A_195 = tpu.memref_slice %arg7[%dma_wait3A_190, %dma_wait3A_194] : memref<80x128xi32, #tpu.memory_space<vmem>> -> memref<1x128xi32, #tpu.memory_space<vmem>>
      %dma_wait3A_196 = tpu.memref_squeeze %dma_wait3A_195 : memref<1x128xi32, #tpu.memory_space<vmem>> -> memref<128xi32, #tpu.memory_space<vmem>>
      %dma_wait3A_197 = arith.constant 0 : i32
      %dma_wait3A_198 = arith.constant 0 : i32
      %dma_wait3A_199 = tpu.memref_slice %arg2[%dma_wait3A_197, %dma_wait3A_198] : memref<10240x64xf32, #tpu.memory_space<hbm>> -> memref<10240x64xf32, #tpu.memory_space<hbm>>
      tpu.wait_indirect_dma semaphore(%arg13 : memref<!tpu.dma_semaphore, #tpu.memory_space<semaphore_mem>>) src(%dma_wait3A_199 : memref<10240x64xf32, #tpu.memory_space<hbm>>) dst(%dma_wait3A_193 : memref<128x64xf32, #tpu.memory_space<vmem>>)
      %dma_wait3A_200 = arith.constant 0 : i32
      %dma_wait3A_201 = arith.constant 256 : i32
      %dma_wait3A_202 = arith.constant 0 : i32
      %dma_wait3A_203 = tpu.memref_slice %arg10[%dma_wait3A_201, %dma_wait3A_202] : memref<512x64xf32, #tpu.memory_space<vmem>> -> memref<128x64xf32, #tpu.memory_space<vmem>>
      %dma_wait3A_204 = arith.constant 0 : i32
      %dma_wait3A_205 = tpu.memref_slice %arg7[%dma_wait3A_200, %dma_wait3A_204] : memref<80x128xi32, #tpu.memory_space<vmem>> -> memref<1x128xi32, #tpu.memory_space<vmem>>
      %dma_wait3A_206 = tpu.memref_squeeze %dma_wait3A_205 : memref<1x128xi32, #tpu.memory_space<vmem>> -> memref<128xi32, #tpu.memory_space<vmem>>
      %dma_wait3A_207 = arith.constant 0 : i32
      %dma_wait3A_208 = arith.constant 0 : i32
      %dma_wait3A_209 = tpu.memref_slice %arg2[%dma_wait3A_207, %dma_wait3A_208] : memref<10240x64xf32, #tpu.memory_space<hbm>> -> memref<10240x64xf32, #tpu.memory_space<hbm>>
      tpu.wait_indirect_dma semaphore(%arg13 : memref<!tpu.dma_semaphore, #tpu.memory_space<semaphore_mem>>) src(%dma_wait3A_209 : memref<10240x64xf32, #tpu.memory_space<hbm>>) dst(%dma_wait3A_203 : memref<128x64xf32, #tpu.memory_space<vmem>>)
      %dma_wait3A_210 = arith.constant 0 : i32
      %dma_wait3A_211 = arith.constant 384 : i32
      %dma_wait3A_212 = arith.constant 0 : i32
      %dma_wait3A_213 = tpu.memref_slice %arg10[%dma_wait3A_211, %dma_wait3A_212] : memref<512x64xf32, #tpu.memory_space<vmem>> -> memref<128x64xf32, #tpu.memory_space<vmem>>
      %dma_wait3A_214 = arith.constant 0 : i32
      %dma_wait3A_215 = tpu.memref_slice %arg7[%dma_wait3A_210, %dma_wait3A_214] : memref<80x128xi32, #tpu.memory_space<vmem>> -> memref<1x128xi32, #tpu.memory_space<vmem>>
      %dma_wait3A_216 = tpu.memref_squeeze %dma_wait3A_215 : memref<1x128xi32, #tpu.memory_space<vmem>> -> memref<128xi32, #tpu.memory_space<vmem>>
      %dma_wait3A_217 = arith.constant 0 : i32
      %dma_wait3A_218 = arith.constant 0 : i32
      %dma_wait3A_219 = tpu.memref_slice %arg2[%dma_wait3A_217, %dma_wait3A_218] : memref<10240x64xf32, #tpu.memory_space<hbm>> -> memref<10240x64xf32, #tpu.memory_space<hbm>>
      tpu.wait_indirect_dma semaphore(%arg13 : memref<!tpu.dma_semaphore, #tpu.memory_space<semaphore_mem>>) src(%dma_wait3A_219 : memref<10240x64xf32, #tpu.memory_space<hbm>>) dst(%dma_wait3A_213 : memref<128x64xf32, #tpu.memory_space<vmem>>)
      %add3A_220 = arith.constant 4 : i32
      %add3A_221 = arith.addi %mul3A_96, %add3A_220 : i32
      %add3A_222 = arith.constant 0 : i32
      %add3A_223 = arith.addi %add3A_221, %add3A_222 : i32
      %dma_start3A_224 = arith.constant 0 : i32
      %dma_start3A_225 = arith.constant 0 : i32
      %dma_start3A_226 = tpu.memref_slice %arg10[%dma_start3A_224, %dma_start3A_225] : memref<512x64xf32, #tpu.memory_space<vmem>> -> memref<128x64xf32, #tpu.memory_space<vmem>>
      %dma_start3A_227 = arith.constant 0 : i32
      %dma_start3A_228 = tpu.memref_slice %arg8[%add3A_223, %dma_start3A_227] : memref<80x128xi32, #tpu.memory_space<vmem>> -> memref<1x128xi32, #tpu.memory_space<vmem>>
      %dma_start3A_229 = tpu.memref_squeeze %dma_start3A_228 : memref<1x128xi32, #tpu.memory_space<vmem>> -> memref<128xi32, #tpu.memory_space<vmem>>
      %dma_start3A_230 = arith.constant 0 : i32
      %dma_start3A_231 = arith.constant 0 : i32
      %dma_start3A_232 = tpu.memref_slice %arg11[%dma_start3A_230, %dma_start3A_231] : memref<10240x64xf32, #tpu.memory_space<vmem_shared>> -> memref<10240x64xf32, #tpu.memory_space<vmem_shared>>
      tpu.enqueue_indirect_dma source(%dma_start3A_226 : memref<128x64xf32, #tpu.memory_space<vmem>>) target(%dma_start3A_232 : memref<10240x64xf32, #tpu.memory_space<vmem_shared>>) offsets(%dma_start3A_229 : memref<128xi32, #tpu.memory_space<vmem>>) semaphore(%arg15 : memref<!tpu.dma_semaphore, #tpu.memory_space<semaphore_mem>>) {add = true}
      %add3A_233 = arith.constant 4 : i32
      %add3A_234 = arith.addi %mul3A_96, %add3A_233 : i32
      %add3A_235 = arith.constant 1 : i32
      %add3A_236 = arith.addi %add3A_234, %add3A_235 : i32
      %dma_start3A_237 = arith.constant 128 : i32
      %dma_start3A_238 = arith.constant 0 : i32
      %dma_start3A_239 = tpu.memref_slice %arg10[%dma_start3A_237, %dma_start3A_238] : memref<512x64xf32, #tpu.memory_space<vmem>> -> memref<128x64xf32, #tpu.memory_space<vmem>>
      %dma_start3A_240 = arith.constant 0 : i32
      %dma_start3A_241 = tpu.memref_slice %arg8[%add3A_236, %dma_start3A_240] : memref<80x128xi32, #tpu.memory_space<vmem>> -> memref<1x128xi32, #tpu.memory_space<vmem>>
      %dma_start3A_242 = tpu.memref_squeeze %dma_start3A_241 : memref<1x128xi32, #tpu.memory_space<vmem>> -> memref<128xi32, #tpu.memory_space<vmem>>
      %dma_start3A_243 = arith.constant 0 : i32
      %dma_start3A_244 = arith.constant 0 : i32
      %dma_start3A_245 = tpu.memref_slice %arg11[%dma_start3A_243, %dma_start3A_244] : memref<10240x64xf32, #tpu.memory_space<vmem_shared>> -> memref<10240x64xf32, #tpu.memory_space<vmem_shared>>
      tpu.enqueue_indirect_dma source(%dma_start3A_239 : memref<128x64xf32, #tpu.memory_space<vmem>>) target(%dma_start3A_245 : memref<10240x64xf32, #tpu.memory_space<vmem_shared>>) offsets(%dma_start3A_242 : memref<128xi32, #tpu.memory_space<vmem>>) semaphore(%arg15 : memref<!tpu.dma_semaphore, #tpu.memory_space<semaphore_mem>>) {add = true}
      %add3A_246 = arith.constant 4 : i32
      %add3A_247 = arith.addi %mul3A_96, %add3A_246 : i32
      %add3A_248 = arith.constant 2 : i32
      %add3A_249 = arith.addi %add3A_247, %add3A_248 : i32
      %dma_start3A_250 = arith.constant 256 : i32
      %dma_start3A_251 = arith.constant 0 : i32
      %dma_start3A_252 = tpu.memref_slice %arg10[%dma_start3A_250, %dma_start3A_251] : memref<512x64xf32, #tpu.memory_space<vmem>> -> memref<128x64xf32, #tpu.memory_space<vmem>>
      %dma_start3A_253 = arith.constant 0 : i32
      %dma_start3A_254 = tpu.memref_slice %arg8[%add3A_249, %dma_start3A_253] : memref<80x128xi32, #tpu.memory_space<vmem>> -> memref<1x128xi32, #tpu.memory_space<vmem>>
      %dma_start3A_255 = tpu.memref_squeeze %dma_start3A_254 : memref<1x128xi32, #tpu.memory_space<vmem>> -> memref<128xi32, #tpu.memory_space<vmem>>
      %dma_start3A_256 = arith.constant 0 : i32
      %dma_start3A_257 = arith.constant 0 : i32
      %dma_start3A_258 = tpu.memref_slice %arg11[%dma_start3A_256, %dma_start3A_257] : memref<10240x64xf32, #tpu.memory_space<vmem_shared>> -> memref<10240x64xf32, #tpu.memory_space<vmem_shared>>
      tpu.enqueue_indirect_dma source(%dma_start3A_252 : memref<128x64xf32, #tpu.memory_space<vmem>>) target(%dma_start3A_258 : memref<10240x64xf32, #tpu.memory_space<vmem_shared>>) offsets(%dma_start3A_255 : memref<128xi32, #tpu.memory_space<vmem>>) semaphore(%arg15 : memref<!tpu.dma_semaphore, #tpu.memory_space<semaphore_mem>>) {add = true}
      %add3A_259 = arith.constant 4 : i32
      %add3A_260 = arith.addi %mul3A_96, %add3A_259 : i32
      %add3A_261 = arith.constant 3 : i32
      %add3A_262 = arith.addi %add3A_260, %add3A_261 : i32
      %dma_start3A_263 = arith.constant 384 : i32
      %dma_start3A_264 = arith.constant 0 : i32
      %dma_start3A_265 = tpu.memref_slice %arg10[%dma_start3A_263, %dma_start3A_264] : memref<512x64xf32, #tpu.memory_space<vmem>> -> memref<128x64xf32, #tpu.memory_space<vmem>>
      %dma_start3A_266 = arith.constant 0 : i32
      %dma_start3A_267 = tpu.memref_slice %arg8[%add3A_262, %dma_start3A_266] : memref<80x128xi32, #tpu.memory_space<vmem>> -> memref<1x128xi32, #tpu.memory_space<vmem>>
      %dma_start3A_268 = tpu.memref_squeeze %dma_start3A_267 : memref<1x128xi32, #tpu.memory_space<vmem>> -> memref<128xi32, #tpu.memory_space<vmem>>
      %dma_start3A_269 = arith.constant 0 : i32
      %dma_start3A_270 = arith.constant 0 : i32
      %dma_start3A_271 = tpu.memref_slice %arg11[%dma_start3A_269, %dma_start3A_270] : memref<10240x64xf32, #tpu.memory_space<vmem_shared>> -> memref<10240x64xf32, #tpu.memory_space<vmem_shared>>
      tpu.enqueue_indirect_dma source(%dma_start3A_265 : memref<128x64xf32, #tpu.memory_space<vmem>>) target(%dma_start3A_271 : memref<10240x64xf32, #tpu.memory_space<vmem_shared>>) offsets(%dma_start3A_268 : memref<128xi32, #tpu.memory_space<vmem>>) semaphore(%arg15 : memref<!tpu.dma_semaphore, #tpu.memory_space<semaphore_mem>>) {add = true}
      %dma_wait3A_272 = arith.constant 0 : i32
      %dma_wait3A_273 = arith.constant 0 : i32
      %dma_wait3A_274 = arith.constant 0 : i32
      %dma_wait3A_275 = tpu.memref_slice %arg9[%dma_wait3A_273, %dma_wait3A_274] : memref<512x64xf32, #tpu.memory_space<vmem>> -> memref<128x64xf32, #tpu.memory_space<vmem>>
      %dma_wait3A_276 = arith.constant 0 : i32
      %dma_wait3A_277 = tpu.memref_slice %arg8[%dma_wait3A_272, %dma_wait3A_276] : memref<80x128xi32, #tpu.memory_space<vmem>> -> memref<1x128xi32, #tpu.memory_space<vmem>>
      %dma_wait3A_278 = tpu.memref_squeeze %dma_wait3A_277 : memref<1x128xi32, #tpu.memory_space<vmem>> -> memref<128xi32, #tpu.memory_space<vmem>>
      %dma_wait3A_279 = arith.constant 0 : i32
      %dma_wait3A_280 = arith.constant 0 : i32
      %dma_wait3A_281 = tpu.memref_slice %arg11[%dma_wait3A_279, %dma_wait3A_280] : memref<10240x64xf32, #tpu.memory_space<vmem_shared>> -> memref<10240x64xf32, #tpu.memory_space<vmem_shared>>
      tpu.wait_indirect_dma semaphore(%arg14 : memref<!tpu.dma_semaphore, #tpu.memory_space<semaphore_mem>>) src(%dma_wait3A_275 : memref<128x64xf32, #tpu.memory_space<vmem>>) dst(%dma_wait3A_281 : memref<10240x64xf32, #tpu.memory_space<vmem_shared>>)
      %dma_wait3A_282 = arith.constant 0 : i32
      %dma_wait3A_283 = arith.constant 128 : i32
      %dma_wait3A_284 = arith.constant 0 : i32
      %dma_wait3A_285 = tpu.memref_slice %arg9[%dma_wait3A_283, %dma_wait3A_284] : memref<512x64xf32, #tpu.memory_space<vmem>> -> memref<128x64xf32, #tpu.memory_space<vmem>>
      %dma_wait3A_286 = arith.constant 0 : i32
      %dma_wait3A_287 = tpu.memref_slice %arg8[%dma_wait3A_282, %dma_wait3A_286] : memref<80x128xi32, #tpu.memory_space<vmem>> -> memref<1x128xi32, #tpu.memory_space<vmem>>
      %dma_wait3A_288 = tpu.memref_squeeze %dma_wait3A_287 : memref<1x128xi32, #tpu.memory_space<vmem>> -> memref<128xi32, #tpu.memory_space<vmem>>
      %dma_wait3A_289 = arith.constant 0 : i32
      %dma_wait3A_290 = arith.constant 0 : i32
      %dma_wait3A_291 = tpu.memref_slice %arg11[%dma_wait3A_289, %dma_wait3A_290] : memref<10240x64xf32, #tpu.memory_space<vmem_shared>> -> memref<10240x64xf32, #tpu.memory_space<vmem_shared>>
      tpu.wait_indirect_dma semaphore(%arg14 : memref<!tpu.dma_semaphore, #tpu.memory_space<semaphore_mem>>) src(%dma_wait3A_285 : memref<128x64xf32, #tpu.memory_space<vmem>>) dst(%dma_wait3A_291 : memref<10240x64xf32, #tpu.memory_space<vmem_shared>>)
      %dma_wait3A_292 = arith.constant 0 : i32
      %dma_wait3A_293 = arith.constant 256 : i32
      %dma_wait3A_294 = arith.constant 0 : i32
      %dma_wait3A_295 = tpu.memref_slice %arg9[%dma_wait3A_293, %dma_wait3A_294] : memref<512x64xf32, #tpu.memory_space<vmem>> -> memref<128x64xf32, #tpu.memory_space<vmem>>
      %dma_wait3A_296 = arith.constant 0 : i32
      %dma_wait3A_297 = tpu.memref_slice %arg8[%dma_wait3A_292, %dma_wait3A_296] : memref<80x128xi32, #tpu.memory_space<vmem>> -> memref<1x128xi32, #tpu.memory_space<vmem>>
      %dma_wait3A_298 = tpu.memref_squeeze %dma_wait3A_297 : memref<1x128xi32, #tpu.memory_space<vmem>> -> memref<128xi32, #tpu.memory_space<vmem>>
      %dma_wait3A_299 = arith.constant 0 : i32
      %dma_wait3A_300 = arith.constant 0 : i32
      %dma_wait3A_301 = tpu.memref_slice %arg11[%dma_wait3A_299, %dma_wait3A_300] : memref<10240x64xf32, #tpu.memory_space<vmem_shared>> -> memref<10240x64xf32, #tpu.memory_space<vmem_shared>>
      tpu.wait_indirect_dma semaphore(%arg14 : memref<!tpu.dma_semaphore, #tpu.memory_space<semaphore_mem>>) src(%dma_wait3A_295 : memref<128x64xf32, #tpu.memory_space<vmem>>) dst(%dma_wait3A_301 : memref<10240x64xf32, #tpu.memory_space<vmem_shared>>)
      %dma_wait3A_302 = arith.constant 0 : i32
      %dma_wait3A_303 = arith.constant 384 : i32
      %dma_wait3A_304 = arith.constant 0 : i32
      %dma_wait3A_305 = tpu.memref_slice %arg9[%dma_wait3A_303, %dma_wait3A_304] : memref<512x64xf32, #tpu.memory_space<vmem>> -> memref<128x64xf32, #tpu.memory_space<vmem>>
      %dma_wait3A_306 = arith.constant 0 : i32
      %dma_wait3A_307 = tpu.memref_slice %arg8[%dma_wait3A_302, %dma_wait3A_306] : memref<80x128xi32, #tpu.memory_space<vmem>> -> memref<1x128xi32, #tpu.memory_space<vmem>>
      %dma_wait3A_308 = tpu.memref_squeeze %dma_wait3A_307 : memref<1x128xi32, #tpu.memory_space<vmem>> -> memref<128xi32, #tpu.memory_space<vmem>>
      %dma_wait3A_309 = arith.constant 0 : i32
      %dma_wait3A_310 = arith.constant 0 : i32
      %dma_wait3A_311 = tpu.memref_slice %arg11[%dma_wait3A_309, %dma_wait3A_310] : memref<10240x64xf32, #tpu.memory_space<vmem_shared>> -> memref<10240x64xf32, #tpu.memory_space<vmem_shared>>
      tpu.wait_indirect_dma semaphore(%arg14 : memref<!tpu.dma_semaphore, #tpu.memory_space<semaphore_mem>>) src(%dma_wait3A_305 : memref<128x64xf32, #tpu.memory_space<vmem>>) dst(%dma_wait3A_311 : memref<10240x64xf32, #tpu.memory_space<vmem_shared>>)
      %add3A_312 = arith.constant 1 : i32
      %add3A_313 = arith.addi %scan3A_94, %add3A_312 : i32
      %lt3A = arith.constant 10 : i32
      %lt3A_314 = arith.cmpi slt, %add3A_313, %lt3A : i32
      %convert_element_type3A = arith.extui %lt3A_314 : i1 to i32
      %cond3A = arith.constant 0 : i32
      %cond3A_315 = arith.cmpi ne, %convert_element_type3A, %cond3A : i32
      scf.if %cond3A_315 {
        %add3A_363 = arith.constant 8 : i32
        %add3A_364 = arith.addi %mul3A_96, %add3A_363 : i32
        %add3A_365 = arith.constant 0 : i32
        %add3A_366 = arith.addi %add3A_364, %add3A_365 : i32
        %dma_start3A_367 = arith.constant 0 : i32
        %dma_start3A_368 = arith.constant 0 : i32
        %dma_start3A_369 = tpu.memref_slice %arg9[%dma_start3A_367, %dma_start3A_368] : memref<512x64xf32, #tpu.memory_space<vmem>> -> memref<128x64xf32, #tpu.memory_space<vmem>>
        %dma_start3A_370 = arith.constant 0 : i32
        %dma_start3A_371 = tpu.memref_slice %arg7[%add3A_366, %dma_start3A_370] : memref<80x128xi32, #tpu.memory_space<vmem>> -> memref<1x128xi32, #tpu.memory_space<vmem>>
        %dma_start3A_372 = tpu.memref_squeeze %dma_start3A_371 : memref<1x128xi32, #tpu.memory_space<vmem>> -> memref<128xi32, #tpu.memory_space<vmem>>
        %dma_start3A_373 = arith.constant 0 : i32
        %dma_start3A_374 = arith.constant 0 : i32
        %dma_start3A_375 = tpu.memref_slice %arg2[%dma_start3A_373, %dma_start3A_374] : memref<10240x64xf32, #tpu.memory_space<hbm>> -> memref<10240x64xf32, #tpu.memory_space<hbm>>
        tpu.enqueue_indirect_dma source(%dma_start3A_375 : memref<10240x64xf32, #tpu.memory_space<hbm>>) target(%dma_start3A_369 : memref<128x64xf32, #tpu.memory_space<vmem>>) offsets(%dma_start3A_372 : memref<128xi32, #tpu.memory_space<vmem>>) semaphore(%arg12 : memref<!tpu.dma_semaphore, #tpu.memory_space<semaphore_mem>>)
        %add3A_376 = arith.constant 8 : i32
        %add3A_377 = arith.addi %mul3A_96, %add3A_376 : i32
        %add3A_378 = arith.constant 1 : i32
        %add3A_379 = arith.addi %add3A_377, %add3A_378 : i32
        %dma_start3A_380 = arith.constant 128 : i32
        %dma_start3A_381 = arith.constant 0 : i32
        %dma_start3A_382 = tpu.memref_slice %arg9[%dma_start3A_380, %dma_start3A_381] : memref<512x64xf32, #tpu.memory_space<vmem>> -> memref<128x64xf32, #tpu.memory_space<vmem>>
        %dma_start3A_383 = arith.constant 0 : i32
        %dma_start3A_384 = tpu.memref_slice %arg7[%add3A_379, %dma_start3A_383] : memref<80x128xi32, #tpu.memory_space<vmem>> -> memref<1x128xi32, #tpu.memory_space<vmem>>
        %dma_start3A_385 = tpu.memref_squeeze %dma_start3A_384 : memref<1x128xi32, #tpu.memory_space<vmem>> -> memref<128xi32, #tpu.memory_space<vmem>>
        %dma_start3A_386 = arith.constant 0 : i32
        %dma_start3A_387 = arith.constant 0 : i32
        %dma_start3A_388 = tpu.memref_slice %arg2[%dma_start3A_386, %dma_start3A_387] : memref<10240x64xf32, #tpu.memory_space<hbm>> -> memref<10240x64xf32, #tpu.memory_space<hbm>>
        tpu.enqueue_indirect_dma source(%dma_start3A_388 : memref<10240x64xf32, #tpu.memory_space<hbm>>) target(%dma_start3A_382 : memref<128x64xf32, #tpu.memory_space<vmem>>) offsets(%dma_start3A_385 : memref<128xi32, #tpu.memory_space<vmem>>) semaphore(%arg12 : memref<!tpu.dma_semaphore, #tpu.memory_space<semaphore_mem>>)
        %add3A_389 = arith.constant 8 : i32
        %add3A_390 = arith.addi %mul3A_96, %add3A_389 : i32
        %add3A_391 = arith.constant 2 : i32
        %add3A_392 = arith.addi %add3A_390, %add3A_391 : i32
        %dma_start3A_393 = arith.constant 256 : i32
        %dma_start3A_394 = arith.constant 0 : i32
        %dma_start3A_395 = tpu.memref_slice %arg9[%dma_start3A_393, %dma_start3A_394] : memref<512x64xf32, #tpu.memory_space<vmem>> -> memref<128x64xf32, #tpu.memory_space<vmem>>
        %dma_start3A_396 = arith.constant 0 : i32
        %dma_start3A_397 = tpu.memref_slice %arg7[%add3A_392, %dma_start3A_396] : memref<80x128xi32, #tpu.memory_space<vmem>> -> memref<1x128xi32, #tpu.memory_space<vmem>>
        %dma_start3A_398 = tpu.memref_squeeze %dma_start3A_397 : memref<1x128xi32, #tpu.memory_space<vmem>> -> memref<128xi32, #tpu.memory_space<vmem>>
        %dma_start3A_399 = arith.constant 0 : i32
        %dma_start3A_400 = arith.constant 0 : i32
        %dma_start3A_401 = tpu.memref_slice %arg2[%dma_start3A_399, %dma_start3A_400] : memref<10240x64xf32, #tpu.memory_space<hbm>> -> memref<10240x64xf32, #tpu.memory_space<hbm>>
        tpu.enqueue_indirect_dma source(%dma_start3A_401 : memref<10240x64xf32, #tpu.memory_space<hbm>>) target(%dma_start3A_395 : memref<128x64xf32, #tpu.memory_space<vmem>>) offsets(%dma_start3A_398 : memref<128xi32, #tpu.memory_space<vmem>>) semaphore(%arg12 : memref<!tpu.dma_semaphore, #tpu.memory_space<semaphore_mem>>)
        %add3A_402 = arith.constant 8 : i32
        %add3A_403 = arith.addi %mul3A_96, %add3A_402 : i32
        %add3A_404 = arith.constant 3 : i32
        %add3A_405 = arith.addi %add3A_403, %add3A_404 : i32
        %dma_start3A_406 = arith.constant 384 : i32
        %dma_start3A_407 = arith.constant 0 : i32
        %dma_start3A_408 = tpu.memref_slice %arg9[%dma_start3A_406, %dma_start3A_407] : memref<512x64xf32, #tpu.memory_space<vmem>> -> memref<128x64xf32, #tpu.memory_space<vmem>>
        %dma_start3A_409 = arith.constant 0 : i32
        %dma_start3A_410 = tpu.memref_slice %arg7[%add3A_405, %dma_start3A_409] : memref<80x128xi32, #tpu.memory_space<vmem>> -> memref<1x128xi32, #tpu.memory_space<vmem>>
        %dma_start3A_411 = tpu.memref_squeeze %dma_start3A_410 : memref<1x128xi32, #tpu.memory_space<vmem>> -> memref<128xi32, #tpu.memory_space<vmem>>
        %dma_start3A_412 = arith.constant 0 : i32
        %dma_start3A_413 = arith.constant 0 : i32
        %dma_start3A_414 = tpu.memref_slice %arg2[%dma_start3A_412, %dma_start3A_413] : memref<10240x64xf32, #tpu.memory_space<hbm>> -> memref<10240x64xf32, #tpu.memory_space<hbm>>
        tpu.enqueue_indirect_dma source(%dma_start3A_414 : memref<10240x64xf32, #tpu.memory_space<hbm>>) target(%dma_start3A_408 : memref<128x64xf32, #tpu.memory_space<vmem>>) offsets(%dma_start3A_411 : memref<128xi32, #tpu.memory_space<vmem>>) semaphore(%arg12 : memref<!tpu.dma_semaphore, #tpu.memory_space<semaphore_mem>>)
      } else {
      }
      %dma_wait3A_316 = arith.constant 0 : i32
      %dma_wait3A_317 = arith.constant 0 : i32
      %dma_wait3A_318 = arith.constant 0 : i32
      %dma_wait3A_319 = tpu.memref_slice %arg10[%dma_wait3A_317, %dma_wait3A_318] : memref<512x64xf32, #tpu.memory_space<vmem>> -> memref<128x64xf32, #tpu.memory_space<vmem>>
      %dma_wait3A_320 = arith.constant 0 : i32
      %dma_wait3A_321 = tpu.memref_slice %arg8[%dma_wait3A_316, %dma_wait3A_320] : memref<80x128xi32, #tpu.memory_space<vmem>> -> memref<1x128xi32, #tpu.memory_space<vmem>>
      %dma_wait3A_322 = tpu.memref_squeeze %dma_wait3A_321 : memref<1x128xi32, #tpu.memory_space<vmem>> -> memref<128xi32, #tpu.memory_space<vmem>>
      %dma_wait3A_323 = arith.constant 0 : i32
      %dma_wait3A_324 = arith.constant 0 : i32
      %dma_wait3A_325 = tpu.memref_slice %arg11[%dma_wait3A_323, %dma_wait3A_324] : memref<10240x64xf32, #tpu.memory_space<vmem_shared>> -> memref<10240x64xf32, #tpu.memory_space<vmem_shared>>
      tpu.wait_indirect_dma semaphore(%arg15 : memref<!tpu.dma_semaphore, #tpu.memory_space<semaphore_mem>>) src(%dma_wait3A_319 : memref<128x64xf32, #tpu.memory_space<vmem>>) dst(%dma_wait3A_325 : memref<10240x64xf32, #tpu.memory_space<vmem_shared>>)
      %dma_wait3A_326 = arith.constant 0 : i32
      %dma_wait3A_327 = arith.constant 128 : i32
      %dma_wait3A_328 = arith.constant 0 : i32
      %dma_wait3A_329 = tpu.memref_slice %arg10[%dma_wait3A_327, %dma_wait3A_328] : memref<512x64xf32, #tpu.memory_space<vmem>> -> memref<128x64xf32, #tpu.memory_space<vmem>>
      %dma_wait3A_330 = arith.constant 0 : i32
      %dma_wait3A_331 = tpu.memref_slice %arg8[%dma_wait3A_326, %dma_wait3A_330] : memref<80x128xi32, #tpu.memory_space<vmem>> -> memref<1x128xi32, #tpu.memory_space<vmem>>
      %dma_wait3A_332 = tpu.memref_squeeze %dma_wait3A_331 : memref<1x128xi32, #tpu.memory_space<vmem>> -> memref<128xi32, #tpu.memory_space<vmem>>
      %dma_wait3A_333 = arith.constant 0 : i32
      %dma_wait3A_334 = arith.constant 0 : i32
      %dma_wait3A_335 = tpu.memref_slice %arg11[%dma_wait3A_333, %dma_wait3A_334] : memref<10240x64xf32, #tpu.memory_space<vmem_shared>> -> memref<10240x64xf32, #tpu.memory_space<vmem_shared>>
      tpu.wait_indirect_dma semaphore(%arg15 : memref<!tpu.dma_semaphore, #tpu.memory_space<semaphore_mem>>) src(%dma_wait3A_329 : memref<128x64xf32, #tpu.memory_space<vmem>>) dst(%dma_wait3A_335 : memref<10240x64xf32, #tpu.memory_space<vmem_shared>>)
      %dma_wait3A_336 = arith.constant 0 : i32
      %dma_wait3A_337 = arith.constant 256 : i32
      %dma_wait3A_338 = arith.constant 0 : i32
      %dma_wait3A_339 = tpu.memref_slice %arg10[%dma_wait3A_337, %dma_wait3A_338] : memref<512x64xf32, #tpu.memory_space<vmem>> -> memref<128x64xf32, #tpu.memory_space<vmem>>
      %dma_wait3A_340 = arith.constant 0 : i32
      %dma_wait3A_341 = tpu.memref_slice %arg8[%dma_wait3A_336, %dma_wait3A_340] : memref<80x128xi32, #tpu.memory_space<vmem>> -> memref<1x128xi32, #tpu.memory_space<vmem>>
      %dma_wait3A_342 = tpu.memref_squeeze %dma_wait3A_341 : memref<1x128xi32, #tpu.memory_space<vmem>> -> memref<128xi32, #tpu.memory_space<vmem>>
      %dma_wait3A_343 = arith.constant 0 : i32
      %dma_wait3A_344 = arith.constant 0 : i32
      %dma_wait3A_345 = tpu.memref_slice %arg11[%dma_wait3A_343, %dma_wait3A_344] : memref<10240x64xf32, #tpu.memory_space<vmem_shared>> -> memref<10240x64xf32, #tpu.memory_space<vmem_shared>>
      tpu.wait_indirect_dma semaphore(%arg15 : memref<!tpu.dma_semaphore, #tpu.memory_space<semaphore_mem>>) src(%dma_wait3A_339 : memref<128x64xf32, #tpu.memory_space<vmem>>) dst(%dma_wait3A_345 : memref<10240x64xf32, #tpu.memory_space<vmem_shared>>)
      %dma_wait3A_346 = arith.constant 0 : i32
      %dma_wait3A_347 = arith.constant 384 : i32
      %dma_wait3A_348 = arith.constant 0 : i32
      %dma_wait3A_349 = tpu.memref_slice %arg10[%dma_wait3A_347, %dma_wait3A_348] : memref<512x64xf32, #tpu.memory_space<vmem>> -> memref<128x64xf32, #tpu.memory_space<vmem>>
      %dma_wait3A_350 = arith.constant 0 : i32
      %dma_wait3A_351 = tpu.memref_slice %arg8[%dma_wait3A_346, %dma_wait3A_350] : memref<80x128xi32, #tpu.memory_space<vmem>> -> memref<1x128xi32, #tpu.memory_space<vmem>>
      %dma_wait3A_352 = tpu.memref_squeeze %dma_wait3A_351 : memref<1x128xi32, #tpu.memory_space<vmem>> -> memref<128xi32, #tpu.memory_space<vmem>>
      %dma_wait3A_353 = arith.constant 0 : i32
      %dma_wait3A_354 = arith.constant 0 : i32
      %dma_wait3A_355 = tpu.memref_slice %arg11[%dma_wait3A_353, %dma_wait3A_354] : memref<10240x64xf32, #tpu.memory_space<vmem_shared>> -> memref<10240x64xf32, #tpu.memory_space<vmem_shared>>
      tpu.wait_indirect_dma semaphore(%arg15 : memref<!tpu.dma_semaphore, #tpu.memory_space<semaphore_mem>>) src(%dma_wait3A_349 : memref<128x64xf32, #tpu.memory_space<vmem>>) dst(%dma_wait3A_355 : memref<10240x64xf32, #tpu.memory_space<vmem_shared>>)
      %add3A_356 = arith.constant 1 : i32
      %add3A_357 = arith.addi %scan3A_94, %add3A_356 : i32
      %lt3A_358 = arith.constant 10 : i32
      %lt3A_359 = arith.cmpi slt, %add3A_357, %lt3A_358 : i32
      %convert_element_type3A_360 = arith.extui %lt3A_359 : i1 to i32
      %cond3A_361 = arith.constant 0 : i32
      %cond3A_362 = arith.cmpi ne, %convert_element_type3A_360, %cond3A_361 : i32
      scf.if %cond3A_362 {
        %add3A_363 = arith.constant 12 : i32
        %add3A_364 = arith.addi %mul3A_96, %add3A_363 : i32
        %add3A_365 = arith.constant 0 : i32
        %add3A_366 = arith.addi %add3A_364, %add3A_365 : i32
        %dma_start3A_367 = arith.constant 0 : i32
        %dma_start3A_368 = arith.constant 0 : i32
        %dma_start3A_369 = tpu.memref_slice %arg10[%dma_start3A_367, %dma_start3A_368] : memref<512x64xf32, #tpu.memory_space<vmem>> -> memref<128x64xf32, #tpu.memory_space<vmem>>
        %dma_start3A_370 = arith.constant 0 : i32
        %dma_start3A_371 = tpu.memref_slice %arg7[%add3A_366, %dma_start3A_370] : memref<80x128xi32, #tpu.memory_space<vmem>> -> memref<1x128xi32, #tpu.memory_space<vmem>>
        %dma_start3A_372 = tpu.memref_squeeze %dma_start3A_371 : memref<1x128xi32, #tpu.memory_space<vmem>> -> memref<128xi32, #tpu.memory_space<vmem>>
        %dma_start3A_373 = arith.constant 0 : i32
        %dma_start3A_374 = arith.constant 0 : i32
        %dma_start3A_375 = tpu.memref_slice %arg2[%dma_start3A_373, %dma_start3A_374] : memref<10240x64xf32, #tpu.memory_space<hbm>> -> memref<10240x64xf32, #tpu.memory_space<hbm>>
        tpu.enqueue_indirect_dma source(%dma_start3A_375 : memref<10240x64xf32, #tpu.memory_space<hbm>>) target(%dma_start3A_369 : memref<128x64xf32, #tpu.memory_space<vmem>>) offsets(%dma_start3A_372 : memref<128xi32, #tpu.memory_space<vmem>>) semaphore(%arg13 : memref<!tpu.dma_semaphore, #tpu.memory_space<semaphore_mem>>)
        %add3A_376 = arith.constant 12 : i32
        %add3A_377 = arith.addi %mul3A_96, %add3A_376 : i32
        %add3A_378 = arith.constant 1 : i32
        %add3A_379 = arith.addi %add3A_377, %add3A_378 : i32
        %dma_start3A_380 = arith.constant 128 : i32
        %dma_start3A_381 = arith.constant 0 : i32
        %dma_start3A_382 = tpu.memref_slice %arg10[%dma_start3A_380, %dma_start3A_381] : memref<512x64xf32, #tpu.memory_space<vmem>> -> memref<128x64xf32, #tpu.memory_space<vmem>>
        %dma_start3A_383 = arith.constant 0 : i32
        %dma_start3A_384 = tpu.memref_slice %arg7[%add3A_379, %dma_start3A_383] : memref<80x128xi32, #tpu.memory_space<vmem>> -> memref<1x128xi32, #tpu.memory_space<vmem>>
        %dma_start3A_385 = tpu.memref_squeeze %dma_start3A_384 : memref<1x128xi32, #tpu.memory_space<vmem>> -> memref<128xi32, #tpu.memory_space<vmem>>
        %dma_start3A_386 = arith.constant 0 : i32
        %dma_start3A_387 = arith.constant 0 : i32
        %dma_start3A_388 = tpu.memref_slice %arg2[%dma_start3A_386, %dma_start3A_387] : memref<10240x64xf32, #tpu.memory_space<hbm>> -> memref<10240x64xf32, #tpu.memory_space<hbm>>
        tpu.enqueue_indirect_dma source(%dma_start3A_388 : memref<10240x64xf32, #tpu.memory_space<hbm>>) target(%dma_start3A_382 : memref<128x64xf32, #tpu.memory_space<vmem>>) offsets(%dma_start3A_385 : memref<128xi32, #tpu.memory_space<vmem>>) semaphore(%arg13 : memref<!tpu.dma_semaphore, #tpu.memory_space<semaphore_mem>>)
        %add3A_389 = arith.constant 12 : i32
        %add3A_390 = arith.addi %mul3A_96, %add3A_389 : i32
        %add3A_391 = arith.constant 2 : i32
        %add3A_392 = arith.addi %add3A_390, %add3A_391 : i32
        %dma_start3A_393 = arith.constant 256 : i32
        %dma_start3A_394 = arith.constant 0 : i32
        %dma_start3A_395 = tpu.memref_slice %arg10[%dma_start3A_393, %dma_start3A_394] : memref<512x64xf32, #tpu.memory_space<vmem>> -> memref<128x64xf32, #tpu.memory_space<vmem>>
        %dma_start3A_396 = arith.constant 0 : i32
        %dma_start3A_397 = tpu.memref_slice %arg7[%add3A_392, %dma_start3A_396] : memref<80x128xi32, #tpu.memory_space<vmem>> -> memref<1x128xi32, #tpu.memory_space<vmem>>
        %dma_start3A_398 = tpu.memref_squeeze %dma_start3A_397 : memref<1x128xi32, #tpu.memory_space<vmem>> -> memref<128xi32, #tpu.memory_space<vmem>>
        %dma_start3A_399 = arith.constant 0 : i32
        %dma_start3A_400 = arith.constant 0 : i32
        %dma_start3A_401 = tpu.memref_slice %arg2[%dma_start3A_399, %dma_start3A_400] : memref<10240x64xf32, #tpu.memory_space<hbm>> -> memref<10240x64xf32, #tpu.memory_space<hbm>>
        tpu.enqueue_indirect_dma source(%dma_start3A_401 : memref<10240x64xf32, #tpu.memory_space<hbm>>) target(%dma_start3A_395 : memref<128x64xf32, #tpu.memory_space<vmem>>) offsets(%dma_start3A_398 : memref<128xi32, #tpu.memory_space<vmem>>) semaphore(%arg13 : memref<!tpu.dma_semaphore, #tpu.memory_space<semaphore_mem>>)
        %add3A_402 = arith.constant 12 : i32
        %add3A_403 = arith.addi %mul3A_96, %add3A_402 : i32
        %add3A_404 = arith.constant 3 : i32
        %add3A_405 = arith.addi %add3A_403, %add3A_404 : i32
        %dma_start3A_406 = arith.constant 384 : i32
        %dma_start3A_407 = arith.constant 0 : i32
        %dma_start3A_408 = tpu.memref_slice %arg10[%dma_start3A_406, %dma_start3A_407] : memref<512x64xf32, #tpu.memory_space<vmem>> -> memref<128x64xf32, #tpu.memory_space<vmem>>
        %dma_start3A_409 = arith.constant 0 : i32
        %dma_start3A_410 = tpu.memref_slice %arg7[%add3A_405, %dma_start3A_409] : memref<80x128xi32, #tpu.memory_space<vmem>> -> memref<1x128xi32, #tpu.memory_space<vmem>>
        %dma_start3A_411 = tpu.memref_squeeze %dma_start3A_410 : memref<1x128xi32, #tpu.memory_space<vmem>> -> memref<128xi32, #tpu.memory_space<vmem>>
        %dma_start3A_412 = arith.constant 0 : i32
        %dma_start3A_413 = arith.constant 0 : i32
        %dma_start3A_414 = tpu.memref_slice %arg2[%dma_start3A_412, %dma_start3A_413] : memref<10240x64xf32, #tpu.memory_space<hbm>> -> memref<10240x64xf32, #tpu.memory_space<hbm>>
        tpu.enqueue_indirect_dma source(%dma_start3A_414 : memref<10240x64xf32, #tpu.memory_space<hbm>>) target(%dma_start3A_408 : memref<128x64xf32, #tpu.memory_space<vmem>>) offsets(%dma_start3A_411 : memref<128xi32, #tpu.memory_space<vmem>>) semaphore(%arg13 : memref<!tpu.dma_semaphore, #tpu.memory_space<semaphore_mem>>)
      } else {
      }
    }
    %scan3A_88 = arith.constant 10 : i32
    %barrier3A_89 = arith.constant 0 : index
    tpu.barrier barrier_id(%barrier3A_89)
    %mul3A_90 = arith.constant 640 : i32
    %mul3A_91 = arith.muli %arg1, %mul3A_90 : i32
    %mul3A_92 = arith.constant 640 : i32
    %mul3A_93 = arith.muli %arg1, %mul3A_92 : i32
    "tpu.region"() ({
      %run_scoped3A = tpu.sem_alloc : memref<!tpu.dma_semaphore, #tpu.memory_space<semaphore_mem>>
      %dma_start3A_94 = arith.constant 0 : i32
      %dma_start3A_95 = tpu.memref_slice %arg6[%arg0, %mul3A_93, %dma_start3A_94] : memref<2x10240x64xf32, #tpu.memory_space<hbm>> -> memref<1x640x64xf32, #tpu.memory_space<hbm>>
      %dma_start3A_96 = tpu.memref_squeeze %dma_start3A_95 : memref<1x640x64xf32, #tpu.memory_space<hbm>> -> memref<640x64xf32, #tpu.memory_space<hbm>>
      %dma_start3A_97 = arith.constant 0 : i32
      %dma_start3A_98 = tpu.memref_slice %arg11[%mul3A_91, %dma_start3A_97] : memref<10240x64xf32, #tpu.memory_space<vmem_shared>> -> memref<640x64xf32, #tpu.memory_space<vmem_shared>>
      tpu.enqueue_dma source(%dma_start3A_98 : memref<640x64xf32, #tpu.memory_space<vmem_shared>>) target(%dma_start3A_96 : memref<640x64xf32, #tpu.memory_space<hbm>>) target_semaphore(%run_scoped3A : memref<!tpu.dma_semaphore, #tpu.memory_space<semaphore_mem>>)
      %dma_wait3A = arith.constant 0 : i32
      %dma_wait3A_99 = tpu.memref_slice %arg6[%arg0, %mul3A_93, %dma_wait3A] : memref<2x10240x64xf32, #tpu.memory_space<hbm>> -> memref<1x640x64xf32, #tpu.memory_space<hbm>>
      %dma_wait3A_100 = tpu.memref_squeeze %dma_wait3A_99 : memref<1x640x64xf32, #tpu.memory_space<hbm>> -> memref<640x64xf32, #tpu.memory_space<hbm>>
      %dma_wait3A_101 = arith.constant 0 : i32
      %dma_wait3A_102 = tpu.memref_slice %arg11[%mul3A_91, %dma_wait3A_101] : memref<10240x64xf32, #tpu.memory_space<vmem_shared>> -> memref<640x64xf32, #tpu.memory_space<vmem_shared>>
      tpu.wait_dma2 semaphore(%run_scoped3A : memref<!tpu.dma_semaphore, #tpu.memory_space<semaphore_mem>>) src(%dma_wait3A_102 : memref<640x64xf32, #tpu.memory_space<vmem_shared>>) dst(%dma_wait3A_100 : memref<640x64xf32, #tpu.memory_space<hbm>>)
      tpu.yield
    }) : () -> ()
    return
  }
}

#map = affine_map<(d0, d1) -> (0, 0)>
#map1 = affine_map<(d0, d1) -> (0, 0, 0)>
module attributes {stable_mosaic.version = 14 : i64} {
  func.func @_scatter_body(%arg0: i32, %arg1: i32, %arg2: memref<10240x64xf32, #tpu.memory_space<hbm>>, %arg3: memref<32x80x128xi32, #tpu.memory_space<hbm>>, %arg4: memref<32x80x128xi32, #tpu.memory_space<hbm>>, %arg5: memref<10240x64xf32, #tpu.memory_space<hbm>>, %arg6: memref<2x10240x64xf32, #tpu.memory_space<hbm>>, %arg7: memref<80x128xi32, #tpu.memory_space<vmem>>, %arg8: memref<80x128xi32, #tpu.memory_space<vmem>>, %arg9: memref<512x64xf32, #tpu.memory_space<vmem>>, %arg10: memref<512x64xf32, #tpu.memory_space<vmem>>, %arg11: memref<10240x64xf32, #tpu.memory_space<vmem_shared>>, %arg12: memref<!tpu.dma_semaphore, #tpu.memory_space<semaphore_mem>>, %arg13: memref<!tpu.dma_semaphore, #tpu.memory_space<semaphore_mem>>, %arg14: memref<!tpu.dma_semaphore, #tpu.memory_space<semaphore_mem>>, %arg15: memref<!tpu.dma_semaphore, #tpu.memory_space<semaphore_mem>>) attributes {dimension_semantics = [#tpu.dimension_semantics<core_parallel>, #tpu.dimension_semantics<subcore_parallel>], iteration_bounds = array<i64: 2, 16>, scalar_prefetch = 0 : i64, scratch_operands = 9 : i64, tpu.core_type = #tpu.core_type<sc_vector_subcore>, window_params = [{transform_indices = #map}, {transform_indices = #map1}, {transform_indices = #map1}, {transform_indices = #map}, {transform_indices = #map1}]} {
    %mul3A = arith.constant 2 : i32
    %mul3A_0 = arith.muli %arg1, %mul3A : i32
    %add3A = arith.addi %mul3A_0, %arg0 : i32
    %mul3A_1 = arith.constant 640 : i32
    %mul3A_2 = arith.muli %arg1, %mul3A_1 : i32
    %mul3A_3 = arith.constant 640 : i32
    %mul3A_4 = arith.muli %arg1, %mul3A_3 : i32
    "tpu.region"() ({
      %run_scoped3A = tpu.sem_alloc : memref<!tpu.dma_semaphore, #tpu.memory_space<semaphore_mem>>
      %dma_start3A_94 = arith.constant 0 : i32
      %dma_start3A_95 = tpu.memref_slice %arg11[%mul3A_4, %dma_start3A_94] : memref<10240x64xf32, #tpu.memory_space<vmem_shared>> -> memref<640x64xf32, #tpu.memory_space<vmem_shared>>
      %dma_start3A_96 = arith.constant 0 : i32
      %dma_start3A_97 = tpu.memref_slice %arg5[%mul3A_2, %dma_start3A_96] : memref<10240x64xf32, #tpu.memory_space<hbm>> -> memref<640x64xf32, #tpu.memory_space<hbm>>
      tpu.enqueue_dma source(%dma_start3A_97 : memref<640x64xf32, #tpu.memory_space<hbm>>) target(%dma_start3A_95 : memref<640x64xf32, #tpu.memory_space<vmem_shared>>) target_semaphore(%run_scoped3A : memref<!tpu.dma_semaphore, #tpu.memory_space<semaphore_mem>>)
      %dma_wait3A = arith.constant 0 : i32
      %dma_wait3A_98 = tpu.memref_slice %arg11[%mul3A_4, %dma_wait3A] : memref<10240x64xf32, #tpu.memory_space<vmem_shared>> -> memref<640x64xf32, #tpu.memory_space<vmem_shared>>
      %dma_wait3A_99 = arith.constant 0 : i32
      %dma_wait3A_100 = tpu.memref_slice %arg5[%mul3A_2, %dma_wait3A_99] : memref<10240x64xf32, #tpu.memory_space<hbm>> -> memref<640x64xf32, #tpu.memory_space<hbm>>
      tpu.wait_dma2 semaphore(%run_scoped3A : memref<!tpu.dma_semaphore, #tpu.memory_space<semaphore_mem>>) src(%dma_wait3A_100 : memref<640x64xf32, #tpu.memory_space<hbm>>) dst(%dma_wait3A_98 : memref<640x64xf32, #tpu.memory_space<vmem_shared>>)
      tpu.yield
    }) : () -> ()
    "tpu.region"() ({
      %run_scoped3A = tpu.sem_alloc : memref<!tpu.dma_semaphore, #tpu.memory_space<semaphore_mem>>
      %dma_start3A_94 = arith.constant 0 : i32
      %dma_start3A_95 = arith.constant 0 : i32
      %dma_start3A_96 = tpu.memref_slice %arg3[%add3A, %dma_start3A_94, %dma_start3A_95] : memref<32x80x128xi32, #tpu.memory_space<hbm>> -> memref<1x80x128xi32, #tpu.memory_space<hbm>>
      %dma_start3A_97 = tpu.memref_squeeze %dma_start3A_96 : memref<1x80x128xi32, #tpu.memory_space<hbm>> -> memref<80x128xi32, #tpu.memory_space<hbm>>
      %dma_start3A_98 = arith.constant 0 : i32
      %dma_start3A_99 = arith.constant 0 : i32
      %dma_start3A_100 = tpu.memref_slice %arg3[%add3A, %dma_start3A_98, %dma_start3A_99] : memref<32x80x128xi32, #tpu.memory_space<hbm>> -> memref<1x80x128xi32, #tpu.memory_space<hbm>>
      %dma_start3A_101 = tpu.memref_squeeze %dma_start3A_100 : memref<1x80x128xi32, #tpu.memory_space<hbm>> -> memref<80x128xi32, #tpu.memory_space<hbm>>
      tpu.enqueue_dma source(%dma_start3A_101 : memref<80x128xi32, #tpu.memory_space<hbm>>) target(%arg7 : memref<80x128xi32, #tpu.memory_space<vmem>>) target_semaphore(%run_scoped3A : memref<!tpu.dma_semaphore, #tpu.memory_space<semaphore_mem>>)
      %dma_wait3A = arith.constant 0 : i32
      %dma_wait3A_102 = arith.constant 0 : i32
      %dma_wait3A_103 = tpu.memref_slice %arg3[%add3A, %dma_wait3A, %dma_wait3A_102] : memref<32x80x128xi32, #tpu.memory_space<hbm>> -> memref<1x80x128xi32, #tpu.memory_space<hbm>>
      %dma_wait3A_104 = tpu.memref_squeeze %dma_wait3A_103 : memref<1x80x128xi32, #tpu.memory_space<hbm>> -> memref<80x128xi32, #tpu.memory_space<hbm>>
      %dma_wait3A_105 = arith.constant 0 : i32
      %dma_wait3A_106 = arith.constant 0 : i32
      %dma_wait3A_107 = tpu.memref_slice %arg3[%add3A, %dma_wait3A_105, %dma_wait3A_106] : memref<32x80x128xi32, #tpu.memory_space<hbm>> -> memref<1x80x128xi32, #tpu.memory_space<hbm>>
      %dma_wait3A_108 = tpu.memref_squeeze %dma_wait3A_107 : memref<1x80x128xi32, #tpu.memory_space<hbm>> -> memref<80x128xi32, #tpu.memory_space<hbm>>
      tpu.wait_dma2 semaphore(%run_scoped3A : memref<!tpu.dma_semaphore, #tpu.memory_space<semaphore_mem>>) src(%dma_wait3A_108 : memref<80x128xi32, #tpu.memory_space<hbm>>) dst(%arg7 : memref<80x128xi32, #tpu.memory_space<vmem>>)
      tpu.yield
    }) : () -> ()
    "tpu.region"() ({
      %run_scoped3A = tpu.sem_alloc : memref<!tpu.dma_semaphore, #tpu.memory_space<semaphore_mem>>
      %dma_start3A_94 = arith.constant 0 : i32
      %dma_start3A_95 = arith.constant 0 : i32
      %dma_start3A_96 = tpu.memref_slice %arg4[%add3A, %dma_start3A_94, %dma_start3A_95] : memref<32x80x128xi32, #tpu.memory_space<hbm>> -> memref<1x80x128xi32, #tpu.memory_space<hbm>>
      %dma_start3A_97 = tpu.memref_squeeze %dma_start3A_96 : memref<1x80x128xi32, #tpu.memory_space<hbm>> -> memref<80x128xi32, #tpu.memory_space<hbm>>
      %dma_start3A_98 = arith.constant 0 : i32
      %dma_start3A_99 = arith.constant 0 : i32
      %dma_start3A_100 = tpu.memref_slice %arg4[%add3A, %dma_start3A_98, %dma_start3A_99] : memref<32x80x128xi32, #tpu.memory_space<hbm>> -> memref<1x80x128xi32, #tpu.memory_space<hbm>>
      %dma_start3A_101 = tpu.memref_squeeze %dma_start3A_100 : memref<1x80x128xi32, #tpu.memory_space<hbm>> -> memref<80x128xi32, #tpu.memory_space<hbm>>
      tpu.enqueue_dma source(%dma_start3A_101 : memref<80x128xi32, #tpu.memory_space<hbm>>) target(%arg8 : memref<80x128xi32, #tpu.memory_space<vmem>>) target_semaphore(%run_scoped3A : memref<!tpu.dma_semaphore, #tpu.memory_space<semaphore_mem>>)
      %dma_wait3A = arith.constant 0 : i32
      %dma_wait3A_102 = arith.constant 0 : i32
      %dma_wait3A_103 = tpu.memref_slice %arg4[%add3A, %dma_wait3A, %dma_wait3A_102] : memref<32x80x128xi32, #tpu.memory_space<hbm>> -> memref<1x80x128xi32, #tpu.memory_space<hbm>>
      %dma_wait3A_104 = tpu.memref_squeeze %dma_wait3A_103 : memref<1x80x128xi32, #tpu.memory_space<hbm>> -> memref<80x128xi32, #tpu.memory_space<hbm>>
      %dma_wait3A_105 = arith.constant 0 : i32
      %dma_wait3A_106 = arith.constant 0 : i32
      %dma_wait3A_107 = tpu.memref_slice %arg4[%add3A, %dma_wait3A_105, %dma_wait3A_106] : memref<32x80x128xi32, #tpu.memory_space<hbm>> -> memref<1x80x128xi32, #tpu.memory_space<hbm>>
      %dma_wait3A_108 = tpu.memref_squeeze %dma_wait3A_107 : memref<1x80x128xi32, #tpu.memory_space<hbm>> -> memref<80x128xi32, #tpu.memory_space<hbm>>
      tpu.wait_dma2 semaphore(%run_scoped3A : memref<!tpu.dma_semaphore, #tpu.memory_space<semaphore_mem>>) src(%dma_wait3A_108 : memref<80x128xi32, #tpu.memory_space<hbm>>) dst(%arg8 : memref<80x128xi32, #tpu.memory_space<vmem>>)
      tpu.yield
    }) : () -> ()
    %barrier3A = arith.constant 0 : index
    tpu.barrier barrier_id(%barrier3A)
    %dma_start3A = arith.constant 0 : i32
    %dma_start3A_5 = arith.constant 0 : i32
    %dma_start3A_6 = arith.constant 0 : i32
    %dma_start3A_7 = tpu.memref_slice %arg9[%dma_start3A_5, %dma_start3A_6] : memref<512x64xf32, #tpu.memory_space<vmem>> -> memref<128x64xf32, #tpu.memory_space<vmem>>
    %dma_start3A_8 = arith.constant 0 : i32
    %dma_start3A_9 = tpu.memref_slice %arg7[%dma_start3A, %dma_start3A_8] : memref<80x128xi32, #tpu.memory_space<vmem>> -> memref<1x128xi32, #tpu.memory_space<vmem>>
    %dma_start3A_10 = tpu.memref_squeeze %dma_start3A_9 : memref<1x128xi32, #tpu.memory_space<vmem>> -> memref<128xi32, #tpu.memory_space<vmem>>
    %dma_start3A_11 = arith.constant 0 : i32
    %dma_start3A_12 = arith.constant 0 : i32
    %dma_start3A_13 = tpu.memref_slice %arg2[%dma_start3A_11, %dma_start3A_12] : memref<10240x64xf32, #tpu.memory_space<hbm>> -> memref<10240x64xf32, #tpu.memory_space<hbm>>
    tpu.enqueue_indirect_dma source(%dma_start3A_13 : memref<10240x64xf32, #tpu.memory_space<hbm>>) target(%dma_start3A_7 : memref<128x64xf32, #tpu.memory_space<vmem>>) offsets(%dma_start3A_10 : memref<128xi32, #tpu.memory_space<vmem>>) semaphore(%arg12 : memref<!tpu.dma_semaphore, #tpu.memory_space<semaphore_mem>>)
    %dma_start3A_14 = arith.constant 4 : i32
    %dma_start3A_15 = arith.constant 0 : i32
    %dma_start3A_16 = arith.constant 0 : i32
    %dma_start3A_17 = tpu.memref_slice %arg10[%dma_start3A_15, %dma_start3A_16] : memref<512x64xf32, #tpu.memory_space<vmem>> -> memref<128x64xf32, #tpu.memory_space<vmem>>
    %dma_start3A_18 = arith.constant 0 : i32
    %dma_start3A_19 = tpu.memref_slice %arg7[%dma_start3A_14, %dma_start3A_18] : memref<80x128xi32, #tpu.memory_space<vmem>> -> memref<1x128xi32, #tpu.memory_space<vmem>>
    %dma_start3A_20 = tpu.memref_squeeze %dma_start3A_19 : memref<1x128xi32, #tpu.memory_space<vmem>> -> memref<128xi32, #tpu.memory_space<vmem>>
    %dma_start3A_21 = arith.constant 0 : i32
    %dma_start3A_22 = arith.constant 0 : i32
    %dma_start3A_23 = tpu.memref_slice %arg2[%dma_start3A_21, %dma_start3A_22] : memref<10240x64xf32, #tpu.memory_space<hbm>> -> memref<10240x64xf32, #tpu.memory_space<hbm>>
    tpu.enqueue_indirect_dma source(%dma_start3A_23 : memref<10240x64xf32, #tpu.memory_space<hbm>>) target(%dma_start3A_17 : memref<128x64xf32, #tpu.memory_space<vmem>>) offsets(%dma_start3A_20 : memref<128xi32, #tpu.memory_space<vmem>>) semaphore(%arg13 : memref<!tpu.dma_semaphore, #tpu.memory_space<semaphore_mem>>)
    %dma_start3A_24 = arith.constant 1 : i32
    %dma_start3A_25 = arith.constant 128 : i32
    %dma_start3A_26 = arith.constant 0 : i32
    %dma_start3A_27 = tpu.memref_slice %arg9[%dma_start3A_25, %dma_start3A_26] : memref<512x64xf32, #tpu.memory_space<vmem>> -> memref<128x64xf32, #tpu.memory_space<vmem>>
    %dma_start3A_28 = arith.constant 0 : i32
    %dma_start3A_29 = tpu.memref_slice %arg7[%dma_start3A_24, %dma_start3A_28] : memref<80x128xi32, #tpu.memory_space<vmem>> -> memref<1x128xi32, #tpu.memory_space<vmem>>
    %dma_start3A_30 = tpu.memref_squeeze %dma_start3A_29 : memref<1x128xi32, #tpu.memory_space<vmem>> -> memref<128xi32, #tpu.memory_space<vmem>>
    %dma_start3A_31 = arith.constant 0 : i32
    %dma_start3A_32 = arith.constant 0 : i32
    %dma_start3A_33 = tpu.memref_slice %arg2[%dma_start3A_31, %dma_start3A_32] : memref<10240x64xf32, #tpu.memory_space<hbm>> -> memref<10240x64xf32, #tpu.memory_space<hbm>>
    tpu.enqueue_indirect_dma source(%dma_start3A_33 : memref<10240x64xf32, #tpu.memory_space<hbm>>) target(%dma_start3A_27 : memref<128x64xf32, #tpu.memory_space<vmem>>) offsets(%dma_start3A_30 : memref<128xi32, #tpu.memory_space<vmem>>) semaphore(%arg12 : memref<!tpu.dma_semaphore, #tpu.memory_space<semaphore_mem>>)
    %dma_start3A_34 = arith.constant 5 : i32
    %dma_start3A_35 = arith.constant 128 : i32
    %dma_start3A_36 = arith.constant 0 : i32
    %dma_start3A_37 = tpu.memref_slice %arg10[%dma_start3A_35, %dma_start3A_36] : memref<512x64xf32, #tpu.memory_space<vmem>> -> memref<128x64xf32, #tpu.memory_space<vmem>>
    %dma_start3A_38 = arith.constant 0 : i32
    %dma_start3A_39 = tpu.memref_slice %arg7[%dma_start3A_34, %dma_start3A_38] : memref<80x128xi32, #tpu.memory_space<vmem>> -> memref<1x128xi32, #tpu.memory_space<vmem>>
    %dma_start3A_40 = tpu.memref_squeeze %dma_start3A_39 : memref<1x128xi32, #tpu.memory_space<vmem>> -> memref<128xi32, #tpu.memory_space<vmem>>
    %dma_start3A_41 = arith.constant 0 : i32
    %dma_start3A_42 = arith.constant 0 : i32
    %dma_start3A_43 = tpu.memref_slice %arg2[%dma_start3A_41, %dma_start3A_42] : memref<10240x64xf32, #tpu.memory_space<hbm>> -> memref<10240x64xf32, #tpu.memory_space<hbm>>
    tpu.enqueue_indirect_dma source(%dma_start3A_43 : memref<10240x64xf32, #tpu.memory_space<hbm>>) target(%dma_start3A_37 : memref<128x64xf32, #tpu.memory_space<vmem>>) offsets(%dma_start3A_40 : memref<128xi32, #tpu.memory_space<vmem>>) semaphore(%arg13 : memref<!tpu.dma_semaphore, #tpu.memory_space<semaphore_mem>>)
    %dma_start3A_44 = arith.constant 2 : i32
    %dma_start3A_45 = arith.constant 256 : i32
    %dma_start3A_46 = arith.constant 0 : i32
    %dma_start3A_47 = tpu.memref_slice %arg9[%dma_start3A_45, %dma_start3A_46] : memref<512x64xf32, #tpu.memory_space<vmem>> -> memref<128x64xf32, #tpu.memory_space<vmem>>
    %dma_start3A_48 = arith.constant 0 : i32
    %dma_start3A_49 = tpu.memref_slice %arg7[%dma_start3A_44, %dma_start3A_48] : memref<80x128xi32, #tpu.memory_space<vmem>> -> memref<1x128xi32, #tpu.memory_space<vmem>>
    %dma_start3A_50 = tpu.memref_squeeze %dma_start3A_49 : memref<1x128xi32, #tpu.memory_space<vmem>> -> memref<128xi32, #tpu.memory_space<vmem>>
    %dma_start3A_51 = arith.constant 0 : i32
    %dma_start3A_52 = arith.constant 0 : i32
    %dma_start3A_53 = tpu.memref_slice %arg2[%dma_start3A_51, %dma_start3A_52] : memref<10240x64xf32, #tpu.memory_space<hbm>> -> memref<10240x64xf32, #tpu.memory_space<hbm>>
    tpu.enqueue_indirect_dma source(%dma_start3A_53 : memref<10240x64xf32, #tpu.memory_space<hbm>>) target(%dma_start3A_47 : memref<128x64xf32, #tpu.memory_space<vmem>>) offsets(%dma_start3A_50 : memref<128xi32, #tpu.memory_space<vmem>>) semaphore(%arg12 : memref<!tpu.dma_semaphore, #tpu.memory_space<semaphore_mem>>)
    %dma_start3A_54 = arith.constant 6 : i32
    %dma_start3A_55 = arith.constant 256 : i32
    %dma_start3A_56 = arith.constant 0 : i32
    %dma_start3A_57 = tpu.memref_slice %arg10[%dma_start3A_55, %dma_start3A_56] : memref<512x64xf32, #tpu.memory_space<vmem>> -> memref<128x64xf32, #tpu.memory_space<vmem>>
    %dma_start3A_58 = arith.constant 0 : i32
    %dma_start3A_59 = tpu.memref_slice %arg7[%dma_start3A_54, %dma_start3A_58] : memref<80x128xi32, #tpu.memory_space<vmem>> -> memref<1x128xi32, #tpu.memory_space<vmem>>
    %dma_start3A_60 = tpu.memref_squeeze %dma_start3A_59 : memref<1x128xi32, #tpu.memory_space<vmem>> -> memref<128xi32, #tpu.memory_space<vmem>>
    %dma_start3A_61 = arith.constant 0 : i32
    %dma_start3A_62 = arith.constant 0 : i32
    %dma_start3A_63 = tpu.memref_slice %arg2[%dma_start3A_61, %dma_start3A_62] : memref<10240x64xf32, #tpu.memory_space<hbm>> -> memref<10240x64xf32, #tpu.memory_space<hbm>>
    tpu.enqueue_indirect_dma source(%dma_start3A_63 : memref<10240x64xf32, #tpu.memory_space<hbm>>) target(%dma_start3A_57 : memref<128x64xf32, #tpu.memory_space<vmem>>) offsets(%dma_start3A_60 : memref<128xi32, #tpu.memory_space<vmem>>) semaphore(%arg13 : memref<!tpu.dma_semaphore, #tpu.memory_space<semaphore_mem>>)
    %dma_start3A_64 = arith.constant 3 : i32
    %dma_start3A_65 = arith.constant 384 : i32
    %dma_start3A_66 = arith.constant 0 : i32
    %dma_start3A_67 = tpu.memref_slice %arg9[%dma_start3A_65, %dma_start3A_66] : memref<512x64xf32, #tpu.memory_space<vmem>> -> memref<128x64xf32, #tpu.memory_space<vmem>>
    %dma_start3A_68 = arith.constant 0 : i32
    %dma_start3A_69 = tpu.memref_slice %arg7[%dma_start3A_64, %dma_start3A_68] : memref<80x128xi32, #tpu.memory_space<vmem>> -> memref<1x128xi32, #tpu.memory_space<vmem>>
    %dma_start3A_70 = tpu.memref_squeeze %dma_start3A_69 : memref<1x128xi32, #tpu.memory_space<vmem>> -> memref<128xi32, #tpu.memory_space<vmem>>
    %dma_start3A_71 = arith.constant 0 : i32
    %dma_start3A_72 = arith.constant 0 : i32
    %dma_start3A_73 = tpu.memref_slice %arg2[%dma_start3A_71, %dma_start3A_72] : memref<10240x64xf32, #tpu.memory_space<hbm>> -> memref<10240x64xf32, #tpu.memory_space<hbm>>
    tpu.enqueue_indirect_dma source(%dma_start3A_73 : memref<10240x64xf32, #tpu.memory_space<hbm>>) target(%dma_start3A_67 : memref<128x64xf32, #tpu.memory_space<vmem>>) offsets(%dma_start3A_70 : memref<128xi32, #tpu.memory_space<vmem>>) semaphore(%arg12 : memref<!tpu.dma_semaphore, #tpu.memory_space<semaphore_mem>>)
    %dma_start3A_74 = arith.constant 7 : i32
    %dma_start3A_75 = arith.constant 384 : i32
    %dma_start3A_76 = arith.constant 0 : i32
    %dma_start3A_77 = tpu.memref_slice %arg10[%dma_start3A_75, %dma_start3A_76] : memref<512x64xf32, #tpu.memory_space<vmem>> -> memref<128x64xf32, #tpu.memory_space<vmem>>
    %dma_start3A_78 = arith.constant 0 : i32
    %dma_start3A_79 = tpu.memref_slice %arg7[%dma_start3A_74, %dma_start3A_78] : memref<80x128xi32, #tpu.memory_space<vmem>> -> memref<1x128xi32, #tpu.memory_space<vmem>>
    %dma_start3A_80 = tpu.memref_squeeze %dma_start3A_79 : memref<1x128xi32, #tpu.memory_space<vmem>> -> memref<128xi32, #tpu.memory_space<vmem>>
    %dma_start3A_81 = arith.constant 0 : i32
    %dma_start3A_82 = arith.constant 0 : i32
    %dma_start3A_83 = tpu.memref_slice %arg2[%dma_start3A_81, %dma_start3A_82] : memref<10240x64xf32, #tpu.memory_space<hbm>> -> memref<10240x64xf32, #tpu.memory_space<hbm>>
    tpu.enqueue_indirect_dma source(%dma_start3A_83 : memref<10240x64xf32, #tpu.memory_space<hbm>>) target(%dma_start3A_77 : memref<128x64xf32, #tpu.memory_space<vmem>>) offsets(%dma_start3A_80 : memref<128xi32, #tpu.memory_space<vmem>>) semaphore(%arg13 : memref<!tpu.dma_semaphore, #tpu.memory_space<semaphore_mem>>)
    %scan3A = arith.constant 0 : i32
    %scan3A_84 = arith.constant 0 : i32
    %scan3A_85 = arith.constant 10 : i32
    %scan3A_86 = arith.addi %scan3A_84, %scan3A_85 : i32
    %scan3A_87 = arith.constant 1 : i32
    scf.for %scan3A_94 = %scan3A_84 to %scan3A_86 step %scan3A_87  : i32 {
      %mul3A_95 = arith.constant 8 : i32
      %mul3A_96 = arith.muli %scan3A_94, %mul3A_95 : i32
      %dma_wait3A = arith.constant 0 : i32
      %dma_wait3A_97 = arith.constant 0 : i32
      %dma_wait3A_98 = arith.constant 0 : i32
      %dma_wait3A_99 = tpu.memref_slice %arg9[%dma_wait3A_97, %dma_wait3A_98] : memref<512x64xf32, #tpu.memory_space<vmem>> -> memref<128x64xf32, #tpu.memory_space<vmem>>
      %dma_wait3A_100 = arith.constant 0 : i32
      %dma_wait3A_101 = tpu.memref_slice %arg7[%dma_wait3A, %dma_wait3A_100] : memref<80x128xi32, #tpu.memory_space<vmem>> -> memref<1x128xi32, #tpu.memory_space<vmem>>
      %dma_wait3A_102 = tpu.memref_squeeze %dma_wait3A_101 : memref<1x128xi32, #tpu.memory_space<vmem>> -> memref<128xi32, #tpu.memory_space<vmem>>
      %dma_wait3A_103 = arith.constant 0 : i32
      %dma_wait3A_104 = arith.constant 0 : i32
      %dma_wait3A_105 = tpu.memref_slice %arg2[%dma_wait3A_103, %dma_wait3A_104] : memref<10240x64xf32, #tpu.memory_space<hbm>> -> memref<10240x64xf32, #tpu.memory_space<hbm>>
      tpu.wait_indirect_dma semaphore(%arg12 : memref<!tpu.dma_semaphore, #tpu.memory_space<semaphore_mem>>) src(%dma_wait3A_105 : memref<10240x64xf32, #tpu.memory_space<hbm>>) dst(%dma_wait3A_99 : memref<128x64xf32, #tpu.memory_space<vmem>>)
      %dma_wait3A_106 = arith.constant 0 : i32
      %dma_wait3A_107 = arith.constant 128 : i32
      %dma_wait3A_108 = arith.constant 0 : i32
      %dma_wait3A_109 = tpu.memref_slice %arg9[%dma_wait3A_107, %dma_wait3A_108] : memref<512x64xf32, #tpu.memory_space<vmem>> -> memref<128x64xf32, #tpu.memory_space<vmem>>
      %dma_wait3A_110 = arith.constant 0 : i32
      %dma_wait3A_111 = tpu.memref_slice %arg7[%dma_wait3A_106, %dma_wait3A_110] : memref<80x128xi32, #tpu.memory_space<vmem>> -> memref<1x128xi32, #tpu.memory_space<vmem>>
      %dma_wait3A_112 = tpu.memref_squeeze %dma_wait3A_111 : memref<1x128xi32, #tpu.memory_space<vmem>> -> memref<128xi32, #tpu.memory_space<vmem>>
      %dma_wait3A_113 = arith.constant 0 : i32
      %dma_wait3A_114 = arith.constant 0 : i32
      %dma_wait3A_115 = tpu.memref_slice %arg2[%dma_wait3A_113, %dma_wait3A_114] : memref<10240x64xf32, #tpu.memory_space<hbm>> -> memref<10240x64xf32, #tpu.memory_space<hbm>>
      tpu.wait_indirect_dma semaphore(%arg12 : memref<!tpu.dma_semaphore, #tpu.memory_space<semaphore_mem>>) src(%dma_wait3A_115 : memref<10240x64xf32, #tpu.memory_space<hbm>>) dst(%dma_wait3A_109 : memref<128x64xf32, #tpu.memory_space<vmem>>)
      %dma_wait3A_116 = arith.constant 0 : i32
      %dma_wait3A_117 = arith.constant 256 : i32
      %dma_wait3A_118 = arith.constant 0 : i32
      %dma_wait3A_119 = tpu.memref_slice %arg9[%dma_wait3A_117, %dma_wait3A_118] : memref<512x64xf32, #tpu.memory_space<vmem>> -> memref<128x64xf32, #tpu.memory_space<vmem>>
      %dma_wait3A_120 = arith.constant 0 : i32
      %dma_wait3A_121 = tpu.memref_slice %arg7[%dma_wait3A_116, %dma_wait3A_120] : memref<80x128xi32, #tpu.memory_space<vmem>> -> memref<1x128xi32, #tpu.memory_space<vmem>>
      %dma_wait3A_122 = tpu.memref_squeeze %dma_wait3A_121 : memref<1x128xi32, #tpu.memory_space<vmem>> -> memref<128xi32, #tpu.memory_space<vmem>>
      %dma_wait3A_123 = arith.constant 0 : i32
      %dma_wait3A_124 = arith.constant 0 : i32
      %dma_wait3A_125 = tpu.memref_slice %arg2[%dma_wait3A_123, %dma_wait3A_124] : memref<10240x64xf32, #tpu.memory_space<hbm>> -> memref<10240x64xf32, #tpu.memory_space<hbm>>
      tpu.wait_indirect_dma semaphore(%arg12 : memref<!tpu.dma_semaphore, #tpu.memory_space<semaphore_mem>>) src(%dma_wait3A_125 : memref<10240x64xf32, #tpu.memory_space<hbm>>) dst(%dma_wait3A_119 : memref<128x64xf32, #tpu.memory_space<vmem>>)
      %dma_wait3A_126 = arith.constant 0 : i32
      %dma_wait3A_127 = arith.constant 384 : i32
      %dma_wait3A_128 = arith.constant 0 : i32
      %dma_wait3A_129 = tpu.memref_slice %arg9[%dma_wait3A_127, %dma_wait3A_128] : memref<512x64xf32, #tpu.memory_space<vmem>> -> memref<128x64xf32, #tpu.memory_space<vmem>>
      %dma_wait3A_130 = arith.constant 0 : i32
      %dma_wait3A_131 = tpu.memref_slice %arg7[%dma_wait3A_126, %dma_wait3A_130] : memref<80x128xi32, #tpu.memory_space<vmem>> -> memref<1x128xi32, #tpu.memory_space<vmem>>
      %dma_wait3A_132 = tpu.memref_squeeze %dma_wait3A_131 : memref<1x128xi32, #tpu.memory_space<vmem>> -> memref<128xi32, #tpu.memory_space<vmem>>
      %dma_wait3A_133 = arith.constant 0 : i32
      %dma_wait3A_134 = arith.constant 0 : i32
      %dma_wait3A_135 = tpu.memref_slice %arg2[%dma_wait3A_133, %dma_wait3A_134] : memref<10240x64xf32, #tpu.memory_space<hbm>> -> memref<10240x64xf32, #tpu.memory_space<hbm>>
      tpu.wait_indirect_dma semaphore(%arg12 : memref<!tpu.dma_semaphore, #tpu.memory_space<semaphore_mem>>) src(%dma_wait3A_135 : memref<10240x64xf32, #tpu.memory_space<hbm>>) dst(%dma_wait3A_129 : memref<128x64xf32, #tpu.memory_space<vmem>>)
      %add3A_136 = arith.constant 0 : i32
      %add3A_137 = arith.addi %mul3A_96, %add3A_136 : i32
      %dma_start3A_138 = arith.constant 0 : i32
      %dma_start3A_139 = arith.constant 0 : i32
      %dma_start3A_140 = tpu.memref_slice %arg9[%dma_start3A_138, %dma_start3A_139] : memref<512x64xf32, #tpu.memory_space<vmem>> -> memref<128x64xf32, #tpu.memory_space<vmem>>
      %dma_start3A_141 = arith.constant 0 : i32
      %dma_start3A_142 = tpu.memref_slice %arg8[%add3A_137, %dma_start3A_141] : memref<80x128xi32, #tpu.memory_space<vmem>> -> memref<1x128xi32, #tpu.memory_space<vmem>>
      %dma_start3A_143 = tpu.memref_squeeze %dma_start3A_142 : memref<1x128xi32, #tpu.memory_space<vmem>> -> memref<128xi32, #tpu.memory_space<vmem>>
      %dma_start3A_144 = arith.constant 0 : i32
      %dma_start3A_145 = arith.constant 0 : i32
      %dma_start3A_146 = tpu.memref_slice %arg11[%dma_start3A_144, %dma_start3A_145] : memref<10240x64xf32, #tpu.memory_space<vmem_shared>> -> memref<10240x64xf32, #tpu.memory_space<vmem_shared>>
      tpu.enqueue_indirect_dma source(%dma_start3A_140 : memref<128x64xf32, #tpu.memory_space<vmem>>) target(%dma_start3A_146 : memref<10240x64xf32, #tpu.memory_space<vmem_shared>>) offsets(%dma_start3A_143 : memref<128xi32, #tpu.memory_space<vmem>>) semaphore(%arg14 : memref<!tpu.dma_semaphore, #tpu.memory_space<semaphore_mem>>) {add = true}
      %add3A_147 = arith.constant 1 : i32
      %add3A_148 = arith.addi %mul3A_96, %add3A_147 : i32
      %dma_start3A_149 = arith.constant 128 : i32
      %dma_start3A_150 = arith.constant 0 : i32
      %dma_start3A_151 = tpu.memref_slice %arg9[%dma_start3A_149, %dma_start3A_150] : memref<512x64xf32, #tpu.memory_space<vmem>> -> memref<128x64xf32, #tpu.memory_space<vmem>>
      %dma_start3A_152 = arith.constant 0 : i32
      %dma_start3A_153 = tpu.memref_slice %arg8[%add3A_148, %dma_start3A_152] : memref<80x128xi32, #tpu.memory_space<vmem>> -> memref<1x128xi32, #tpu.memory_space<vmem>>
      %dma_start3A_154 = tpu.memref_squeeze %dma_start3A_153 : memref<1x128xi32, #tpu.memory_space<vmem>> -> memref<128xi32, #tpu.memory_space<vmem>>
      %dma_start3A_155 = arith.constant 0 : i32
      %dma_start3A_156 = arith.constant 0 : i32
      %dma_start3A_157 = tpu.memref_slice %arg11[%dma_start3A_155, %dma_start3A_156] : memref<10240x64xf32, #tpu.memory_space<vmem_shared>> -> memref<10240x64xf32, #tpu.memory_space<vmem_shared>>
      tpu.enqueue_indirect_dma source(%dma_start3A_151 : memref<128x64xf32, #tpu.memory_space<vmem>>) target(%dma_start3A_157 : memref<10240x64xf32, #tpu.memory_space<vmem_shared>>) offsets(%dma_start3A_154 : memref<128xi32, #tpu.memory_space<vmem>>) semaphore(%arg14 : memref<!tpu.dma_semaphore, #tpu.memory_space<semaphore_mem>>) {add = true}
      %add3A_158 = arith.constant 2 : i32
      %add3A_159 = arith.addi %mul3A_96, %add3A_158 : i32
      %dma_start3A_160 = arith.constant 256 : i32
      %dma_start3A_161 = arith.constant 0 : i32
      %dma_start3A_162 = tpu.memref_slice %arg9[%dma_start3A_160, %dma_start3A_161] : memref<512x64xf32, #tpu.memory_space<vmem>> -> memref<128x64xf32, #tpu.memory_space<vmem>>
      %dma_start3A_163 = arith.constant 0 : i32
      %dma_start3A_164 = tpu.memref_slice %arg8[%add3A_159, %dma_start3A_163] : memref<80x128xi32, #tpu.memory_space<vmem>> -> memref<1x128xi32, #tpu.memory_space<vmem>>
      %dma_start3A_165 = tpu.memref_squeeze %dma_start3A_164 : memref<1x128xi32, #tpu.memory_space<vmem>> -> memref<128xi32, #tpu.memory_space<vmem>>
      %dma_start3A_166 = arith.constant 0 : i32
      %dma_start3A_167 = arith.constant 0 : i32
      %dma_start3A_168 = tpu.memref_slice %arg11[%dma_start3A_166, %dma_start3A_167] : memref<10240x64xf32, #tpu.memory_space<vmem_shared>> -> memref<10240x64xf32, #tpu.memory_space<vmem_shared>>
      tpu.enqueue_indirect_dma source(%dma_start3A_162 : memref<128x64xf32, #tpu.memory_space<vmem>>) target(%dma_start3A_168 : memref<10240x64xf32, #tpu.memory_space<vmem_shared>>) offsets(%dma_start3A_165 : memref<128xi32, #tpu.memory_space<vmem>>) semaphore(%arg14 : memref<!tpu.dma_semaphore, #tpu.memory_space<semaphore_mem>>) {add = true}
      %add3A_169 = arith.constant 3 : i32
      %add3A_170 = arith.addi %mul3A_96, %add3A_169 : i32
      %dma_start3A_171 = arith.constant 384 : i32
      %dma_start3A_172 = arith.constant 0 : i32
      %dma_start3A_173 = tpu.memref_slice %arg9[%dma_start3A_171, %dma_start3A_172] : memref<512x64xf32, #tpu.memory_space<vmem>> -> memref<128x64xf32, #tpu.memory_space<vmem>>
      %dma_start3A_174 = arith.constant 0 : i32
      %dma_start3A_175 = tpu.memref_slice %arg8[%add3A_170, %dma_start3A_174] : memref<80x128xi32, #tpu.memory_space<vmem>> -> memref<1x128xi32, #tpu.memory_space<vmem>>
      %dma_start3A_176 = tpu.memref_squeeze %dma_start3A_175 : memref<1x128xi32, #tpu.memory_space<vmem>> -> memref<128xi32, #tpu.memory_space<vmem>>
      %dma_start3A_177 = arith.constant 0 : i32
      %dma_start3A_178 = arith.constant 0 : i32
      %dma_start3A_179 = tpu.memref_slice %arg11[%dma_start3A_177, %dma_start3A_178] : memref<10240x64xf32, #tpu.memory_space<vmem_shared>> -> memref<10240x64xf32, #tpu.memory_space<vmem_shared>>
      tpu.enqueue_indirect_dma source(%dma_start3A_173 : memref<128x64xf32, #tpu.memory_space<vmem>>) target(%dma_start3A_179 : memref<10240x64xf32, #tpu.memory_space<vmem_shared>>) offsets(%dma_start3A_176 : memref<128xi32, #tpu.memory_space<vmem>>) semaphore(%arg14 : memref<!tpu.dma_semaphore, #tpu.memory_space<semaphore_mem>>) {add = true}
      %dma_wait3A_180 = arith.constant 0 : i32
      %dma_wait3A_181 = arith.constant 0 : i32
      %dma_wait3A_182 = arith.constant 0 : i32
      %dma_wait3A_183 = tpu.memref_slice %arg10[%dma_wait3A_181, %dma_wait3A_182] : memref<512x64xf32, #tpu.memory_space<vmem>> -> memref<128x64xf32, #tpu.memory_space<vmem>>
      %dma_wait3A_184 = arith.constant 0 : i32
      %dma_wait3A_185 = tpu.memref_slice %arg7[%dma_wait3A_180, %dma_wait3A_184] : memref<80x128xi32, #tpu.memory_space<vmem>> -> memref<1x128xi32, #tpu.memory_space<vmem>>
      %dma_wait3A_186 = tpu.memref_squeeze %dma_wait3A_185 : memref<1x128xi32, #tpu.memory_space<vmem>> -> memref<128xi32, #tpu.memory_space<vmem>>
      %dma_wait3A_187 = arith.constant 0 : i32
      %dma_wait3A_188 = arith.constant 0 : i32
      %dma_wait3A_189 = tpu.memref_slice %arg2[%dma_wait3A_187, %dma_wait3A_188] : memref<10240x64xf32, #tpu.memory_space<hbm>> -> memref<10240x64xf32, #tpu.memory_space<hbm>>
      tpu.wait_indirect_dma semaphore(%arg13 : memref<!tpu.dma_semaphore, #tpu.memory_space<semaphore_mem>>) src(%dma_wait3A_189 : memref<10240x64xf32, #tpu.memory_space<hbm>>) dst(%dma_wait3A_183 : memref<128x64xf32, #tpu.memory_space<vmem>>)
      %dma_wait3A_190 = arith.constant 0 : i32
      %dma_wait3A_191 = arith.constant 128 : i32
      %dma_wait3A_192 = arith.constant 0 : i32
      %dma_wait3A_193 = tpu.memref_slice %arg10[%dma_wait3A_191, %dma_wait3A_192] : memref<512x64xf32, #tpu.memory_space<vmem>> -> memref<128x64xf32, #tpu.memory_space<vmem>>
      %dma_wait3A_194 = arith.constant 0 : i32
      %dma_wait3A_195 = tpu.memref_slice %arg7[%dma_wait3A_190, %dma_wait3A_194] : memref<80x128xi32, #tpu.memory_space<vmem>> -> memref<1x128xi32, #tpu.memory_space<vmem>>
      %dma_wait3A_196 = tpu.memref_squeeze %dma_wait3A_195 : memref<1x128xi32, #tpu.memory_space<vmem>> -> memref<128xi32, #tpu.memory_space<vmem>>
      %dma_wait3A_197 = arith.constant 0 : i32
      %dma_wait3A_198 = arith.constant 0 : i32
      %dma_wait3A_199 = tpu.memref_slice %arg2[%dma_wait3A_197, %dma_wait3A_198] : memref<10240x64xf32, #tpu.memory_space<hbm>> -> memref<10240x64xf32, #tpu.memory_space<hbm>>
      tpu.wait_indirect_dma semaphore(%arg13 : memref<!tpu.dma_semaphore, #tpu.memory_space<semaphore_mem>>) src(%dma_wait3A_199 : memref<10240x64xf32, #tpu.memory_space<hbm>>) dst(%dma_wait3A_193 : memref<128x64xf32, #tpu.memory_space<vmem>>)
      %dma_wait3A_200 = arith.constant 0 : i32
      %dma_wait3A_201 = arith.constant 256 : i32
      %dma_wait3A_202 = arith.constant 0 : i32
      %dma_wait3A_203 = tpu.memref_slice %arg10[%dma_wait3A_201, %dma_wait3A_202] : memref<512x64xf32, #tpu.memory_space<vmem>> -> memref<128x64xf32, #tpu.memory_space<vmem>>
      %dma_wait3A_204 = arith.constant 0 : i32
      %dma_wait3A_205 = tpu.memref_slice %arg7[%dma_wait3A_200, %dma_wait3A_204] : memref<80x128xi32, #tpu.memory_space<vmem>> -> memref<1x128xi32, #tpu.memory_space<vmem>>
      %dma_wait3A_206 = tpu.memref_squeeze %dma_wait3A_205 : memref<1x128xi32, #tpu.memory_space<vmem>> -> memref<128xi32, #tpu.memory_space<vmem>>
      %dma_wait3A_207 = arith.constant 0 : i32
      %dma_wait3A_208 = arith.constant 0 : i32
      %dma_wait3A_209 = tpu.memref_slice %arg2[%dma_wait3A_207, %dma_wait3A_208] : memref<10240x64xf32, #tpu.memory_space<hbm>> -> memref<10240x64xf32, #tpu.memory_space<hbm>>
      tpu.wait_indirect_dma semaphore(%arg13 : memref<!tpu.dma_semaphore, #tpu.memory_space<semaphore_mem>>) src(%dma_wait3A_209 : memref<10240x64xf32, #tpu.memory_space<hbm>>) dst(%dma_wait3A_203 : memref<128x64xf32, #tpu.memory_space<vmem>>)
      %dma_wait3A_210 = arith.constant 0 : i32
      %dma_wait3A_211 = arith.constant 384 : i32
      %dma_wait3A_212 = arith.constant 0 : i32
      %dma_wait3A_213 = tpu.memref_slice %arg10[%dma_wait3A_211, %dma_wait3A_212] : memref<512x64xf32, #tpu.memory_space<vmem>> -> memref<128x64xf32, #tpu.memory_space<vmem>>
      %dma_wait3A_214 = arith.constant 0 : i32
      %dma_wait3A_215 = tpu.memref_slice %arg7[%dma_wait3A_210, %dma_wait3A_214] : memref<80x128xi32, #tpu.memory_space<vmem>> -> memref<1x128xi32, #tpu.memory_space<vmem>>
      %dma_wait3A_216 = tpu.memref_squeeze %dma_wait3A_215 : memref<1x128xi32, #tpu.memory_space<vmem>> -> memref<128xi32, #tpu.memory_space<vmem>>
      %dma_wait3A_217 = arith.constant 0 : i32
      %dma_wait3A_218 = arith.constant 0 : i32
      %dma_wait3A_219 = tpu.memref_slice %arg2[%dma_wait3A_217, %dma_wait3A_218] : memref<10240x64xf32, #tpu.memory_space<hbm>> -> memref<10240x64xf32, #tpu.memory_space<hbm>>
      tpu.wait_indirect_dma semaphore(%arg13 : memref<!tpu.dma_semaphore, #tpu.memory_space<semaphore_mem>>) src(%dma_wait3A_219 : memref<10240x64xf32, #tpu.memory_space<hbm>>) dst(%dma_wait3A_213 : memref<128x64xf32, #tpu.memory_space<vmem>>)
      %add3A_220 = arith.constant 4 : i32
      %add3A_221 = arith.addi %mul3A_96, %add3A_220 : i32
      %add3A_222 = arith.constant 0 : i32
      %add3A_223 = arith.addi %add3A_221, %add3A_222 : i32
      %dma_start3A_224 = arith.constant 0 : i32
      %dma_start3A_225 = arith.constant 0 : i32
      %dma_start3A_226 = tpu.memref_slice %arg10[%dma_start3A_224, %dma_start3A_225] : memref<512x64xf32, #tpu.memory_space<vmem>> -> memref<128x64xf32, #tpu.memory_space<vmem>>
      %dma_start3A_227 = arith.constant 0 : i32
      %dma_start3A_228 = tpu.memref_slice %arg8[%add3A_223, %dma_start3A_227] : memref<80x128xi32, #tpu.memory_space<vmem>> -> memref<1x128xi32, #tpu.memory_space<vmem>>
      %dma_start3A_229 = tpu.memref_squeeze %dma_start3A_228 : memref<1x128xi32, #tpu.memory_space<vmem>> -> memref<128xi32, #tpu.memory_space<vmem>>
      %dma_start3A_230 = arith.constant 0 : i32
      %dma_start3A_231 = arith.constant 0 : i32
      %dma_start3A_232 = tpu.memref_slice %arg11[%dma_start3A_230, %dma_start3A_231] : memref<10240x64xf32, #tpu.memory_space<vmem_shared>> -> memref<10240x64xf32, #tpu.memory_space<vmem_shared>>
      tpu.enqueue_indirect_dma source(%dma_start3A_226 : memref<128x64xf32, #tpu.memory_space<vmem>>) target(%dma_start3A_232 : memref<10240x64xf32, #tpu.memory_space<vmem_shared>>) offsets(%dma_start3A_229 : memref<128xi32, #tpu.memory_space<vmem>>) semaphore(%arg15 : memref<!tpu.dma_semaphore, #tpu.memory_space<semaphore_mem>>) {add = true}
      %add3A_233 = arith.constant 4 : i32
      %add3A_234 = arith.addi %mul3A_96, %add3A_233 : i32
      %add3A_235 = arith.constant 1 : i32
      %add3A_236 = arith.addi %add3A_234, %add3A_235 : i32
      %dma_start3A_237 = arith.constant 128 : i32
      %dma_start3A_238 = arith.constant 0 : i32
      %dma_start3A_239 = tpu.memref_slice %arg10[%dma_start3A_237, %dma_start3A_238] : memref<512x64xf32, #tpu.memory_space<vmem>> -> memref<128x64xf32, #tpu.memory_space<vmem>>
      %dma_start3A_240 = arith.constant 0 : i32
      %dma_start3A_241 = tpu.memref_slice %arg8[%add3A_236, %dma_start3A_240] : memref<80x128xi32, #tpu.memory_space<vmem>> -> memref<1x128xi32, #tpu.memory_space<vmem>>
      %dma_start3A_242 = tpu.memref_squeeze %dma_start3A_241 : memref<1x128xi32, #tpu.memory_space<vmem>> -> memref<128xi32, #tpu.memory_space<vmem>>
      %dma_start3A_243 = arith.constant 0 : i32
      %dma_start3A_244 = arith.constant 0 : i32
      %dma_start3A_245 = tpu.memref_slice %arg11[%dma_start3A_243, %dma_start3A_244] : memref<10240x64xf32, #tpu.memory_space<vmem_shared>> -> memref<10240x64xf32, #tpu.memory_space<vmem_shared>>
      tpu.enqueue_indirect_dma source(%dma_start3A_239 : memref<128x64xf32, #tpu.memory_space<vmem>>) target(%dma_start3A_245 : memref<10240x64xf32, #tpu.memory_space<vmem_shared>>) offsets(%dma_start3A_242 : memref<128xi32, #tpu.memory_space<vmem>>) semaphore(%arg15 : memref<!tpu.dma_semaphore, #tpu.memory_space<semaphore_mem>>) {add = true}
      %add3A_246 = arith.constant 4 : i32
      %add3A_247 = arith.addi %mul3A_96, %add3A_246 : i32
      %add3A_248 = arith.constant 2 : i32
      %add3A_249 = arith.addi %add3A_247, %add3A_248 : i32
      %dma_start3A_250 = arith.constant 256 : i32
      %dma_start3A_251 = arith.constant 0 : i32
      %dma_start3A_252 = tpu.memref_slice %arg10[%dma_start3A_250, %dma_start3A_251] : memref<512x64xf32, #tpu.memory_space<vmem>> -> memref<128x64xf32, #tpu.memory_space<vmem>>
      %dma_start3A_253 = arith.constant 0 : i32
      %dma_start3A_254 = tpu.memref_slice %arg8[%add3A_249, %dma_start3A_253] : memref<80x128xi32, #tpu.memory_space<vmem>> -> memref<1x128xi32, #tpu.memory_space<vmem>>
      %dma_start3A_255 = tpu.memref_squeeze %dma_start3A_254 : memref<1x128xi32, #tpu.memory_space<vmem>> -> memref<128xi32, #tpu.memory_space<vmem>>
      %dma_start3A_256 = arith.constant 0 : i32
      %dma_start3A_257 = arith.constant 0 : i32
      %dma_start3A_258 = tpu.memref_slice %arg11[%dma_start3A_256, %dma_start3A_257] : memref<10240x64xf32, #tpu.memory_space<vmem_shared>> -> memref<10240x64xf32, #tpu.memory_space<vmem_shared>>
      tpu.enqueue_indirect_dma source(%dma_start3A_252 : memref<128x64xf32, #tpu.memory_space<vmem>>) target(%dma_start3A_258 : memref<10240x64xf32, #tpu.memory_space<vmem_shared>>) offsets(%dma_start3A_255 : memref<128xi32, #tpu.memory_space<vmem>>) semaphore(%arg15 : memref<!tpu.dma_semaphore, #tpu.memory_space<semaphore_mem>>) {add = true}
      %add3A_259 = arith.constant 4 : i32
      %add3A_260 = arith.addi %mul3A_96, %add3A_259 : i32
      %add3A_261 = arith.constant 3 : i32
      %add3A_262 = arith.addi %add3A_260, %add3A_261 : i32
      %dma_start3A_263 = arith.constant 384 : i32
      %dma_start3A_264 = arith.constant 0 : i32
      %dma_start3A_265 = tpu.memref_slice %arg10[%dma_start3A_263, %dma_start3A_264] : memref<512x64xf32, #tpu.memory_space<vmem>> -> memref<128x64xf32, #tpu.memory_space<vmem>>
      %dma_start3A_266 = arith.constant 0 : i32
      %dma_start3A_267 = tpu.memref_slice %arg8[%add3A_262, %dma_start3A_266] : memref<80x128xi32, #tpu.memory_space<vmem>> -> memref<1x128xi32, #tpu.memory_space<vmem>>
      %dma_start3A_268 = tpu.memref_squeeze %dma_start3A_267 : memref<1x128xi32, #tpu.memory_space<vmem>> -> memref<128xi32, #tpu.memory_space<vmem>>
      %dma_start3A_269 = arith.constant 0 : i32
      %dma_start3A_270 = arith.constant 0 : i32
      %dma_start3A_271 = tpu.memref_slice %arg11[%dma_start3A_269, %dma_start3A_270] : memref<10240x64xf32, #tpu.memory_space<vmem_shared>> -> memref<10240x64xf32, #tpu.memory_space<vmem_shared>>
      tpu.enqueue_indirect_dma source(%dma_start3A_265 : memref<128x64xf32, #tpu.memory_space<vmem>>) target(%dma_start3A_271 : memref<10240x64xf32, #tpu.memory_space<vmem_shared>>) offsets(%dma_start3A_268 : memref<128xi32, #tpu.memory_space<vmem>>) semaphore(%arg15 : memref<!tpu.dma_semaphore, #tpu.memory_space<semaphore_mem>>) {add = true}
      %dma_wait3A_272 = arith.constant 0 : i32
      %dma_wait3A_273 = arith.constant 0 : i32
      %dma_wait3A_274 = arith.constant 0 : i32
      %dma_wait3A_275 = tpu.memref_slice %arg9[%dma_wait3A_273, %dma_wait3A_274] : memref<512x64xf32, #tpu.memory_space<vmem>> -> memref<128x64xf32, #tpu.memory_space<vmem>>
      %dma_wait3A_276 = arith.constant 0 : i32
      %dma_wait3A_277 = tpu.memref_slice %arg8[%dma_wait3A_272, %dma_wait3A_276] : memref<80x128xi32, #tpu.memory_space<vmem>> -> memref<1x128xi32, #tpu.memory_space<vmem>>
      %dma_wait3A_278 = tpu.memref_squeeze %dma_wait3A_277 : memref<1x128xi32, #tpu.memory_space<vmem>> -> memref<128xi32, #tpu.memory_space<vmem>>
      %dma_wait3A_279 = arith.constant 0 : i32
      %dma_wait3A_280 = arith.constant 0 : i32
      %dma_wait3A_281 = tpu.memref_slice %arg11[%dma_wait3A_279, %dma_wait3A_280] : memref<10240x64xf32, #tpu.memory_space<vmem_shared>> -> memref<10240x64xf32, #tpu.memory_space<vmem_shared>>
      tpu.wait_indirect_dma semaphore(%arg14 : memref<!tpu.dma_semaphore, #tpu.memory_space<semaphore_mem>>) src(%dma_wait3A_275 : memref<128x64xf32, #tpu.memory_space<vmem>>) dst(%dma_wait3A_281 : memref<10240x64xf32, #tpu.memory_space<vmem_shared>>)
      %dma_wait3A_282 = arith.constant 0 : i32
      %dma_wait3A_283 = arith.constant 128 : i32
      %dma_wait3A_284 = arith.constant 0 : i32
      %dma_wait3A_285 = tpu.memref_slice %arg9[%dma_wait3A_283, %dma_wait3A_284] : memref<512x64xf32, #tpu.memory_space<vmem>> -> memref<128x64xf32, #tpu.memory_space<vmem>>
      %dma_wait3A_286 = arith.constant 0 : i32
      %dma_wait3A_287 = tpu.memref_slice %arg8[%dma_wait3A_282, %dma_wait3A_286] : memref<80x128xi32, #tpu.memory_space<vmem>> -> memref<1x128xi32, #tpu.memory_space<vmem>>
      %dma_wait3A_288 = tpu.memref_squeeze %dma_wait3A_287 : memref<1x128xi32, #tpu.memory_space<vmem>> -> memref<128xi32, #tpu.memory_space<vmem>>
      %dma_wait3A_289 = arith.constant 0 : i32
      %dma_wait3A_290 = arith.constant 0 : i32
      %dma_wait3A_291 = tpu.memref_slice %arg11[%dma_wait3A_289, %dma_wait3A_290] : memref<10240x64xf32, #tpu.memory_space<vmem_shared>> -> memref<10240x64xf32, #tpu.memory_space<vmem_shared>>
      tpu.wait_indirect_dma semaphore(%arg14 : memref<!tpu.dma_semaphore, #tpu.memory_space<semaphore_mem>>) src(%dma_wait3A_285 : memref<128x64xf32, #tpu.memory_space<vmem>>) dst(%dma_wait3A_291 : memref<10240x64xf32, #tpu.memory_space<vmem_shared>>)
      %dma_wait3A_292 = arith.constant 0 : i32
      %dma_wait3A_293 = arith.constant 256 : i32
      %dma_wait3A_294 = arith.constant 0 : i32
      %dma_wait3A_295 = tpu.memref_slice %arg9[%dma_wait3A_293, %dma_wait3A_294] : memref<512x64xf32, #tpu.memory_space<vmem>> -> memref<128x64xf32, #tpu.memory_space<vmem>>
      %dma_wait3A_296 = arith.constant 0 : i32
      %dma_wait3A_297 = tpu.memref_slice %arg8[%dma_wait3A_292, %dma_wait3A_296] : memref<80x128xi32, #tpu.memory_space<vmem>> -> memref<1x128xi32, #tpu.memory_space<vmem>>
      %dma_wait3A_298 = tpu.memref_squeeze %dma_wait3A_297 : memref<1x128xi32, #tpu.memory_space<vmem>> -> memref<128xi32, #tpu.memory_space<vmem>>
      %dma_wait3A_299 = arith.constant 0 : i32
      %dma_wait3A_300 = arith.constant 0 : i32
      %dma_wait3A_301 = tpu.memref_slice %arg11[%dma_wait3A_299, %dma_wait3A_300] : memref<10240x64xf32, #tpu.memory_space<vmem_shared>> -> memref<10240x64xf32, #tpu.memory_space<vmem_shared>>
      tpu.wait_indirect_dma semaphore(%arg14 : memref<!tpu.dma_semaphore, #tpu.memory_space<semaphore_mem>>) src(%dma_wait3A_295 : memref<128x64xf32, #tpu.memory_space<vmem>>) dst(%dma_wait3A_301 : memref<10240x64xf32, #tpu.memory_space<vmem_shared>>)
      %dma_wait3A_302 = arith.constant 0 : i32
      %dma_wait3A_303 = arith.constant 384 : i32
      %dma_wait3A_304 = arith.constant 0 : i32
      %dma_wait3A_305 = tpu.memref_slice %arg9[%dma_wait3A_303, %dma_wait3A_304] : memref<512x64xf32, #tpu.memory_space<vmem>> -> memref<128x64xf32, #tpu.memory_space<vmem>>
      %dma_wait3A_306 = arith.constant 0 : i32
      %dma_wait3A_307 = tpu.memref_slice %arg8[%dma_wait3A_302, %dma_wait3A_306] : memref<80x128xi32, #tpu.memory_space<vmem>> -> memref<1x128xi32, #tpu.memory_space<vmem>>
      %dma_wait3A_308 = tpu.memref_squeeze %dma_wait3A_307 : memref<1x128xi32, #tpu.memory_space<vmem>> -> memref<128xi32, #tpu.memory_space<vmem>>
      %dma_wait3A_309 = arith.constant 0 : i32
      %dma_wait3A_310 = arith.constant 0 : i32
      %dma_wait3A_311 = tpu.memref_slice %arg11[%dma_wait3A_309, %dma_wait3A_310] : memref<10240x64xf32, #tpu.memory_space<vmem_shared>> -> memref<10240x64xf32, #tpu.memory_space<vmem_shared>>
      tpu.wait_indirect_dma semaphore(%arg14 : memref<!tpu.dma_semaphore, #tpu.memory_space<semaphore_mem>>) src(%dma_wait3A_305 : memref<128x64xf32, #tpu.memory_space<vmem>>) dst(%dma_wait3A_311 : memref<10240x64xf32, #tpu.memory_space<vmem_shared>>)
      %add3A_312 = arith.constant 1 : i32
      %add3A_313 = arith.addi %scan3A_94, %add3A_312 : i32
      %lt3A = arith.constant 10 : i32
      %lt3A_314 = arith.cmpi slt, %add3A_313, %lt3A : i32
      %convert_element_type3A = arith.extui %lt3A_314 : i1 to i32
      %cond3A = arith.constant 0 : i32
      %cond3A_315 = arith.cmpi ne, %convert_element_type3A, %cond3A : i32
      scf.if %cond3A_315 {
        %add3A_363 = arith.constant 8 : i32
        %add3A_364 = arith.addi %mul3A_96, %add3A_363 : i32
        %add3A_365 = arith.constant 0 : i32
        %add3A_366 = arith.addi %add3A_364, %add3A_365 : i32
        %dma_start3A_367 = arith.constant 0 : i32
        %dma_start3A_368 = arith.constant 0 : i32
        %dma_start3A_369 = tpu.memref_slice %arg9[%dma_start3A_367, %dma_start3A_368] : memref<512x64xf32, #tpu.memory_space<vmem>> -> memref<128x64xf32, #tpu.memory_space<vmem>>
        %dma_start3A_370 = arith.constant 0 : i32
        %dma_start3A_371 = tpu.memref_slice %arg7[%add3A_366, %dma_start3A_370] : memref<80x128xi32, #tpu.memory_space<vmem>> -> memref<1x128xi32, #tpu.memory_space<vmem>>
        %dma_start3A_372 = tpu.memref_squeeze %dma_start3A_371 : memref<1x128xi32, #tpu.memory_space<vmem>> -> memref<128xi32, #tpu.memory_space<vmem>>
        %dma_start3A_373 = arith.constant 0 : i32
        %dma_start3A_374 = arith.constant 0 : i32
        %dma_start3A_375 = tpu.memref_slice %arg2[%dma_start3A_373, %dma_start3A_374] : memref<10240x64xf32, #tpu.memory_space<hbm>> -> memref<10240x64xf32, #tpu.memory_space<hbm>>
        tpu.enqueue_indirect_dma source(%dma_start3A_375 : memref<10240x64xf32, #tpu.memory_space<hbm>>) target(%dma_start3A_369 : memref<128x64xf32, #tpu.memory_space<vmem>>) offsets(%dma_start3A_372 : memref<128xi32, #tpu.memory_space<vmem>>) semaphore(%arg12 : memref<!tpu.dma_semaphore, #tpu.memory_space<semaphore_mem>>)
        %add3A_376 = arith.constant 8 : i32
        %add3A_377 = arith.addi %mul3A_96, %add3A_376 : i32
        %add3A_378 = arith.constant 1 : i32
        %add3A_379 = arith.addi %add3A_377, %add3A_378 : i32
        %dma_start3A_380 = arith.constant 128 : i32
        %dma_start3A_381 = arith.constant 0 : i32
        %dma_start3A_382 = tpu.memref_slice %arg9[%dma_start3A_380, %dma_start3A_381] : memref<512x64xf32, #tpu.memory_space<vmem>> -> memref<128x64xf32, #tpu.memory_space<vmem>>
        %dma_start3A_383 = arith.constant 0 : i32
        %dma_start3A_384 = tpu.memref_slice %arg7[%add3A_379, %dma_start3A_383] : memref<80x128xi32, #tpu.memory_space<vmem>> -> memref<1x128xi32, #tpu.memory_space<vmem>>
        %dma_start3A_385 = tpu.memref_squeeze %dma_start3A_384 : memref<1x128xi32, #tpu.memory_space<vmem>> -> memref<128xi32, #tpu.memory_space<vmem>>
        %dma_start3A_386 = arith.constant 0 : i32
        %dma_start3A_387 = arith.constant 0 : i32
        %dma_start3A_388 = tpu.memref_slice %arg2[%dma_start3A_386, %dma_start3A_387] : memref<10240x64xf32, #tpu.memory_space<hbm>> -> memref<10240x64xf32, #tpu.memory_space<hbm>>
        tpu.enqueue_indirect_dma source(%dma_start3A_388 : memref<10240x64xf32, #tpu.memory_space<hbm>>) target(%dma_start3A_382 : memref<128x64xf32, #tpu.memory_space<vmem>>) offsets(%dma_start3A_385 : memref<128xi32, #tpu.memory_space<vmem>>) semaphore(%arg12 : memref<!tpu.dma_semaphore, #tpu.memory_space<semaphore_mem>>)
        %add3A_389 = arith.constant 8 : i32
        %add3A_390 = arith.addi %mul3A_96, %add3A_389 : i32
        %add3A_391 = arith.constant 2 : i32
        %add3A_392 = arith.addi %add3A_390, %add3A_391 : i32
        %dma_start3A_393 = arith.constant 256 : i32
        %dma_start3A_394 = arith.constant 0 : i32
        %dma_start3A_395 = tpu.memref_slice %arg9[%dma_start3A_393, %dma_start3A_394] : memref<512x64xf32, #tpu.memory_space<vmem>> -> memref<128x64xf32, #tpu.memory_space<vmem>>
        %dma_start3A_396 = arith.constant 0 : i32
        %dma_start3A_397 = tpu.memref_slice %arg7[%add3A_392, %dma_start3A_396] : memref<80x128xi32, #tpu.memory_space<vmem>> -> memref<1x128xi32, #tpu.memory_space<vmem>>
        %dma_start3A_398 = tpu.memref_squeeze %dma_start3A_397 : memref<1x128xi32, #tpu.memory_space<vmem>> -> memref<128xi32, #tpu.memory_space<vmem>>
        %dma_start3A_399 = arith.constant 0 : i32
        %dma_start3A_400 = arith.constant 0 : i32
        %dma_start3A_401 = tpu.memref_slice %arg2[%dma_start3A_399, %dma_start3A_400] : memref<10240x64xf32, #tpu.memory_space<hbm>> -> memref<10240x64xf32, #tpu.memory_space<hbm>>
        tpu.enqueue_indirect_dma source(%dma_start3A_401 : memref<10240x64xf32, #tpu.memory_space<hbm>>) target(%dma_start3A_395 : memref<128x64xf32, #tpu.memory_space<vmem>>) offsets(%dma_start3A_398 : memref<128xi32, #tpu.memory_space<vmem>>) semaphore(%arg12 : memref<!tpu.dma_semaphore, #tpu.memory_space<semaphore_mem>>)
        %add3A_402 = arith.constant 8 : i32
        %add3A_403 = arith.addi %mul3A_96, %add3A_402 : i32
        %add3A_404 = arith.constant 3 : i32
        %add3A_405 = arith.addi %add3A_403, %add3A_404 : i32
        %dma_start3A_406 = arith.constant 384 : i32
        %dma_start3A_407 = arith.constant 0 : i32
        %dma_start3A_408 = tpu.memref_slice %arg9[%dma_start3A_406, %dma_start3A_407] : memref<512x64xf32, #tpu.memory_space<vmem>> -> memref<128x64xf32, #tpu.memory_space<vmem>>
        %dma_start3A_409 = arith.constant 0 : i32
        %dma_start3A_410 = tpu.memref_slice %arg7[%add3A_405, %dma_start3A_409] : memref<80x128xi32, #tpu.memory_space<vmem>> -> memref<1x128xi32, #tpu.memory_space<vmem>>
        %dma_start3A_411 = tpu.memref_squeeze %dma_start3A_410 : memref<1x128xi32, #tpu.memory_space<vmem>> -> memref<128xi32, #tpu.memory_space<vmem>>
        %dma_start3A_412 = arith.constant 0 : i32
        %dma_start3A_413 = arith.constant 0 : i32
        %dma_start3A_414 = tpu.memref_slice %arg2[%dma_start3A_412, %dma_start3A_413] : memref<10240x64xf32, #tpu.memory_space<hbm>> -> memref<10240x64xf32, #tpu.memory_space<hbm>>
        tpu.enqueue_indirect_dma source(%dma_start3A_414 : memref<10240x64xf32, #tpu.memory_space<hbm>>) target(%dma_start3A_408 : memref<128x64xf32, #tpu.memory_space<vmem>>) offsets(%dma_start3A_411 : memref<128xi32, #tpu.memory_space<vmem>>) semaphore(%arg12 : memref<!tpu.dma_semaphore, #tpu.memory_space<semaphore_mem>>)
      } else {
      }
      %dma_wait3A_316 = arith.constant 0 : i32
      %dma_wait3A_317 = arith.constant 0 : i32
      %dma_wait3A_318 = arith.constant 0 : i32
      %dma_wait3A_319 = tpu.memref_slice %arg10[%dma_wait3A_317, %dma_wait3A_318] : memref<512x64xf32, #tpu.memory_space<vmem>> -> memref<128x64xf32, #tpu.memory_space<vmem>>
      %dma_wait3A_320 = arith.constant 0 : i32
      %dma_wait3A_321 = tpu.memref_slice %arg8[%dma_wait3A_316, %dma_wait3A_320] : memref<80x128xi32, #tpu.memory_space<vmem>> -> memref<1x128xi32, #tpu.memory_space<vmem>>
      %dma_wait3A_322 = tpu.memref_squeeze %dma_wait3A_321 : memref<1x128xi32, #tpu.memory_space<vmem>> -> memref<128xi32, #tpu.memory_space<vmem>>
      %dma_wait3A_323 = arith.constant 0 : i32
      %dma_wait3A_324 = arith.constant 0 : i32
      %dma_wait3A_325 = tpu.memref_slice %arg11[%dma_wait3A_323, %dma_wait3A_324] : memref<10240x64xf32, #tpu.memory_space<vmem_shared>> -> memref<10240x64xf32, #tpu.memory_space<vmem_shared>>
      tpu.wait_indirect_dma semaphore(%arg15 : memref<!tpu.dma_semaphore, #tpu.memory_space<semaphore_mem>>) src(%dma_wait3A_319 : memref<128x64xf32, #tpu.memory_space<vmem>>) dst(%dma_wait3A_325 : memref<10240x64xf32, #tpu.memory_space<vmem_shared>>)
      %dma_wait3A_326 = arith.constant 0 : i32
      %dma_wait3A_327 = arith.constant 128 : i32
      %dma_wait3A_328 = arith.constant 0 : i32
      %dma_wait3A_329 = tpu.memref_slice %arg10[%dma_wait3A_327, %dma_wait3A_328] : memref<512x64xf32, #tpu.memory_space<vmem>> -> memref<128x64xf32, #tpu.memory_space<vmem>>
      %dma_wait3A_330 = arith.constant 0 : i32
      %dma_wait3A_331 = tpu.memref_slice %arg8[%dma_wait3A_326, %dma_wait3A_330] : memref<80x128xi32, #tpu.memory_space<vmem>> -> memref<1x128xi32, #tpu.memory_space<vmem>>
      %dma_wait3A_332 = tpu.memref_squeeze %dma_wait3A_331 : memref<1x128xi32, #tpu.memory_space<vmem>> -> memref<128xi32, #tpu.memory_space<vmem>>
      %dma_wait3A_333 = arith.constant 0 : i32
      %dma_wait3A_334 = arith.constant 0 : i32
      %dma_wait3A_335 = tpu.memref_slice %arg11[%dma_wait3A_333, %dma_wait3A_334] : memref<10240x64xf32, #tpu.memory_space<vmem_shared>> -> memref<10240x64xf32, #tpu.memory_space<vmem_shared>>
      tpu.wait_indirect_dma semaphore(%arg15 : memref<!tpu.dma_semaphore, #tpu.memory_space<semaphore_mem>>) src(%dma_wait3A_329 : memref<128x64xf32, #tpu.memory_space<vmem>>) dst(%dma_wait3A_335 : memref<10240x64xf32, #tpu.memory_space<vmem_shared>>)
      %dma_wait3A_336 = arith.constant 0 : i32
      %dma_wait3A_337 = arith.constant 256 : i32
      %dma_wait3A_338 = arith.constant 0 : i32
      %dma_wait3A_339 = tpu.memref_slice %arg10[%dma_wait3A_337, %dma_wait3A_338] : memref<512x64xf32, #tpu.memory_space<vmem>> -> memref<128x64xf32, #tpu.memory_space<vmem>>
      %dma_wait3A_340 = arith.constant 0 : i32
      %dma_wait3A_341 = tpu.memref_slice %arg8[%dma_wait3A_336, %dma_wait3A_340] : memref<80x128xi32, #tpu.memory_space<vmem>> -> memref<1x128xi32, #tpu.memory_space<vmem>>
      %dma_wait3A_342 = tpu.memref_squeeze %dma_wait3A_341 : memref<1x128xi32, #tpu.memory_space<vmem>> -> memref<128xi32, #tpu.memory_space<vmem>>
      %dma_wait3A_343 = arith.constant 0 : i32
      %dma_wait3A_344 = arith.constant 0 : i32
      %dma_wait3A_345 = tpu.memref_slice %arg11[%dma_wait3A_343, %dma_wait3A_344] : memref<10240x64xf32, #tpu.memory_space<vmem_shared>> -> memref<10240x64xf32, #tpu.memory_space<vmem_shared>>
      tpu.wait_indirect_dma semaphore(%arg15 : memref<!tpu.dma_semaphore, #tpu.memory_space<semaphore_mem>>) src(%dma_wait3A_339 : memref<128x64xf32, #tpu.memory_space<vmem>>) dst(%dma_wait3A_345 : memref<10240x64xf32, #tpu.memory_space<vmem_shared>>)
      %dma_wait3A_346 = arith.constant 0 : i32
      %dma_wait3A_347 = arith.constant 384 : i32
      %dma_wait3A_348 = arith.constant 0 : i32
      %dma_wait3A_349 = tpu.memref_slice %arg10[%dma_wait3A_347, %dma_wait3A_348] : memref<512x64xf32, #tpu.memory_space<vmem>> -> memref<128x64xf32, #tpu.memory_space<vmem>>
      %dma_wait3A_350 = arith.constant 0 : i32
      %dma_wait3A_351 = tpu.memref_slice %arg8[%dma_wait3A_346, %dma_wait3A_350] : memref<80x128xi32, #tpu.memory_space<vmem>> -> memref<1x128xi32, #tpu.memory_space<vmem>>
      %dma_wait3A_352 = tpu.memref_squeeze %dma_wait3A_351 : memref<1x128xi32, #tpu.memory_space<vmem>> -> memref<128xi32, #tpu.memory_space<vmem>>
      %dma_wait3A_353 = arith.constant 0 : i32
      %dma_wait3A_354 = arith.constant 0 : i32
      %dma_wait3A_355 = tpu.memref_slice %arg11[%dma_wait3A_353, %dma_wait3A_354] : memref<10240x64xf32, #tpu.memory_space<vmem_shared>> -> memref<10240x64xf32, #tpu.memory_space<vmem_shared>>
      tpu.wait_indirect_dma semaphore(%arg15 : memref<!tpu.dma_semaphore, #tpu.memory_space<semaphore_mem>>) src(%dma_wait3A_349 : memref<128x64xf32, #tpu.memory_space<vmem>>) dst(%dma_wait3A_355 : memref<10240x64xf32, #tpu.memory_space<vmem_shared>>)
      %add3A_356 = arith.constant 1 : i32
      %add3A_357 = arith.addi %scan3A_94, %add3A_356 : i32
      %lt3A_358 = arith.constant 10 : i32
      %lt3A_359 = arith.cmpi slt, %add3A_357, %lt3A_358 : i32
      %convert_element_type3A_360 = arith.extui %lt3A_359 : i1 to i32
      %cond3A_361 = arith.constant 0 : i32
      %cond3A_362 = arith.cmpi ne, %convert_element_type3A_360, %cond3A_361 : i32
      scf.if %cond3A_362 {
        %add3A_363 = arith.constant 12 : i32
        %add3A_364 = arith.addi %mul3A_96, %add3A_363 : i32
        %add3A_365 = arith.constant 0 : i32
        %add3A_366 = arith.addi %add3A_364, %add3A_365 : i32
        %dma_start3A_367 = arith.constant 0 : i32
        %dma_start3A_368 = arith.constant 0 : i32
        %dma_start3A_369 = tpu.memref_slice %arg10[%dma_start3A_367, %dma_start3A_368] : memref<512x64xf32, #tpu.memory_space<vmem>> -> memref<128x64xf32, #tpu.memory_space<vmem>>
        %dma_start3A_370 = arith.constant 0 : i32
        %dma_start3A_371 = tpu.memref_slice %arg7[%add3A_366, %dma_start3A_370] : memref<80x128xi32, #tpu.memory_space<vmem>> -> memref<1x128xi32, #tpu.memory_space<vmem>>
        %dma_start3A_372 = tpu.memref_squeeze %dma_start3A_371 : memref<1x128xi32, #tpu.memory_space<vmem>> -> memref<128xi32, #tpu.memory_space<vmem>>
        %dma_start3A_373 = arith.constant 0 : i32
        %dma_start3A_374 = arith.constant 0 : i32
        %dma_start3A_375 = tpu.memref_slice %arg2[%dma_start3A_373, %dma_start3A_374] : memref<10240x64xf32, #tpu.memory_space<hbm>> -> memref<10240x64xf32, #tpu.memory_space<hbm>>
        tpu.enqueue_indirect_dma source(%dma_start3A_375 : memref<10240x64xf32, #tpu.memory_space<hbm>>) target(%dma_start3A_369 : memref<128x64xf32, #tpu.memory_space<vmem>>) offsets(%dma_start3A_372 : memref<128xi32, #tpu.memory_space<vmem>>) semaphore(%arg13 : memref<!tpu.dma_semaphore, #tpu.memory_space<semaphore_mem>>)
        %add3A_376 = arith.constant 12 : i32
        %add3A_377 = arith.addi %mul3A_96, %add3A_376 : i32
        %add3A_378 = arith.constant 1 : i32
        %add3A_379 = arith.addi %add3A_377, %add3A_378 : i32
        %dma_start3A_380 = arith.constant 128 : i32
        %dma_start3A_381 = arith.constant 0 : i32
        %dma_start3A_382 = tpu.memref_slice %arg10[%dma_start3A_380, %dma_start3A_381] : memref<512x64xf32, #tpu.memory_space<vmem>> -> memref<128x64xf32, #tpu.memory_space<vmem>>
        %dma_start3A_383 = arith.constant 0 : i32
        %dma_start3A_384 = tpu.memref_slice %arg7[%add3A_379, %dma_start3A_383] : memref<80x128xi32, #tpu.memory_space<vmem>> -> memref<1x128xi32, #tpu.memory_space<vmem>>
        %dma_start3A_385 = tpu.memref_squeeze %dma_start3A_384 : memref<1x128xi32, #tpu.memory_space<vmem>> -> memref<128xi32, #tpu.memory_space<vmem>>
        %dma_start3A_386 = arith.constant 0 : i32
        %dma_start3A_387 = arith.constant 0 : i32
        %dma_start3A_388 = tpu.memref_slice %arg2[%dma_start3A_386, %dma_start3A_387] : memref<10240x64xf32, #tpu.memory_space<hbm>> -> memref<10240x64xf32, #tpu.memory_space<hbm>>
        tpu.enqueue_indirect_dma source(%dma_start3A_388 : memref<10240x64xf32, #tpu.memory_space<hbm>>) target(%dma_start3A_382 : memref<128x64xf32, #tpu.memory_space<vmem>>) offsets(%dma_start3A_385 : memref<128xi32, #tpu.memory_space<vmem>>) semaphore(%arg13 : memref<!tpu.dma_semaphore, #tpu.memory_space<semaphore_mem>>)
        %add3A_389 = arith.constant 12 : i32
        %add3A_390 = arith.addi %mul3A_96, %add3A_389 : i32
        %add3A_391 = arith.constant 2 : i32
        %add3A_392 = arith.addi %add3A_390, %add3A_391 : i32
        %dma_start3A_393 = arith.constant 256 : i32
        %dma_start3A_394 = arith.constant 0 : i32
        %dma_start3A_395 = tpu.memref_slice %arg10[%dma_start3A_393, %dma_start3A_394] : memref<512x64xf32, #tpu.memory_space<vmem>> -> memref<128x64xf32, #tpu.memory_space<vmem>>
        %dma_start3A_396 = arith.constant 0 : i32
        %dma_start3A_397 = tpu.memref_slice %arg7[%add3A_392, %dma_start3A_396] : memref<80x128xi32, #tpu.memory_space<vmem>> -> memref<1x128xi32, #tpu.memory_space<vmem>>
        %dma_start3A_398 = tpu.memref_squeeze %dma_start3A_397 : memref<1x128xi32, #tpu.memory_space<vmem>> -> memref<128xi32, #tpu.memory_space<vmem>>
        %dma_start3A_399 = arith.constant 0 : i32
        %dma_start3A_400 = arith.constant 0 : i32
        %dma_start3A_401 = tpu.memref_slice %arg2[%dma_start3A_399, %dma_start3A_400] : memref<10240x64xf32, #tpu.memory_space<hbm>> -> memref<10240x64xf32, #tpu.memory_space<hbm>>
        tpu.enqueue_indirect_dma source(%dma_start3A_401 : memref<10240x64xf32, #tpu.memory_space<hbm>>) target(%dma_start3A_395 : memref<128x64xf32, #tpu.memory_space<vmem>>) offsets(%dma_start3A_398 : memref<128xi32, #tpu.memory_space<vmem>>) semaphore(%arg13 : memref<!tpu.dma_semaphore, #tpu.memory_space<semaphore_mem>>)
        %add3A_402 = arith.constant 12 : i32
        %add3A_403 = arith.addi %mul3A_96, %add3A_402 : i32
        %add3A_404 = arith.constant 3 : i32
        %add3A_405 = arith.addi %add3A_403, %add3A_404 : i32
        %dma_start3A_406 = arith.constant 384 : i32
        %dma_start3A_407 = arith.constant 0 : i32
        %dma_start3A_408 = tpu.memref_slice %arg10[%dma_start3A_406, %dma_start3A_407] : memref<512x64xf32, #tpu.memory_space<vmem>> -> memref<128x64xf32, #tpu.memory_space<vmem>>
        %dma_start3A_409 = arith.constant 0 : i32
        %dma_start3A_410 = tpu.memref_slice %arg7[%add3A_405, %dma_start3A_409] : memref<80x128xi32, #tpu.memory_space<vmem>> -> memref<1x128xi32, #tpu.memory_space<vmem>>
        %dma_start3A_411 = tpu.memref_squeeze %dma_start3A_410 : memref<1x128xi32, #tpu.memory_space<vmem>> -> memref<128xi32, #tpu.memory_space<vmem>>
        %dma_start3A_412 = arith.constant 0 : i32
        %dma_start3A_413 = arith.constant 0 : i32
        %dma_start3A_414 = tpu.memref_slice %arg2[%dma_start3A_412, %dma_start3A_413] : memref<10240x64xf32, #tpu.memory_space<hbm>> -> memref<10240x64xf32, #tpu.memory_space<hbm>>
        tpu.enqueue_indirect_dma source(%dma_start3A_414 : memref<10240x64xf32, #tpu.memory_space<hbm>>) target(%dma_start3A_408 : memref<128x64xf32, #tpu.memory_space<vmem>>) offsets(%dma_start3A_411 : memref<128xi32, #tpu.memory_space<vmem>>) semaphore(%arg13 : memref<!tpu.dma_semaphore, #tpu.memory_space<semaphore_mem>>)
      } else {
      }
    }
    %scan3A_88 = arith.constant 10 : i32
    %barrier3A_89 = arith.constant 0 : index
    tpu.barrier barrier_id(%barrier3A_89)
    %mul3A_90 = arith.constant 640 : i32
    %mul3A_91 = arith.muli %arg1, %mul3A_90 : i32
    %mul3A_92 = arith.constant 640 : i32
    %mul3A_93 = arith.muli %arg1, %mul3A_92 : i32
    "tpu.region"() ({
      %run_scoped3A = tpu.sem_alloc : memref<!tpu.dma_semaphore, #tpu.memory_space<semaphore_mem>>
      %dma_start3A_94 = arith.constant 0 : i32
      %dma_start3A_95 = tpu.memref_slice %arg6[%arg0, %mul3A_93, %dma_start3A_94] : memref<2x10240x64xf32, #tpu.memory_space<hbm>> -> memref<1x640x64xf32, #tpu.memory_space<hbm>>
      %dma_start3A_96 = tpu.memref_squeeze %dma_start3A_95 : memref<1x640x64xf32, #tpu.memory_space<hbm>> -> memref<640x64xf32, #tpu.memory_space<hbm>>
      %dma_start3A_97 = arith.constant 0 : i32
      %dma_start3A_98 = tpu.memref_slice %arg11[%mul3A_91, %dma_start3A_97] : memref<10240x64xf32, #tpu.memory_space<vmem_shared>> -> memref<640x64xf32, #tpu.memory_space<vmem_shared>>
      tpu.enqueue_dma source(%dma_start3A_98 : memref<640x64xf32, #tpu.memory_space<vmem_shared>>) target(%dma_start3A_96 : memref<640x64xf32, #tpu.memory_space<hbm>>) target_semaphore(%run_scoped3A : memref<!tpu.dma_semaphore, #tpu.memory_space<semaphore_mem>>)
      %dma_wait3A = arith.constant 0 : i32
      %dma_wait3A_99 = tpu.memref_slice %arg6[%arg0, %mul3A_93, %dma_wait3A] : memref<2x10240x64xf32, #tpu.memory_space<hbm>> -> memref<1x640x64xf32, #tpu.memory_space<hbm>>
      %dma_wait3A_100 = tpu.memref_squeeze %dma_wait3A_99 : memref<1x640x64xf32, #tpu.memory_space<hbm>> -> memref<640x64xf32, #tpu.memory_space<hbm>>
      %dma_wait3A_101 = arith.constant 0 : i32
      %dma_wait3A_102 = tpu.memref_slice %arg11[%mul3A_91, %dma_wait3A_101] : memref<10240x64xf32, #tpu.memory_space<vmem_shared>> -> memref<640x64xf32, #tpu.memory_space<vmem_shared>>
      tpu.wait_dma2 semaphore(%run_scoped3A : memref<!tpu.dma_semaphore, #tpu.memory_space<semaphore_mem>>) src(%dma_wait3A_102 : memref<640x64xf32, #tpu.memory_space<vmem_shared>>) dst(%dma_wait3A_100 : memref<640x64xf32, #tpu.memory_space<hbm>>)
      tpu.yield
    }) : () -> ()
    return
  }
}

module attributes {stable_mosaic.version = 14 : i64} {
  func.func @_fe_body(%arg0: memref<5120x256xf32, #tpu.memory_space<vmem>>, %arg1: memref<5120x2xf32, #tpu.memory_space<vmem>>, %arg2: memref<256x128xf32, #tpu.memory_space<vmem>>, %arg3: memref<1x128xf32, #tpu.memory_space<vmem>>, %arg4: memref<128x128xf32, #tpu.memory_space<vmem>>, %arg5: memref<1x128xf32, #tpu.memory_space<vmem>>, %arg6: memref<128x128xf32, #tpu.memory_space<vmem>>, %arg7: memref<5120x128xf32, #tpu.memory_space<vmem>>, %arg8: memref<5120x128xf32, #tpu.memory_space<vmem>>) attributes {dimension_semantics = [], scalar_prefetch = 0 : i64, scratch_operands = 0 : i64, tpu.core_type = #tpu.core_type<tc>} {
    %iota3A = tpu.iota {dimensions = array<i32: 1>} : vector<2x128xi32>
    %iota3A_0 = tpu.iota {dimensions = array<i32: 0>} : vector<2x128xi32>
    %jit3A = arith.constant 64 : i32
    %div3A = vector.broadcast %jit3A : i32 to vector<2x128xi32>
    %div3A_1 = arith.divsi %iota3A, %div3A : vector<2x128xi32>
    %sign3A = arith.constant 0 : i32
    %sign3A_2 = vector.broadcast %sign3A : i32 to vector<2x128xi32>
    %sign3A_3 = arith.cmpi sgt, %iota3A, %sign3A_2 : vector<2x128xi32>
    %sign3A_4 = arith.extui %sign3A_3 : vector<2x128xi1> to vector<2x128xi32>
    %sign3A_5 = arith.constant 0 : i32
    %sign3A_6 = vector.broadcast %sign3A_5 : i32 to vector<2x128xi32>
    %sign3A_7 = arith.cmpi slt, %iota3A, %sign3A_6 : vector<2x128xi32>
    %sign3A_8 = arith.extui %sign3A_7 : vector<2x128xi1> to vector<2x128xi32>
    %sign3A_9 = arith.subi %sign3A_4, %sign3A_8 : vector<2x128xi32>
    %sign3A_10 = arith.constant 0 : i32
    %sign3A_11 = arith.cmpi sgt, %jit3A, %sign3A_10 : i32
    %sign3A_12 = arith.extui %sign3A_11 : i1 to i32
    %sign3A_13 = arith.constant 0 : i32
    %sign3A_14 = arith.cmpi slt, %jit3A, %sign3A_13 : i32
    %sign3A_15 = arith.extui %sign3A_14 : i1 to i32
    %sign3A_16 = arith.subi %sign3A_12, %sign3A_15 : i32
    %ne3A = vector.broadcast %sign3A_16 : i32 to vector<2x128xi32>
    %ne3A_17 = arith.cmpi ne, %sign3A_9, %ne3A : vector<2x128xi32>
    %rem3A = vector.broadcast %jit3A : i32 to vector<2x128xi32>
    %rem3A_18 = arith.remsi %iota3A, %rem3A : vector<2x128xi32>
    %ne3A_19 = arith.constant 0 : i32
    %ne3A_20 = vector.broadcast %ne3A_19 : i32 to vector<2x128xi32>
    %ne3A_21 = arith.cmpi ne, %rem3A_18, %ne3A_20 : vector<2x128xi32>
    %and3A = arith.andi %ne3A_17, %ne3A_21 : vector<2x128xi1>
    %sub3A = arith.constant 1 : i32
    %sub3A_22 = vector.broadcast %sub3A : i32 to vector<2x128xi32>
    %sub3A_23 = arith.subi %div3A_1, %sub3A_22 : vector<2x128xi32>
    %select_n3A = arith.select %and3A, %sub3A_23, %div3A_1 : vector<2x128xi1>, vector<2x128xi32>
    %eq3A = arith.cmpi eq, %select_n3A, %iota3A_0 : vector<2x128xi32>
    %convert_element_type3A = arith.extui %eq3A : vector<2x128xi1> to vector<2x128xi32>
    %convert_element_type3A_24 = arith.sitofp %convert_element_type3A : vector<2x128xi32> to vector<2x128xf32>
    %get3A = arith.constant 0 : index
    %get3A_25 = arith.constant 0 : index
    %get3A_26 = vector.load %arg1[%get3A, %get3A_25] : memref<5120x2xf32, #tpu.memory_space<vmem>>, vector<5120x2xf32>
    %add3A = arith.constant 1.000000e+00 : f32
    %add3A_27 = vector.broadcast %add3A : f32 to vector<5120x2xf32>
    %add3A_28 = arith.addf %get3A_26, %add3A_27 : vector<5120x2xf32>
    %rsqrt3A = math.rsqrt %add3A_28 : vector<5120x2xf32>
    %dot_general3A = arith.constant dense<0.000000e+00> : vector<5120x128xf32>
    %dot_general3A_29 = tpu.matmul %rsqrt3A, %convert_element_type3A_24, %dot_general3A {dimension_numbers = #tpu.dot_dimension_numbers<[1], [0], [0], [1], [0, 0, 1, 1], [], []>, precision = #tpu.contract_precision<fp32>, transpose_lhs_hint = false} : vector<5120x2xf32>, vector<2x128xf32>, vector<5120x128xf32> -> vector<5120x128xf32>
    %get3A_30 = arith.constant 0 : index
    %get3A_31 = arith.constant 0 : index
    %get3A_32 = vector.load %arg0[%get3A_30, %get3A_31] : memref<5120x256xf32, #tpu.memory_space<vmem>>, vector<5120x256xf32>
    %get3A_33 = arith.constant 0 : index
    %get3A_34 = arith.constant 0 : index
    %get3A_35 = vector.load %arg2[%get3A_33, %get3A_34] : memref<256x128xf32, #tpu.memory_space<vmem>>, vector<256x128xf32>
    %dot_general3A_36 = arith.constant dense<0.000000e+00> : vector<5120x128xf32>
    %dot_general3A_37 = tpu.matmul %get3A_32, %get3A_35, %dot_general3A_36 {dimension_numbers = #tpu.dot_dimension_numbers<[1], [0], [0], [1], [0, 0, 1, 1], [], []>, transpose_lhs_hint = false} : vector<5120x256xf32>, vector<256x128xf32>, vector<5120x128xf32> -> vector<5120x128xf32>
    %get3A_38 = arith.constant 0 : index
    %get3A_39 = arith.constant 0 : index
    %get3A_40 = vector.load %arg3[%get3A_38, %get3A_39] : memref<1x128xf32, #tpu.memory_space<vmem>>, vector<1x128xf32>
    %add3A_41 = vector.broadcast %get3A_40 : vector<1x128xf32> to vector<5120x128xf32>
    %add3A_42 = arith.addf %dot_general3A_37, %add3A_41 : vector<5120x128xf32>
    %max3A = arith.constant 0.000000e+00 : f32
    %max3A_43 = vector.broadcast %max3A : f32 to vector<5120x128xf32>
    %max3A_44 = arith.maximumf %add3A_42, %max3A_43 : vector<5120x128xf32>
    %get3A_45 = arith.constant 0 : index
    %get3A_46 = arith.constant 0 : index
    %get3A_47 = vector.load %arg4[%get3A_45, %get3A_46] : memref<128x128xf32, #tpu.memory_space<vmem>>, vector<128x128xf32>
    %dot_general3A_48 = arith.constant dense<0.000000e+00> : vector<5120x128xf32>
    %dot_general3A_49 = tpu.matmul %max3A_44, %get3A_47, %dot_general3A_48 {dimension_numbers = #tpu.dot_dimension_numbers<[1], [0], [0], [1], [0, 0, 1, 1], [], []>, transpose_lhs_hint = false} : vector<5120x128xf32>, vector<128x128xf32>, vector<5120x128xf32> -> vector<5120x128xf32>
    %get3A_50 = arith.constant 0 : index
    %get3A_51 = arith.constant 0 : index
    %get3A_52 = vector.load %arg5[%get3A_50, %get3A_51] : memref<1x128xf32, #tpu.memory_space<vmem>>, vector<1x128xf32>
    %add3A_53 = vector.broadcast %get3A_52 : vector<1x128xf32> to vector<5120x128xf32>
    %add3A_54 = arith.addf %dot_general3A_49, %add3A_53 : vector<5120x128xf32>
    %swap3A = arith.constant 0 : index
    %swap3A_55 = arith.constant 0 : index
    %swap3A_56 = vector.load %arg7[%swap3A, %swap3A_55] : memref<5120x128xf32, #tpu.memory_space<vmem>>, vector<5120x128xf32>
    tpu.vector_store %arg7[%swap3A, %swap3A_55], %dot_general3A_29 {strides = array<i32>} : memref<5120x128xf32, #tpu.memory_space<vmem>>, vector<5120x128xf32>,
    %get3A_57 = arith.constant 0 : index
    %get3A_58 = arith.constant 0 : index
    %get3A_59 = vector.load %arg6[%get3A_57, %get3A_58] : memref<128x128xf32, #tpu.memory_space<vmem>>, vector<128x128xf32>
    %dot_general3A_60 = arith.constant dense<0.000000e+00> : vector<5120x128xf32>
    %dot_general3A_61 = tpu.matmul %add3A_54, %get3A_59, %dot_general3A_60 {dimension_numbers = #tpu.dot_dimension_numbers<[1], [0], [0], [1], [0, 0, 1, 1], [], []>, transpose_lhs_hint = false} : vector<5120x128xf32>, vector<128x128xf32>, vector<5120x128xf32> -> vector<5120x128xf32>
    %mul3A = arith.mulf %dot_general3A_29, %dot_general3A_61 : vector<5120x128xf32>
    %swap3A_62 = arith.constant 0 : index
    %swap3A_63 = arith.constant 0 : index
    %swap3A_64 = vector.load %arg8[%swap3A_62, %swap3A_63] : memref<5120x128xf32, #tpu.memory_space<vmem>>, vector<5120x128xf32>
    tpu.vector_store %arg8[%swap3A_62, %swap3A_63], %mul3A {strides = array<i32>} : memref<5120x128xf32, #tpu.memory_space<vmem>>, vector<5120x128xf32>,
    return
  }
}

module attributes {stable_mosaic.version = 14 : i64} {
  func.func @_mid_body(%arg0: memref<2x5120x128xf32, #tpu.memory_space<vmem>>, %arg1: memref<5120x128xf32, #tpu.memory_space<vmem>>, %arg2: memref<5120x128xf32, #tpu.memory_space<vmem>>, %arg3: memref<128x128xf32, #tpu.memory_space<vmem>>, %arg4: memref<1x128xf32, #tpu.memory_space<vmem>>, %arg5: memref<1x128xf32, #tpu.memory_space<vmem>>, %arg6: memref<1x128xf32, #tpu.memory_space<vmem>>, %arg7: memref<128x128xf32, #tpu.memory_space<vmem>>, %arg8: memref<5120x128xf32, #tpu.memory_space<vmem>>) attributes {dimension_semantics = [], scalar_prefetch = 0 : i64, scratch_operands = 0 : i64, tpu.core_type = #tpu.core_type<tc>} {
    %get3A = arith.constant 0 : index
    %get3A_0 = arith.constant 0 : index
    %get3A_1 = vector.load %arg2[%get3A, %get3A_0] : memref<5120x128xf32, #tpu.memory_space<vmem>>, vector<5120x128xf32>
    %get3A_2 = arith.constant 0 : index
    %get3A_3 = arith.constant 0 : index
    %get3A_4 = arith.constant 0 : index
    %get3A_5 = vector.load %arg0[%get3A_2, %get3A_3, %get3A_4] : memref<2x5120x128xf32, #tpu.memory_space<vmem>>, vector<1x5120x128xf32>
    %get3A_6 = vector.shape_cast %get3A_5 : vector<1x5120x128xf32> to vector<5120x128xf32>
    %get3A_7 = arith.constant 1 : index
    %get3A_8 = arith.constant 0 : index
    %get3A_9 = arith.constant 0 : index
    %get3A_10 = vector.load %arg0[%get3A_7, %get3A_8, %get3A_9] : memref<2x5120x128xf32, #tpu.memory_space<vmem>>, vector<1x5120x128xf32>
    %get3A_11 = vector.shape_cast %get3A_10 : vector<1x5120x128xf32> to vector<5120x128xf32>
    %add3A = arith.addf %get3A_6, %get3A_11 : vector<5120x128xf32>
    %get3A_12 = arith.constant 0 : index
    %get3A_13 = arith.constant 0 : index
    %get3A_14 = vector.load %arg1[%get3A_12, %get3A_13] : memref<5120x128xf32, #tpu.memory_space<vmem>>, vector<5120x128xf32>
    %add3A_15 = arith.addf %add3A, %get3A_14 : vector<5120x128xf32>
    %mul3A = arith.mulf %get3A_1, %add3A_15 : vector<5120x128xf32>
    %get3A_16 = arith.constant 0 : index
    %get3A_17 = arith.constant 0 : index
    %get3A_18 = vector.load %arg4[%get3A_16, %get3A_17] : memref<1x128xf32, #tpu.memory_space<vmem>>, vector<1x128xf32>
    %add3A_19 = vector.broadcast %get3A_18 : vector<1x128xf32> to vector<5120x128xf32>
    %add3A_20 = arith.addf %mul3A, %add3A_19 : vector<5120x128xf32>
    %iota3A = tpu.iota {dimensions = array<i32: 0>} : vector<5120x1xi32>
    %lt3A = arith.constant 5000 : i32
    %lt3A_21 = vector.broadcast %lt3A : i32 to vector<5120x1xi32>
    %lt3A_22 = arith.cmpi slt, %iota3A, %lt3A_21 : vector<5120x1xi32>
    %convert_element_type3A = arith.extui %lt3A_22 : vector<5120x1xi1> to vector<5120x1xi32>
    %convert_element_type3A_23 = arith.sitofp %convert_element_type3A : vector<5120x1xi32> to vector<5120x1xf32>
    %get3A_24 = arith.constant 0 : index
    %get3A_25 = arith.constant 0 : index
    %get3A_26 = vector.load %arg3[%get3A_24, %get3A_25] : memref<128x128xf32, #tpu.memory_space<vmem>>, vector<128x128xf32>
    %mul3A_27 = vector.broadcast %convert_element_type3A_23 : vector<5120x1xf32> to vector<5120x128xf32>
    %mul3A_28 = arith.mulf %add3A_20, %mul3A_27 : vector<5120x128xf32>
    %reduce_sum3A = arith.constant dense<0.000000e+00> : vector<128xf32>
    %reduce_sum3A_29 = vector.multi_reduction <add>, %mul3A_28, %reduce_sum3A [0] : vector<5120x128xf32> to vector<128xf32>
    %broadcast_in_dim3A = vector.shape_cast %reduce_sum3A_29 : vector<128xf32> to vector<1x128xf32>
    %mul3A_30 = arith.constant 9.99999974E-5 : f32
    %mul3A_31 = vector.broadcast %mul3A_30 : f32 to vector<1x128xf32>
    %mul3A_32 = arith.mulf %broadcast_in_dim3A, %mul3A_31 : vector<1x128xf32>
    %dot_general3A = arith.constant dense<0.000000e+00> : vector<1x128xf32>
    %dot_general3A_33 = tpu.matmul %mul3A_32, %get3A_26, %dot_general3A {dimension_numbers = #tpu.dot_dimension_numbers<[1], [0], [0], [1], [0, 0, 1, 1], [], []>, precision = #tpu.contract_precision<fp32>, transpose_lhs_hint = false} : vector<1x128xf32>, vector<128x128xf32>, vector<1x128xf32> -> vector<1x128xf32>
    %sub3A = vector.broadcast %dot_general3A_33 : vector<1x128xf32> to vector<5120x128xf32>
    %sub3A_34 = arith.subf %add3A_20, %sub3A : vector<5120x128xf32>
    %mul3A_35 = vector.broadcast %convert_element_type3A_23 : vector<5120x1xf32> to vector<5120x128xf32>
    %mul3A_36 = arith.mulf %sub3A_34, %mul3A_35 : vector<5120x128xf32>
    %mul3A_37 = arith.mulf %mul3A_36, %mul3A_36 : vector<5120x128xf32>
    %reduce_sum3A_38 = arith.constant dense<0.000000e+00> : vector<128xf32>
    %reduce_sum3A_39 = vector.multi_reduction <add>, %mul3A_37, %reduce_sum3A_38 [0] : vector<5120x128xf32> to vector<128xf32>
    %broadcast_in_dim3A_40 = vector.shape_cast %reduce_sum3A_39 : vector<128xf32> to vector<1x128xf32>
    %mul3A_41 = arith.constant 9.99999974E-5 : f32
    %mul3A_42 = vector.broadcast %mul3A_41 : f32 to vector<1x128xf32>
    %mul3A_43 = arith.mulf %broadcast_in_dim3A_40, %mul3A_42 : vector<1x128xf32>
    %dot_general3A_44 = arith.constant dense<0.000000e+00> : vector<1x128xf32>
    %dot_general3A_45 = tpu.matmul %mul3A_43, %get3A_26, %dot_general3A_44 {dimension_numbers = #tpu.dot_dimension_numbers<[1], [0], [0], [1], [0, 0, 1, 1], [], []>, precision = #tpu.contract_precision<fp32>, transpose_lhs_hint = false} : vector<1x128xf32>, vector<128x128xf32>, vector<1x128xf32> -> vector<1x128xf32>
    %get3A_46 = arith.constant 0 : index
    %get3A_47 = arith.constant 0 : index
    %get3A_48 = vector.load %arg5[%get3A_46, %get3A_47] : memref<1x128xf32, #tpu.memory_space<vmem>>, vector<1x128xf32>
    %sub3A_49 = vector.broadcast %dot_general3A_33 : vector<1x128xf32> to vector<5120x128xf32>
    %sub3A_50 = arith.subf %add3A_20, %sub3A_49 : vector<5120x128xf32>
    %mul3A_51 = vector.broadcast %get3A_48 : vector<1x128xf32> to vector<5120x128xf32>
    %mul3A_52 = arith.mulf %mul3A_51, %sub3A_50 : vector<5120x128xf32>
    %add3A_53 = arith.constant 9.99999974E-6 : f32
    %add3A_54 = vector.broadcast %add3A_53 : f32 to vector<1x128xf32>
    %add3A_55 = arith.addf %dot_general3A_45, %add3A_54 : vector<1x128xf32>
    %rsqrt3A = math.rsqrt %add3A_55 : vector<1x128xf32>
    %mul3A_56 = vector.broadcast %rsqrt3A : vector<1x128xf32> to vector<5120x128xf32>
    %mul3A_57 = arith.mulf %mul3A_52, %mul3A_56 : vector<5120x128xf32>
    %get3A_58 = arith.constant 0 : index
    %get3A_59 = arith.constant 0 : index
    %get3A_60 = vector.load %arg6[%get3A_58, %get3A_59] : memref<1x128xf32, #tpu.memory_space<vmem>>, vector<1x128xf32>
    %add3A_61 = vector.broadcast %get3A_60 : vector<1x128xf32> to vector<5120x128xf32>
    %add3A_62 = arith.addf %mul3A_57, %add3A_61 : vector<5120x128xf32>
    %max3A = arith.constant 0.000000e+00 : f32
    %max3A_63 = vector.broadcast %max3A : f32 to vector<5120x128xf32>
    %max3A_64 = arith.maximumf %add3A_62, %max3A_63 : vector<5120x128xf32>
    %get3A_65 = arith.constant 0 : index
    %get3A_66 = arith.constant 0 : index
    %get3A_67 = vector.load %arg7[%get3A_65, %get3A_66] : memref<128x128xf32, #tpu.memory_space<vmem>>, vector<128x128xf32>
    %dot_general3A_68 = arith.constant dense<0.000000e+00> : vector<5120x128xf32>
    %dot_general3A_69 = tpu.matmul %max3A_64, %get3A_67, %dot_general3A_68 {dimension_numbers = #tpu.dot_dimension_numbers<[1], [0], [0], [1], [0, 0, 1, 1], [], []>, transpose_lhs_hint = false} : vector<5120x128xf32>, vector<128x128xf32>, vector<5120x128xf32> -> vector<5120x128xf32>
    %mul3A_70 = arith.mulf %get3A_1, %dot_general3A_69 : vector<5120x128xf32>
    %swap3A = arith.constant 0 : index
    %swap3A_71 = arith.constant 0 : index
    %swap3A_72 = vector.load %arg8[%swap3A, %swap3A_71] : memref<5120x128xf32, #tpu.memory_space<vmem>>, vector<5120x128xf32>
    tpu.vector_store %arg8[%swap3A, %swap3A_71], %mul3A_70 {strides = array<i32>} : memref<5120x128xf32, #tpu.memory_space<vmem>>, vector<5120x128xf32>,
    return
  }
}

module attributes {stable_mosaic.version = 14 : i64} {
  func.func @_final_body(%arg0: memref<2x5120x128xf32, #tpu.memory_space<vmem>>, %arg1: memref<5120x128xf32, #tpu.memory_space<vmem>>, %arg2: memref<5120x128xf32, #tpu.memory_space<vmem>>, %arg3: memref<128x128xf32, #tpu.memory_space<vmem>>, %arg4: memref<1x128xf32, #tpu.memory_space<vmem>>, %arg5: memref<1x128xf32, #tpu.memory_space<vmem>>, %arg6: memref<1x128xf32, #tpu.memory_space<vmem>>, %arg7: memref<128x64xf32, #tpu.memory_space<vmem>>, %arg8: memref<1x64xf32, #tpu.memory_space<vmem>>, %arg9: memref<64x6xf32, #tpu.memory_space<vmem>>, %arg10: memref<1x6xf32, #tpu.memory_space<vmem>>, %arg11: memref<128x64xf32, #tpu.memory_space<vmem>>, %arg12: memref<1x64xf32, #tpu.memory_space<vmem>>, %arg13: memref<64x2xf32, #tpu.memory_space<vmem>>, %arg14: memref<1x2xf32, #tpu.memory_space<vmem>>, %arg15: memref<128x64xf32, #tpu.memory_space<vmem>>, %arg16: memref<1x64xf32, #tpu.memory_space<vmem>>, %arg17: memref<64x2xf32, #tpu.memory_space<vmem>>, %arg18: memref<1x2xf32, #tpu.memory_space<vmem>>, %arg19: memref<5120x6xf32, #tpu.memory_space<vmem>>, %arg20: memref<5120x2xf32, #tpu.memory_space<vmem>>, %arg21: memref<5120x2xf32, #tpu.memory_space<vmem>>) attributes {dimension_semantics = [], scalar_prefetch = 0 : i64, scratch_operands = 0 : i64, tpu.core_type = #tpu.core_type<tc>} {
    %get3A = arith.constant 0 : index
    %get3A_0 = arith.constant 0 : index
    %get3A_1 = vector.load %arg2[%get3A, %get3A_0] : memref<5120x128xf32, #tpu.memory_space<vmem>>, vector<5120x128xf32>
    %get3A_2 = arith.constant 0 : index
    %get3A_3 = arith.constant 0 : index
    %get3A_4 = arith.constant 0 : index
    %get3A_5 = vector.load %arg0[%get3A_2, %get3A_3, %get3A_4] : memref<2x5120x128xf32, #tpu.memory_space<vmem>>, vector<1x5120x128xf32>
    %get3A_6 = vector.shape_cast %get3A_5 : vector<1x5120x128xf32> to vector<5120x128xf32>
    %get3A_7 = arith.constant 1 : index
    %get3A_8 = arith.constant 0 : index
    %get3A_9 = arith.constant 0 : index
    %get3A_10 = vector.load %arg0[%get3A_7, %get3A_8, %get3A_9] : memref<2x5120x128xf32, #tpu.memory_space<vmem>>, vector<1x5120x128xf32>
    %get3A_11 = vector.shape_cast %get3A_10 : vector<1x5120x128xf32> to vector<5120x128xf32>
    %add3A = arith.addf %get3A_6, %get3A_11 : vector<5120x128xf32>
    %get3A_12 = arith.constant 0 : index
    %get3A_13 = arith.constant 0 : index
    %get3A_14 = vector.load %arg1[%get3A_12, %get3A_13] : memref<5120x128xf32, #tpu.memory_space<vmem>>, vector<5120x128xf32>
    %add3A_15 = arith.addf %add3A, %get3A_14 : vector<5120x128xf32>
    %mul3A = arith.mulf %get3A_1, %add3A_15 : vector<5120x128xf32>
    %get3A_16 = arith.constant 0 : index
    %get3A_17 = arith.constant 0 : index
    %get3A_18 = vector.load %arg4[%get3A_16, %get3A_17] : memref<1x128xf32, #tpu.memory_space<vmem>>, vector<1x128xf32>
    %add3A_19 = vector.broadcast %get3A_18 : vector<1x128xf32> to vector<5120x128xf32>
    %add3A_20 = arith.addf %mul3A, %add3A_19 : vector<5120x128xf32>
    %iota3A = tpu.iota {dimensions = array<i32: 0>} : vector<5120x1xi32>
    %lt3A = arith.constant 5000 : i32
    %lt3A_21 = vector.broadcast %lt3A : i32 to vector<5120x1xi32>
    %lt3A_22 = arith.cmpi slt, %iota3A, %lt3A_21 : vector<5120x1xi32>
    %convert_element_type3A = arith.extui %lt3A_22 : vector<5120x1xi1> to vector<5120x1xi32>
    %convert_element_type3A_23 = arith.sitofp %convert_element_type3A : vector<5120x1xi32> to vector<5120x1xf32>
    %get3A_24 = arith.constant 0 : index
    %get3A_25 = arith.constant 0 : index
    %get3A_26 = vector.load %arg3[%get3A_24, %get3A_25] : memref<128x128xf32, #tpu.memory_space<vmem>>, vector<128x128xf32>
    %mul3A_27 = vector.broadcast %convert_element_type3A_23 : vector<5120x1xf32> to vector<5120x128xf32>
    %mul3A_28 = arith.mulf %add3A_20, %mul3A_27 : vector<5120x128xf32>
    %reduce_sum3A = arith.constant dense<0.000000e+00> : vector<128xf32>
    %reduce_sum3A_29 = vector.multi_reduction <add>, %mul3A_28, %reduce_sum3A [0] : vector<5120x128xf32> to vector<128xf32>
    %broadcast_in_dim3A = vector.shape_cast %reduce_sum3A_29 : vector<128xf32> to vector<1x128xf32>
    %mul3A_30 = arith.constant 9.99999974E-5 : f32
    %mul3A_31 = vector.broadcast %mul3A_30 : f32 to vector<1x128xf32>
    %mul3A_32 = arith.mulf %broadcast_in_dim3A, %mul3A_31 : vector<1x128xf32>
    %dot_general3A = arith.constant dense<0.000000e+00> : vector<1x128xf32>
    %dot_general3A_33 = tpu.matmul %mul3A_32, %get3A_26, %dot_general3A {dimension_numbers = #tpu.dot_dimension_numbers<[1], [0], [0], [1], [0, 0, 1, 1], [], []>, precision = #tpu.contract_precision<fp32>, transpose_lhs_hint = false} : vector<1x128xf32>, vector<128x128xf32>, vector<1x128xf32> -> vector<1x128xf32>
    %sub3A = vector.broadcast %dot_general3A_33 : vector<1x128xf32> to vector<5120x128xf32>
    %sub3A_34 = arith.subf %add3A_20, %sub3A : vector<5120x128xf32>
    %mul3A_35 = vector.broadcast %convert_element_type3A_23 : vector<5120x1xf32> to vector<5120x128xf32>
    %mul3A_36 = arith.mulf %sub3A_34, %mul3A_35 : vector<5120x128xf32>
    %mul3A_37 = arith.mulf %mul3A_36, %mul3A_36 : vector<5120x128xf32>
    %reduce_sum3A_38 = arith.constant dense<0.000000e+00> : vector<128xf32>
    %reduce_sum3A_39 = vector.multi_reduction <add>, %mul3A_37, %reduce_sum3A_38 [0] : vector<5120x128xf32> to vector<128xf32>
    %broadcast_in_dim3A_40 = vector.shape_cast %reduce_sum3A_39 : vector<128xf32> to vector<1x128xf32>
    %mul3A_41 = arith.constant 9.99999974E-5 : f32
    %mul3A_42 = vector.broadcast %mul3A_41 : f32 to vector<1x128xf32>
    %mul3A_43 = arith.mulf %broadcast_in_dim3A_40, %mul3A_42 : vector<1x128xf32>
    %dot_general3A_44 = arith.constant dense<0.000000e+00> : vector<1x128xf32>
    %dot_general3A_45 = tpu.matmul %mul3A_43, %get3A_26, %dot_general3A_44 {dimension_numbers = #tpu.dot_dimension_numbers<[1], [0], [0], [1], [0, 0, 1, 1], [], []>, precision = #tpu.contract_precision<fp32>, transpose_lhs_hint = false} : vector<1x128xf32>, vector<128x128xf32>, vector<1x128xf32> -> vector<1x128xf32>
    %get3A_46 = arith.constant 0 : index
    %get3A_47 = arith.constant 0 : index
    %get3A_48 = vector.load %arg5[%get3A_46, %get3A_47] : memref<1x128xf32, #tpu.memory_space<vmem>>, vector<1x128xf32>
    %sub3A_49 = vector.broadcast %dot_general3A_33 : vector<1x128xf32> to vector<5120x128xf32>
    %sub3A_50 = arith.subf %add3A_20, %sub3A_49 : vector<5120x128xf32>
    %mul3A_51 = vector.broadcast %get3A_48 : vector<1x128xf32> to vector<5120x128xf32>
    %mul3A_52 = arith.mulf %mul3A_51, %sub3A_50 : vector<5120x128xf32>
    %add3A_53 = arith.constant 9.99999974E-6 : f32
    %add3A_54 = vector.broadcast %add3A_53 : f32 to vector<1x128xf32>
    %add3A_55 = arith.addf %dot_general3A_45, %add3A_54 : vector<1x128xf32>
    %rsqrt3A = math.rsqrt %add3A_55 : vector<1x128xf32>
    %mul3A_56 = vector.broadcast %rsqrt3A : vector<1x128xf32> to vector<5120x128xf32>
    %mul3A_57 = arith.mulf %mul3A_52, %mul3A_56 : vector<5120x128xf32>
    %get3A_58 = arith.constant 0 : index
    %get3A_59 = arith.constant 0 : index
    %get3A_60 = vector.load %arg6[%get3A_58, %get3A_59] : memref<1x128xf32, #tpu.memory_space<vmem>>, vector<1x128xf32>
    %add3A_61 = vector.broadcast %get3A_60 : vector<1x128xf32> to vector<5120x128xf32>
    %add3A_62 = arith.addf %mul3A_57, %add3A_61 : vector<5120x128xf32>
    %get3A_63 = arith.constant 0 : index
    %get3A_64 = arith.constant 0 : index
    %get3A_65 = vector.load %arg7[%get3A_63, %get3A_64] : memref<128x64xf32, #tpu.memory_space<vmem>>, vector<128x64xf32>
    %dot_general3A_66 = arith.constant dense<0.000000e+00> : vector<5120x64xf32>
    %dot_general3A_67 = tpu.matmul %add3A_62, %get3A_65, %dot_general3A_66 {dimension_numbers = #tpu.dot_dimension_numbers<[1], [0], [0], [1], [0, 0, 1, 1], [], []>, transpose_lhs_hint = false} : vector<5120x128xf32>, vector<128x64xf32>, vector<5120x64xf32> -> vector<5120x64xf32>
    %get3A_68 = arith.constant 0 : index
    %get3A_69 = arith.constant 0 : index
    %get3A_70 = vector.load %arg8[%get3A_68, %get3A_69] : memref<1x64xf32, #tpu.memory_space<vmem>>, vector<1x64xf32>
    %add3A_71 = vector.broadcast %get3A_70 : vector<1x64xf32> to vector<5120x64xf32>
    %add3A_72 = arith.addf %dot_general3A_67, %add3A_71 : vector<5120x64xf32>
    %max3A = arith.constant 0.000000e+00 : f32
    %max3A_73 = vector.broadcast %max3A : f32 to vector<5120x64xf32>
    %max3A_74 = arith.maximumf %add3A_72, %max3A_73 : vector<5120x64xf32>
    %get3A_75 = arith.constant 0 : index
    %get3A_76 = arith.constant 0 : index
    %get3A_77 = vector.load %arg9[%get3A_75, %get3A_76] : memref<64x6xf32, #tpu.memory_space<vmem>>, vector<64x6xf32>
    %dot_general3A_78 = arith.constant dense<0.000000e+00> : vector<5120x6xf32>
    %dot_general3A_79 = tpu.matmul %max3A_74, %get3A_77, %dot_general3A_78 {dimension_numbers = #tpu.dot_dimension_numbers<[1], [0], [0], [1], [0, 0, 1, 1], [], []>, transpose_lhs_hint = false} : vector<5120x64xf32>, vector<64x6xf32>, vector<5120x6xf32> -> vector<5120x6xf32>
    %get3A_80 = arith.constant 0 : index
    %get3A_81 = arith.constant 0 : index
    %get3A_82 = vector.load %arg10[%get3A_80, %get3A_81] : memref<1x6xf32, #tpu.memory_space<vmem>>, vector<1x6xf32>
    %add3A_83 = vector.broadcast %get3A_82 : vector<1x6xf32> to vector<5120x6xf32>
    %add3A_84 = arith.addf %dot_general3A_79, %add3A_83 : vector<5120x6xf32>
    %swap3A = arith.constant 0 : index
    %swap3A_85 = arith.constant 0 : index
    %swap3A_86 = vector.load %arg19[%swap3A, %swap3A_85] : memref<5120x6xf32, #tpu.memory_space<vmem>>, vector<5120x6xf32>
    tpu.vector_store %arg19[%swap3A, %swap3A_85], %add3A_84 {strides = array<i32>} : memref<5120x6xf32, #tpu.memory_space<vmem>>, vector<5120x6xf32>,
    %get3A_87 = arith.constant 0 : index
    %get3A_88 = arith.constant 0 : index
    %get3A_89 = vector.load %arg11[%get3A_87, %get3A_88] : memref<128x64xf32, #tpu.memory_space<vmem>>, vector<128x64xf32>
    %dot_general3A_90 = arith.constant dense<0.000000e+00> : vector<5120x64xf32>
    %dot_general3A_91 = tpu.matmul %add3A_62, %get3A_89, %dot_general3A_90 {dimension_numbers = #tpu.dot_dimension_numbers<[1], [0], [0], [1], [0, 0, 1, 1], [], []>, transpose_lhs_hint = false} : vector<5120x128xf32>, vector<128x64xf32>, vector<5120x64xf32> -> vector<5120x64xf32>
    %get3A_92 = arith.constant 0 : index
    %get3A_93 = arith.constant 0 : index
    %get3A_94 = vector.load %arg12[%get3A_92, %get3A_93] : memref<1x64xf32, #tpu.memory_space<vmem>>, vector<1x64xf32>
    %add3A_95 = vector.broadcast %get3A_94 : vector<1x64xf32> to vector<5120x64xf32>
    %add3A_96 = arith.addf %dot_general3A_91, %add3A_95 : vector<5120x64xf32>
    %max3A_97 = arith.constant 0.000000e+00 : f32
    %max3A_98 = vector.broadcast %max3A_97 : f32 to vector<5120x64xf32>
    %max3A_99 = arith.maximumf %add3A_96, %max3A_98 : vector<5120x64xf32>
    %get3A_100 = arith.constant 0 : index
    %get3A_101 = arith.constant 0 : index
    %get3A_102 = vector.load %arg13[%get3A_100, %get3A_101] : memref<64x2xf32, #tpu.memory_space<vmem>>, vector<64x2xf32>
    %dot_general3A_103 = arith.constant dense<0.000000e+00> : vector<5120x2xf32>
    %dot_general3A_104 = tpu.matmul %max3A_99, %get3A_102, %dot_general3A_103 {dimension_numbers = #tpu.dot_dimension_numbers<[1], [0], [0], [1], [0, 0, 1, 1], [], []>, transpose_lhs_hint = false} : vector<5120x64xf32>, vector<64x2xf32>, vector<5120x2xf32> -> vector<5120x2xf32>
    %get3A_105 = arith.constant 0 : index
    %get3A_106 = arith.constant 0 : index
    %get3A_107 = vector.load %arg14[%get3A_105, %get3A_106] : memref<1x2xf32, #tpu.memory_space<vmem>>, vector<1x2xf32>
    %add3A_108 = vector.broadcast %get3A_107 : vector<1x2xf32> to vector<5120x2xf32>
    %add3A_109 = arith.addf %dot_general3A_104, %add3A_108 : vector<5120x2xf32>
    %logistic3A = arith.negf %add3A_109 : vector<5120x2xf32>
    %logistic3A_110 = math.exp %logistic3A : vector<5120x2xf32>
    %logistic3A_111 = arith.constant 1.000000e+00 : f32
    %logistic3A_112 = vector.broadcast %logistic3A_111 : f32 to vector<5120x2xf32>
    %logistic3A_113 = arith.addf %logistic3A_112, %logistic3A_110 : vector<5120x2xf32>
    %logistic3A_114 = arith.divf %logistic3A_112, %logistic3A_113 : vector<5120x2xf32>
    %swap3A_115 = arith.constant 0 : index
    %swap3A_116 = arith.constant 0 : index
    %swap3A_117 = vector.load %arg20[%swap3A_115, %swap3A_116] : memref<5120x2xf32, #tpu.memory_space<vmem>>, vector<5120x2xf32>
    tpu.vector_store %arg20[%swap3A_115, %swap3A_116], %logistic3A_114 {strides = array<i32>} : memref<5120x2xf32, #tpu.memory_space<vmem>>, vector<5120x2xf32>,
    %get3A_118 = arith.constant 0 : index
    %get3A_119 = arith.constant 0 : index
    %get3A_120 = vector.load %arg15[%get3A_118, %get3A_119] : memref<128x64xf32, #tpu.memory_space<vmem>>, vector<128x64xf32>
    %dot_general3A_121 = arith.constant dense<0.000000e+00> : vector<5120x64xf32>
    %dot_general3A_122 = tpu.matmul %add3A_62, %get3A_120, %dot_general3A_121 {dimension_numbers = #tpu.dot_dimension_numbers<[1], [0], [0], [1], [0, 0, 1, 1], [], []>, transpose_lhs_hint = false} : vector<5120x128xf32>, vector<128x64xf32>, vector<5120x64xf32> -> vector<5120x64xf32>
    %get3A_123 = arith.constant 0 : index
    %get3A_124 = arith.constant 0 : index
    %get3A_125 = vector.load %arg16[%get3A_123, %get3A_124] : memref<1x64xf32, #tpu.memory_space<vmem>>, vector<1x64xf32>
    %add3A_126 = vector.broadcast %get3A_125 : vector<1x64xf32> to vector<5120x64xf32>
    %add3A_127 = arith.addf %dot_general3A_122, %add3A_126 : vector<5120x64xf32>
    %max3A_128 = arith.constant 0.000000e+00 : f32
    %max3A_129 = vector.broadcast %max3A_128 : f32 to vector<5120x64xf32>
    %max3A_130 = arith.maximumf %add3A_127, %max3A_129 : vector<5120x64xf32>
    %get3A_131 = arith.constant 0 : index
    %get3A_132 = arith.constant 0 : index
    %get3A_133 = vector.load %arg17[%get3A_131, %get3A_132] : memref<64x2xf32, #tpu.memory_space<vmem>>, vector<64x2xf32>
    %dot_general3A_134 = arith.constant dense<0.000000e+00> : vector<5120x2xf32>
    %dot_general3A_135 = tpu.matmul %max3A_130, %get3A_133, %dot_general3A_134 {dimension_numbers = #tpu.dot_dimension_numbers<[1], [0], [0], [1], [0, 0, 1, 1], [], []>, transpose_lhs_hint = false} : vector<5120x64xf32>, vector<64x2xf32>, vector<5120x2xf32> -> vector<5120x2xf32>
    %get3A_136 = arith.constant 0 : index
    %get3A_137 = arith.constant 0 : index
    %get3A_138 = vector.load %arg18[%get3A_136, %get3A_137] : memref<1x2xf32, #tpu.memory_space<vmem>>, vector<1x2xf32>
    %add3A_139 = vector.broadcast %get3A_138 : vector<1x2xf32> to vector<5120x2xf32>
    %add3A_140 = arith.addf %dot_general3A_135, %add3A_139 : vector<5120x2xf32>
    %swap3A_141 = arith.constant 0 : index
    %swap3A_142 = arith.constant 0 : index
    %swap3A_143 = vector.load %arg21[%swap3A_141, %swap3A_142] : memref<5120x2xf32, #tpu.memory_space<vmem>>, vector<5120x2xf32>
    tpu.vector_store %arg21[%swap3A_141, %swap3A_142], %add3A_140 {strides = array<i32>} : memref<5120x2xf32, #tpu.memory_space<vmem>>, vector<5120x2xf32>,
    return
  }
}

</mosaic_0001>

<sc_bundles>
// kernel: kernel.12.cloned.1.call-start
scs
__scs_entry_jumppad:
0x0: {  	(pc) =	sbr.rel $0x88, $3  }
0x1: {  	(tag) =	ssettag $0x0;
	lr =	simm.s32 $0x1  }
0x2: {  	[smem:$0x3F7F] =	sst lr;
	_ =	strace $0xD0000000  }
0x3: {  	_ = 	snop  }
0x4: {  	_ = 	snop  }
0x5: {  	_ = 	snop  }
0x6: {  	_ = 	snop  }
0x7: {  	_ = 	snop  }
__scs_overlays_trampoline_lowered:
0x8: {  	[smem:$0x3F8E] =	sst s0  }
0x9: {  	[smem:$0x3F8F] =	sst s1  }
0xa: {  	[smem:$0x3F90] =	sst s2  }
0xb: {  	[smem:$0x3F91] =	sst s3  }
0xc: {  	[smem:$0x3F92] =	sst s4  }
0xd: {  	[smem:$0x3F93] =	sst s5  }
0xe: {  	[smem:$0x3F94] =	sst s6  }
0xf: {  	[smem:$0x3F95] =	sst s7  }
0x10: {  	[smem:$0x3F96] =	sst s8  }
0x11: {  	[smem:$0x3F97] =	sst s9;
	s0 =	simm.s32 @!p0 $0x0  }
0x12: {  	s1 =	sld [smem:$0x3F7D];
	s0 =	simm.s32 @p0 $0x1  }
0x13: {  	[smem:$0x3F98] =	sst s0;
	s0 =	simm.s32 @!p1 $0x0  }
0x14: {  	s2 =	sld [smem:$0x3F7C];
	s0 =	simm.s32 @p1 $0x1  }
0x15: {  	[smem:$0x3F99] =	sst s0;
	s0 =	simm.s32 @!p2 $0x0  }
0x16: {  	s3 =	sld [smem:$0x3FDB];
	s0 =	simm.s32 @p2 $0x1  }
0x17: {  	s4 =	simm.s32 $0x1BF5;
	[smem:$0x3F9B] =	sst s0  }
0x18: {  	s0 =	sld [smem:$0x3F7E];
	_ =	swait.ge [sflag:s4], $0x0  }
0x19: {  	s7 =	sld [smem:$0x3F7F]  }
0x1a: {  	s8 =	sadd.s32 $0xFFFFE003, lr  }
0x1b: {  	s9 =	sadd.s32 $0xFFFFFEF7, lr;
	s5 =	simm.s32 $0xFFFFFFFF;
	p2 =	slt.u32 s8, $0xFFFFF086  }
0x1c: {  	p1 =	slt.u32 s9, $0xF7A;
	s5 =	simm.s32 @!p2 $0x0  }
0x1d: {  	s5 =	simm.s32 @p1 $0x1;
	p0 =	seq.s32 s7, s2  }
0x1e: {  	s7 =	smul.u32 @!p0 $0xF7A, s2;
	p2 =	seq.s32 @!p0 s5, $0x0  }
0x1f: {  	s9 =	smul.u32 $0xF7A, s1;
	s8 =	simm.s32 @!p0 $0x1BF5;
	p2 =	por !p2, p0  }
0x20: {  	[sflag:s8] =	ssyncset.s32 @!p0 $0xFFFFF086;
	s6 =	sadd.s32 @!p0 s3, s7;
	s7 =	simm.s32 @!p0 $0x108  }
0x21: {  	s3 =	sadd.s32 s3, s9;
	s6 =	sadd.s32 @!p0 $0x88, s6;
	s7 =	simm.s32 @p2 $0x1082  }
0x22: {  	[simem:s7], [sflag:s8] =	dma.local @!p0 [hbm:s6], $0xF7A  }
0x23: {  	s9 =	sor.u32 $0xD0000000, s2;
	s6 =	simm.s32 $0x108;
	_ =	swait.ge @!p0 [sflag:s8], $0x0  }
0x24: {  	s3 =	sadd.s32 $0x88, s3;
	s6 =	simm.s32 @!p1 $0x1082;
	[sflag:s4] =	ssyncset.s32 $0xFFFFF086  }
0x25: {  	[simem:s6], [sflag:s4] =	dma.local [hbm:s3], $0xF7A  }
0x26: {  	[smem:$0x3F7F] =	sst s1;
	(tag) =	ssettag s2;
	_ =	strace s9  }
0x27: {  	s1 =	sld [smem:$0x3F8F]  }
0x28: {  	s2 =	sld [smem:$0x3F90]  }
0x29: {  	s4 =	sld [smem:$0x3F92]  }
0x2a: {  	p0 =	seq.s32 s5, $0x0;
	s5 =	sld [smem:$0x3F93]  }
0x2b: {  	s6 =	sld [smem:$0x3F94]  }
0x2c: {  	s7 =	sld [smem:$0x3F95]  }
0x2d: {  	s3 =	simm.s32 $0x108;
	s8 =	sld [smem:$0x3F96]  }
0x2e: {  	s3 =	simm.s32 @!p0 $0x1082;
	s9 =	sld [smem:$0x3F97]  }
0x2f: {  	lr =	sadd.s32 s0, s3;
	s0 =	sld [smem:$0x3F8E]  }
0x30: {  	s3 =	sld [smem:$0x3F91]  }
0x31: {  	[smem:$0x3F9A] =	sst s10  }
0x32: {  	s10 =	sld [smem:$0x3F98];
	_ =	sdelay $0x3  }
0x33: {  	p0 =	seq.s32 s10, $0x1;
	s10 =	sld [smem:$0x3F9A];
	_ =	sdelay $0x3  }
0x34: {  	[smem:$0x3F9A] =	sst s10  }
0x35: {  	s10 =	sld [smem:$0x3F99];
	_ =	sdelay $0x3  }
0x36: {  	p1 =	seq.s32 s10, $0x1;
	s10 =	sld [smem:$0x3F9A];
	_ =	sdelay $0x3  }
0x37: {  	[smem:$0x3F9A] =	sst s10  }
0x38: {  	s10 =	sld [smem:$0x3F9B]  }
0x39: {  	_ = 	snop;
	(pc) =	sbr.ind lr, $3  }
0x3a: {  	_ = 	snop  }
0x3b: {  	_ = 	snop  }
0x3c: {  	p2 =	seq.s32 s10, $0x1;
	s10 =	sld [smem:$0x3F9A]  }
0x3d: {  	_ =	shalt  }
0x3e: {  	_ =	shalt  }
0x3f: {  	_ =	shalt  }
0x40: {  	_ =	shalt  }
0x41: {  	_ =	shalt  }
0x42: {  	_ =	shalt  }
0x43: {  	_ =	shalt  }
0x44: {  	_ =	shalt  }
0x45: {  	_ =	shalt  }
0x46: {  	_ =	shalt  }
0x47: {  	_ =	shalt  }
0x48: {  	_ =	shalt  }
0x49: {  	_ =	shalt  }
0x4a: {  	_ =	shalt  }
0x4b: {  	_ =	shalt  }
0x4c: {  	_ =	shalt  }
0x4d: {  	_ =	shalt  }
0x4e: {  	_ =	shalt  }
0x4f: {  	_ =	shalt  }
0x50: {  	_ =	shalt  }
0x51: {  	_ =	shalt  }
0x52: {  	_ =	shalt  }
0x53: {  	_ =	shalt  }
0x54: {  	_ =	shalt  }
0x55: {  	_ =	shalt  }
0x56: {  	_ =	shalt  }
0x57: {  	_ =	shalt  }
0x58: {  	_ =	shalt  }
0x59: {  	_ =	shalt  }
0x5a: {  	_ =	shalt  }
0x5b: {  	_ =	shalt  }
0x5c: {  	_ =	shalt  }
0x5d: {  	_ =	shalt  }
0x5e: {  	_ =	shalt  }
0x5f: {  	_ =	shalt  }
0x60: {  	_ =	shalt  }
0x61: {  	_ =	shalt  }
0x62: {  	_ =	shalt  }
0x63: {  	_ =	shalt  }
0x64: {  	_ =	shalt  }
0x65: {  	_ =	shalt  }
0x66: {  	_ =	shalt  }
0x67: {  	_ =	shalt  }
0x68: {  	_ =	shalt  }
0x69: {  	_ =	shalt  }
0x6a: {  	_ =	shalt  }
0x6b: {  	_ =	shalt  }
0x6c: {  	_ =	shalt  }
0x6d: {  	_ =	shalt  }
0x6e: {  	_ =	shalt  }
0x6f: {  	_ =	shalt  }
0x70: {  	_ =	shalt  }
0x71: {  	_ =	shalt  }
0x72: {  	_ =	shalt  }
0x73: {  	_ =	shalt  }
0x74: {  	_ =	shalt  }
0x75: {  	_ =	shalt  }
0x76: {  	_ =	shalt  }
0x77: {  	_ =	shalt  }
0x78: {  	_ =	shalt  }
0x79: {  	_ =	shalt  }
0x7a: {  	_ =	shalt  }
0x7b: {  	_ =	shalt  }
0x7c: {  	_ =	shalt  }
0x7d: {  	_ =	shalt  }
0x7e: {  	_ =	shalt  }
0x7f: {  	_ =	shalt  }
0x80: {  	_ =	shalt  }
0x81: {  	_ =	shalt  }
0x82: {  	_ =	shalt  }
0x83: {  	_ =	shalt  }
0x84: {  	_ =	shalt  }
0x85: {  	_ =	shalt  }
0x86: {  	_ =	shalt  }
0x87: {  	_ =	shalt  }
.Lfunc_end0:
.L_simem_size_0:
called_computation_lowered:
.L_overlay_start_0:
0x88: {  	s2 =	sld [smem:$0x3FD9]  }
0x89: {  	s3 =	sld [smem:$0x3FFE];
	_ =	sdelay $0x1  }
0x8a: {  	s1 =	srdreg.scid  }
0x8b: {  	s0 =	sand.u32 $0x1, s1  }
0x8c: {  	s14 =	sshll.u32 s0, $0xA;
	s2 =	sadd.s32 s3, s2  }
0x8d: {  	s2 =	sadd.s32 s2, s14  }
0x8e: {  	[smem:$0x3FA6] =	sst s2  }
0x8f: {  	_ = 	snop  }
0x90: {  	s2 =	sld [smem:$0x3FD0];
	_ =	sdelay $0x2  }
0x91: {  	s15 =	simm.s32 $0xA;
	s4 =	simm.s32 $0x10  }
0x92: {  	[smem:s4], [sflag:s15] =	dma.local [hbm:s2], $0x1  }
0x93: {  	_ =	swait.eq [sflag:s15], $0x1  }
0x94: {  	[sflag:s15] =	ssyncset.done $0x0  }
0x95: {  	[sflag:s15] =	ssyncadd.s32 $0xFFFFFFFF  }
0x96: {  	s16 =	sld [smem:$0x12];
	(tm) =	ssettm $0x1  }
0x97: {  	s17 =	sld [smem:$0x3FFB];
	_ =	sdelay $0x3  }
0x98: {  	_ =	strace s17  }
0x99: {  	s3 =	sld [smem:$0x3FFC];
	_ =	sdelay $0x3  }
0x9a: {  	_ =	strace s3  }
0x9b: {  	s3 =	sld [smem:$0x3FFD];
	_ =	sdelay $0x3  }
0x9c: {  	_ =	strace s3  }
0x9d: {  	_ =	strace $0x8FFFFFFF  }
0x9e: {  	s18 =	sld [smem:$0x3FDB];
	_ =	sdelay $0x1  }
0x9f: {  	s19 =	simm.s32 $_scs_section_size  }
0xa0: {  	s5 =	simm.s32 $_size__tile_overlayer_lowered;
	s6 =	simm.s32 $_tile_overlayer_lowered  }
0xa1: {  	s22 =	simm.s32 $0x1BFF;
	s21 =	sshll.u32 s6, $0x1;
	s3 =	sadd.s32 s19, s18  }
0xa2: {  	s7 =	simm.s32 $0x0;
	s20 =	sshll.u32 s5, $0x1;
	s5 =	sadd.s32 s21, s3  }
0xa3: {  	[timem:s7], [sflag:s22] =	dma.local [hbm:s5], s20  }
0xa4: {  	_ =	swait.ge [sflag:s22], s20  }
0xa5: {  	s4 =	ssub.s32 $0x0, s20;
	[sflag:s22] =	ssyncset.done $0x0  }
0xa6: {  	[sflag:s22] =	ssyncadd.s32 s4;
	_ =	sdelay $0x1  }
0xa7: {  	s23 =	simm.s32 $0x1B8B  }
0xa8: {  	_ =	swait.ge [sflag:s23], $0x1  }
0xa9: {  	[sflag:s23] =	ssyncset.done $0x0  }
0xaa: {  	s25 =	simm.s32 $0x1B8E;
	s24 =	sld [smem:$0x3FFE];
	[sflag:s23] =	ssyncadd.s32 $0xFFFFFFFF  }
0xab: {  	s26 =	simm.s32 $execute0_lowered;
	[smem:$0x3FD2] =	sst s25  }
0xac: {  	s5 =	sshll.u32 s26, $0x1;
	_ =	strace $0x80000046;
	[dreg:$0x1] =	wrdreg $0xFFFFFFFF  }
0xad: {  	s28 =	simm.s32 $_size_execute0_lowered;
	s3 =	sadd.s32 s3, s5;
	[dreg:$0x0] =	wrdreg $0x0  }
0xae: {  	s5 =	sshll.u32 s28, $0x1;
	[dreg:$0x2] =	wrdreg s3  }
0xaf: {  	[dreg:$0x3] =	wrdreg s5  }
0xb0: {  	[dreg:$0x4] =	wrdreg $0xC0  }
0xb1: {  	_ =	task [dreg:s7], $0x5FFFF  }
0xb2: {  	[dreg:$0x1] =	wrdreg $0xFFFFFFFF  }
0xb3: {  	[dreg:$0x0] =	wrdreg $0x60  }
0xb4: {  	[dreg:$0x2] =	wrdreg s24  }
0xb5: {  	[dreg:$0x3] =	wrdreg s16  }
0xb6: {  	[dreg:$0x4] =	wrdreg $0x30000  }
0xb7: {  	[dreg:$0x5] =	wrdreg $0x9  }
0xb8: {  	_ =	task.clear_ibuf [dreg:s7], $0x6FFFF;
	_ =	strace $0x90000046  }
0xb9: {  	s29 =	simm.s32 $0x9;
	_ =	strace $0x80000048  }
0xba: {  	_ =	swait.ge [sflag:s29], $0x1  }
0xbb: {  	[sflag:s29] =	ssyncadd.s32 $0xFFFFFFFF  }
0xbc: {  	_ =	strace $0x90000048  }
0xbd: {  	_ =	sfence  }
0xbe: {  	s30 =	sld [smem:$0x0];
	_ =	sdelay $0x2  }
0xbf: {  	s31 =	sshll.u32 s1, $0xD;
	s1 =	sshrl.u32 s1, $0x2  }
0xc0: {  	s3 =	sand.u32 $0x4000, s31;
	s1 =	sadd.s32 s1, s30  }
0xc1: {  	s0 =	sor.u32 s3, s0;
	s1 =	sshll.u32 s1, $0x11  }
0xc2: {  	s0 =	sor.u32 s1, s0  }
0xc3: {  	s0 =	sadd.s32 $0x8F2B, s0  }
0xc4: {  	[sflag:s0] =	ssyncadd.remote.s32 $0x1  }
0xc5: {  	_ =	sfence.sel $0xFFFF  }
0xc6: {  	[dreg:$0x0] =	wrdreg $0xFFFFFFFF;
	(pc) =	sbr.abs _section_cstart, $3  }
0xc7: {  	[dreg:$0x1] =	wrdreg $0xFFFFFFFF  }
0xc8: {  	_ =	task.clear_ibuf [dreg:s7], $0x2FFFF;
	_ =	strace $0x9FFFFFFF  }
0xc9: {  	(tm) =	ssettm $0x7FFFFFFF  }
tec
execute0_lowered:
.L_overlay_start_1:
0x0: {  	(tag) =	ssettag $0x1  }
0x1: {  	s5 =	rddreg [dreg:$0x0]  }
0x2: {  	s1 =	srdreg.scid;
	s2 =	rddreg [dreg:$0x1]  }
0x3: {  	s0 =	stileid.u32;
	s3 =	rddreg [dreg:$0x2];
	s4 =	simm.s32 $0x0  }
0x4: {  	s13 =	simm.s32 $0x80;
	s14 =	simm.s32 $0x0;
	s6 =	sand.u32 $0x1, s1  }
0x5: {  	s30 =	sshll.u32 s0, $0x1;
	s8 =	smul.u32 $0x2800, s0;
	[smem:$0x7FF] =	sst s4  }
0x6: {  	s31 =	sshll.u32 s0, $0x6;
	s1 =	sor.u32 s6, s30;
	s9 =	smul.u32 $0x28000, s6  }
0x7: {  	s6 =	ssub.s32 $0x2, s6;
	s7 =	smul.u32 $0x500, s1;
	s1 =	rddreg [dreg:$0x3]  }
0x8: {  	_ =	strace $0x80000047;
	s10 =	sshrl.u32 s8, $0x3;
	s11 =	sshrl.u32 s6, $0x1  }
0x9: {  	s12 =	sadd.s32 s8, s3;
	s9 =	sadd.s32 s8, s9;
	s10 =	sadd.s32 s10, s5  }
0xa: {  	s11 =	ssub.s32 s6, s11;
	s6 =	sor.u32 $0x1C01, s31;
	s9 =	sshrl.u32 s9, $0x3  }
0xb: {  	s7 =	sadd.s32 s7, s5;
	s9 =	sadd.s32 s9, s5;
	s5 =	sadd.s32 $0x1BA00, s10  }
0xc: {  	s7 =	sadd.s32 $0x11A00, s7;
	s10 =	sshrl.u32 s12, $0x3;
	s12 =	simm.s32 $0x2800  }
0xd: {  	s8 =	sadd.s32 $0x20A00, s9;
	s9 =	smax.u32 s11, $0x1;
	s11 =	simm.s32 $0x1  }
.LBB2_1:
0xe: {  	[spmem:s10], [sflag:s6] =	dma.local [hbm:s5], $0x500  }
0xf: {  	_ =	swait.ge [sflag:s11], $0x500  }
0x10: {  	[sflag:s11] =	ssyncset.done $0x0  }
0x11: {  	[sflag:s11] =	ssyncadd.s32 $0xFFFFFB00  }
0x12: {  	[tilespmem:s4], [sflag:$0x1] =	stream.linear.gather [hbm4b:s7+s4], $0x2800, $0x38;
	[tilespmem:$0x5800] =	vst v63  }
0x13: {  	_ =	swait.ge [sflag:s11], $0x2800  }
0x14: {  	[sflag:s11] =	ssyncset.done $0x0  }
0x15: {  	[sflag:s11] =	ssyncadd.s32 $0xFFFFD800  }
0x16: {  	[tilespmem:s12], [sflag:$0x1] =	stream.linear.gather [hbm4b:s2+s4], $0x800, $0x38;
	[tilespmem:$0x5800] =	vst v63  }
0x17: {  	_ =	swait.ge [sflag:s11], $0x800  }
0x18: {  	[sflag:s11] =	ssyncset.done $0x0  }
0x19: {  	[sflag:s11] =	ssyncadd.s32 $0xFFFFF800  }
0x1a: {  	s15 =	simm.s32 $0x0;
	[bflag:$0x0] =	sbarrier.arrive $0xFFFF  }
0x1b: {  	[spmem:s3] =	stream.indirect.scatter.add.f32 [tilespmem:s12], [sflag:$0x1], $0x10, s15, s13, $0xb8;
	[tilespmem:$0x5800] =	vst v63  }
0x1c: {  	_ =	swait.ge [sflag:s11], $0x800  }
0x1d: {  	s15 =	simm.s32 $0x200;
	[sflag:s11] =	ssyncset.done $0x0  }
.LBB2_2:
0x1e: {  	s16 =	sshra.s32 s15, $0x2;
	[sflag:s11] =	ssyncadd.s32 $0xFFFFF800;
	p0 =	sne.s32 s15, $0x9E00  }
0x1f: {  	[spmem:s3] =	stream.indirect.scatter.add.f32 [tilespmem:s12], [sflag:$0x1], $0x10, s16, s13, $0xb8;
	[tilespmem:$0x5800] =	vst v63  }
.Ltmp0:
0x20: {  	_ = 	snop;
	(pc) =	sbr.rel @p0 .LBB2_2-.Ltmp0, $4  }
0x21: {  	_ = 	snop  }
0x22: {  	s15 =	sadd.s32 $0x200, s15  }
0x23: {  	_ =	swait.ge [sflag:s11], $0x800  }
0x24: {  	[sflag:s11] =	ssyncset.done $0x0  }
0x25: {  	s14 =	sadd.s32 $0x1, s14  }
0x26: {  	[sflag:s11] =	ssyncadd.s32 $0xFFFFF800;
	p0 =	sne.s32 s14, s9  }
.Ltmp1:
0x27: {  	[bflag:$0x0] =	sbarrier.arrive $0xFFFF;
	(pc) =	sbr.rel @p0 .LBB2_1-.Ltmp1, $4  }
0x28: {  	[hbm:s8], [sflag:s6] =	dma.local [spmem:s10], $0x500  }
0x29: {  	_ =	swait.ge [sflag:s11], $0x500  }
0x2a: {  	[sflag:s11] =	ssyncset.done $0x0  }
0x2b: {  	[sflag:s11] =	ssyncadd.s32 $0xFFFFFB00  }
0x2c: {  	_ =	sfence.sel $0x180000  }
0x2d: {  	[bflag:$0x0] =	sbarrier.arrive $0xFFFF  }
0x2e: {  	p0 =	sne.s32 s0, $0x0;
	_ =	strace $0x90000047  }
0x2f: {  	s0 =	sadd.s32 @!p0 $0x100000, s1;
	[bflag:$0x2] =	sbarrier.arrive $0xFFFF  }
0x30: {  	[sflag:s0] =	ssyncadd.tile.s32 @!p0 $0x1;
	_ =	shalt  }
.Lfunc_end2:
_tile_overlayer_lowered:
.L_overlay_start_2:
0x31: {  	(tag) =	ssettag $0x2  }
0x32: {  	s0 =	rddreg [dreg:$0x0];
	s2 =	stileid.u32  }
0x33: {  	s1 =	rddreg [dreg:$0x1];
	p0 =	sne.s32 s2, $0x0  }
0x34: {  	s3 =	rddreg [dreg:$0x2];
	[bflag:$0x3] =	sbarrier.arrive $0xFFFF;
	s2 =	simm.s32 @!p0 $0x1C01  }
0x35: {  	[timem:s3], [sflag:s2] =	dma.local @!p0 [hbm:s0], s1  }
0x36: {  	s0 =	simm.s32 @!p0 $0x1  }
0x37: {  	_ =	swait.ge @!p0 [sflag:s0], s1  }
0x38: {  	s1 =	ssub.s32 @!p0 $0x0, s1;
	[sflag:s0] =	ssyncset.done @!p0 $0x0  }
0x39: {  	[sflag:s0] =	ssyncadd.s32 @!p0 s1  }
0x3a: {  	[bflag:$0x3] =	sbarrier.arrive $0xFFFF  }
0x3b: {  	_ =	shalt  }

// kernel: kernel.15.cloned.1.call-start
scs
__scs_entry_jumppad:
0x0: {  	(pc) =	sbr.rel $0x88, $3  }
0x1: {  	(tag) =	ssettag $0x0;
	lr =	simm.s32 $0x1  }
0x2: {  	[smem:$0x3F7F] =	sst lr;
	_ =	strace $0xD0000000  }
0x3: {  	_ = 	snop  }
0x4: {  	_ = 	snop  }
0x5: {  	_ = 	snop  }
0x6: {  	_ = 	snop  }
0x7: {  	_ = 	snop  }
__scs_overlays_trampoline_lowered:
0x8: {  	[smem:$0x3F8E] =	sst s0  }
0x9: {  	[smem:$0x3F8F] =	sst s1  }
0xa: {  	[smem:$0x3F90] =	sst s2  }
0xb: {  	[smem:$0x3F91] =	sst s3  }
0xc: {  	[smem:$0x3F92] =	sst s4  }
0xd: {  	[smem:$0x3F93] =	sst s5  }
0xe: {  	[smem:$0x3F94] =	sst s6  }
0xf: {  	[smem:$0x3F95] =	sst s7  }
0x10: {  	[smem:$0x3F96] =	sst s8  }
0x11: {  	[smem:$0x3F97] =	sst s9;
	s0 =	simm.s32 @!p0 $0x0  }
0x12: {  	s1 =	sld [smem:$0x3F7D];
	s0 =	simm.s32 @p0 $0x1  }
0x13: {  	[smem:$0x3F98] =	sst s0;
	s0 =	simm.s32 @!p1 $0x0  }
0x14: {  	s2 =	sld [smem:$0x3F7C];
	s0 =	simm.s32 @p1 $0x1  }
0x15: {  	[smem:$0x3F99] =	sst s0;
	s0 =	simm.s32 @!p2 $0x0  }
0x16: {  	s3 =	sld [smem:$0x3FDB];
	s0 =	simm.s32 @p2 $0x1  }
0x17: {  	s4 =	simm.s32 $0x1BF5;
	[smem:$0x3F9B] =	sst s0  }
0x18: {  	s0 =	sld [smem:$0x3F7E];
	_ =	swait.ge [sflag:s4], $0x0  }
0x19: {  	s7 =	sld [smem:$0x3F7F]  }
0x1a: {  	s8 =	sadd.s32 $0xFFFFE003, lr  }
0x1b: {  	s9 =	sadd.s32 $0xFFFFFEF7, lr;
	s5 =	simm.s32 $0xFFFFFFFF;
	p2 =	slt.u32 s8, $0xFFFFF086  }
0x1c: {  	p1 =	slt.u32 s9, $0xF7A;
	s5 =	simm.s32 @!p2 $0x0  }
0x1d: {  	s5 =	simm.s32 @p1 $0x1;
	p0 =	seq.s32 s7, s2  }
0x1e: {  	s7 =	smul.u32 @!p0 $0xF7A, s2;
	p2 =	seq.s32 @!p0 s5, $0x0  }
0x1f: {  	s9 =	smul.u32 $0xF7A, s1;
	s8 =	simm.s32 @!p0 $0x1BF5;
	p2 =	por !p2, p0  }
0x20: {  	[sflag:s8] =	ssyncset.s32 @!p0 $0xFFFFF086;
	s6 =	sadd.s32 @!p0 s3, s7;
	s7 =	simm.s32 @!p0 $0x108  }
0x21: {  	s3 =	sadd.s32 s3, s9;
	s6 =	sadd.s32 @!p0 $0x88, s6;
	s7 =	simm.s32 @p2 $0x1082  }
0x22: {  	[simem:s7], [sflag:s8] =	dma.local @!p0 [hbm:s6], $0xF7A  }
0x23: {  	s9 =	sor.u32 $0xD0000000, s2;
	s6 =	simm.s32 $0x108;
	_ =	swait.ge @!p0 [sflag:s8], $0x0  }
0x24: {  	s3 =	sadd.s32 $0x88, s3;
	s6 =	simm.s32 @!p1 $0x1082;
	[sflag:s4] =	ssyncset.s32 $0xFFFFF086  }
0x25: {  	[simem:s6], [sflag:s4] =	dma.local [hbm:s3], $0xF7A  }
0x26: {  	[smem:$0x3F7F] =	sst s1;
	(tag) =	ssettag s2;
	_ =	strace s9  }
0x27: {  	s1 =	sld [smem:$0x3F8F]  }
0x28: {  	s2 =	sld [smem:$0x3F90]  }
0x29: {  	s4 =	sld [smem:$0x3F92]  }
0x2a: {  	p0 =	seq.s32 s5, $0x0;
	s5 =	sld [smem:$0x3F93]  }
0x2b: {  	s6 =	sld [smem:$0x3F94]  }
0x2c: {  	s7 =	sld [smem:$0x3F95]  }
0x2d: {  	s3 =	simm.s32 $0x108;
	s8 =	sld [smem:$0x3F96]  }
0x2e: {  	s3 =	simm.s32 @!p0 $0x1082;
	s9 =	sld [smem:$0x3F97]  }
0x2f: {  	lr =	sadd.s32 s0, s3;
	s0 =	sld [smem:$0x3F8E]  }
0x30: {  	s3 =	sld [smem:$0x3F91]  }
0x31: {  	[smem:$0x3F9A] =	sst s10  }
0x32: {  	s10 =	sld [smem:$0x3F98];
	_ =	sdelay $0x3  }
0x33: {  	p0 =	seq.s32 s10, $0x1;
	s10 =	sld [smem:$0x3F9A];
	_ =	sdelay $0x3  }
0x34: {  	[smem:$0x3F9A] =	sst s10  }
0x35: {  	s10 =	sld [smem:$0x3F99];
	_ =	sdelay $0x3  }
0x36: {  	p1 =	seq.s32 s10, $0x1;
	s10 =	sld [smem:$0x3F9A];
	_ =	sdelay $0x3  }
0x37: {  	[smem:$0x3F9A] =	sst s10  }
0x38: {  	s10 =	sld [smem:$0x3F9B]  }
0x39: {  	_ = 	snop;
	(pc) =	sbr.ind lr, $3  }
0x3a: {  	_ = 	snop  }
0x3b: {  	_ = 	snop  }
0x3c: {  	p2 =	seq.s32 s10, $0x1;
	s10 =	sld [smem:$0x3F9A]  }
0x3d: {  	_ =	shalt  }
0x3e: {  	_ =	shalt  }
0x3f: {  	_ =	shalt  }
0x40: {  	_ =	shalt  }
0x41: {  	_ =	shalt  }
0x42: {  	_ =	shalt  }
0x43: {  	_ =	shalt  }
0x44: {  	_ =	shalt  }
0x45: {  	_ =	shalt  }
0x46: {  	_ =	shalt  }
0x47: {  	_ =	shalt  }
0x48: {  	_ =	shalt  }
0x49: {  	_ =	shalt  }
0x4a: {  	_ =	shalt  }
0x4b: {  	_ =	shalt  }
0x4c: {  	_ =	shalt  }
0x4d: {  	_ =	shalt  }
0x4e: {  	_ =	shalt  }
0x4f: {  	_ =	shalt  }
0x50: {  	_ =	shalt  }
0x51: {  	_ =	shalt  }
0x52: {  	_ =	shalt  }
0x53: {  	_ =	shalt  }
0x54: {  	_ =	shalt  }
0x55: {  	_ =	shalt  }
0x56: {  	_ =	shalt  }
0x57: {  	_ =	shalt  }
0x58: {  	_ =	shalt  }
0x59: {  	_ =	shalt  }
0x5a: {  	_ =	shalt  }
0x5b: {  	_ =	shalt  }
0x5c: {  	_ =	shalt  }
0x5d: {  	_ =	shalt  }
0x5e: {  	_ =	shalt  }
0x5f: {  	_ =	shalt  }
0x60: {  	_ =	shalt  }
0x61: {  	_ =	shalt  }
0x62: {  	_ =	shalt  }
0x63: {  	_ =	shalt  }
0x64: {  	_ =	shalt  }
0x65: {  	_ =	shalt  }
0x66: {  	_ =	shalt  }
0x67: {  	_ =	shalt  }
0x68: {  	_ =	shalt  }
0x69: {  	_ =	shalt  }
0x6a: {  	_ =	shalt  }
0x6b: {  	_ =	shalt  }
0x6c: {  	_ =	shalt  }
0x6d: {  	_ =	shalt  }
0x6e: {  	_ =	shalt  }
0x6f: {  	_ =	shalt  }
0x70: {  	_ =	shalt  }
0x71: {  	_ =	shalt  }
0x72: {  	_ =	shalt  }
0x73: {  	_ =	shalt  }
0x74: {  	_ =	shalt  }
0x75: {  	_ =	shalt  }
0x76: {  	_ =	shalt  }
0x77: {  	_ =	shalt  }
0x78: {  	_ =	shalt  }
0x79: {  	_ =	shalt  }
0x7a: {  	_ =	shalt  }
0x7b: {  	_ =	shalt  }
0x7c: {  	_ =	shalt  }
0x7d: {  	_ =	shalt  }
0x7e: {  	_ =	shalt  }
0x7f: {  	_ =	shalt  }
0x80: {  	_ =	shalt  }
0x81: {  	_ =	shalt  }
0x82: {  	_ =	shalt  }
0x83: {  	_ =	shalt  }
0x84: {  	_ =	shalt  }
0x85: {  	_ =	shalt  }
0x86: {  	_ =	shalt  }
0x87: {  	_ =	shalt  }
.Lfunc_end0:
.L_simem_size_0:
called_computation.1_lowered:
.L_overlay_start_0:
0x88: {  	s2 =	sld [smem:$0x3FD9]  }
0x89: {  	s3 =	sld [smem:$0x3FFE];
	_ =	sdelay $0x1  }
0x8a: {  	s1 =	srdreg.scid  }
0x8b: {  	s0 =	sand.u32 $0x1, s1  }
0x8c: {  	s16 =	sshll.u32 s0, $0xA;
	s2 =	sadd.s32 s3, s2  }
0x8d: {  	s2 =	sadd.s32 s2, s16  }
0x8e: {  	[smem:$0x3FA6] =	sst s2  }
0x8f: {  	_ = 	snop  }
0x90: {  	(tm) =	ssettm $0x1  }
0x91: {  	s17 =	sld [smem:$0x3FFB];
	_ =	sdelay $0x3  }
0x92: {  	_ =	strace s17  }
0x93: {  	s2 =	sld [smem:$0x3FFC];
	_ =	sdelay $0x3  }
0x94: {  	_ =	strace s2  }
0x95: {  	s2 =	sld [smem:$0x3FFD];
	_ =	sdelay $0x3  }
0x96: {  	_ =	strace s2  }
0x97: {  	_ =	strace $0x8FFFFFFF  }
0x98: {  	s18 =	sld [smem:$0x3FDB];
	_ =	sdelay $0x1  }
0x99: {  	s19 =	simm.s32 $_scs_section_size  }
0x9a: {  	s4 =	simm.s32 $_size__tile_overlayer_lowered;
	s5 =	simm.s32 $_tile_overlayer_lowered  }
0x9b: {  	s22 =	simm.s32 $0x1BFF;
	s21 =	sshll.u32 s5, $0x1;
	s2 =	sadd.s32 s19, s18  }
0x9c: {  	s6 =	simm.s32 $0x0;
	s20 =	sshll.u32 s4, $0x1;
	s4 =	sadd.s32 s21, s2  }
0x9d: {  	[timem:s6], [sflag:s22] =	dma.local [hbm:s4], s20  }
0x9e: {  	_ =	swait.ge [sflag:s22], s20  }
0x9f: {  	s3 =	ssub.s32 $0x0, s20;
	[sflag:s22] =	ssyncset.done $0x0  }
0xa0: {  	[sflag:s22] =	ssyncadd.s32 s3;
	_ =	sdelay $0x1  }
0xa1: {  	s23 =	simm.s32 $0x1B8B  }
0xa2: {  	_ =	swait.ge [sflag:s23], $0x1  }
0xa3: {  	[sflag:s23] =	ssyncset.done $0x0  }
0xa4: {  	s25 =	simm.s32 $0x1B8E;
	s24 =	sld [smem:$0x3FFE];
	[sflag:s23] =	ssyncadd.s32 $0xFFFFFFFF  }
0xa5: {  	s26 =	simm.s32 $execute0_lowered;
	[smem:$0x3FD2] =	sst s25  }
0xa6: {  	s4 =	sshll.u32 s26, $0x1;
	_ =	strace $0x80000049;
	[dreg:$0x1] =	wrdreg $0xFFFFFFFF  }
0xa7: {  	s28 =	simm.s32 $_size_execute0_lowered;
	s2 =	sadd.s32 s2, s4;
	[dreg:$0x0] =	wrdreg $0x0  }
0xa8: {  	s4 =	sshll.u32 s28, $0x1;
	[dreg:$0x2] =	wrdreg s2  }
0xa9: {  	[dreg:$0x3] =	wrdreg s4  }
0xaa: {  	[dreg:$0x4] =	wrdreg $0xC0  }
0xab: {  	_ =	task [dreg:s6], $0x5FFFF  }
0xac: {  	[dreg:$0x1] =	wrdreg $0xFFFFFFFF  }
0xad: {  	[dreg:$0x0] =	wrdreg $0x60  }
0xae: {  	[dreg:$0x2] =	wrdreg s24  }
0xaf: {  	[dreg:$0x3] =	wrdreg $0x150000  }
0xb0: {  	[dreg:$0x4] =	wrdreg $0x9  }
0xb1: {  	_ =	task.clear_ibuf [dreg:s6], $0x5FFFF;
	_ =	strace $0x90000049  }
0xb2: {  	s29 =	simm.s32 $0x9;
	_ =	strace $0x8000004B  }
0xb3: {  	_ =	swait.ge [sflag:s29], $0x1  }
0xb4: {  	[sflag:s29] =	ssyncadd.s32 $0xFFFFFFFF  }
0xb5: {  	_ =	strace $0x9000004B  }
0xb6: {  	_ =	sfence  }
0xb7: {  	s30 =	sld [smem:$0x0];
	_ =	sdelay $0x2  }
0xb8: {  	s31 =	sshll.u32 s1, $0xD;
	s1 =	sshrl.u32 s1, $0x2  }
0xb9: {  	s3 =	sand.u32 $0x4000, s31;
	s1 =	sadd.s32 s1, s30  }
0xba: {  	s0 =	sor.u32 s3, s0;
	s1 =	sshll.u32 s1, $0x11  }
0xbb: {  	s0 =	sor.u32 s1, s0  }
0xbc: {  	s0 =	sadd.s32 $0x8F2B, s0  }
0xbd: {  	[sflag:s0] =	ssyncadd.remote.s32 $0x1  }
0xbe: {  	_ =	sfence.sel $0xFFFF  }
0xbf: {  	[dreg:$0x0] =	wrdreg $0xFFFFFFFF;
	(pc) =	sbr.abs _section_cstart, $3  }
0xc0: {  	[dreg:$0x1] =	wrdreg $0xFFFFFFFF  }
0xc1: {  	_ =	task.clear_ibuf [dreg:s6], $0x2FFFF;
	_ =	strace $0x9FFFFFFF  }
0xc2: {  	(tm) =	ssettm $0x7FFFFFFF  }
0xc3: {  	_ =	shalt  }
tec
execute0_lowered:
.L_overlay_start_1:
0x0: {  	(tag) =	ssettag $0x1  }
0x1: {  	s0 =	srdreg.scid;
	s5 =	rddreg [dreg:$0x0]  }
0x2: {  	s12 =	stileid.u32;
	s2 =	rddreg [dreg:$0x1];
	s3 =	simm.s32 $0x0  }
0x3: {  	s14 =	simm.s32 $0x80;
	s15 =	simm.s32 $0x5000;
	s17 =	simm.s32 $0xD000  }
0x4: {  	s18 =	simm.s32 $0x7000;
	s20 =	simm.s32 $0xF000;
	s22 =	simm.s32 $0x9000  }
0x5: {  	s24 =	simm.s32 $0x11000;
	s29 =	simm.s32 $0x13000;
	s30 =	simm.s32 $0x1  }
0x6: {  	s31 =	simm.s32 $0x2;
	s25 =	simm.s32 $0x4E80;
	s28 =	simm.s32 $0x4F00  }
0x7: {  	s13 =	simm.s32 $0x4F80;
	s16 =	simm.s32 $0x0;
	s0 =	sand.u32 $0x1, s0  }
0x8: {  	s1 =	sshll.u32 s12, $0x1;
	s6 =	smul.u32 $0xA000, s12;
	[smem:$0x7FF] =	sst s3  }
0x9: {  	s4 =	sadd.s32 $0x1BA00, s5;
	s26 =	sshll.u32 s12, $0x6;
	s12 =	simm.s32 $0x5  }
0xa: {  	s1 =	sor.u32 s0, s1;
	s7 =	smul.u32 $0xA0000, s0;
	_ =	strace $0x8000004A  }
0xb: {  	s0 =	ssub.s32 $0x2, s0;
	s1 =	smul.u32 $0x500, s1;
	s8 =	sshrl.u32 s6, $0x3  }
0xc: {  	s9 =	sshrl.u32 s0, $0x1;
	s11 =	sadd.s32 s6, s2;
	s7 =	sadd.s32 s6, s7  }
0xd: {  	s8 =	sadd.s32 s8, s5;
	s0 =	ssub.s32 s0, s9;
	s6 =	sor.u32 $0x1C05, s26  }
0xe: {  	s11 =	sshrl.u32 s11, $0x3;
	s26 =	simm.s32 $0xB000;
	s7 =	sshrl.u32 s7, $0x3  }
0xf: {  	s1 =	sadd.s32 s1, s5;
	s10 =	sadd.s32 s7, s5;
	s5 =	sadd.s32 $0x2FA00, s8  }
0x10: {  	s7 =	sadd.s32 $0x7A00, s1;
	s8 =	sadd.s32 $0x11A00, s1;
	s1 =	simm.s32 $0x3  }
0x11: {  	s9 =	sadd.s32 $0x43A00, s10;
	s10 =	smax.u32 s0, $0x1;
	s0 =	simm.s32 $0x4  }
.LBB2_1:
0x12: {  	[spmem:s11], [sflag:s6] =	dma.local [hbm:s5], $0x1400  }
0x13: {  	_ =	swait.ge [sflag:s12], $0x1400  }
0x14: {  	[sflag:s12] =	ssyncset.done $0x0  }
0x15: {  	[sflag:s12] =	ssyncadd.s32 $0xFFFFEC00  }
0x16: {  	[tilespmem:s3], [sflag:$0x5] =	stream.linear.gather [hbm4b:s7+s3], $0x2800, $0x38;
	[tilespmem:$0x1F000] =	vst v63  }
0x17: {  	_ =	swait.ge [sflag:s12], $0x2800  }
0x18: {  	[sflag:s12] =	ssyncset.done $0x0  }
0x19: {  	s19 =	simm.s32 $0x2800;
	[sflag:s12] =	ssyncadd.s32 $0xFFFFD800  }
0x1a: {  	[tilespmem:s19], [sflag:$0x5] =	stream.linear.gather [hbm4b:s8+s3], $0x2800, $0x38;
	[tilespmem:$0x1F000] =	vst v63  }
0x1b: {  	_ =	swait.ge [sflag:s12], $0x2800  }
0x1c: {  	[sflag:s12] =	ssyncset.done $0x0  }
0x1d: {  	[sflag:s12] =	ssyncadd.s32 $0xFFFFD800  }
0x1e: {  	[bflag:$0x0] =	sbarrier.arrive $0xFFFF  }
0x1f: {  	[tilespmem:s15], [sflag:$0x1] =	stream.indirect.gather [hbm4b:s4+s14], $0x40, s3, s14, $0xb8;
	[tilespmem:$0x1F000] =	vst v63  }
0x20: {  	s23 =	simm.s32 $0x200  }
0x21: {  	[tilespmem:s17], [sflag:$0x2] =	stream.indirect.gather [hbm4b:s4+s14], $0x40, s23, s14, $0xb8;
	[tilespmem:$0x1F000] =	vst v63  }
0x22: {  	_ = 	snop  }
0x23: {  	[tilespmem:s18], [sflag:$0x1] =	stream.indirect.gather [hbm4b:s4+s14], $0x40, s14, s14, $0xb8;
	[tilespmem:$0x1F000] =	vst v63  }
0x24: {  	s21 =	simm.s32 $0x280  }
0x25: {  	[tilespmem:s20], [sflag:$0x2] =	stream.indirect.gather [hbm4b:s4+s14], $0x40, s21, s14, $0xb8;
	[tilespmem:$0x1F000] =	vst v63  }
0x26: {  	s23 =	simm.s32 $0x100  }
0x27: {  	[tilespmem:s22], [sflag:$0x1] =	stream.indirect.gather [hbm4b:s4+s14], $0x40, s23, s14, $0xb8;
	[tilespmem:$0x1F000] =	vst v63  }
0x28: {  	s21 =	simm.s32 $0x300  }
0x29: {  	[tilespmem:s24], [sflag:$0x2] =	stream.indirect.gather [hbm4b:s4+s14], $0x40, s21, s14, $0xb8;
	[tilespmem:$0x1F000] =	vst v63  }
0x2a: {  	s23 =	simm.s32 $0x180  }
0x2b: {  	[tilespmem:s26], [sflag:$0x1] =	stream.indirect.gather [hbm4b:s4+s14], $0x40, s23, s14, $0xb8;
	[tilespmem:$0x1F000] =	vst v63  }
0x2c: {  	s21 =	simm.s32 $0x380  }
0x2d: {  	[tilespmem:s29], [sflag:$0x2] =	stream.indirect.gather [hbm4b:s4+s14], $0x40, s21, s14, $0xb8;
	[tilespmem:$0x1F000] =	vst v63  }
0x2e: {  	_ =	swait.ge [sflag:s30], $0x2000  }
0x2f: {  	[sflag:s30] =	ssyncset.done $0x0  }
0x30: {  	[sflag:s30] =	ssyncadd.s32 $0xFFFFE000  }
0x31: {  	_ =	swait.ge [sflag:s30], $0x2000  }
0x32: {  	[sflag:s30] =	ssyncset.done $0x0  }
0x33: {  	[sflag:s30] =	ssyncadd.s32 $0xFFFFE000  }
0x34: {  	_ =	swait.ge [sflag:s30], $0x2000  }
0x35: {  	[sflag:s30] =	ssyncset.done $0x0  }
0x36: {  	[sflag:s30] =	ssyncadd.s32 $0xFFFFE000  }
0x37: {  	_ =	swait.ge [sflag:s30], $0x2000  }
0x38: {  	[sflag:s30] =	ssyncset.done $0x0  }
0x39: {  	s23 =	simm.s32 $0x2800;
	[sflag:s30] =	ssyncadd.s32 $0xFFFFE000  }
0x3a: {  	[spmem:s2] =	stream.indirect.scatter.add.f32 [tilespmem:s15], [sflag:$0x3], $0x40, s23, s14, $0xb8;
	[tilespmem:$0x1F000] =	vst v63  }
0x3b: {  	s21 =	simm.s32 $0x2880  }
0x3c: {  	[spmem:s2] =	stream.indirect.scatter.add.f32 [tilespmem:s18], [sflag:$0x3], $0x40, s21, s14, $0xb8;
	[tilespmem:$0x1F000] =	vst v63  }
0x3d: {  	s23 =	simm.s32 $0x2900  }
0x3e: {  	[spmem:s2] =	stream.indirect.scatter.add.f32 [tilespmem:s22], [sflag:$0x3], $0x40, s23, s14, $0xb8;
	[tilespmem:$0x1F000] =	vst v63  }
0x3f: {  	s21 =	simm.s32 $0x2980  }
0x40: {  	[spmem:s2] =	stream.indirect.scatter.add.f32 [tilespmem:s26], [sflag:$0x3], $0x40, s21, s14, $0xb8;
	[tilespmem:$0x1F000] =	vst v63  }
0x41: {  	_ =	swait.ge [sflag:s31], $0x2000  }
0x42: {  	[sflag:s31] =	ssyncset.done $0x0  }
0x43: {  	[sflag:s31] =	ssyncadd.s32 $0xFFFFE000  }
0x44: {  	_ =	swait.ge [sflag:s31], $0x2000  }
0x45: {  	[sflag:s31] =	ssyncset.done $0x0  }
0x46: {  	[sflag:s31] =	ssyncadd.s32 $0xFFFFE000  }
0x47: {  	_ =	swait.ge [sflag:s31], $0x2000  }
0x48: {  	[sflag:s31] =	ssyncset.done $0x0  }
0x49: {  	[sflag:s31] =	ssyncadd.s32 $0xFFFFE000  }
0x4a: {  	_ =	swait.ge [sflag:s31], $0x2000  }
0x4b: {  	[sflag:s31] =	ssyncset.done $0x0  }
0x4c: {  	s23 =	simm.s32 $0x2A00;
	[sflag:s31] =	ssyncadd.s32 $0xFFFFE000  }
0x4d: {  	[spmem:s2] =	stream.indirect.scatter.add.f32 [tilespmem:s17], [sflag:$0x4], $0x40, s23, s14, $0xb8;
	[tilespmem:$0x1F000] =	vst v63  }
0x4e: {  	s21 =	simm.s32 $0x2A80  }
0x4f: {  	[spmem:s2] =	stream.indirect.scatter.add.f32 [tilespmem:s20], [sflag:$0x4], $0x40, s21, s14, $0xb8;
	[tilespmem:$0x1F000] =	vst v63  }
0x50: {  	s23 =	simm.s32 $0x2B00  }
0x51: {  	[spmem:s2] =	stream.indirect.scatter.add.f32 [tilespmem:s24], [sflag:$0x4], $0x40, s23, s14, $0xb8;
	[tilespmem:$0x1F000] =	vst v63  }
0x52: {  	s21 =	simm.s32 $0x2B80  }
0x53: {  	[spmem:s2] =	stream.indirect.scatter.add.f32 [tilespmem:s29], [sflag:$0x4], $0x40, s21, s14, $0xb8;
	[tilespmem:$0x1F000] =	vst v63  }
0x54: {  	_ =	swait.ge [sflag:s1], $0x2000  }
0x55: {  	[sflag:s1] =	ssyncset.done $0x0  }
0x56: {  	[sflag:s1] =	ssyncadd.s32 $0xFFFFE000  }
0x57: {  	_ =	swait.ge [sflag:s1], $0x2000  }
0x58: {  	[sflag:s1] =	ssyncset.done $0x0  }
0x59: {  	[sflag:s1] =	ssyncadd.s32 $0xFFFFE000  }
0x5a: {  	_ =	swait.ge [sflag:s1], $0x2000  }
0x5b: {  	[sflag:s1] =	ssyncset.done $0x0  }
0x5c: {  	[sflag:s1] =	ssyncadd.s32 $0xFFFFE000  }
0x5d: {  	_ =	swait.ge [sflag:s1], $0x2000  }
0x5e: {  	[sflag:s1] =	ssyncset.done $0x0  }
0x5f: {  	s23 =	simm.s32 $0x400;
	[sflag:s1] =	ssyncadd.s32 $0xFFFFE000  }
0x60: {  	[tilespmem:s15], [sflag:$0x1] =	stream.indirect.gather [hbm4b:s4+s14], $0x40, s23, s14, $0xb8;
	[tilespmem:$0x1F000] =	vst v63  }
0x61: {  	s21 =	simm.s32 $0x480  }
0x62: {  	[tilespmem:s18], [sflag:$0x1] =	stream.indirect.gather [hbm4b:s4+s14], $0x40, s21, s14, $0xb8;
	[tilespmem:$0x1F000] =	vst v63  }
0x63: {  	s23 =	simm.s32 $0x500  }
0x64: {  	[tilespmem:s22], [sflag:$0x1] =	stream.indirect.gather [hbm4b:s4+s14], $0x40, s23, s14, $0xb8;
	[tilespmem:$0x1F000] =	vst v63  }
0x65: {  	s21 =	simm.s32 $0x580  }
0x66: {  	[tilespmem:s26], [sflag:$0x1] =	stream.indirect.gather [hbm4b:s4+s14], $0x40, s21, s14, $0xb8;
	[tilespmem:$0x1F000] =	vst v63  }
0x67: {  	_ =	swait.ge [sflag:s0], $0x2000  }
0x68: {  	[sflag:s0] =	ssyncset.done $0x0  }
0x69: {  	[sflag:s0] =	ssyncadd.s32 $0xFFFFE000  }
0x6a: {  	_ =	swait.ge [sflag:s0], $0x2000  }
0x6b: {  	[sflag:s0] =	ssyncset.done $0x0  }
0x6c: {  	[sflag:s0] =	ssyncadd.s32 $0xFFFFE000  }
0x6d: {  	_ =	swait.ge [sflag:s0], $0x2000  }
0x6e: {  	[sflag:s0] =	ssyncset.done $0x0  }
0x6f: {  	[sflag:s0] =	ssyncadd.s32 $0xFFFFE000  }
0x70: {  	_ =	swait.ge [sflag:s0], $0x2000  }
0x71: {  	[sflag:s0] =	ssyncset.done $0x0  }
0x72: {  	s23 =	simm.s32 $0x600;
	[sflag:s0] =	ssyncadd.s32 $0xFFFFE000  }
0x73: {  	[tilespmem:s17], [sflag:$0x2] =	stream.indirect.gather [hbm4b:s4+s14], $0x40, s23, s14, $0xb8;
	[tilespmem:$0x1F000] =	vst v63  }
0x74: {  	s21 =	simm.s32 $0x680  }
0x75: {  	[tilespmem:s20], [sflag:$0x2] =	stream.indirect.gather [hbm4b:s4+s14], $0x40, s21, s14, $0xb8;
	[tilespmem:$0x1F000] =	vst v63  }
0x76: {  	s19 =	simm.s32 $0x1000;
	s23 =	simm.s32 $0x700;
	s21 =	simm.s32 $0x780  }
0x77: {  	[tilespmem:s24], [sflag:$0x2] =	stream.indirect.gather [hbm4b:s4+s14], $0x40, s23, s14, $0xb8;
	[tilespmem:$0x1F000] =	vst v63  }
.LBB2_2:
0x78: {  	[tilespmem:s29], [sflag:$0x2] =	stream.indirect.gather [hbm4b:s4+s14], $0x40, s21, s14, $0xb8;
	[tilespmem:$0x1F000] =	vst v63  }
0x79: {  	s21 =	smov.u32 s19  }
0x7a: {  	p0 =	sne.s32 s19, $0x8000;
	s19 =	sadd.s32 $0x1000, s19;
	_ =	swait.ge [sflag:s30], $0x2000  }
0x7b: {  	[sflag:s30] =	ssyncset.done $0x0  }
0x7c: {  	[sflag:s30] =	ssyncadd.s32 $0xFFFFE000  }
0x7d: {  	_ =	swait.ge [sflag:s30], $0x2000  }
0x7e: {  	[sflag:s30] =	ssyncset.done $0x0  }
0x7f: {  	[sflag:s30] =	ssyncadd.s32 $0xFFFFE000  }
0x80: {  	_ =	swait.ge [sflag:s30], $0x2000  }
0x81: {  	[sflag:s30] =	ssyncset.done $0x0  }
0x82: {  	[sflag:s30] =	ssyncadd.s32 $0xFFFFE000  }
0x83: {  	_ =	swait.ge [sflag:s30], $0x2000  }
0x84: {  	s21 =	sshra.s32 s21, $0x2;
	[sflag:s30] =	ssyncset.done $0x0  }
0x85: {  	s23 =	sadd.s32 $0x2800, s21;
	[sflag:s30] =	ssyncadd.s32 $0xFFFFE000  }
0x86: {  	[spmem:s2] =	stream.indirect.scatter.add.f32 [tilespmem:s15], [sflag:$0x3], $0x40, s23, s14, $0xb8;
	[tilespmem:$0x1F000] =	vst v63  }
0x87: {  	s23 =	sadd.s32 $0x2880, s21  }
0x88: {  	[spmem:s2] =	stream.indirect.scatter.add.f32 [tilespmem:s18], [sflag:$0x3], $0x40, s23, s14, $0xb8;
	[tilespmem:$0x1F000] =	vst v63  }
0x89: {  	s23 =	sadd.s32 $0x2900, s21  }
0x8a: {  	[spmem:s2] =	stream.indirect.scatter.add.f32 [tilespmem:s22], [sflag:$0x3], $0x40, s23, s14, $0xb8;
	[tilespmem:$0x1F000] =	vst v63  }
0x8b: {  	s23 =	sadd.s32 $0x2980, s21  }
0x8c: {  	[spmem:s2] =	stream.indirect.scatter.add.f32 [tilespmem:s26], [sflag:$0x3], $0x40, s23, s14, $0xb8;
	[tilespmem:$0x1F000] =	vst v63  }
0x8d: {  	_ =	swait.ge [sflag:s31], $0x2000  }
0x8e: {  	[sflag:s31] =	ssyncset.done $0x0  }
0x8f: {  	[sflag:s31] =	ssyncadd.s32 $0xFFFFE000  }
0x90: {  	_ =	swait.ge [sflag:s31], $0x2000  }
0x91: {  	[sflag:s31] =	ssyncset.done $0x0  }
0x92: {  	[sflag:s31] =	ssyncadd.s32 $0xFFFFE000  }
0x93: {  	_ =	swait.ge [sflag:s31], $0x2000  }
0x94: {  	[sflag:s31] =	ssyncset.done $0x0  }
0x95: {  	[sflag:s31] =	ssyncadd.s32 $0xFFFFE000  }
0x96: {  	_ =	swait.ge [sflag:s31], $0x2000  }
0x97: {  	[sflag:s31] =	ssyncset.done $0x0  }
0x98: {  	s23 =	sadd.s32 $0x2A00, s21;
	[sflag:s31] =	ssyncadd.s32 $0xFFFFE000  }
0x99: {  	[spmem:s2] =	stream.indirect.scatter.add.f32 [tilespmem:s17], [sflag:$0x4], $0x40, s23, s14, $0xb8;
	[tilespmem:$0x1F000] =	vst v63  }
0x9a: {  	s23 =	sadd.s32 $0x2A80, s21  }
0x9b: {  	[spmem:s2] =	stream.indirect.scatter.add.f32 [tilespmem:s20], [sflag:$0x4], $0x40, s23, s14, $0xb8;
	[tilespmem:$0x1F000] =	vst v63  }
0x9c: {  	s23 =	sadd.s32 $0x2B00, s21  }
0x9d: {  	[spmem:s2] =	stream.indirect.scatter.add.f32 [tilespmem:s24], [sflag:$0x4], $0x40, s23, s14, $0xb8;
	[tilespmem:$0x1F000] =	vst v63  }
0x9e: {  	s23 =	sadd.s32 $0x2B80, s21  }
0x9f: {  	[spmem:s2] =	stream.indirect.scatter.add.f32 [tilespmem:s29], [sflag:$0x4], $0x40, s23, s14, $0xb8;
	[tilespmem:$0x1F000] =	vst v63  }
0xa0: {  	_ =	swait.ge [sflag:s1], $0x2000  }
0xa1: {  	[sflag:s1] =	ssyncset.done $0x0  }
0xa2: {  	[sflag:s1] =	ssyncadd.s32 $0xFFFFE000  }
0xa3: {  	_ =	swait.ge [sflag:s1], $0x2000  }
0xa4: {  	[sflag:s1] =	ssyncset.done $0x0  }
0xa5: {  	[sflag:s1] =	ssyncadd.s32 $0xFFFFE000  }
0xa6: {  	_ =	swait.ge [sflag:s1], $0x2000  }
0xa7: {  	[sflag:s1] =	ssyncset.done $0x0  }
0xa8: {  	[sflag:s1] =	ssyncadd.s32 $0xFFFFE000  }
0xa9: {  	_ =	swait.ge [sflag:s1], $0x2000  }
0xaa: {  	[sflag:s1] =	ssyncset.done $0x0  }
0xab: {  	s23 =	sadd.s32 $0x400, s21;
	[sflag:s1] =	ssyncadd.s32 $0xFFFFE000  }
0xac: {  	[tilespmem:s15], [sflag:$0x1] =	stream.indirect.gather [hbm4b:s4+s14], $0x40, s23, s14, $0xb8;
	[tilespmem:$0x1F000] =	vst v63  }
0xad: {  	s23 =	sadd.s32 $0x480, s21  }
0xae: {  	[tilespmem:s18], [sflag:$0x1] =	stream.indirect.gather [hbm4b:s4+s14], $0x40, s23, s14, $0xb8;
	[tilespmem:$0x1F000] =	vst v63  }
0xaf: {  	s23 =	sadd.s32 $0x500, s21  }
0xb0: {  	[tilespmem:s22], [sflag:$0x1] =	stream.indirect.gather [hbm4b:s4+s14], $0x40, s23, s14, $0xb8;
	[tilespmem:$0x1F000] =	vst v63  }
0xb1: {  	s23 =	sadd.s32 $0x580, s21  }
0xb2: {  	[tilespmem:s26], [sflag:$0x1] =	stream.indirect.gather [hbm4b:s4+s14], $0x40, s23, s14, $0xb8;
	[tilespmem:$0x1F000] =	vst v63  }
0xb3: {  	_ =	swait.ge [sflag:s0], $0x2000  }
0xb4: {  	[sflag:s0] =	ssyncset.done $0x0  }
0xb5: {  	[sflag:s0] =	ssyncadd.s32 $0xFFFFE000  }
0xb6: {  	_ =	swait.ge [sflag:s0], $0x2000  }
0xb7: {  	[sflag:s0] =	ssyncset.done $0x0  }
0xb8: {  	[sflag:s0] =	ssyncadd.s32 $0xFFFFE000  }
0xb9: {  	_ =	swait.ge [sflag:s0], $0x2000  }
0xba: {  	[sflag:s0] =	ssyncset.done $0x0  }
0xbb: {  	[sflag:s0] =	ssyncadd.s32 $0xFFFFE000  }
0xbc: {  	_ =	swait.ge [sflag:s0], $0x2000  }
0xbd: {  	[sflag:s0] =	ssyncset.done $0x0  }
0xbe: {  	s23 =	sadd.s32 $0x600, s21;
	[sflag:s0] =	ssyncadd.s32 $0xFFFFE000  }
0xbf: {  	[tilespmem:s17], [sflag:$0x2] =	stream.indirect.gather [hbm4b:s4+s14], $0x40, s23, s14, $0xb8;
	[tilespmem:$0x1F000] =	vst v63  }
.Ltmp0:
0xc0: {  	s23 =	sadd.s32 $0x680, s21;
	(pc) =	sbr.rel @p0 .LBB2_2-.Ltmp0, $4  }
0xc1: {  	[tilespmem:s20], [sflag:$0x2] =	stream.indirect.gather [hbm4b:s4+s14], $0x40, s23, s14, $0xb8;
	[tilespmem:$0x1F000] =	vst v63  }
0xc2: {  	s23 =	sadd.s32 $0x700, s21  }
0xc3: {  	[tilespmem:s24], [sflag:$0x2] =	stream.indirect.gather [hbm4b:s4+s14], $0x40, s23, s14, $0xb8;
	[tilespmem:$0x1F000] =	vst v63  }
0xc4: {  	s21 =	sadd.s32 $0x780, s21  }
0xc5: {  	[tilespmem:s29], [sflag:$0x2] =	stream.indirect.gather [hbm4b:s4+s14], $0x40, s21, s14, $0xb8;
	[tilespmem:$0x1F000] =	vst v63  }
0xc6: {  	_ =	swait.ge [sflag:s30], $0x2000  }
0xc7: {  	[sflag:s30] =	ssyncset.done $0x0  }
0xc8: {  	[sflag:s30] =	ssyncadd.s32 $0xFFFFE000  }
0xc9: {  	_ =	swait.ge [sflag:s30], $0x2000  }
0xca: {  	[sflag:s30] =	ssyncset.done $0x0  }
0xcb: {  	[sflag:s30] =	ssyncadd.s32 $0xFFFFE000  }
0xcc: {  	_ =	swait.ge [sflag:s30], $0x2000  }
0xcd: {  	[sflag:s30] =	ssyncset.done $0x0  }
0xce: {  	[sflag:s30] =	ssyncadd.s32 $0xFFFFE000  }
0xcf: {  	_ =	swait.ge [sflag:s30], $0x2000  }
0xd0: {  	[sflag:s30] =	ssyncset.done $0x0  }
0xd1: {  	s19 =	simm.s32 $0x4C00;
	[sflag:s30] =	ssyncadd.s32 $0xFFFFE000  }
0xd2: {  	[spmem:s2] =	stream.indirect.scatter.add.f32 [tilespmem:s15], [sflag:$0x3], $0x40, s19, s14, $0xb8;
	[tilespmem:$0x1F000] =	vst v63  }
0xd3: {  	s21 =	simm.s32 $0x4C80  }
0xd4: {  	[spmem:s2] =	stream.indirect.scatter.add.f32 [tilespmem:s18], [sflag:$0x3], $0x40, s21, s14, $0xb8;
	[tilespmem:$0x1F000] =	vst v63  }
0xd5: {  	s23 =	simm.s32 $0x4D00  }
0xd6: {  	[spmem:s2] =	stream.indirect.scatter.add.f32 [tilespmem:s22], [sflag:$0x3], $0x40, s23, s14, $0xb8;
	[tilespmem:$0x1F000] =	vst v63  }
0xd7: {  	s21 =	simm.s32 $0x4D80  }
0xd8: {  	[spmem:s2] =	stream.indirect.scatter.add.f32 [tilespmem:s26], [sflag:$0x3], $0x40, s21, s14, $0xb8;
	[tilespmem:$0x1F000] =	vst v63  }
0xd9: {  	_ =	swait.ge [sflag:s31], $0x2000  }
0xda: {  	[sflag:s31] =	ssyncset.done $0x0  }
0xdb: {  	[sflag:s31] =	ssyncadd.s32 $0xFFFFE000  }
0xdc: {  	_ =	swait.ge [sflag:s31], $0x2000  }
0xdd: {  	[sflag:s31] =	ssyncset.done $0x0  }
0xde: {  	[sflag:s31] =	ssyncadd.s32 $0xFFFFE000  }
0xdf: {  	_ =	swait.ge [sflag:s31], $0x2000  }
0xe0: {  	[sflag:s31] =	ssyncset.done $0x0  }
0xe1: {  	[sflag:s31] =	ssyncadd.s32 $0xFFFFE000  }
0xe2: {  	_ =	swait.ge [sflag:s31], $0x2000  }
0xe3: {  	[sflag:s31] =	ssyncset.done $0x0  }
0xe4: {  	s23 =	simm.s32 $0x4E00;
	[sflag:s31] =	ssyncadd.s32 $0xFFFFE000  }
0xe5: {  	[spmem:s2] =	stream.indirect.scatter.add.f32 [tilespmem:s17], [sflag:$0x4], $0x40, s23, s14, $0xb8;
	[tilespmem:$0x1F000] =	vst v63  }
0xe6: {  	_ = 	snop  }
0xe7: {  	[spmem:s2] =	stream.indirect.scatter.add.f32 [tilespmem:s20], [sflag:$0x4], $0x40, s25, s14, $0xb8;
	[tilespmem:$0x1F000] =	vst v63  }
0xe8: {  	_ = 	snop  }
0xe9: {  	[spmem:s2] =	stream.indirect.scatter.add.f32 [tilespmem:s24], [sflag:$0x4], $0x40, s28, s14, $0xb8;
	[tilespmem:$0x1F000] =	vst v63  }
0xea: {  	_ = 	snop  }
0xeb: {  	[spmem:s2] =	stream.indirect.scatter.add.f32 [tilespmem:s29], [sflag:$0x4], $0x40, s13, s14, $0xb8;
	[tilespmem:$0x1F000] =	vst v63  }
0xec: {  	_ =	swait.ge [sflag:s1], $0x2000  }
0xed: {  	[sflag:s1] =	ssyncset.done $0x0  }
0xee: {  	[sflag:s1] =	ssyncadd.s32 $0xFFFFE000  }
0xef: {  	_ =	swait.ge [sflag:s1], $0x2000  }
0xf0: {  	[sflag:s1] =	ssyncset.done $0x0  }
0xf1: {  	[sflag:s1] =	ssyncadd.s32 $0xFFFFE000  }
0xf2: {  	_ =	swait.ge [sflag:s1], $0x2000  }
0xf3: {  	[sflag:s1] =	ssyncset.done $0x0  }
0xf4: {  	[sflag:s1] =	ssyncadd.s32 $0xFFFFE000  }
0xf5: {  	_ =	swait.ge [sflag:s1], $0x2000  }
0xf6: {  	[sflag:s1] =	ssyncset.done $0x0  }
0xf7: {  	[sflag:s1] =	ssyncadd.s32 $0xFFFFE000  }
0xf8: {  	_ =	swait.ge [sflag:s0], $0x2000  }
0xf9: {  	[sflag:s0] =	ssyncset.done $0x0  }
0xfa: {  	[sflag:s0] =	ssyncadd.s32 $0xFFFFE000  }
0xfb: {  	_ =	swait.ge [sflag:s0], $0x2000  }
0xfc: {  	[sflag:s0] =	ssyncset.done $0x0  }
0xfd: {  	[sflag:s0] =	ssyncadd.s32 $0xFFFFE000  }
0xfe: {  	_ =	swait.ge [sflag:s0], $0x2000  }
0xff: {  	[sflag:s0] =	ssyncset.done $0x0  }
0x100: {  	[sflag:s0] =	ssyncadd.s32 $0xFFFFE000  }
0x101: {  	_ =	swait.ge [sflag:s0], $0x2000  }
0x102: {  	s16 =	sadd.s32 $0x1, s16;
	[sflag:s0] =	ssyncset.done $0x0  }
0x103: {  	p0 =	sne.s32 s16, s10;
	[sflag:s0] =	ssyncadd.s32 $0xFFFFE000  }
.Ltmp1:
0x104: {  	[bflag:$0x0] =	sbarrier.arrive $0xFFFF;
	(pc) =	sbr.rel @p0 .LBB2_1-.Ltmp1, $4  }
0x105: {  	[hbm:s9], [sflag:s6] =	dma.local [spmem:s11], $0x1400  }
0x106: {  	_ =	swait.ge [sflag:s12], $0x1400  }
0x107: {  	[sflag:s12] =	ssyncset.done $0x0  }
0x108: {  	[sflag:s12] =	ssyncadd.s32 $0xFFFFEC00  }
0x109: {  	_ =	sfence.sel $0x180000  }
0x10a: {  	[bflag:$0x0] =	sbarrier.arrive $0xFFFF  }
0x10b: {  	_ =	strace $0x9000004A  }
0x10c: {  	s0 =	stileid.u32;
	[bflag:$0x2] =	sbarrier.arrive $0xFFFF  }
0x10d: {  	p0 =	sne.s32 s0, $0x0;
	s0 =	rddreg [dreg:$0x2]  }
0x10e: {  	s0 =	sadd.s32 @!p0 $0x100000, s0  }
0x10f: {  	[sflag:s0] =	ssyncadd.tile.s32 @!p0 $0x1;
	_ =	shalt  }
.Lfunc_end2:
_tile_overlayer_lowered:
.L_overlay_start_2:
0x110: {  	(tag) =	ssettag $0x2  }
0x111: {  	s0 =	rddreg [dreg:$0x0];
	s2 =	stileid.u32  }
0x112: {  	s1 =	rddreg [dreg:$0x1];
	p0 =	sne.s32 s2, $0x0  }
0x113: {  	s3 =	rddreg [dreg:$0x2];
	[bflag:$0x3] =	sbarrier.arrive $0xFFFF;
	s2 =	simm.s32 @!p0 $0x1C05  }
0x114: {  	[timem:s3], [sflag:s2] =	dma.local @!p0 [hbm:s0], s1  }
0x115: {  	s0 =	simm.s32 @!p0 $0x5  }
0x116: {  	_ =	swait.ge @!p0 [sflag:s0], s1  }
0x117: {  	s1 =	ssub.s32 @!p0 $0x0, s1;
	[sflag:s0] =	ssyncset.done @!p0 $0x0  }
0x118: {  	[sflag:s0] =	ssyncadd.s32 @!p0 s1  }
0x119: {  	[bflag:$0x3] =	sbarrier.arrive $0xFFFF  }
0x11a: {  	_ =	shalt  }

// kernel: kernel.18.cloned.1.call-start
scs
__scs_entry_jumppad:
0x0: {  	(pc) =	sbr.rel $0x88, $3  }
0x1: {  	(tag) =	ssettag $0x0;
	lr =	simm.s32 $0x1  }
0x2: {  	[smem:$0x3F7F] =	sst lr;
	_ =	strace $0xD0000000  }
0x3: {  	_ = 	snop  }
0x4: {  	_ = 	snop  }
0x5: {  	_ = 	snop  }
0x6: {  	_ = 	snop  }
0x7: {  	_ = 	snop  }
__scs_overlays_trampoline_lowered:
0x8: {  	[smem:$0x3F8E] =	sst s0  }
0x9: {  	[smem:$0x3F8F] =	sst s1  }
0xa: {  	[smem:$0x3F90] =	sst s2  }
0xb: {  	[smem:$0x3F91] =	sst s3  }
0xc: {  	[smem:$0x3F92] =	sst s4  }
0xd: {  	[smem:$0x3F93] =	sst s5  }
0xe: {  	[smem:$0x3F94] =	sst s6  }
0xf: {  	[smem:$0x3F95] =	sst s7  }
0x10: {  	[smem:$0x3F96] =	sst s8  }
0x11: {  	[smem:$0x3F97] =	sst s9;
	s0 =	simm.s32 @!p0 $0x0  }
0x12: {  	s1 =	sld [smem:$0x3F7D];
	s0 =	simm.s32 @p0 $0x1  }
0x13: {  	[smem:$0x3F98] =	sst s0;
	s0 =	simm.s32 @!p1 $0x0  }
0x14: {  	s2 =	sld [smem:$0x3F7C];
	s0 =	simm.s32 @p1 $0x1  }
0x15: {  	[smem:$0x3F99] =	sst s0;
	s0 =	simm.s32 @!p2 $0x0  }
0x16: {  	s3 =	sld [smem:$0x3FDB];
	s0 =	simm.s32 @p2 $0x1  }
0x17: {  	s4 =	simm.s32 $0x1BF5;
	[smem:$0x3F9B] =	sst s0  }
0x18: {  	s0 =	sld [smem:$0x3F7E];
	_ =	swait.ge [sflag:s4], $0x0  }
0x19: {  	s7 =	sld [smem:$0x3F7F]  }
0x1a: {  	s8 =	sadd.s32 $0xFFFFE003, lr  }
0x1b: {  	s9 =	sadd.s32 $0xFFFFFEF7, lr;
	s5 =	simm.s32 $0xFFFFFFFF;
	p2 =	slt.u32 s8, $0xFFFFF086  }
0x1c: {  	p1 =	slt.u32 s9, $0xF7A;
	s5 =	simm.s32 @!p2 $0x0  }
0x1d: {  	s5 =	simm.s32 @p1 $0x1;
	p0 =	seq.s32 s7, s2  }
0x1e: {  	s7 =	smul.u32 @!p0 $0xF7A, s2;
	p2 =	seq.s32 @!p0 s5, $0x0  }
0x1f: {  	s9 =	smul.u32 $0xF7A, s1;
	s8 =	simm.s32 @!p0 $0x1BF5;
	p2 =	por !p2, p0  }
0x20: {  	[sflag:s8] =	ssyncset.s32 @!p0 $0xFFFFF086;
	s6 =	sadd.s32 @!p0 s3, s7;
	s7 =	simm.s32 @!p0 $0x108  }
0x21: {  	s3 =	sadd.s32 s3, s9;
	s6 =	sadd.s32 @!p0 $0x88, s6;
	s7 =	simm.s32 @p2 $0x1082  }
0x22: {  	[simem:s7], [sflag:s8] =	dma.local @!p0 [hbm:s6], $0xF7A  }
0x23: {  	s9 =	sor.u32 $0xD0000000, s2;
	s6 =	simm.s32 $0x108;
	_ =	swait.ge @!p0 [sflag:s8], $0x0  }
0x24: {  	s3 =	sadd.s32 $0x88, s3;
	s6 =	simm.s32 @!p1 $0x1082;
	[sflag:s4] =	ssyncset.s32 $0xFFFFF086  }
0x25: {  	[simem:s6], [sflag:s4] =	dma.local [hbm:s3], $0xF7A  }
0x26: {  	[smem:$0x3F7F] =	sst s1;
	(tag) =	ssettag s2;
	_ =	strace s9  }
0x27: {  	s1 =	sld [smem:$0x3F8F]  }
0x28: {  	s2 =	sld [smem:$0x3F90]  }
0x29: {  	s4 =	sld [smem:$0x3F92]  }
0x2a: {  	p0 =	seq.s32 s5, $0x0;
	s5 =	sld [smem:$0x3F93]  }
0x2b: {  	s6 =	sld [smem:$0x3F94]  }
0x2c: {  	s7 =	sld [smem:$0x3F95]  }
0x2d: {  	s3 =	simm.s32 $0x108;
	s8 =	sld [smem:$0x3F96]  }
0x2e: {  	s3 =	simm.s32 @!p0 $0x1082;
	s9 =	sld [smem:$0x3F97]  }
0x2f: {  	lr =	sadd.s32 s0, s3;
	s0 =	sld [smem:$0x3F8E]  }
0x30: {  	s3 =	sld [smem:$0x3F91]  }
0x31: {  	[smem:$0x3F9A] =	sst s10  }
0x32: {  	s10 =	sld [smem:$0x3F98];
	_ =	sdelay $0x3  }
0x33: {  	p0 =	seq.s32 s10, $0x1;
	s10 =	sld [smem:$0x3F9A];
	_ =	sdelay $0x3  }
0x34: {  	[smem:$0x3F9A] =	sst s10  }
0x35: {  	s10 =	sld [smem:$0x3F99];
	_ =	sdelay $0x3  }
0x36: {  	p1 =	seq.s32 s10, $0x1;
	s10 =	sld [smem:$0x3F9A];
	_ =	sdelay $0x3  }
0x37: {  	[smem:$0x3F9A] =	sst s10  }
0x38: {  	s10 =	sld [smem:$0x3F9B]  }
0x39: {  	_ = 	snop;
	(pc) =	sbr.ind lr, $3  }
0x3a: {  	_ = 	snop  }
0x3b: {  	_ = 	snop  }
0x3c: {  	p2 =	seq.s32 s10, $0x1;
	s10 =	sld [smem:$0x3F9A]  }
0x3d: {  	_ =	shalt  }
0x3e: {  	_ =	shalt  }
0x3f: {  	_ =	shalt  }
0x40: {  	_ =	shalt  }
0x41: {  	_ =	shalt  }
0x42: {  	_ =	shalt  }
0x43: {  	_ =	shalt  }
0x44: {  	_ =	shalt  }
0x45: {  	_ =	shalt  }
0x46: {  	_ =	shalt  }
0x47: {  	_ =	shalt  }
0x48: {  	_ =	shalt  }
0x49: {  	_ =	shalt  }
0x4a: {  	_ =	shalt  }
0x4b: {  	_ =	shalt  }
0x4c: {  	_ =	shalt  }
0x4d: {  	_ =	shalt  }
0x4e: {  	_ =	shalt  }
0x4f: {  	_ =	shalt  }
0x50: {  	_ =	shalt  }
0x51: {  	_ =	shalt  }
0x52: {  	_ =	shalt  }
0x53: {  	_ =	shalt  }
0x54: {  	_ =	shalt  }
0x55: {  	_ =	shalt  }
0x56: {  	_ =	shalt  }
0x57: {  	_ =	shalt  }
0x58: {  	_ =	shalt  }
0x59: {  	_ =	shalt  }
0x5a: {  	_ =	shalt  }
0x5b: {  	_ =	shalt  }
0x5c: {  	_ =	shalt  }
0x5d: {  	_ =	shalt  }
0x5e: {  	_ =	shalt  }
0x5f: {  	_ =	shalt  }
0x60: {  	_ =	shalt  }
0x61: {  	_ =	shalt  }
0x62: {  	_ =	shalt  }
0x63: {  	_ =	shalt  }
0x64: {  	_ =	shalt  }
0x65: {  	_ =	shalt  }
0x66: {  	_ =	shalt  }
0x67: {  	_ =	shalt  }
0x68: {  	_ =	shalt  }
0x69: {  	_ =	shalt  }
0x6a: {  	_ =	shalt  }
0x6b: {  	_ =	shalt  }
0x6c: {  	_ =	shalt  }
0x6d: {  	_ =	shalt  }
0x6e: {  	_ =	shalt  }
0x6f: {  	_ =	shalt  }
0x70: {  	_ =	shalt  }
0x71: {  	_ =	shalt  }
0x72: {  	_ =	shalt  }
0x73: {  	_ =	shalt  }
0x74: {  	_ =	shalt  }
0x75: {  	_ =	shalt  }
0x76: {  	_ =	shalt  }
0x77: {  	_ =	shalt  }
0x78: {  	_ =	shalt  }
0x79: {  	_ =	shalt  }
0x7a: {  	_ =	shalt  }
0x7b: {  	_ =	shalt  }
0x7c: {  	_ =	shalt  }
0x7d: {  	_ =	shalt  }
0x7e: {  	_ =	shalt  }
0x7f: {  	_ =	shalt  }
0x80: {  	_ =	shalt  }
0x81: {  	_ =	shalt  }
0x82: {  	_ =	shalt  }
0x83: {  	_ =	shalt  }
0x84: {  	_ =	shalt  }
0x85: {  	_ =	shalt  }
0x86: {  	_ =	shalt  }
0x87: {  	_ =	shalt  }
.Lfunc_end0:
.L_simem_size_0:
called_computation.2_lowered:
.L_overlay_start_0:
0x88: {  	s2 =	sld [smem:$0x3FD9]  }
0x89: {  	s3 =	sld [smem:$0x3FFE];
	_ =	sdelay $0x1  }
0x8a: {  	s1 =	srdreg.scid  }
0x8b: {  	s0 =	sand.u32 $0x1, s1  }
0x8c: {  	s16 =	sshll.u32 s0, $0xA;
	s2 =	sadd.s32 s3, s2  }
0x8d: {  	s2 =	sadd.s32 s2, s16  }
0x8e: {  	[smem:$0x3FA6] =	sst s2  }
0x8f: {  	_ = 	snop  }
0x90: {  	(tm) =	ssettm $0x1  }
0x91: {  	s17 =	sld [smem:$0x3FFB];
	_ =	sdelay $0x3  }
0x92: {  	_ =	strace s17  }
0x93: {  	s2 =	sld [smem:$0x3FFC];
	_ =	sdelay $0x3  }
0x94: {  	_ =	strace s2  }
0x95: {  	s2 =	sld [smem:$0x3FFD];
	_ =	sdelay $0x3  }
0x96: {  	_ =	strace s2  }
0x97: {  	_ =	strace $0x8FFFFFFF  }
0x98: {  	s18 =	sld [smem:$0x3FDB];
	_ =	sdelay $0x1  }
0x99: {  	s19 =	simm.s32 $_scs_section_size  }
0x9a: {  	s4 =	simm.s32 $_size__tile_overlayer_lowered;
	s5 =	simm.s32 $_tile_overlayer_lowered  }
0x9b: {  	s22 =	simm.s32 $0x1BFF;
	s21 =	sshll.u32 s5, $0x1;
	s2 =	sadd.s32 s19, s18  }
0x9c: {  	s6 =	simm.s32 $0x0;
	s20 =	sshll.u32 s4, $0x1;
	s4 =	sadd.s32 s21, s2  }
0x9d: {  	[timem:s6], [sflag:s22] =	dma.local [hbm:s4], s20  }
0x9e: {  	_ =	swait.ge [sflag:s22], s20  }
0x9f: {  	s3 =	ssub.s32 $0x0, s20;
	[sflag:s22] =	ssyncset.done $0x0  }
0xa0: {  	[sflag:s22] =	ssyncadd.s32 s3;
	_ =	sdelay $0x1  }
0xa1: {  	s23 =	simm.s32 $0x1B8B  }
0xa2: {  	_ =	swait.ge [sflag:s23], $0x1  }
0xa3: {  	[sflag:s23] =	ssyncset.done $0x0  }
0xa4: {  	s25 =	simm.s32 $0x1B8E;
	s24 =	sld [smem:$0x3FFE];
	[sflag:s23] =	ssyncadd.s32 $0xFFFFFFFF  }
0xa5: {  	s26 =	simm.s32 $execute0_lowered;
	[smem:$0x3FD2] =	sst s25  }
0xa6: {  	s4 =	sshll.u32 s26, $0x1;
	_ =	strace $0x8000004C;
	[dreg:$0x1] =	wrdreg $0xFFFFFFFF  }
0xa7: {  	s28 =	simm.s32 $_size_execute0_lowered;
	s2 =	sadd.s32 s2, s4;
	[dreg:$0x0] =	wrdreg $0x0  }
0xa8: {  	s4 =	sshll.u32 s28, $0x1;
	[dreg:$0x2] =	wrdreg s2  }
0xa9: {  	[dreg:$0x3] =	wrdreg s4  }
0xaa: {  	[dreg:$0x4] =	wrdreg $0xC0  }
0xab: {  	_ =	task [dreg:s6], $0x5FFFF  }
0xac: {  	[dreg:$0x1] =	wrdreg $0xFFFFFFFF  }
0xad: {  	[dreg:$0x0] =	wrdreg $0x60  }
0xae: {  	[dreg:$0x2] =	wrdreg s24  }
0xaf: {  	[dreg:$0x3] =	wrdreg $0x150000  }
0xb0: {  	[dreg:$0x4] =	wrdreg $0x9  }
0xb1: {  	_ =	task.clear_ibuf [dreg:s6], $0x5FFFF;
	_ =	strace $0x9000004C  }
0xb2: {  	s29 =	simm.s32 $0x9;
	_ =	strace $0x8000004E  }
0xb3: {  	_ =	swait.ge [sflag:s29], $0x1  }
0xb4: {  	[sflag:s29] =	ssyncadd.s32 $0xFFFFFFFF  }
0xb5: {  	_ =	strace $0x9000004E  }
0xb6: {  	_ =	sfence  }
0xb7: {  	s30 =	sld [smem:$0x0];
	_ =	sdelay $0x2  }
0xb8: {  	s31 =	sshll.u32 s1, $0xD;
	s1 =	sshrl.u32 s1, $0x2  }
0xb9: {  	s3 =	sand.u32 $0x4000, s31;
	s1 =	sadd.s32 s1, s30  }
0xba: {  	s0 =	sor.u32 s3, s0;
	s1 =	sshll.u32 s1, $0x11  }
0xbb: {  	s0 =	sor.u32 s1, s0  }
0xbc: {  	s0 =	sadd.s32 $0x8F2B, s0  }
0xbd: {  	[sflag:s0] =	ssyncadd.remote.s32 $0x1  }
0xbe: {  	_ =	sfence.sel $0xFFFF  }
0xbf: {  	[dreg:$0x0] =	wrdreg $0xFFFFFFFF;
	(pc) =	sbr.abs _section_cstart, $3  }
0xc0: {  	[dreg:$0x1] =	wrdreg $0xFFFFFFFF  }
0xc1: {  	_ =	task.clear_ibuf [dreg:s6], $0x2FFFF;
	_ =	strace $0x9FFFFFFF  }
0xc2: {  	(tm) =	ssettm $0x7FFFFFFF  }
0xc3: {  	_ =	shalt  }
tec
execute0_lowered:
.L_overlay_start_1:
0x0: {  	(tag) =	ssettag $0x1  }
0x1: {  	s0 =	srdreg.scid;
	s5 =	rddreg [dreg:$0x0]  }
0x2: {  	s12 =	stileid.u32;
	s2 =	rddreg [dreg:$0x1];
	s3 =	simm.s32 $0x0  }
0x3: {  	s14 =	simm.s32 $0x80;
	s15 =	simm.s32 $0x5000;
	s17 =	simm.s32 $0xD000  }
0x4: {  	s18 =	simm.s32 $0x7000;
	s20 =	simm.s32 $0xF000;
	s22 =	simm.s32 $0x9000  }
0x5: {  	s24 =	simm.s32 $0x11000;
	s29 =	simm.s32 $0x13000;
	s30 =	simm.s32 $0x1  }
0x6: {  	s31 =	simm.s32 $0x2;
	s25 =	simm.s32 $0x4E80;
	s28 =	simm.s32 $0x4F00  }
0x7: {  	s13 =	simm.s32 $0x4F80;
	s16 =	simm.s32 $0x0;
	s0 =	sand.u32 $0x1, s0  }
0x8: {  	s1 =	sshll.u32 s12, $0x1;
	s6 =	smul.u32 $0xA000, s12;
	[smem:$0x7FF] =	sst s3  }
0x9: {  	s4 =	sadd.s32 $0x1BA00, s5;
	s26 =	sshll.u32 s12, $0x6;
	s12 =	simm.s32 $0x5  }
0xa: {  	s1 =	sor.u32 s0, s1;
	s7 =	smul.u32 $0xA0000, s0;
	_ =	strace $0x8000004D  }
0xb: {  	s0 =	ssub.s32 $0x2, s0;
	s1 =	smul.u32 $0x500, s1;
	s8 =	sshrl.u32 s6, $0x3  }
0xc: {  	s9 =	sshrl.u32 s0, $0x1;
	s11 =	sadd.s32 s6, s2;
	s7 =	sadd.s32 s6, s7  }
0xd: {  	s8 =	sadd.s32 s8, s5;
	s0 =	ssub.s32 s0, s9;
	s6 =	sor.u32 $0x1C05, s26  }
0xe: {  	s11 =	sshrl.u32 s11, $0x3;
	s26 =	simm.s32 $0xB000;
	s7 =	sshrl.u32 s7, $0x3  }
0xf: {  	s1 =	sadd.s32 s1, s5;
	s10 =	sadd.s32 s7, s5;
	s5 =	sadd.s32 $0x2FA00, s8  }
0x10: {  	s7 =	sadd.s32 $0x7A00, s1;
	s8 =	sadd.s32 $0x11A00, s1;
	s1 =	simm.s32 $0x3  }
0x11: {  	s9 =	sadd.s32 $0x43A00, s10;
	s10 =	smax.u32 s0, $0x1;
	s0 =	simm.s32 $0x4  }
.LBB2_1:
0x12: {  	[spmem:s11], [sflag:s6] =	dma.local [hbm:s5], $0x1400  }
0x13: {  	_ =	swait.ge [sflag:s12], $0x1400  }
0x14: {  	[sflag:s12] =	ssyncset.done $0x0  }
0x15: {  	[sflag:s12] =	ssyncadd.s32 $0xFFFFEC00  }
0x16: {  	[tilespmem:s3], [sflag:$0x5] =	stream.linear.gather [hbm4b:s7+s3], $0x2800, $0x38;
	[tilespmem:$0x1F000] =	vst v63  }
0x17: {  	_ =	swait.ge [sflag:s12], $0x2800  }
0x18: {  	[sflag:s12] =	ssyncset.done $0x0  }
0x19: {  	s19 =	simm.s32 $0x2800;
	[sflag:s12] =	ssyncadd.s32 $0xFFFFD800  }
0x1a: {  	[tilespmem:s19], [sflag:$0x5] =	stream.linear.gather [hbm4b:s8+s3], $0x2800, $0x38;
	[tilespmem:$0x1F000] =	vst v63  }
0x1b: {  	_ =	swait.ge [sflag:s12], $0x2800  }
0x1c: {  	[sflag:s12] =	ssyncset.done $0x0  }
0x1d: {  	[sflag:s12] =	ssyncadd.s32 $0xFFFFD800  }
0x1e: {  	[bflag:$0x0] =	sbarrier.arrive $0xFFFF  }
0x1f: {  	[tilespmem:s15], [sflag:$0x1] =	stream.indirect.gather [hbm4b:s4+s14], $0x40, s3, s14, $0xb8;
	[tilespmem:$0x1F000] =	vst v63  }
0x20: {  	s23 =	simm.s32 $0x200  }
0x21: {  	[tilespmem:s17], [sflag:$0x2] =	stream.indirect.gather [hbm4b:s4+s14], $0x40, s23, s14, $0xb8;
	[tilespmem:$0x1F000] =	vst v63  }
0x22: {  	_ = 	snop  }
0x23: {  	[tilespmem:s18], [sflag:$0x1] =	stream.indirect.gather [hbm4b:s4+s14], $0x40, s14, s14, $0xb8;
	[tilespmem:$0x1F000] =	vst v63  }
0x24: {  	s21 =	simm.s32 $0x280  }
0x25: {  	[tilespmem:s20], [sflag:$0x2] =	stream.indirect.gather [hbm4b:s4+s14], $0x40, s21, s14, $0xb8;
	[tilespmem:$0x1F000] =	vst v63  }
0x26: {  	s23 =	simm.s32 $0x100  }
0x27: {  	[tilespmem:s22], [sflag:$0x1] =	stream.indirect.gather [hbm4b:s4+s14], $0x40, s23, s14, $0xb8;
	[tilespmem:$0x1F000] =	vst v63  }
0x28: {  	s21 =	simm.s32 $0x300  }
0x29: {  	[tilespmem:s24], [sflag:$0x2] =	stream.indirect.gather [hbm4b:s4+s14], $0x40, s21, s14, $0xb8;
	[tilespmem:$0x1F000] =	vst v63  }
0x2a: {  	s23 =	simm.s32 $0x180  }
0x2b: {  	[tilespmem:s26], [sflag:$0x1] =	stream.indirect.gather [hbm4b:s4+s14], $0x40, s23, s14, $0xb8;
	[tilespmem:$0x1F000] =	vst v63  }
0x2c: {  	s21 =	simm.s32 $0x380  }
0x2d: {  	[tilespmem:s29], [sflag:$0x2] =	stream.indirect.gather [hbm4b:s4+s14], $0x40, s21, s14, $0xb8;
	[tilespmem:$0x1F000] =	vst v63  }
0x2e: {  	_ =	swait.ge [sflag:s30], $0x2000  }
0x2f: {  	[sflag:s30] =	ssyncset.done $0x0  }
0x30: {  	[sflag:s30] =	ssyncadd.s32 $0xFFFFE000  }
0x31: {  	_ =	swait.ge [sflag:s30], $0x2000  }
0x32: {  	[sflag:s30] =	ssyncset.done $0x0  }
0x33: {  	[sflag:s30] =	ssyncadd.s32 $0xFFFFE000  }
0x34: {  	_ =	swait.ge [sflag:s30], $0x2000  }
0x35: {  	[sflag:s30] =	ssyncset.done $0x0  }
0x36: {  	[sflag:s30] =	ssyncadd.s32 $0xFFFFE000  }
0x37: {  	_ =	swait.ge [sflag:s30], $0x2000  }
0x38: {  	[sflag:s30] =	ssyncset.done $0x0  }
0x39: {  	s23 =	simm.s32 $0x2800;
	[sflag:s30] =	ssyncadd.s32 $0xFFFFE000  }
0x3a: {  	[spmem:s2] =	stream.indirect.scatter.add.f32 [tilespmem:s15], [sflag:$0x3], $0x40, s23, s14, $0xb8;
	[tilespmem:$0x1F000] =	vst v63  }
0x3b: {  	s21 =	simm.s32 $0x2880  }
0x3c: {  	[spmem:s2] =	stream.indirect.scatter.add.f32 [tilespmem:s18], [sflag:$0x3], $0x40, s21, s14, $0xb8;
	[tilespmem:$0x1F000] =	vst v63  }
0x3d: {  	s23 =	simm.s32 $0x2900  }
0x3e: {  	[spmem:s2] =	stream.indirect.scatter.add.f32 [tilespmem:s22], [sflag:$0x3], $0x40, s23, s14, $0xb8;
	[tilespmem:$0x1F000] =	vst v63  }
0x3f: {  	s21 =	simm.s32 $0x2980  }
0x40: {  	[spmem:s2] =	stream.indirect.scatter.add.f32 [tilespmem:s26], [sflag:$0x3], $0x40, s21, s14, $0xb8;
	[tilespmem:$0x1F000] =	vst v63  }
0x41: {  	_ =	swait.ge [sflag:s31], $0x2000  }
0x42: {  	[sflag:s31] =	ssyncset.done $0x0  }
0x43: {  	[sflag:s31] =	ssyncadd.s32 $0xFFFFE000  }
0x44: {  	_ =	swait.ge [sflag:s31], $0x2000  }
0x45: {  	[sflag:s31] =	ssyncset.done $0x0  }
0x46: {  	[sflag:s31] =	ssyncadd.s32 $0xFFFFE000  }
0x47: {  	_ =	swait.ge [sflag:s31], $0x2000  }
0x48: {  	[sflag:s31] =	ssyncset.done $0x0  }
0x49: {  	[sflag:s31] =	ssyncadd.s32 $0xFFFFE000  }
0x4a: {  	_ =	swait.ge [sflag:s31], $0x2000  }
0x4b: {  	[sflag:s31] =	ssyncset.done $0x0  }
0x4c: {  	s23 =	simm.s32 $0x2A00;
	[sflag:s31] =	ssyncadd.s32 $0xFFFFE000  }
0x4d: {  	[spmem:s2] =	stream.indirect.scatter.add.f32 [tilespmem:s17], [sflag:$0x4], $0x40, s23, s14, $0xb8;
	[tilespmem:$0x1F000] =	vst v63  }
0x4e: {  	s21 =	simm.s32 $0x2A80  }
0x4f: {  	[spmem:s2] =	stream.indirect.scatter.add.f32 [tilespmem:s20], [sflag:$0x4], $0x40, s21, s14, $0xb8;
	[tilespmem:$0x1F000] =	vst v63  }
0x50: {  	s23 =	simm.s32 $0x2B00  }
0x51: {  	[spmem:s2] =	stream.indirect.scatter.add.f32 [tilespmem:s24], [sflag:$0x4], $0x40, s23, s14, $0xb8;
	[tilespmem:$0x1F000] =	vst v63  }
0x52: {  	s21 =	simm.s32 $0x2B80  }
0x53: {  	[spmem:s2] =	stream.indirect.scatter.add.f32 [tilespmem:s29], [sflag:$0x4], $0x40, s21, s14, $0xb8;
	[tilespmem:$0x1F000] =	vst v63  }
0x54: {  	_ =	swait.ge [sflag:s1], $0x2000  }
0x55: {  	[sflag:s1] =	ssyncset.done $0x0  }
0x56: {  	[sflag:s1] =	ssyncadd.s32 $0xFFFFE000  }
0x57: {  	_ =	swait.ge [sflag:s1], $0x2000  }
0x58: {  	[sflag:s1] =	ssyncset.done $0x0  }
0x59: {  	[sflag:s1] =	ssyncadd.s32 $0xFFFFE000  }
0x5a: {  	_ =	swait.ge [sflag:s1], $0x2000  }
0x5b: {  	[sflag:s1] =	ssyncset.done $0x0  }
0x5c: {  	[sflag:s1] =	ssyncadd.s32 $0xFFFFE000  }
0x5d: {  	_ =	swait.ge [sflag:s1], $0x2000  }
0x5e: {  	[sflag:s1] =	ssyncset.done $0x0  }
0x5f: {  	s23 =	simm.s32 $0x400;
	[sflag:s1] =	ssyncadd.s32 $0xFFFFE000  }
0x60: {  	[tilespmem:s15], [sflag:$0x1] =	stream.indirect.gather [hbm4b:s4+s14], $0x40, s23, s14, $0xb8;
	[tilespmem:$0x1F000] =	vst v63  }
0x61: {  	s21 =	simm.s32 $0x480  }
0x62: {  	[tilespmem:s18], [sflag:$0x1] =	stream.indirect.gather [hbm4b:s4+s14], $0x40, s21, s14, $0xb8;
	[tilespmem:$0x1F000] =	vst v63  }
0x63: {  	s23 =	simm.s32 $0x500  }
0x64: {  	[tilespmem:s22], [sflag:$0x1] =	stream.indirect.gather [hbm4b:s4+s14], $0x40, s23, s14, $0xb8;
	[tilespmem:$0x1F000] =	vst v63  }
0x65: {  	s21 =	simm.s32 $0x580  }
0x66: {  	[tilespmem:s26], [sflag:$0x1] =	stream.indirect.gather [hbm4b:s4+s14], $0x40, s21, s14, $0xb8;
	[tilespmem:$0x1F000] =	vst v63  }
0x67: {  	_ =	swait.ge [sflag:s0], $0x2000  }
0x68: {  	[sflag:s0] =	ssyncset.done $0x0  }
0x69: {  	[sflag:s0] =	ssyncadd.s32 $0xFFFFE000  }
0x6a: {  	_ =	swait.ge [sflag:s0], $0x2000  }
0x6b: {  	[sflag:s0] =	ssyncset.done $0x0  }
0x6c: {  	[sflag:s0] =	ssyncadd.s32 $0xFFFFE000  }
0x6d: {  	_ =	swait.ge [sflag:s0], $0x2000  }
0x6e: {  	[sflag:s0] =	ssyncset.done $0x0  }
0x6f: {  	[sflag:s0] =	ssyncadd.s32 $0xFFFFE000  }
0x70: {  	_ =	swait.ge [sflag:s0], $0x2000  }
0x71: {  	[sflag:s0] =	ssyncset.done $0x0  }
0x72: {  	s23 =	simm.s32 $0x600;
	[sflag:s0] =	ssyncadd.s32 $0xFFFFE000  }
0x73: {  	[tilespmem:s17], [sflag:$0x2] =	stream.indirect.gather [hbm4b:s4+s14], $0x40, s23, s14, $0xb8;
	[tilespmem:$0x1F000] =	vst v63  }
0x74: {  	s21 =	simm.s32 $0x680  }
0x75: {  	[tilespmem:s20], [sflag:$0x2] =	stream.indirect.gather [hbm4b:s4+s14], $0x40, s21, s14, $0xb8;
	[tilespmem:$0x1F000] =	vst v63  }
0x76: {  	s19 =	simm.s32 $0x1000;
	s23 =	simm.s32 $0x700;
	s21 =	simm.s32 $0x780  }
0x77: {  	[tilespmem:s24], [sflag:$0x2] =	stream.indirect.gather [hbm4b:s4+s14], $0x40, s23, s14, $0xb8;
	[tilespmem:$0x1F000] =	vst v63  }
.LBB2_2:
0x78: {  	[tilespmem:s29], [sflag:$0x2] =	stream.indirect.gather [hbm4b:s4+s14], $0x40, s21, s14, $0xb8;
	[tilespmem:$0x1F000] =	vst v63  }
0x79: {  	s21 =	smov.u32 s19  }
0x7a: {  	p0 =	sne.s32 s19, $0x8000;
	s19 =	sadd.s32 $0x1000, s19;
	_ =	swait.ge [sflag:s30], $0x2000  }
0x7b: {  	[sflag:s30] =	ssyncset.done $0x0  }
0x7c: {  	[sflag:s30] =	ssyncadd.s32 $0xFFFFE000  }
0x7d: {  	_ =	swait.ge [sflag:s30], $0x2000  }
0x7e: {  	[sflag:s30] =	ssyncset.done $0x0  }
0x7f: {  	[sflag:s30] =	ssyncadd.s32 $0xFFFFE000  }
0x80: {  	_ =	swait.ge [sflag:s30], $0x2000  }
0x81: {  	[sflag:s30] =	ssyncset.done $0x0  }
0x82: {  	[sflag:s30] =	ssyncadd.s32 $0xFFFFE000  }
0x83: {  	_ =	swait.ge [sflag:s30], $0x2000  }
0x84: {  	s21 =	sshra.s32 s21, $0x2;
	[sflag:s30] =	ssyncset.done $0x0  }
0x85: {  	s23 =	sadd.s32 $0x2800, s21;
	[sflag:s30] =	ssyncadd.s32 $0xFFFFE000  }
0x86: {  	[spmem:s2] =	stream.indirect.scatter.add.f32 [tilespmem:s15], [sflag:$0x3], $0x40, s23, s14, $0xb8;
	[tilespmem:$0x1F000] =	vst v63  }
0x87: {  	s23 =	sadd.s32 $0x2880, s21  }
0x88: {  	[spmem:s2] =	stream.indirect.scatter.add.f32 [tilespmem:s18], [sflag:$0x3], $0x40, s23, s14, $0xb8;
	[tilespmem:$0x1F000] =	vst v63  }
0x89: {  	s23 =	sadd.s32 $0x2900, s21  }
0x8a: {  	[spmem:s2] =	stream.indirect.scatter.add.f32 [tilespmem:s22], [sflag:$0x3], $0x40, s23, s14, $0xb8;
	[tilespmem:$0x1F000] =	vst v63  }
0x8b: {  	s23 =	sadd.s32 $0x2980, s21  }
0x8c: {  	[spmem:s2] =	stream.indirect.scatter.add.f32 [tilespmem:s26], [sflag:$0x3], $0x40, s23, s14, $0xb8;
	[tilespmem:$0x1F000] =	vst v63  }
0x8d: {  	_ =	swait.ge [sflag:s31], $0x2000  }
0x8e: {  	[sflag:s31] =	ssyncset.done $0x0  }
0x8f: {  	[sflag:s31] =	ssyncadd.s32 $0xFFFFE000  }
0x90: {  	_ =	swait.ge [sflag:s31], $0x2000  }
0x91: {  	[sflag:s31] =	ssyncset.done $0x0  }
0x92: {  	[sflag:s31] =	ssyncadd.s32 $0xFFFFE000  }
0x93: {  	_ =	swait.ge [sflag:s31], $0x2000  }
0x94: {  	[sflag:s31] =	ssyncset.done $0x0  }
0x95: {  	[sflag:s31] =	ssyncadd.s32 $0xFFFFE000  }
0x96: {  	_ =	swait.ge [sflag:s31], $0x2000  }
0x97: {  	[sflag:s31] =	ssyncset.done $0x0  }
0x98: {  	s23 =	sadd.s32 $0x2A00, s21;
	[sflag:s31] =	ssyncadd.s32 $0xFFFFE000  }
0x99: {  	[spmem:s2] =	stream.indirect.scatter.add.f32 [tilespmem:s17], [sflag:$0x4], $0x40, s23, s14, $0xb8;
	[tilespmem:$0x1F000] =	vst v63  }
0x9a: {  	s23 =	sadd.s32 $0x2A80, s21  }
0x9b: {  	[spmem:s2] =	stream.indirect.scatter.add.f32 [tilespmem:s20], [sflag:$0x4], $0x40, s23, s14, $0xb8;
	[tilespmem:$0x1F000] =	vst v63  }
0x9c: {  	s23 =	sadd.s32 $0x2B00, s21  }
0x9d: {  	[spmem:s2] =	stream.indirect.scatter.add.f32 [tilespmem:s24], [sflag:$0x4], $0x40, s23, s14, $0xb8;
	[tilespmem:$0x1F000] =	vst v63  }
0x9e: {  	s23 =	sadd.s32 $0x2B80, s21  }
0x9f: {  	[spmem:s2] =	stream.indirect.scatter.add.f32 [tilespmem:s29], [sflag:$0x4], $0x40, s23, s14, $0xb8;
	[tilespmem:$0x1F000] =	vst v63  }
0xa0: {  	_ =	swait.ge [sflag:s1], $0x2000  }
0xa1: {  	[sflag:s1] =	ssyncset.done $0x0  }
0xa2: {  	[sflag:s1] =	ssyncadd.s32 $0xFFFFE000  }
0xa3: {  	_ =	swait.ge [sflag:s1], $0x2000  }
0xa4: {  	[sflag:s1] =	ssyncset.done $0x0  }
0xa5: {  	[sflag:s1] =	ssyncadd.s32 $0xFFFFE000  }
0xa6: {  	_ =	swait.ge [sflag:s1], $0x2000  }
0xa7: {  	[sflag:s1] =	ssyncset.done $0x0  }
0xa8: {  	[sflag:s1] =	ssyncadd.s32 $0xFFFFE000  }
0xa9: {  	_ =	swait.ge [sflag:s1], $0x2000  }
0xaa: {  	[sflag:s1] =	ssyncset.done $0x0  }
0xab: {  	s23 =	sadd.s32 $0x400, s21;
	[sflag:s1] =	ssyncadd.s32 $0xFFFFE000  }
0xac: {  	[tilespmem:s15], [sflag:$0x1] =	stream.indirect.gather [hbm4b:s4+s14], $0x40, s23, s14, $0xb8;
	[tilespmem:$0x1F000] =	vst v63  }
0xad: {  	s23 =	sadd.s32 $0x480, s21  }
0xae: {  	[tilespmem:s18], [sflag:$0x1] =	stream.indirect.gather [hbm4b:s4+s14], $0x40, s23, s14, $0xb8;
	[tilespmem:$0x1F000] =	vst v63  }
0xaf: {  	s23 =	sadd.s32 $0x500, s21  }
0xb0: {  	[tilespmem:s22], [sflag:$0x1] =	stream.indirect.gather [hbm4b:s4+s14], $0x40, s23, s14, $0xb8;
	[tilespmem:$0x1F000] =	vst v63  }
0xb1: {  	s23 =	sadd.s32 $0x580, s21  }
0xb2: {  	[tilespmem:s26], [sflag:$0x1] =	stream.indirect.gather [hbm4b:s4+s14], $0x40, s23, s14, $0xb8;
	[tilespmem:$0x1F000] =	vst v63  }
0xb3: {  	_ =	swait.ge [sflag:s0], $0x2000  }
0xb4: {  	[sflag:s0] =	ssyncset.done $0x0  }
0xb5: {  	[sflag:s0] =	ssyncadd.s32 $0xFFFFE000  }
0xb6: {  	_ =	swait.ge [sflag:s0], $0x2000  }
0xb7: {  	[sflag:s0] =	ssyncset.done $0x0  }
0xb8: {  	[sflag:s0] =	ssyncadd.s32 $0xFFFFE000  }
0xb9: {  	_ =	swait.ge [sflag:s0], $0x2000  }
0xba: {  	[sflag:s0] =	ssyncset.done $0x0  }
0xbb: {  	[sflag:s0] =	ssyncadd.s32 $0xFFFFE000  }
0xbc: {  	_ =	swait.ge [sflag:s0], $0x2000  }
0xbd: {  	[sflag:s0] =	ssyncset.done $0x0  }
0xbe: {  	s23 =	sadd.s32 $0x600, s21;
	[sflag:s0] =	ssyncadd.s32 $0xFFFFE000  }
0xbf: {  	[tilespmem:s17], [sflag:$0x2] =	stream.indirect.gather [hbm4b:s4+s14], $0x40, s23, s14, $0xb8;
	[tilespmem:$0x1F000] =	vst v63  }
.Ltmp0:
0xc0: {  	s23 =	sadd.s32 $0x680, s21;
	(pc) =	sbr.rel @p0 .LBB2_2-.Ltmp0, $4  }
0xc1: {  	[tilespmem:s20], [sflag:$0x2] =	stream.indirect.gather [hbm4b:s4+s14], $0x40, s23, s14, $0xb8;
	[tilespmem:$0x1F000] =	vst v63  }
0xc2: {  	s23 =	sadd.s32 $0x700, s21  }
0xc3: {  	[tilespmem:s24], [sflag:$0x2] =	stream.indirect.gather [hbm4b:s4+s14], $0x40, s23, s14, $0xb8;
	[tilespmem:$0x1F000] =	vst v63  }
0xc4: {  	s21 =	sadd.s32 $0x780, s21  }
0xc5: {  	[tilespmem:s29], [sflag:$0x2] =	stream.indirect.gather [hbm4b:s4+s14], $0x40, s21, s14, $0xb8;
	[tilespmem:$0x1F000] =	vst v63  }
0xc6: {  	_ =	swait.ge [sflag:s30], $0x2000  }
0xc7: {  	[sflag:s30] =	ssyncset.done $0x0  }
0xc8: {  	[sflag:s30] =	ssyncadd.s32 $0xFFFFE000  }
0xc9: {  	_ =	swait.ge [sflag:s30], $0x2000  }
0xca: {  	[sflag:s30] =	ssyncset.done $0x0  }
0xcb: {  	[sflag:s30] =	ssyncadd.s32 $0xFFFFE000  }
0xcc: {  	_ =	swait.ge [sflag:s30], $0x2000  }
0xcd: {  	[sflag:s30] =	ssyncset.done $0x0  }
0xce: {  	[sflag:s30] =	ssyncadd.s32 $0xFFFFE000  }
0xcf: {  	_ =	swait.ge [sflag:s30], $0x2000  }
0xd0: {  	[sflag:s30] =	ssyncset.done $0x0  }
0xd1: {  	s19 =	simm.s32 $0x4C00;
	[sflag:s30] =	ssyncadd.s32 $0xFFFFE000  }
0xd2: {  	[spmem:s2] =	stream.indirect.scatter.add.f32 [tilespmem:s15], [sflag:$0x3], $0x40, s19, s14, $0xb8;
	[tilespmem:$0x1F000] =	vst v63  }
0xd3: {  	s21 =	simm.s32 $0x4C80  }
0xd4: {  	[spmem:s2] =	stream.indirect.scatter.add.f32 [tilespmem:s18], [sflag:$0x3], $0x40, s21, s14, $0xb8;
	[tilespmem:$0x1F000] =	vst v63  }
0xd5: {  	s23 =	simm.s32 $0x4D00  }
0xd6: {  	[spmem:s2] =	stream.indirect.scatter.add.f32 [tilespmem:s22], [sflag:$0x3], $0x40, s23, s14, $0xb8;
	[tilespmem:$0x1F000] =	vst v63  }
0xd7: {  	s21 =	simm.s32 $0x4D80  }
0xd8: {  	[spmem:s2] =	stream.indirect.scatter.add.f32 [tilespmem:s26], [sflag:$0x3], $0x40, s21, s14, $0xb8;
	[tilespmem:$0x1F000] =	vst v63  }
0xd9: {  	_ =	swait.ge [sflag:s31], $0x2000  }
0xda: {  	[sflag:s31] =	ssyncset.done $0x0  }
0xdb: {  	[sflag:s31] =	ssyncadd.s32 $0xFFFFE000  }
0xdc: {  	_ =	swait.ge [sflag:s31], $0x2000  }
0xdd: {  	[sflag:s31] =	ssyncset.done $0x0  }
0xde: {  	[sflag:s31] =	ssyncadd.s32 $0xFFFFE000  }
0xdf: {  	_ =	swait.ge [sflag:s31], $0x2000  }
0xe0: {  	[sflag:s31] =	ssyncset.done $0x0  }
0xe1: {  	[sflag:s31] =	ssyncadd.s32 $0xFFFFE000  }
0xe2: {  	_ =	swait.ge [sflag:s31], $0x2000  }
0xe3: {  	[sflag:s31] =	ssyncset.done $0x0  }
0xe4: {  	s23 =	simm.s32 $0x4E00;
	[sflag:s31] =	ssyncadd.s32 $0xFFFFE000  }
0xe5: {  	[spmem:s2] =	stream.indirect.scatter.add.f32 [tilespmem:s17], [sflag:$0x4], $0x40, s23, s14, $0xb8;
	[tilespmem:$0x1F000] =	vst v63  }
0xe6: {  	_ = 	snop  }
0xe7: {  	[spmem:s2] =	stream.indirect.scatter.add.f32 [tilespmem:s20], [sflag:$0x4], $0x40, s25, s14, $0xb8;
	[tilespmem:$0x1F000] =	vst v63  }
0xe8: {  	_ = 	snop  }
0xe9: {  	[spmem:s2] =	stream.indirect.scatter.add.f32 [tilespmem:s24], [sflag:$0x4], $0x40, s28, s14, $0xb8;
	[tilespmem:$0x1F000] =	vst v63  }
0xea: {  	_ = 	snop  }
0xeb: {  	[spmem:s2] =	stream.indirect.scatter.add.f32 [tilespmem:s29], [sflag:$0x4], $0x40, s13, s14, $0xb8;
	[tilespmem:$0x1F000] =	vst v63  }
0xec: {  	_ =	swait.ge [sflag:s1], $0x2000  }
0xed: {  	[sflag:s1] =	ssyncset.done $0x0  }
0xee: {  	[sflag:s1] =	ssyncadd.s32 $0xFFFFE000  }
0xef: {  	_ =	swait.ge [sflag:s1], $0x2000  }
0xf0: {  	[sflag:s1] =	ssyncset.done $0x0  }
0xf1: {  	[sflag:s1] =	ssyncadd.s32 $0xFFFFE000  }
0xf2: {  	_ =	swait.ge [sflag:s1], $0x2000  }
0xf3: {  	[sflag:s1] =	ssyncset.done $0x0  }
0xf4: {  	[sflag:s1] =	ssyncadd.s32 $0xFFFFE000  }
0xf5: {  	_ =	swait.ge [sflag:s1], $0x2000  }
0xf6: {  	[sflag:s1] =	ssyncset.done $0x0  }
0xf7: {  	[sflag:s1] =	ssyncadd.s32 $0xFFFFE000  }
0xf8: {  	_ =	swait.ge [sflag:s0], $0x2000  }
0xf9: {  	[sflag:s0] =	ssyncset.done $0x0  }
0xfa: {  	[sflag:s0] =	ssyncadd.s32 $0xFFFFE000  }
0xfb: {  	_ =	swait.ge [sflag:s0], $0x2000  }
0xfc: {  	[sflag:s0] =	ssyncset.done $0x0  }
0xfd: {  	[sflag:s0] =	ssyncadd.s32 $0xFFFFE000  }
0xfe: {  	_ =	swait.ge [sflag:s0], $0x2000  }
0xff: {  	[sflag:s0] =	ssyncset.done $0x0  }
0x100: {  	[sflag:s0] =	ssyncadd.s32 $0xFFFFE000  }
0x101: {  	_ =	swait.ge [sflag:s0], $0x2000  }
0x102: {  	s16 =	sadd.s32 $0x1, s16;
	[sflag:s0] =	ssyncset.done $0x0  }
0x103: {  	p0 =	sne.s32 s16, s10;
	[sflag:s0] =	ssyncadd.s32 $0xFFFFE000  }
.Ltmp1:
0x104: {  	[bflag:$0x0] =	sbarrier.arrive $0xFFFF;
	(pc) =	sbr.rel @p0 .LBB2_1-.Ltmp1, $4  }
0x105: {  	[hbm:s9], [sflag:s6] =	dma.local [spmem:s11], $0x1400  }
0x106: {  	_ =	swait.ge [sflag:s12], $0x1400  }
0x107: {  	[sflag:s12] =	ssyncset.done $0x0  }
0x108: {  	[sflag:s12] =	ssyncadd.s32 $0xFFFFEC00  }
0x109: {  	_ =	sfence.sel $0x180000  }
0x10a: {  	[bflag:$0x0] =	sbarrier.arrive $0xFFFF  }
0x10b: {  	_ =	strace $0x9000004D  }
0x10c: {  	s0 =	stileid.u32;
	[bflag:$0x2] =	sbarrier.arrive $0xFFFF  }
0x10d: {  	p0 =	sne.s32 s0, $0x0;
	s0 =	rddreg [dreg:$0x2]  }
0x10e: {  	s0 =	sadd.s32 @!p0 $0x100000, s0  }
0x10f: {  	[sflag:s0] =	ssyncadd.tile.s32 @!p0 $0x1;
	_ =	shalt  }
.Lfunc_end2:
_tile_overlayer_lowered:
.L_overlay_start_2:
0x110: {  	(tag) =	ssettag $0x2  }
0x111: {  	s0 =	rddreg [dreg:$0x0];
	s2 =	stileid.u32  }
0x112: {  	s1 =	rddreg [dreg:$0x1];
	p0 =	sne.s32 s2, $0x0  }
0x113: {  	s3 =	rddreg [dreg:$0x2];
	[bflag:$0x3] =	sbarrier.arrive $0xFFFF;
	s2 =	simm.s32 @!p0 $0x1C05  }
0x114: {  	[timem:s3], [sflag:s2] =	dma.local @!p0 [hbm:s0], s1  }
0x115: {  	s0 =	simm.s32 @!p0 $0x5  }
0x116: {  	_ =	swait.ge @!p0 [sflag:s0], s1  }
0x117: {  	s1 =	ssub.s32 @!p0 $0x0, s1;
	[sflag:s0] =	ssyncset.done @!p0 $0x0  }
0x118: {  	[sflag:s0] =	ssyncadd.s32 @!p0 s1  }
0x119: {  	[bflag:$0x3] =	sbarrier.arrive $0xFFFF  }
0x11a: {  	_ =	shalt  }

// kernel: kernel.21.cloned.1.call-start
scs
__scs_entry_jumppad:
0x0: {  	(pc) =	sbr.rel $0x88, $3  }
0x1: {  	(tag) =	ssettag $0x0;
	lr =	simm.s32 $0x1  }
0x2: {  	[smem:$0x3F7F] =	sst lr;
	_ =	strace $0xD0000000  }
0x3: {  	_ = 	snop  }
0x4: {  	_ = 	snop  }
0x5: {  	_ = 	snop  }
0x6: {  	_ = 	snop  }
0x7: {  	_ = 	snop  }
__scs_overlays_trampoline_lowered:
0x8: {  	[smem:$0x3F8E] =	sst s0  }
0x9: {  	[smem:$0x3F8F] =	sst s1  }
0xa: {  	[smem:$0x3F90] =	sst s2  }
0xb: {  	[smem:$0x3F91] =	sst s3  }
0xc: {  	[smem:$0x3F92] =	sst s4  }
0xd: {  	[smem:$0x3F93] =	sst s5  }
0xe: {  	[smem:$0x3F94] =	sst s6  }
0xf: {  	[smem:$0x3F95] =	sst s7  }
0x10: {  	[smem:$0x3F96] =	sst s8  }
0x11: {  	[smem:$0x3F97] =	sst s9;
	s0 =	simm.s32 @!p0 $0x0  }
0x12: {  	s1 =	sld [smem:$0x3F7D];
	s0 =	simm.s32 @p0 $0x1  }
0x13: {  	[smem:$0x3F98] =	sst s0;
	s0 =	simm.s32 @!p1 $0x0  }
0x14: {  	s2 =	sld [smem:$0x3F7C];
	s0 =	simm.s32 @p1 $0x1  }
0x15: {  	[smem:$0x3F99] =	sst s0;
	s0 =	simm.s32 @!p2 $0x0  }
0x16: {  	s3 =	sld [smem:$0x3FDB];
	s0 =	simm.s32 @p2 $0x1  }
0x17: {  	s4 =	simm.s32 $0x1BF5;
	[smem:$0x3F9B] =	sst s0  }
0x18: {  	s0 =	sld [smem:$0x3F7E];
	_ =	swait.ge [sflag:s4], $0x0  }
0x19: {  	s7 =	sld [smem:$0x3F7F]  }
0x1a: {  	s8 =	sadd.s32 $0xFFFFE003, lr  }
0x1b: {  	s9 =	sadd.s32 $0xFFFFFEF7, lr;
	s5 =	simm.s32 $0xFFFFFFFF;
	p2 =	slt.u32 s8, $0xFFFFF086  }
0x1c: {  	p1 =	slt.u32 s9, $0xF7A;
	s5 =	simm.s32 @!p2 $0x0  }
0x1d: {  	s5 =	simm.s32 @p1 $0x1;
	p0 =	seq.s32 s7, s2  }
0x1e: {  	s7 =	smul.u32 @!p0 $0xF7A, s2;
	p2 =	seq.s32 @!p0 s5, $0x0  }
0x1f: {  	s9 =	smul.u32 $0xF7A, s1;
	s8 =	simm.s32 @!p0 $0x1BF5;
	p2 =	por !p2, p0  }
0x20: {  	[sflag:s8] =	ssyncset.s32 @!p0 $0xFFFFF086;
	s6 =	sadd.s32 @!p0 s3, s7;
	s7 =	simm.s32 @!p0 $0x108  }
0x21: {  	s3 =	sadd.s32 s3, s9;
	s6 =	sadd.s32 @!p0 $0x88, s6;
	s7 =	simm.s32 @p2 $0x1082  }
0x22: {  	[simem:s7], [sflag:s8] =	dma.local @!p0 [hbm:s6], $0xF7A  }
0x23: {  	s9 =	sor.u32 $0xD0000000, s2;
	s6 =	simm.s32 $0x108;
	_ =	swait.ge @!p0 [sflag:s8], $0x0  }
0x24: {  	s3 =	sadd.s32 $0x88, s3;
	s6 =	simm.s32 @!p1 $0x1082;
	[sflag:s4] =	ssyncset.s32 $0xFFFFF086  }
0x25: {  	[simem:s6], [sflag:s4] =	dma.local [hbm:s3], $0xF7A  }
0x26: {  	[smem:$0x3F7F] =	sst s1;
	(tag) =	ssettag s2;
	_ =	strace s9  }
0x27: {  	s1 =	sld [smem:$0x3F8F]  }
0x28: {  	s2 =	sld [smem:$0x3F90]  }
0x29: {  	s4 =	sld [smem:$0x3F92]  }
0x2a: {  	p0 =	seq.s32 s5, $0x0;
	s5 =	sld [smem:$0x3F93]  }
0x2b: {  	s6 =	sld [smem:$0x3F94]  }
0x2c: {  	s7 =	sld [smem:$0x3F95]  }
0x2d: {  	s3 =	simm.s32 $0x108;
	s8 =	sld [smem:$0x3F96]  }
0x2e: {  	s3 =	simm.s32 @!p0 $0x1082;
	s9 =	sld [smem:$0x3F97]  }
0x2f: {  	lr =	sadd.s32 s0, s3;
	s0 =	sld [smem:$0x3F8E]  }
0x30: {  	s3 =	sld [smem:$0x3F91]  }
0x31: {  	[smem:$0x3F9A] =	sst s10  }
0x32: {  	s10 =	sld [smem:$0x3F98];
	_ =	sdelay $0x3  }
0x33: {  	p0 =	seq.s32 s10, $0x1;
	s10 =	sld [smem:$0x3F9A];
	_ =	sdelay $0x3  }
0x34: {  	[smem:$0x3F9A] =	sst s10  }
0x35: {  	s10 =	sld [smem:$0x3F99];
	_ =	sdelay $0x3  }
0x36: {  	p1 =	seq.s32 s10, $0x1;
	s10 =	sld [smem:$0x3F9A];
	_ =	sdelay $0x3  }
0x37: {  	[smem:$0x3F9A] =	sst s10  }
0x38: {  	s10 =	sld [smem:$0x3F9B]  }
0x39: {  	_ = 	snop;
	(pc) =	sbr.ind lr, $3  }
0x3a: {  	_ = 	snop  }
0x3b: {  	_ = 	snop  }
0x3c: {  	p2 =	seq.s32 s10, $0x1;
	s10 =	sld [smem:$0x3F9A]  }
0x3d: {  	_ =	shalt  }
0x3e: {  	_ =	shalt  }
0x3f: {  	_ =	shalt  }
0x40: {  	_ =	shalt  }
0x41: {  	_ =	shalt  }
0x42: {  	_ =	shalt  }
0x43: {  	_ =	shalt  }
0x44: {  	_ =	shalt  }
0x45: {  	_ =	shalt  }
0x46: {  	_ =	shalt  }
0x47: {  	_ =	shalt  }
0x48: {  	_ =	shalt  }
0x49: {  	_ =	shalt  }
0x4a: {  	_ =	shalt  }
0x4b: {  	_ =	shalt  }
0x4c: {  	_ =	shalt  }
0x4d: {  	_ =	shalt  }
0x4e: {  	_ =	shalt  }
0x4f: {  	_ =	shalt  }
0x50: {  	_ =	shalt  }
0x51: {  	_ =	shalt  }
0x52: {  	_ =	shalt  }
0x53: {  	_ =	shalt  }
0x54: {  	_ =	shalt  }
0x55: {  	_ =	shalt  }
0x56: {  	_ =	shalt  }
0x57: {  	_ =	shalt  }
0x58: {  	_ =	shalt  }
0x59: {  	_ =	shalt  }
0x5a: {  	_ =	shalt  }
0x5b: {  	_ =	shalt  }
0x5c: {  	_ =	shalt  }
0x5d: {  	_ =	shalt  }
0x5e: {  	_ =	shalt  }
0x5f: {  	_ =	shalt  }
0x60: {  	_ =	shalt  }
0x61: {  	_ =	shalt  }
0x62: {  	_ =	shalt  }
0x63: {  	_ =	shalt  }
0x64: {  	_ =	shalt  }
0x65: {  	_ =	shalt  }
0x66: {  	_ =	shalt  }
0x67: {  	_ =	shalt  }
0x68: {  	_ =	shalt  }
0x69: {  	_ =	shalt  }
0x6a: {  	_ =	shalt  }
0x6b: {  	_ =	shalt  }
0x6c: {  	_ =	shalt  }
0x6d: {  	_ =	shalt  }
0x6e: {  	_ =	shalt  }
0x6f: {  	_ =	shalt  }
0x70: {  	_ =	shalt  }
0x71: {  	_ =	shalt  }
0x72: {  	_ =	shalt  }
0x73: {  	_ =	shalt  }
0x74: {  	_ =	shalt  }
0x75: {  	_ =	shalt  }
0x76: {  	_ =	shalt  }
0x77: {  	_ =	shalt  }
0x78: {  	_ =	shalt  }
0x79: {  	_ =	shalt  }
0x7a: {  	_ =	shalt  }
0x7b: {  	_ =	shalt  }
0x7c: {  	_ =	shalt  }
0x7d: {  	_ =	shalt  }
0x7e: {  	_ =	shalt  }
0x7f: {  	_ =	shalt  }
0x80: {  	_ =	shalt  }
0x81: {  	_ =	shalt  }
0x82: {  	_ =	shalt  }
0x83: {  	_ =	shalt  }
0x84: {  	_ =	shalt  }
0x85: {  	_ =	shalt  }
0x86: {  	_ =	shalt  }
0x87: {  	_ =	shalt  }
.Lfunc_end0:
.L_simem_size_0:
called_computation.3_lowered:
.L_overlay_start_0:
0x88: {  	s2 =	sld [smem:$0x3FD9]  }
0x89: {  	s3 =	sld [smem:$0x3FFE];
	_ =	sdelay $0x1  }
0x8a: {  	s1 =	srdreg.scid  }
0x8b: {  	s0 =	sand.u32 $0x1, s1  }
0x8c: {  	s16 =	sshll.u32 s0, $0xA;
	s2 =	sadd.s32 s3, s2  }
0x8d: {  	s2 =	sadd.s32 s2, s16  }
0x8e: {  	[smem:$0x3FA6] =	sst s2  }
0x8f: {  	_ = 	snop  }
0x90: {  	(tm) =	ssettm $0x1  }
0x91: {  	s17 =	sld [smem:$0x3FFB];
	_ =	sdelay $0x3  }
0x92: {  	_ =	strace s17  }
0x93: {  	s2 =	sld [smem:$0x3FFC];
	_ =	sdelay $0x3  }
0x94: {  	_ =	strace s2  }
0x95: {  	s2 =	sld [smem:$0x3FFD];
	_ =	sdelay $0x3  }
0x96: {  	_ =	strace s2  }
0x97: {  	_ =	strace $0x8FFFFFFF  }
0x98: {  	s18 =	sld [smem:$0x3FDB];
	_ =	sdelay $0x1  }
0x99: {  	s19 =	simm.s32 $_scs_section_size  }
0x9a: {  	s4 =	simm.s32 $_size__tile_overlayer_lowered;
	s5 =	simm.s32 $_tile_overlayer_lowered  }
0x9b: {  	s22 =	simm.s32 $0x1BFF;
	s21 =	sshll.u32 s5, $0x1;
	s2 =	sadd.s32 s19, s18  }
0x9c: {  	s6 =	simm.s32 $0x0;
	s20 =	sshll.u32 s4, $0x1;
	s4 =	sadd.s32 s21, s2  }
0x9d: {  	[timem:s6], [sflag:s22] =	dma.local [hbm:s4], s20  }
0x9e: {  	_ =	swait.ge [sflag:s22], s20  }
0x9f: {  	s3 =	ssub.s32 $0x0, s20;
	[sflag:s22] =	ssyncset.done $0x0  }
0xa0: {  	[sflag:s22] =	ssyncadd.s32 s3;
	_ =	sdelay $0x1  }
0xa1: {  	s23 =	simm.s32 $0x1B8B  }
0xa2: {  	_ =	swait.ge [sflag:s23], $0x1  }
0xa3: {  	[sflag:s23] =	ssyncset.done $0x0  }
0xa4: {  	s25 =	simm.s32 $0x1B8E;
	s24 =	sld [smem:$0x3FFE];
	[sflag:s23] =	ssyncadd.s32 $0xFFFFFFFF  }
0xa5: {  	s26 =	simm.s32 $execute0_lowered;
	[smem:$0x3FD2] =	sst s25  }
0xa6: {  	s4 =	sshll.u32 s26, $0x1;
	_ =	strace $0x8000004F;
	[dreg:$0x1] =	wrdreg $0xFFFFFFFF  }
0xa7: {  	s28 =	simm.s32 $_size_execute0_lowered;
	s2 =	sadd.s32 s2, s4;
	[dreg:$0x0] =	wrdreg $0x0  }
0xa8: {  	s4 =	sshll.u32 s28, $0x1;
	[dreg:$0x2] =	wrdreg s2  }
0xa9: {  	[dreg:$0x3] =	wrdreg s4  }
0xaa: {  	[dreg:$0x4] =	wrdreg $0xC0  }
0xab: {  	_ =	task [dreg:s6], $0x5FFFF  }
0xac: {  	[dreg:$0x1] =	wrdreg $0xFFFFFFFF  }
0xad: {  	[dreg:$0x0] =	wrdreg $0x60  }
0xae: {  	[dreg:$0x2] =	wrdreg s24  }
0xaf: {  	[dreg:$0x3] =	wrdreg $0x150000  }
0xb0: {  	[dreg:$0x4] =	wrdreg $0x9  }
0xb1: {  	_ =	task.clear_ibuf [dreg:s6], $0x5FFFF;
	_ =	strace $0x9000004F  }
0xb2: {  	s29 =	simm.s32 $0x9;
	_ =	strace $0x80000051  }
0xb3: {  	_ =	swait.ge [sflag:s29], $0x1  }
0xb4: {  	[sflag:s29] =	ssyncadd.s32 $0xFFFFFFFF  }
0xb5: {  	_ =	strace $0x90000051  }
0xb6: {  	_ =	sfence  }
0xb7: {  	s30 =	sld [smem:$0x0];
	_ =	sdelay $0x2  }
0xb8: {  	s31 =	sshll.u32 s1, $0xD;
	s1 =	sshrl.u32 s1, $0x2  }
0xb9: {  	s3 =	sand.u32 $0x4000, s31;
	s1 =	sadd.s32 s1, s30  }
0xba: {  	s0 =	sor.u32 s3, s0;
	s1 =	sshll.u32 s1, $0x11  }
0xbb: {  	s0 =	sor.u32 s1, s0  }
0xbc: {  	s0 =	sadd.s32 $0x8F2B, s0  }
0xbd: {  	[sflag:s0] =	ssyncadd.remote.s32 $0x1  }
0xbe: {  	_ =	sfence.sel $0xFFFF  }
0xbf: {  	[dreg:$0x0] =	wrdreg $0xFFFFFFFF;
	(pc) =	sbr.abs _section_cstart, $3  }
0xc0: {  	[dreg:$0x1] =	wrdreg $0xFFFFFFFF  }
0xc1: {  	_ =	task.clear_ibuf [dreg:s6], $0x2FFFF;
	_ =	strace $0x9FFFFFFF  }
0xc2: {  	(tm) =	ssettm $0x7FFFFFFF  }
0xc3: {  	_ =	shalt  }
tec
execute0_lowered:
.L_overlay_start_1:
0x0: {  	(tag) =	ssettag $0x1  }
0x1: {  	s0 =	srdreg.scid;
	s5 =	rddreg [dreg:$0x0]  }
0x2: {  	s12 =	stileid.u32;
	s2 =	rddreg [dreg:$0x1];
	s3 =	simm.s32 $0x0  }
0x3: {  	s14 =	simm.s32 $0x80;
	s15 =	simm.s32 $0x5000;
	s17 =	simm.s32 $0xD000  }
0x4: {  	s18 =	simm.s32 $0x7000;
	s20 =	simm.s32 $0xF000;
	s22 =	simm.s32 $0x9000  }
0x5: {  	s24 =	simm.s32 $0x11000;
	s29 =	simm.s32 $0x13000;
	s30 =	simm.s32 $0x1  }
0x6: {  	s31 =	simm.s32 $0x2;
	s25 =	simm.s32 $0x4E80;
	s28 =	simm.s32 $0x4F00  }
0x7: {  	s13 =	simm.s32 $0x4F80;
	s16 =	simm.s32 $0x0;
	s0 =	sand.u32 $0x1, s0  }
0x8: {  	s1 =	sshll.u32 s12, $0x1;
	s6 =	smul.u32 $0xA000, s12;
	[smem:$0x7FF] =	sst s3  }
0x9: {  	s4 =	sadd.s32 $0x1BA00, s5;
	s26 =	sshll.u32 s12, $0x6;
	s12 =	simm.s32 $0x5  }
0xa: {  	s1 =	sor.u32 s0, s1;
	s7 =	smul.u32 $0xA0000, s0;
	_ =	strace $0x80000050  }
0xb: {  	s0 =	ssub.s32 $0x2, s0;
	s1 =	smul.u32 $0x500, s1;
	s8 =	sshrl.u32 s6, $0x3  }
0xc: {  	s9 =	sshrl.u32 s0, $0x1;
	s11 =	sadd.s32 s6, s2;
	s7 =	sadd.s32 s6, s7  }
0xd: {  	s8 =	sadd.s32 s8, s5;
	s0 =	ssub.s32 s0, s9;
	s6 =	sor.u32 $0x1C05, s26  }
0xe: {  	s11 =	sshrl.u32 s11, $0x3;
	s26 =	simm.s32 $0xB000;
	s7 =	sshrl.u32 s7, $0x3  }
0xf: {  	s1 =	sadd.s32 s1, s5;
	s10 =	sadd.s32 s7, s5;
	s5 =	sadd.s32 $0x2FA00, s8  }
0x10: {  	s7 =	sadd.s32 $0x7A00, s1;
	s8 =	sadd.s32 $0x11A00, s1;
	s1 =	simm.s32 $0x3  }
0x11: {  	s9 =	sadd.s32 $0x43A00, s10;
	s10 =	smax.u32 s0, $0x1;
	s0 =	simm.s32 $0x4  }
.LBB2_1:
0x12: {  	[spmem:s11], [sflag:s6] =	dma.local [hbm:s5], $0x1400  }
0x13: {  	_ =	swait.ge [sflag:s12], $0x1400  }
0x14: {  	[sflag:s12] =	ssyncset.done $0x0  }
0x15: {  	[sflag:s12] =	ssyncadd.s32 $0xFFFFEC00  }
0x16: {  	[tilespmem:s3], [sflag:$0x5] =	stream.linear.gather [hbm4b:s7+s3], $0x2800, $0x38;
	[tilespmem:$0x1F000] =	vst v63  }
0x17: {  	_ =	swait.ge [sflag:s12], $0x2800  }
0x18: {  	[sflag:s12] =	ssyncset.done $0x0  }
0x19: {  	s19 =	simm.s32 $0x2800;
	[sflag:s12] =	ssyncadd.s32 $0xFFFFD800  }
0x1a: {  	[tilespmem:s19], [sflag:$0x5] =	stream.linear.gather [hbm4b:s8+s3], $0x2800, $0x38;
	[tilespmem:$0x1F000] =	vst v63  }
0x1b: {  	_ =	swait.ge [sflag:s12], $0x2800  }
0x1c: {  	[sflag:s12] =	ssyncset.done $0x0  }
0x1d: {  	[sflag:s12] =	ssyncadd.s32 $0xFFFFD800  }
0x1e: {  	[bflag:$0x0] =	sbarrier.arrive $0xFFFF  }
0x1f: {  	[tilespmem:s15], [sflag:$0x1] =	stream.indirect.gather [hbm4b:s4+s14], $0x40, s3, s14, $0xb8;
	[tilespmem:$0x1F000] =	vst v63  }
0x20: {  	s23 =	simm.s32 $0x200  }
0x21: {  	[tilespmem:s17], [sflag:$0x2] =	stream.indirect.gather [hbm4b:s4+s14], $0x40, s23, s14, $0xb8;
	[tilespmem:$0x1F000] =	vst v63  }
0x22: {  	_ = 	snop  }
0x23: {  	[tilespmem:s18], [sflag:$0x1] =	stream.indirect.gather [hbm4b:s4+s14], $0x40, s14, s14, $0xb8;
	[tilespmem:$0x1F000] =	vst v63  }
0x24: {  	s21 =	simm.s32 $0x280  }
0x25: {  	[tilespmem:s20], [sflag:$0x2] =	stream.indirect.gather [hbm4b:s4+s14], $0x40, s21, s14, $0xb8;
	[tilespmem:$0x1F000] =	vst v63  }
0x26: {  	s23 =	simm.s32 $0x100  }
0x27: {  	[tilespmem:s22], [sflag:$0x1] =	stream.indirect.gather [hbm4b:s4+s14], $0x40, s23, s14, $0xb8;
	[tilespmem:$0x1F000] =	vst v63  }
0x28: {  	s21 =	simm.s32 $0x300  }
0x29: {  	[tilespmem:s24], [sflag:$0x2] =	stream.indirect.gather [hbm4b:s4+s14], $0x40, s21, s14, $0xb8;
	[tilespmem:$0x1F000] =	vst v63  }
0x2a: {  	s23 =	simm.s32 $0x180  }
0x2b: {  	[tilespmem:s26], [sflag:$0x1] =	stream.indirect.gather [hbm4b:s4+s14], $0x40, s23, s14, $0xb8;
	[tilespmem:$0x1F000] =	vst v63  }
0x2c: {  	s21 =	simm.s32 $0x380  }
0x2d: {  	[tilespmem:s29], [sflag:$0x2] =	stream.indirect.gather [hbm4b:s4+s14], $0x40, s21, s14, $0xb8;
	[tilespmem:$0x1F000] =	vst v63  }
0x2e: {  	_ =	swait.ge [sflag:s30], $0x2000  }
0x2f: {  	[sflag:s30] =	ssyncset.done $0x0  }
0x30: {  	[sflag:s30] =	ssyncadd.s32 $0xFFFFE000  }
0x31: {  	_ =	swait.ge [sflag:s30], $0x2000  }
0x32: {  	[sflag:s30] =	ssyncset.done $0x0  }
0x33: {  	[sflag:s30] =	ssyncadd.s32 $0xFFFFE000  }
0x34: {  	_ =	swait.ge [sflag:s30], $0x2000  }
0x35: {  	[sflag:s30] =	ssyncset.done $0x0  }
0x36: {  	[sflag:s30] =	ssyncadd.s32 $0xFFFFE000  }
0x37: {  	_ =	swait.ge [sflag:s30], $0x2000  }
0x38: {  	[sflag:s30] =	ssyncset.done $0x0  }
0x39: {  	s23 =	simm.s32 $0x2800;
	[sflag:s30] =	ssyncadd.s32 $0xFFFFE000  }
0x3a: {  	[spmem:s2] =	stream.indirect.scatter.add.f32 [tilespmem:s15], [sflag:$0x3], $0x40, s23, s14, $0xb8;
	[tilespmem:$0x1F000] =	vst v63  }
0x3b: {  	s21 =	simm.s32 $0x2880  }
0x3c: {  	[spmem:s2] =	stream.indirect.scatter.add.f32 [tilespmem:s18], [sflag:$0x3], $0x40, s21, s14, $0xb8;
	[tilespmem:$0x1F000] =	vst v63  }
0x3d: {  	s23 =	simm.s32 $0x2900  }
0x3e: {  	[spmem:s2] =	stream.indirect.scatter.add.f32 [tilespmem:s22], [sflag:$0x3], $0x40, s23, s14, $0xb8;
	[tilespmem:$0x1F000] =	vst v63  }
0x3f: {  	s21 =	simm.s32 $0x2980  }
0x40: {  	[spmem:s2] =	stream.indirect.scatter.add.f32 [tilespmem:s26], [sflag:$0x3], $0x40, s21, s14, $0xb8;
	[tilespmem:$0x1F000] =	vst v63  }
0x41: {  	_ =	swait.ge [sflag:s31], $0x2000  }
0x42: {  	[sflag:s31] =	ssyncset.done $0x0  }
0x43: {  	[sflag:s31] =	ssyncadd.s32 $0xFFFFE000  }
0x44: {  	_ =	swait.ge [sflag:s31], $0x2000  }
0x45: {  	[sflag:s31] =	ssyncset.done $0x0  }
0x46: {  	[sflag:s31] =	ssyncadd.s32 $0xFFFFE000  }
0x47: {  	_ =	swait.ge [sflag:s31], $0x2000  }
0x48: {  	[sflag:s31] =	ssyncset.done $0x0  }
0x49: {  	[sflag:s31] =	ssyncadd.s32 $0xFFFFE000  }
0x4a: {  	_ =	swait.ge [sflag:s31], $0x2000  }
0x4b: {  	[sflag:s31] =	ssyncset.done $0x0  }
0x4c: {  	s23 =	simm.s32 $0x2A00;
	[sflag:s31] =	ssyncadd.s32 $0xFFFFE000  }
0x4d: {  	[spmem:s2] =	stream.indirect.scatter.add.f32 [tilespmem:s17], [sflag:$0x4], $0x40, s23, s14, $0xb8;
	[tilespmem:$0x1F000] =	vst v63  }
0x4e: {  	s21 =	simm.s32 $0x2A80  }
0x4f: {  	[spmem:s2] =	stream.indirect.scatter.add.f32 [tilespmem:s20], [sflag:$0x4], $0x40, s21, s14, $0xb8;
	[tilespmem:$0x1F000] =	vst v63  }
0x50: {  	s23 =	simm.s32 $0x2B00  }
0x51: {  	[spmem:s2] =	stream.indirect.scatter.add.f32 [tilespmem:s24], [sflag:$0x4], $0x40, s23, s14, $0xb8;
	[tilespmem:$0x1F000] =	vst v63  }
0x52: {  	s21 =	simm.s32 $0x2B80  }
0x53: {  	[spmem:s2] =	stream.indirect.scatter.add.f32 [tilespmem:s29], [sflag:$0x4], $0x40, s21, s14, $0xb8;
	[tilespmem:$0x1F000] =	vst v63  }
0x54: {  	_ =	swait.ge [sflag:s1], $0x2000  }
0x55: {  	[sflag:s1] =	ssyncset.done $0x0  }
0x56: {  	[sflag:s1] =	ssyncadd.s32 $0xFFFFE000  }
0x57: {  	_ =	swait.ge [sflag:s1], $0x2000  }
0x58: {  	[sflag:s1] =	ssyncset.done $0x0  }
0x59: {  	[sflag:s1] =	ssyncadd.s32 $0xFFFFE000  }
0x5a: {  	_ =	swait.ge [sflag:s1], $0x2000  }
0x5b: {  	[sflag:s1] =	ssyncset.done $0x0  }
0x5c: {  	[sflag:s1] =	ssyncadd.s32 $0xFFFFE000  }
0x5d: {  	_ =	swait.ge [sflag:s1], $0x2000  }
0x5e: {  	[sflag:s1] =	ssyncset.done $0x0  }
0x5f: {  	s23 =	simm.s32 $0x400;
	[sflag:s1] =	ssyncadd.s32 $0xFFFFE000  }
0x60: {  	[tilespmem:s15], [sflag:$0x1] =	stream.indirect.gather [hbm4b:s4+s14], $0x40, s23, s14, $0xb8;
	[tilespmem:$0x1F000] =	vst v63  }
0x61: {  	s21 =	simm.s32 $0x480  }
0x62: {  	[tilespmem:s18], [sflag:$0x1] =	stream.indirect.gather [hbm4b:s4+s14], $0x40, s21, s14, $0xb8;
	[tilespmem:$0x1F000] =	vst v63  }
0x63: {  	s23 =	simm.s32 $0x500  }
0x64: {  	[tilespmem:s22], [sflag:$0x1] =	stream.indirect.gather [hbm4b:s4+s14], $0x40, s23, s14, $0xb8;
	[tilespmem:$0x1F000] =	vst v63  }
0x65: {  	s21 =	simm.s32 $0x580  }
0x66: {  	[tilespmem:s26], [sflag:$0x1] =	stream.indirect.gather [hbm4b:s4+s14], $0x40, s21, s14, $0xb8;
	[tilespmem:$0x1F000] =	vst v63  }
0x67: {  	_ =	swait.ge [sflag:s0], $0x2000  }
0x68: {  	[sflag:s0] =	ssyncset.done $0x0  }
0x69: {  	[sflag:s0] =	ssyncadd.s32 $0xFFFFE000  }
0x6a: {  	_ =	swait.ge [sflag:s0], $0x2000  }
0x6b: {  	[sflag:s0] =	ssyncset.done $0x0  }
0x6c: {  	[sflag:s0] =	ssyncadd.s32 $0xFFFFE000  }
0x6d: {  	_ =	swait.ge [sflag:s0], $0x2000  }
0x6e: {  	[sflag:s0] =	ssyncset.done $0x0  }
0x6f: {  	[sflag:s0] =	ssyncadd.s32 $0xFFFFE000  }
0x70: {  	_ =	swait.ge [sflag:s0], $0x2000  }
0x71: {  	[sflag:s0] =	ssyncset.done $0x0  }
0x72: {  	s23 =	simm.s32 $0x600;
	[sflag:s0] =	ssyncadd.s32 $0xFFFFE000  }
0x73: {  	[tilespmem:s17], [sflag:$0x2] =	stream.indirect.gather [hbm4b:s4+s14], $0x40, s23, s14, $0xb8;
	[tilespmem:$0x1F000] =	vst v63  }
0x74: {  	s21 =	simm.s32 $0x680  }
0x75: {  	[tilespmem:s20], [sflag:$0x2] =	stream.indirect.gather [hbm4b:s4+s14], $0x40, s21, s14, $0xb8;
	[tilespmem:$0x1F000] =	vst v63  }
0x76: {  	s19 =	simm.s32 $0x1000;
	s23 =	simm.s32 $0x700;
	s21 =	simm.s32 $0x780  }
0x77: {  	[tilespmem:s24], [sflag:$0x2] =	stream.indirect.gather [hbm4b:s4+s14], $0x40, s23, s14, $0xb8;
	[tilespmem:$0x1F000] =	vst v63  }
.LBB2_2:
0x78: {  	[tilespmem:s29], [sflag:$0x2] =	stream.indirect.gather [hbm4b:s4+s14], $0x40, s21, s14, $0xb8;
	[tilespmem:$0x1F000] =	vst v63  }
0x79: {  	s21 =	smov.u32 s19  }
0x7a: {  	p0 =	sne.s32 s19, $0x8000;
	s19 =	sadd.s32 $0x1000, s19;
	_ =	swait.ge [sflag:s30], $0x2000  }
0x7b: {  	[sflag:s30] =	ssyncset.done $0x0  }
0x7c: {  	[sflag:s30] =	ssyncadd.s32 $0xFFFFE000  }
0x7d: {  	_ =	swait.ge [sflag:s30], $0x2000  }
0x7e: {  	[sflag:s30] =	ssyncset.done $0x0  }
0x7f: {  	[sflag:s30] =	ssyncadd.s32 $0xFFFFE000  }
0x80: {  	_ =	swait.ge [sflag:s30], $0x2000  }
0x81: {  	[sflag:s30] =	ssyncset.done $0x0  }
0x82: {  	[sflag:s30] =	ssyncadd.s32 $0xFFFFE000  }
0x83: {  	_ =	swait.ge [sflag:s30], $0x2000  }
0x84: {  	s21 =	sshra.s32 s21, $0x2;
	[sflag:s30] =	ssyncset.done $0x0  }
0x85: {  	s23 =	sadd.s32 $0x2800, s21;
	[sflag:s30] =	ssyncadd.s32 $0xFFFFE000  }
0x86: {  	[spmem:s2] =	stream.indirect.scatter.add.f32 [tilespmem:s15], [sflag:$0x3], $0x40, s23, s14, $0xb8;
	[tilespmem:$0x1F000] =	vst v63  }
0x87: {  	s23 =	sadd.s32 $0x2880, s21  }
0x88: {  	[spmem:s2] =	stream.indirect.scatter.add.f32 [tilespmem:s18], [sflag:$0x3], $0x40, s23, s14, $0xb8;
	[tilespmem:$0x1F000] =	vst v63  }
0x89: {  	s23 =	sadd.s32 $0x2900, s21  }
0x8a: {  	[spmem:s2] =	stream.indirect.scatter.add.f32 [tilespmem:s22], [sflag:$0x3], $0x40, s23, s14, $0xb8;
	[tilespmem:$0x1F000] =	vst v63  }
0x8b: {  	s23 =	sadd.s32 $0x2980, s21  }
0x8c: {  	[spmem:s2] =	stream.indirect.scatter.add.f32 [tilespmem:s26], [sflag:$0x3], $0x40, s23, s14, $0xb8;
	[tilespmem:$0x1F000] =	vst v63  }
0x8d: {  	_ =	swait.ge [sflag:s31], $0x2000  }
0x8e: {  	[sflag:s31] =	ssyncset.done $0x0  }
0x8f: {  	[sflag:s31] =	ssyncadd.s32 $0xFFFFE000  }
0x90: {  	_ =	swait.ge [sflag:s31], $0x2000  }
0x91: {  	[sflag:s31] =	ssyncset.done $0x0  }
0x92: {  	[sflag:s31] =	ssyncadd.s32 $0xFFFFE000  }
0x93: {  	_ =	swait.ge [sflag:s31], $0x2000  }
0x94: {  	[sflag:s31] =	ssyncset.done $0x0  }
0x95: {  	[sflag:s31] =	ssyncadd.s32 $0xFFFFE000  }
0x96: {  	_ =	swait.ge [sflag:s31], $0x2000  }
0x97: {  	[sflag:s31] =	ssyncset.done $0x0  }
0x98: {  	s23 =	sadd.s32 $0x2A00, s21;
	[sflag:s31] =	ssyncadd.s32 $0xFFFFE000  }
0x99: {  	[spmem:s2] =	stream.indirect.scatter.add.f32 [tilespmem:s17], [sflag:$0x4], $0x40, s23, s14, $0xb8;
	[tilespmem:$0x1F000] =	vst v63  }
0x9a: {  	s23 =	sadd.s32 $0x2A80, s21  }
0x9b: {  	[spmem:s2] =	stream.indirect.scatter.add.f32 [tilespmem:s20], [sflag:$0x4], $0x40, s23, s14, $0xb8;
	[tilespmem:$0x1F000] =	vst v63  }
0x9c: {  	s23 =	sadd.s32 $0x2B00, s21  }
0x9d: {  	[spmem:s2] =	stream.indirect.scatter.add.f32 [tilespmem:s24], [sflag:$0x4], $0x40, s23, s14, $0xb8;
	[tilespmem:$0x1F000] =	vst v63  }
0x9e: {  	s23 =	sadd.s32 $0x2B80, s21  }
0x9f: {  	[spmem:s2] =	stream.indirect.scatter.add.f32 [tilespmem:s29], [sflag:$0x4], $0x40, s23, s14, $0xb8;
	[tilespmem:$0x1F000] =	vst v63  }
0xa0: {  	_ =	swait.ge [sflag:s1], $0x2000  }
0xa1: {  	[sflag:s1] =	ssyncset.done $0x0  }
0xa2: {  	[sflag:s1] =	ssyncadd.s32 $0xFFFFE000  }
0xa3: {  	_ =	swait.ge [sflag:s1], $0x2000  }
0xa4: {  	[sflag:s1] =	ssyncset.done $0x0  }
0xa5: {  	[sflag:s1] =	ssyncadd.s32 $0xFFFFE000  }
0xa6: {  	_ =	swait.ge [sflag:s1], $0x2000  }
0xa7: {  	[sflag:s1] =	ssyncset.done $0x0  }
0xa8: {  	[sflag:s1] =	ssyncadd.s32 $0xFFFFE000  }
0xa9: {  	_ =	swait.ge [sflag:s1], $0x2000  }
0xaa: {  	[sflag:s1] =	ssyncset.done $0x0  }
0xab: {  	s23 =	sadd.s32 $0x400, s21;
	[sflag:s1] =	ssyncadd.s32 $0xFFFFE000  }
0xac: {  	[tilespmem:s15], [sflag:$0x1] =	stream.indirect.gather [hbm4b:s4+s14], $0x40, s23, s14, $0xb8;
	[tilespmem:$0x1F000] =	vst v63  }
0xad: {  	s23 =	sadd.s32 $0x480, s21  }
0xae: {  	[tilespmem:s18], [sflag:$0x1] =	stream.indirect.gather [hbm4b:s4+s14], $0x40, s23, s14, $0xb8;
	[tilespmem:$0x1F000] =	vst v63  }
0xaf: {  	s23 =	sadd.s32 $0x500, s21  }
0xb0: {  	[tilespmem:s22], [sflag:$0x1] =	stream.indirect.gather [hbm4b:s4+s14], $0x40, s23, s14, $0xb8;
	[tilespmem:$0x1F000] =	vst v63  }
0xb1: {  	s23 =	sadd.s32 $0x580, s21  }
0xb2: {  	[tilespmem:s26], [sflag:$0x1] =	stream.indirect.gather [hbm4b:s4+s14], $0x40, s23, s14, $0xb8;
	[tilespmem:$0x1F000] =	vst v63  }
0xb3: {  	_ =	swait.ge [sflag:s0], $0x2000  }
0xb4: {  	[sflag:s0] =	ssyncset.done $0x0  }
0xb5: {  	[sflag:s0] =	ssyncadd.s32 $0xFFFFE000  }
0xb6: {  	_ =	swait.ge [sflag:s0], $0x2000  }
0xb7: {  	[sflag:s0] =	ssyncset.done $0x0  }
0xb8: {  	[sflag:s0] =	ssyncadd.s32 $0xFFFFE000  }
0xb9: {  	_ =	swait.ge [sflag:s0], $0x2000  }
0xba: {  	[sflag:s0] =	ssyncset.done $0x0  }
0xbb: {  	[sflag:s0] =	ssyncadd.s32 $0xFFFFE000  }
0xbc: {  	_ =	swait.ge [sflag:s0], $0x2000  }
0xbd: {  	[sflag:s0] =	ssyncset.done $0x0  }
0xbe: {  	s23 =	sadd.s32 $0x600, s21;
	[sflag:s0] =	ssyncadd.s32 $0xFFFFE000  }
0xbf: {  	[tilespmem:s17], [sflag:$0x2] =	stream.indirect.gather [hbm4b:s4+s14], $0x40, s23, s14, $0xb8;
	[tilespmem:$0x1F000] =	vst v63  }
.Ltmp0:
0xc0: {  	s23 =	sadd.s32 $0x680, s21;
	(pc) =	sbr.rel @p0 .LBB2_2-.Ltmp0, $4  }
0xc1: {  	[tilespmem:s20], [sflag:$0x2] =	stream.indirect.gather [hbm4b:s4+s14], $0x40, s23, s14, $0xb8;
	[tilespmem:$0x1F000] =	vst v63  }
0xc2: {  	s23 =	sadd.s32 $0x700, s21  }
0xc3: {  	[tilespmem:s24], [sflag:$0x2] =	stream.indirect.gather [hbm4b:s4+s14], $0x40, s23, s14, $0xb8;
	[tilespmem:$0x1F000] =	vst v63  }
0xc4: {  	s21 =	sadd.s32 $0x780, s21  }
0xc5: {  	[tilespmem:s29], [sflag:$0x2] =	stream.indirect.gather [hbm4b:s4+s14], $0x40, s21, s14, $0xb8;
	[tilespmem:$0x1F000] =	vst v63  }
0xc6: {  	_ =	swait.ge [sflag:s30], $0x2000  }
0xc7: {  	[sflag:s30] =	ssyncset.done $0x0  }
0xc8: {  	[sflag:s30] =	ssyncadd.s32 $0xFFFFE000  }
0xc9: {  	_ =	swait.ge [sflag:s30], $0x2000  }
0xca: {  	[sflag:s30] =	ssyncset.done $0x0  }
0xcb: {  	[sflag:s30] =	ssyncadd.s32 $0xFFFFE000  }
0xcc: {  	_ =	swait.ge [sflag:s30], $0x2000  }
0xcd: {  	[sflag:s30] =	ssyncset.done $0x0  }
0xce: {  	[sflag:s30] =	ssyncadd.s32 $0xFFFFE000  }
0xcf: {  	_ =	swait.ge [sflag:s30], $0x2000  }
0xd0: {  	[sflag:s30] =	ssyncset.done $0x0  }
0xd1: {  	s19 =	simm.s32 $0x4C00;
	[sflag:s30] =	ssyncadd.s32 $0xFFFFE000  }
0xd2: {  	[spmem:s2] =	stream.indirect.scatter.add.f32 [tilespmem:s15], [sflag:$0x3], $0x40, s19, s14, $0xb8;
	[tilespmem:$0x1F000] =	vst v63  }
0xd3: {  	s21 =	simm.s32 $0x4C80  }
0xd4: {  	[spmem:s2] =	stream.indirect.scatter.add.f32 [tilespmem:s18], [sflag:$0x3], $0x40, s21, s14, $0xb8;
	[tilespmem:$0x1F000] =	vst v63  }
0xd5: {  	s23 =	simm.s32 $0x4D00  }
0xd6: {  	[spmem:s2] =	stream.indirect.scatter.add.f32 [tilespmem:s22], [sflag:$0x3], $0x40, s23, s14, $0xb8;
	[tilespmem:$0x1F000] =	vst v63  }
0xd7: {  	s21 =	simm.s32 $0x4D80  }
0xd8: {  	[spmem:s2] =	stream.indirect.scatter.add.f32 [tilespmem:s26], [sflag:$0x3], $0x40, s21, s14, $0xb8;
	[tilespmem:$0x1F000] =	vst v63  }
0xd9: {  	_ =	swait.ge [sflag:s31], $0x2000  }
0xda: {  	[sflag:s31] =	ssyncset.done $0x0  }
0xdb: {  	[sflag:s31] =	ssyncadd.s32 $0xFFFFE000  }
0xdc: {  	_ =	swait.ge [sflag:s31], $0x2000  }
0xdd: {  	[sflag:s31] =	ssyncset.done $0x0  }
0xde: {  	[sflag:s31] =	ssyncadd.s32 $0xFFFFE000  }
0xdf: {  	_ =	swait.ge [sflag:s31], $0x2000  }
0xe0: {  	[sflag:s31] =	ssyncset.done $0x0  }
0xe1: {  	[sflag:s31] =	ssyncadd.s32 $0xFFFFE000  }
0xe2: {  	_ =	swait.ge [sflag:s31], $0x2000  }
0xe3: {  	[sflag:s31] =	ssyncset.done $0x0  }
0xe4: {  	s23 =	simm.s32 $0x4E00;
	[sflag:s31] =	ssyncadd.s32 $0xFFFFE000  }
0xe5: {  	[spmem:s2] =	stream.indirect.scatter.add.f32 [tilespmem:s17], [sflag:$0x4], $0x40, s23, s14, $0xb8;
	[tilespmem:$0x1F000] =	vst v63  }
0xe6: {  	_ = 	snop  }
0xe7: {  	[spmem:s2] =	stream.indirect.scatter.add.f32 [tilespmem:s20], [sflag:$0x4], $0x40, s25, s14, $0xb8;
	[tilespmem:$0x1F000] =	vst v63  }
0xe8: {  	_ = 	snop  }
0xe9: {  	[spmem:s2] =	stream.indirect.scatter.add.f32 [tilespmem:s24], [sflag:$0x4], $0x40, s28, s14, $0xb8;
	[tilespmem:$0x1F000] =	vst v63  }
0xea: {  	_ = 	snop  }
0xeb: {  	[spmem:s2] =	stream.indirect.scatter.add.f32 [tilespmem:s29], [sflag:$0x4], $0x40, s13, s14, $0xb8;
	[tilespmem:$0x1F000] =	vst v63  }
0xec: {  	_ =	swait.ge [sflag:s1], $0x2000  }
0xed: {  	[sflag:s1] =	ssyncset.done $0x0  }
0xee: {  	[sflag:s1] =	ssyncadd.s32 $0xFFFFE000  }
0xef: {  	_ =	swait.ge [sflag:s1], $0x2000  }
0xf0: {  	[sflag:s1] =	ssyncset.done $0x0  }
0xf1: {  	[sflag:s1] =	ssyncadd.s32 $0xFFFFE000  }
0xf2: {  	_ =	swait.ge [sflag:s1], $0x2000  }
0xf3: {  	[sflag:s1] =	ssyncset.done $0x0  }
0xf4: {  	[sflag:s1] =	ssyncadd.s32 $0xFFFFE000  }
0xf5: {  	_ =	swait.ge [sflag:s1], $0x2000  }
0xf6: {  	[sflag:s1] =	ssyncset.done $0x0  }
0xf7: {  	[sflag:s1] =	ssyncadd.s32 $0xFFFFE000  }
0xf8: {  	_ =	swait.ge [sflag:s0], $0x2000  }
0xf9: {  	[sflag:s0] =	ssyncset.done $0x0  }
0xfa: {  	[sflag:s0] =	ssyncadd.s32 $0xFFFFE000  }
0xfb: {  	_ =	swait.ge [sflag:s0], $0x2000  }
0xfc: {  	[sflag:s0] =	ssyncset.done $0x0  }
0xfd: {  	[sflag:s0] =	ssyncadd.s32 $0xFFFFE000  }
0xfe: {  	_ =	swait.ge [sflag:s0], $0x2000  }
0xff: {  	[sflag:s0] =	ssyncset.done $0x0  }
0x100: {  	[sflag:s0] =	ssyncadd.s32 $0xFFFFE000  }
0x101: {  	_ =	swait.ge [sflag:s0], $0x2000  }
0x102: {  	s16 =	sadd.s32 $0x1, s16;
	[sflag:s0] =	ssyncset.done $0x0  }
0x103: {  	p0 =	sne.s32 s16, s10;
	[sflag:s0] =	ssyncadd.s32 $0xFFFFE000  }
.Ltmp1:
0x104: {  	[bflag:$0x0] =	sbarrier.arrive $0xFFFF;
	(pc) =	sbr.rel @p0 .LBB2_1-.Ltmp1, $4  }
0x105: {  	[hbm:s9], [sflag:s6] =	dma.local [spmem:s11], $0x1400  }
0x106: {  	_ =	swait.ge [sflag:s12], $0x1400  }
0x107: {  	[sflag:s12] =	ssyncset.done $0x0  }
0x108: {  	[sflag:s12] =	ssyncadd.s32 $0xFFFFEC00  }
0x109: {  	_ =	sfence.sel $0x180000  }
0x10a: {  	[bflag:$0x0] =	sbarrier.arrive $0xFFFF  }
0x10b: {  	_ =	strace $0x90000050  }
0x10c: {  	s0 =	stileid.u32;
	[bflag:$0x2] =	sbarrier.arrive $0xFFFF  }
0x10d: {  	p0 =	sne.s32 s0, $0x0;
	s0 =	rddreg [dreg:$0x2]  }
0x10e: {  	s0 =	sadd.s32 @!p0 $0x100000, s0  }
0x10f: {  	[sflag:s0] =	ssyncadd.tile.s32 @!p0 $0x1;
	_ =	shalt  }
.Lfunc_end2:
_tile_overlayer_lowered:
.L_overlay_start_2:
0x110: {  	(tag) =	ssettag $0x2  }
0x111: {  	s0 =	rddreg [dreg:$0x0];
	s2 =	stileid.u32  }
0x112: {  	s1 =	rddreg [dreg:$0x1];
	p0 =	sne.s32 s2, $0x0  }
0x113: {  	s3 =	rddreg [dreg:$0x2];
	[bflag:$0x3] =	sbarrier.arrive $0xFFFF;
	s2 =	simm.s32 @!p0 $0x1C05  }
0x114: {  	[timem:s3], [sflag:s2] =	dma.local @!p0 [hbm:s0], s1  }
0x115: {  	s0 =	simm.s32 @!p0 $0x5  }
0x116: {  	_ =	swait.ge @!p0 [sflag:s0], s1  }
0x117: {  	s1 =	ssub.s32 @!p0 $0x0, s1;
	[sflag:s0] =	ssyncset.done @!p0 $0x0  }
0x118: {  	[sflag:s0] =	ssyncadd.s32 @!p0 s1  }
0x119: {  	[bflag:$0x3] =	sbarrier.arrive $0xFFFF  }
0x11a: {  	_ =	shalt  }

// kernel: kernel.24.cloned.1.call-start
scs
__scs_entry_jumppad:
0x0: {  	(pc) =	sbr.rel $0x88, $3  }
0x1: {  	(tag) =	ssettag $0x0;
	lr =	simm.s32 $0x1  }
0x2: {  	[smem:$0x3F7F] =	sst lr;
	_ =	strace $0xD0000000  }
0x3: {  	_ = 	snop  }
0x4: {  	_ = 	snop  }
0x5: {  	_ = 	snop  }
0x6: {  	_ = 	snop  }
0x7: {  	_ = 	snop  }
__scs_overlays_trampoline_lowered:
0x8: {  	[smem:$0x3F8E] =	sst s0  }
0x9: {  	[smem:$0x3F8F] =	sst s1  }
0xa: {  	[smem:$0x3F90] =	sst s2  }
0xb: {  	[smem:$0x3F91] =	sst s3  }
0xc: {  	[smem:$0x3F92] =	sst s4  }
0xd: {  	[smem:$0x3F93] =	sst s5  }
0xe: {  	[smem:$0x3F94] =	sst s6  }
0xf: {  	[smem:$0x3F95] =	sst s7  }
0x10: {  	[smem:$0x3F96] =	sst s8  }
0x11: {  	[smem:$0x3F97] =	sst s9;
	s0 =	simm.s32 @!p0 $0x0  }
0x12: {  	s1 =	sld [smem:$0x3F7D];
	s0 =	simm.s32 @p0 $0x1  }
0x13: {  	[smem:$0x3F98] =	sst s0;
	s0 =	simm.s32 @!p1 $0x0  }
0x14: {  	s2 =	sld [smem:$0x3F7C];
	s0 =	simm.s32 @p1 $0x1  }
0x15: {  	[smem:$0x3F99] =	sst s0;
	s0 =	simm.s32 @!p2 $0x0  }
0x16: {  	s3 =	sld [smem:$0x3FDB];
	s0 =	simm.s32 @p2 $0x1  }
0x17: {  	s4 =	simm.s32 $0x1BF5;
	[smem:$0x3F9B] =	sst s0  }
0x18: {  	s0 =	sld [smem:$0x3F7E];
	_ =	swait.ge [sflag:s4], $0x0  }
0x19: {  	s7 =	sld [smem:$0x3F7F]  }
0x1a: {  	s8 =	sadd.s32 $0xFFFFE003, lr  }
0x1b: {  	s9 =	sadd.s32 $0xFFFFFEF7, lr;
	s5 =	simm.s32 $0xFFFFFFFF;
	p2 =	slt.u32 s8, $0xFFFFF086  }
0x1c: {  	p1 =	slt.u32 s9, $0xF7A;
	s5 =	simm.s32 @!p2 $0x0  }
0x1d: {  	s5 =	simm.s32 @p1 $0x1;
	p0 =	seq.s32 s7, s2  }
0x1e: {  	s7 =	smul.u32 @!p0 $0xF7A, s2;
	p2 =	seq.s32 @!p0 s5, $0x0  }
0x1f: {  	s9 =	smul.u32 $0xF7A, s1;
	s8 =	simm.s32 @!p0 $0x1BF5;
	p2 =	por !p2, p0  }
0x20: {  	[sflag:s8] =	ssyncset.s32 @!p0 $0xFFFFF086;
	s6 =	sadd.s32 @!p0 s3, s7;
	s7 =	simm.s32 @!p0 $0x108  }
0x21: {  	s3 =	sadd.s32 s3, s9;
	s6 =	sadd.s32 @!p0 $0x88, s6;
	s7 =	simm.s32 @p2 $0x1082  }
0x22: {  	[simem:s7], [sflag:s8] =	dma.local @!p0 [hbm:s6], $0xF7A  }
0x23: {  	s9 =	sor.u32 $0xD0000000, s2;
	s6 =	simm.s32 $0x108;
	_ =	swait.ge @!p0 [sflag:s8], $0x0  }
0x24: {  	s3 =	sadd.s32 $0x88, s3;
	s6 =	simm.s32 @!p1 $0x1082;
	[sflag:s4] =	ssyncset.s32 $0xFFFFF086  }
0x25: {  	[simem:s6], [sflag:s4] =	dma.local [hbm:s3], $0xF7A  }
0x26: {  	[smem:$0x3F7F] =	sst s1;
	(tag) =	ssettag s2;
	_ =	strace s9  }
0x27: {  	s1 =	sld [smem:$0x3F8F]  }
0x28: {  	s2 =	sld [smem:$0x3F90]  }
0x29: {  	s4 =	sld [smem:$0x3F92]  }
0x2a: {  	p0 =	seq.s32 s5, $0x0;
	s5 =	sld [smem:$0x3F93]  }
0x2b: {  	s6 =	sld [smem:$0x3F94]  }
0x2c: {  	s7 =	sld [smem:$0x3F95]  }
0x2d: {  	s3 =	simm.s32 $0x108;
	s8 =	sld [smem:$0x3F96]  }
0x2e: {  	s3 =	simm.s32 @!p0 $0x1082;
	s9 =	sld [smem:$0x3F97]  }
0x2f: {  	lr =	sadd.s32 s0, s3;
	s0 =	sld [smem:$0x3F8E]  }
0x30: {  	s3 =	sld [smem:$0x3F91]  }
0x31: {  	[smem:$0x3F9A] =	sst s10  }
0x32: {  	s10 =	sld [smem:$0x3F98];
	_ =	sdelay $0x3  }
0x33: {  	p0 =	seq.s32 s10, $0x1;
	s10 =	sld [smem:$0x3F9A];
	_ =	sdelay $0x3  }
0x34: {  	[smem:$0x3F9A] =	sst s10  }
0x35: {  	s10 =	sld [smem:$0x3F99];
	_ =	sdelay $0x3  }
0x36: {  	p1 =	seq.s32 s10, $0x1;
	s10 =	sld [smem:$0x3F9A];
	_ =	sdelay $0x3  }
0x37: {  	[smem:$0x3F9A] =	sst s10  }
0x38: {  	s10 =	sld [smem:$0x3F9B]  }
0x39: {  	_ = 	snop;
	(pc) =	sbr.ind lr, $3  }
0x3a: {  	_ = 	snop  }
0x3b: {  	_ = 	snop  }
0x3c: {  	p2 =	seq.s32 s10, $0x1;
	s10 =	sld [smem:$0x3F9A]  }
0x3d: {  	_ =	shalt  }
0x3e: {  	_ =	shalt  }
0x3f: {  	_ =	shalt  }
0x40: {  	_ =	shalt  }
0x41: {  	_ =	shalt  }
0x42: {  	_ =	shalt  }
0x43: {  	_ =	shalt  }
0x44: {  	_ =	shalt  }
0x45: {  	_ =	shalt  }
0x46: {  	_ =	shalt  }
0x47: {  	_ =	shalt  }
0x48: {  	_ =	shalt  }
0x49: {  	_ =	shalt  }
0x4a: {  	_ =	shalt  }
0x4b: {  	_ =	shalt  }
0x4c: {  	_ =	shalt  }
0x4d: {  	_ =	shalt  }
0x4e: {  	_ =	shalt  }
0x4f: {  	_ =	shalt  }
0x50: {  	_ =	shalt  }
0x51: {  	_ =	shalt  }
0x52: {  	_ =	shalt  }
0x53: {  	_ =	shalt  }
0x54: {  	_ =	shalt  }
0x55: {  	_ =	shalt  }
0x56: {  	_ =	shalt  }
0x57: {  	_ =	shalt  }
0x58: {  	_ =	shalt  }
0x59: {  	_ =	shalt  }
0x5a: {  	_ =	shalt  }
0x5b: {  	_ =	shalt  }
0x5c: {  	_ =	shalt  }
0x5d: {  	_ =	shalt  }
0x5e: {  	_ =	shalt  }
0x5f: {  	_ =	shalt  }
0x60: {  	_ =	shalt  }
0x61: {  	_ =	shalt  }
0x62: {  	_ =	shalt  }
0x63: {  	_ =	shalt  }
0x64: {  	_ =	shalt  }
0x65: {  	_ =	shalt  }
0x66: {  	_ =	shalt  }
0x67: {  	_ =	shalt  }
0x68: {  	_ =	shalt  }
0x69: {  	_ =	shalt  }
0x6a: {  	_ =	shalt  }
0x6b: {  	_ =	shalt  }
0x6c: {  	_ =	shalt  }
0x6d: {  	_ =	shalt  }
0x6e: {  	_ =	shalt  }
0x6f: {  	_ =	shalt  }
0x70: {  	_ =	shalt  }
0x71: {  	_ =	shalt  }
0x72: {  	_ =	shalt  }
0x73: {  	_ =	shalt  }
0x74: {  	_ =	shalt  }
0x75: {  	_ =	shalt  }
0x76: {  	_ =	shalt  }
0x77: {  	_ =	shalt  }
0x78: {  	_ =	shalt  }
0x79: {  	_ =	shalt  }
0x7a: {  	_ =	shalt  }
0x7b: {  	_ =	shalt  }
0x7c: {  	_ =	shalt  }
0x7d: {  	_ =	shalt  }
0x7e: {  	_ =	shalt  }
0x7f: {  	_ =	shalt  }
0x80: {  	_ =	shalt  }
0x81: {  	_ =	shalt  }
0x82: {  	_ =	shalt  }
0x83: {  	_ =	shalt  }
0x84: {  	_ =	shalt  }
0x85: {  	_ =	shalt  }
0x86: {  	_ =	shalt  }
0x87: {  	_ =	shalt  }
.Lfunc_end0:
.L_simem_size_0:
called_computation.4_lowered:
.L_overlay_start_0:
0x88: {  	s2 =	sld [smem:$0x3FD9]  }
0x89: {  	s3 =	sld [smem:$0x3FFE];
	_ =	sdelay $0x1  }
0x8a: {  	s1 =	srdreg.scid  }
0x8b: {  	s0 =	sand.u32 $0x1, s1  }
0x8c: {  	s16 =	sshll.u32 s0, $0xA;
	s2 =	sadd.s32 s3, s2  }
0x8d: {  	s2 =	sadd.s32 s2, s16  }
0x8e: {  	[smem:$0x3FA6] =	sst s2  }
0x8f: {  	_ = 	snop  }
0x90: {  	(tm) =	ssettm $0x1  }
0x91: {  	s17 =	sld [smem:$0x3FFB];
	_ =	sdelay $0x3  }
0x92: {  	_ =	strace s17  }
0x93: {  	s2 =	sld [smem:$0x3FFC];
	_ =	sdelay $0x3  }
0x94: {  	_ =	strace s2  }
0x95: {  	s2 =	sld [smem:$0x3FFD];
	_ =	sdelay $0x3  }
0x96: {  	_ =	strace s2  }
0x97: {  	_ =	strace $0x8FFFFFFF  }
0x98: {  	s18 =	sld [smem:$0x3FDB];
	_ =	sdelay $0x1  }
0x99: {  	s19 =	simm.s32 $_scs_section_size  }
0x9a: {  	s4 =	simm.s32 $_size__tile_overlayer_lowered;
	s5 =	simm.s32 $_tile_overlayer_lowered  }
0x9b: {  	s22 =	simm.s32 $0x1BFF;
	s21 =	sshll.u32 s5, $0x1;
	s2 =	sadd.s32 s19, s18  }
0x9c: {  	s6 =	simm.s32 $0x0;
	s20 =	sshll.u32 s4, $0x1;
	s4 =	sadd.s32 s21, s2  }
0x9d: {  	[timem:s6], [sflag:s22] =	dma.local [hbm:s4], s20  }
0x9e: {  	_ =	swait.ge [sflag:s22], s20  }
0x9f: {  	s3 =	ssub.s32 $0x0, s20;
	[sflag:s22] =	ssyncset.done $0x0  }
0xa0: {  	[sflag:s22] =	ssyncadd.s32 s3;
	_ =	sdelay $0x1  }
0xa1: {  	s23 =	simm.s32 $0x1B8B  }
0xa2: {  	_ =	swait.ge [sflag:s23], $0x1  }
0xa3: {  	[sflag:s23] =	ssyncset.done $0x0  }
0xa4: {  	s25 =	simm.s32 $0x1B8E;
	s24 =	sld [smem:$0x3FFE];
	[sflag:s23] =	ssyncadd.s32 $0xFFFFFFFF  }
0xa5: {  	s26 =	simm.s32 $execute0_lowered;
	[smem:$0x3FD2] =	sst s25  }
0xa6: {  	s4 =	sshll.u32 s26, $0x1;
	_ =	strace $0x80000052;
	[dreg:$0x1] =	wrdreg $0xFFFFFFFF  }
0xa7: {  	s28 =	simm.s32 $_size_execute0_lowered;
	s2 =	sadd.s32 s2, s4;
	[dreg:$0x0] =	wrdreg $0x0  }
0xa8: {  	s4 =	sshll.u32 s28, $0x1;
	[dreg:$0x2] =	wrdreg s2  }
0xa9: {  	[dreg:$0x3] =	wrdreg s4  }
0xaa: {  	[dreg:$0x4] =	wrdreg $0xC0  }
0xab: {  	_ =	task [dreg:s6], $0x5FFFF  }
0xac: {  	[dreg:$0x1] =	wrdreg $0xFFFFFFFF  }
0xad: {  	[dreg:$0x0] =	wrdreg $0x60  }
0xae: {  	[dreg:$0x2] =	wrdreg s24  }
0xaf: {  	[dreg:$0x3] =	wrdreg $0x150000  }
0xb0: {  	[dreg:$0x4] =	wrdreg $0x9  }
0xb1: {  	_ =	task.clear_ibuf [dreg:s6], $0x5FFFF;
	_ =	strace $0x90000052  }
0xb2: {  	s29 =	simm.s32 $0x9;
	_ =	strace $0x80000054  }
0xb3: {  	_ =	swait.ge [sflag:s29], $0x1  }
0xb4: {  	[sflag:s29] =	ssyncadd.s32 $0xFFFFFFFF  }
0xb5: {  	_ =	strace $0x90000054  }
0xb6: {  	_ =	sfence  }
0xb7: {  	s30 =	sld [smem:$0x0];
	_ =	sdelay $0x2  }
0xb8: {  	s31 =	sshll.u32 s1, $0xD;
	s1 =	sshrl.u32 s1, $0x2  }
0xb9: {  	s3 =	sand.u32 $0x4000, s31;
	s1 =	sadd.s32 s1, s30  }
0xba: {  	s0 =	sor.u32 s3, s0;
	s1 =	sshll.u32 s1, $0x11  }
0xbb: {  	s0 =	sor.u32 s1, s0  }
0xbc: {  	s0 =	sadd.s32 $0x8F2B, s0  }
0xbd: {  	[sflag:s0] =	ssyncadd.remote.s32 $0x1  }
0xbe: {  	_ =	sfence.sel $0xFFFF  }
0xbf: {  	[dreg:$0x0] =	wrdreg $0xFFFFFFFF;
	(pc) =	sbr.abs _section_cstart, $3  }
0xc0: {  	[dreg:$0x1] =	wrdreg $0xFFFFFFFF  }
0xc1: {  	_ =	task.clear_ibuf [dreg:s6], $0x2FFFF;
	_ =	strace $0x9FFFFFFF  }
0xc2: {  	(tm) =	ssettm $0x7FFFFFFF  }
0xc3: {  	_ =	shalt  }
tec
execute0_lowered:
.L_overlay_start_1:
0x0: {  	(tag) =	ssettag $0x1  }
0x1: {  	s0 =	srdreg.scid;
	s5 =	rddreg [dreg:$0x0]  }
0x2: {  	s12 =	stileid.u32;
	s2 =	rddreg [dreg:$0x1];
	s3 =	simm.s32 $0x0  }
0x3: {  	s14 =	simm.s32 $0x80;
	s15 =	simm.s32 $0x5000;
	s17 =	simm.s32 $0xD000  }
0x4: {  	s18 =	simm.s32 $0x7000;
	s20 =	simm.s32 $0xF000;
	s22 =	simm.s32 $0x9000  }
0x5: {  	s24 =	simm.s32 $0x11000;
	s29 =	simm.s32 $0x13000;
	s30 =	simm.s32 $0x1  }
0x6: {  	s31 =	simm.s32 $0x2;
	s25 =	simm.s32 $0x4E80;
	s28 =	simm.s32 $0x4F00  }
0x7: {  	s13 =	simm.s32 $0x4F80;
	s16 =	simm.s32 $0x0;
	s0 =	sand.u32 $0x1, s0  }
0x8: {  	s1 =	sshll.u32 s12, $0x1;
	s6 =	smul.u32 $0xA000, s12;
	[smem:$0x7FF] =	sst s3  }
0x9: {  	s4 =	sadd.s32 $0x1BA00, s5;
	s26 =	sshll.u32 s12, $0x6;
	s12 =	simm.s32 $0x5  }
0xa: {  	s1 =	sor.u32 s0, s1;
	s7 =	smul.u32 $0xA0000, s0;
	_ =	strace $0x80000053  }
0xb: {  	s0 =	ssub.s32 $0x2, s0;
	s1 =	smul.u32 $0x500, s1;
	s8 =	sshrl.u32 s6, $0x3  }
0xc: {  	s9 =	sshrl.u32 s0, $0x1;
	s11 =	sadd.s32 s6, s2;
	s7 =	sadd.s32 s6, s7  }
0xd: {  	s8 =	sadd.s32 s8, s5;
	s0 =	ssub.s32 s0, s9;
	s6 =	sor.u32 $0x1C05, s26  }
0xe: {  	s11 =	sshrl.u32 s11, $0x3;
	s26 =	simm.s32 $0xB000;
	s7 =	sshrl.u32 s7, $0x3  }
0xf: {  	s1 =	sadd.s32 s1, s5;
	s10 =	sadd.s32 s7, s5;
	s5 =	sadd.s32 $0x2FA00, s8  }
0x10: {  	s7 =	sadd.s32 $0x7A00, s1;
	s8 =	sadd.s32 $0x11A00, s1;
	s1 =	simm.s32 $0x3  }
0x11: {  	s9 =	sadd.s32 $0x43A00, s10;
	s10 =	smax.u32 s0, $0x1;
	s0 =	simm.s32 $0x4  }
.LBB2_1:
0x12: {  	[spmem:s11], [sflag:s6] =	dma.local [hbm:s5], $0x1400  }
0x13: {  	_ =	swait.ge [sflag:s12], $0x1400  }
0x14: {  	[sflag:s12] =	ssyncset.done $0x0  }
0x15: {  	[sflag:s12] =	ssyncadd.s32 $0xFFFFEC00  }
0x16: {  	[tilespmem:s3], [sflag:$0x5] =	stream.linear.gather [hbm4b:s7+s3], $0x2800, $0x38;
	[tilespmem:$0x1F000] =	vst v63  }
0x17: {  	_ =	swait.ge [sflag:s12], $0x2800  }
0x18: {  	[sflag:s12] =	ssyncset.done $0x0  }
0x19: {  	s19 =	simm.s32 $0x2800;
	[sflag:s12] =	ssyncadd.s32 $0xFFFFD800  }
0x1a: {  	[tilespmem:s19], [sflag:$0x5] =	stream.linear.gather [hbm4b:s8+s3], $0x2800, $0x38;
	[tilespmem:$0x1F000] =	vst v63  }
0x1b: {  	_ =	swait.ge [sflag:s12], $0x2800  }
0x1c: {  	[sflag:s12] =	ssyncset.done $0x0  }
0x1d: {  	[sflag:s12] =	ssyncadd.s32 $0xFFFFD800  }
0x1e: {  	[bflag:$0x0] =	sbarrier.arrive $0xFFFF  }
0x1f: {  	[tilespmem:s15], [sflag:$0x1] =	stream.indirect.gather [hbm4b:s4+s14], $0x40, s3, s14, $0xb8;
	[tilespmem:$0x1F000] =	vst v63  }
0x20: {  	s23 =	simm.s32 $0x200  }
0x21: {  	[tilespmem:s17], [sflag:$0x2] =	stream.indirect.gather [hbm4b:s4+s14], $0x40, s23, s14, $0xb8;
	[tilespmem:$0x1F000] =	vst v63  }
0x22: {  	_ = 	snop  }
0x23: {  	[tilespmem:s18], [sflag:$0x1] =	stream.indirect.gather [hbm4b:s4+s14], $0x40, s14, s14, $0xb8;
	[tilespmem:$0x1F000] =	vst v63  }
0x24: {  	s21 =	simm.s32 $0x280  }
0x25: {  	[tilespmem:s20], [sflag:$0x2] =	stream.indirect.gather [hbm4b:s4+s14], $0x40, s21, s14, $0xb8;
	[tilespmem:$0x1F000] =	vst v63  }
0x26: {  	s23 =	simm.s32 $0x100  }
0x27: {  	[tilespmem:s22], [sflag:$0x1] =	stream.indirect.gather [hbm4b:s4+s14], $0x40, s23, s14, $0xb8;
	[tilespmem:$0x1F000] =	vst v63  }
0x28: {  	s21 =	simm.s32 $0x300  }
0x29: {  	[tilespmem:s24], [sflag:$0x2] =	stream.indirect.gather [hbm4b:s4+s14], $0x40, s21, s14, $0xb8;
	[tilespmem:$0x1F000] =	vst v63  }
0x2a: {  	s23 =	simm.s32 $0x180  }
0x2b: {  	[tilespmem:s26], [sflag:$0x1] =	stream.indirect.gather [hbm4b:s4+s14], $0x40, s23, s14, $0xb8;
	[tilespmem:$0x1F000] =	vst v63  }
0x2c: {  	s21 =	simm.s32 $0x380  }
0x2d: {  	[tilespmem:s29], [sflag:$0x2] =	stream.indirect.gather [hbm4b:s4+s14], $0x40, s21, s14, $0xb8;
	[tilespmem:$0x1F000] =	vst v63  }
0x2e: {  	_ =	swait.ge [sflag:s30], $0x2000  }
0x2f: {  	[sflag:s30] =	ssyncset.done $0x0  }
0x30: {  	[sflag:s30] =	ssyncadd.s32 $0xFFFFE000  }
0x31: {  	_ =	swait.ge [sflag:s30], $0x2000  }
0x32: {  	[sflag:s30] =	ssyncset.done $0x0  }
0x33: {  	[sflag:s30] =	ssyncadd.s32 $0xFFFFE000  }
0x34: {  	_ =	swait.ge [sflag:s30], $0x2000  }
0x35: {  	[sflag:s30] =	ssyncset.done $0x0  }
0x36: {  	[sflag:s30] =	ssyncadd.s32 $0xFFFFE000  }
0x37: {  	_ =	swait.ge [sflag:s30], $0x2000  }
0x38: {  	[sflag:s30] =	ssyncset.done $0x0  }
0x39: {  	s23 =	simm.s32 $0x2800;
	[sflag:s30] =	ssyncadd.s32 $0xFFFFE000  }
0x3a: {  	[spmem:s2] =	stream.indirect.scatter.add.f32 [tilespmem:s15], [sflag:$0x3], $0x40, s23, s14, $0xb8;
	[tilespmem:$0x1F000] =	vst v63  }
0x3b: {  	s21 =	simm.s32 $0x2880  }
0x3c: {  	[spmem:s2] =	stream.indirect.scatter.add.f32 [tilespmem:s18], [sflag:$0x3], $0x40, s21, s14, $0xb8;
	[tilespmem:$0x1F000] =	vst v63  }
0x3d: {  	s23 =	simm.s32 $0x2900  }
0x3e: {  	[spmem:s2] =	stream.indirect.scatter.add.f32 [tilespmem:s22], [sflag:$0x3], $0x40, s23, s14, $0xb8;
	[tilespmem:$0x1F000] =	vst v63  }
0x3f: {  	s21 =	simm.s32 $0x2980  }
0x40: {  	[spmem:s2] =	stream.indirect.scatter.add.f32 [tilespmem:s26], [sflag:$0x3], $0x40, s21, s14, $0xb8;
	[tilespmem:$0x1F000] =	vst v63  }
0x41: {  	_ =	swait.ge [sflag:s31], $0x2000  }
0x42: {  	[sflag:s31] =	ssyncset.done $0x0  }
0x43: {  	[sflag:s31] =	ssyncadd.s32 $0xFFFFE000  }
0x44: {  	_ =	swait.ge [sflag:s31], $0x2000  }
0x45: {  	[sflag:s31] =	ssyncset.done $0x0  }
0x46: {  	[sflag:s31] =	ssyncadd.s32 $0xFFFFE000  }
0x47: {  	_ =	swait.ge [sflag:s31], $0x2000  }
0x48: {  	[sflag:s31] =	ssyncset.done $0x0  }
0x49: {  	[sflag:s31] =	ssyncadd.s32 $0xFFFFE000  }
0x4a: {  	_ =	swait.ge [sflag:s31], $0x2000  }
0x4b: {  	[sflag:s31] =	ssyncset.done $0x0  }
0x4c: {  	s23 =	simm.s32 $0x2A00;
	[sflag:s31] =	ssyncadd.s32 $0xFFFFE000  }
0x4d: {  	[spmem:s2] =	stream.indirect.scatter.add.f32 [tilespmem:s17], [sflag:$0x4], $0x40, s23, s14, $0xb8;
	[tilespmem:$0x1F000] =	vst v63  }
0x4e: {  	s21 =	simm.s32 $0x2A80  }
0x4f: {  	[spmem:s2] =	stream.indirect.scatter.add.f32 [tilespmem:s20], [sflag:$0x4], $0x40, s21, s14, $0xb8;
	[tilespmem:$0x1F000] =	vst v63  }
0x50: {  	s23 =	simm.s32 $0x2B00  }
0x51: {  	[spmem:s2] =	stream.indirect.scatter.add.f32 [tilespmem:s24], [sflag:$0x4], $0x40, s23, s14, $0xb8;
	[tilespmem:$0x1F000] =	vst v63  }
0x52: {  	s21 =	simm.s32 $0x2B80  }
0x53: {  	[spmem:s2] =	stream.indirect.scatter.add.f32 [tilespmem:s29], [sflag:$0x4], $0x40, s21, s14, $0xb8;
	[tilespmem:$0x1F000] =	vst v63  }
0x54: {  	_ =	swait.ge [sflag:s1], $0x2000  }
0x55: {  	[sflag:s1] =	ssyncset.done $0x0  }
0x56: {  	[sflag:s1] =	ssyncadd.s32 $0xFFFFE000  }
0x57: {  	_ =	swait.ge [sflag:s1], $0x2000  }
0x58: {  	[sflag:s1] =	ssyncset.done $0x0  }
0x59: {  	[sflag:s1] =	ssyncadd.s32 $0xFFFFE000  }
0x5a: {  	_ =	swait.ge [sflag:s1], $0x2000  }
0x5b: {  	[sflag:s1] =	ssyncset.done $0x0  }
0x5c: {  	[sflag:s1] =	ssyncadd.s32 $0xFFFFE000  }
0x5d: {  	_ =	swait.ge [sflag:s1], $0x2000  }
0x5e: {  	[sflag:s1] =	ssyncset.done $0x0  }
0x5f: {  	s23 =	simm.s32 $0x400;
	[sflag:s1] =	ssyncadd.s32 $0xFFFFE000  }
0x60: {  	[tilespmem:s15], [sflag:$0x1] =	stream.indirect.gather [hbm4b:s4+s14], $0x40, s23, s14, $0xb8;
	[tilespmem:$0x1F000] =	vst v63  }
0x61: {  	s21 =	simm.s32 $0x480  }
0x62: {  	[tilespmem:s18], [sflag:$0x1] =	stream.indirect.gather [hbm4b:s4+s14], $0x40, s21, s14, $0xb8;
	[tilespmem:$0x1F000] =	vst v63  }
0x63: {  	s23 =	simm.s32 $0x500  }
0x64: {  	[tilespmem:s22], [sflag:$0x1] =	stream.indirect.gather [hbm4b:s4+s14], $0x40, s23, s14, $0xb8;
	[tilespmem:$0x1F000] =	vst v63  }
0x65: {  	s21 =	simm.s32 $0x580  }
0x66: {  	[tilespmem:s26], [sflag:$0x1] =	stream.indirect.gather [hbm4b:s4+s14], $0x40, s21, s14, $0xb8;
	[tilespmem:$0x1F000] =	vst v63  }
0x67: {  	_ =	swait.ge [sflag:s0], $0x2000  }
0x68: {  	[sflag:s0] =	ssyncset.done $0x0  }
0x69: {  	[sflag:s0] =	ssyncadd.s32 $0xFFFFE000  }
0x6a: {  	_ =	swait.ge [sflag:s0], $0x2000  }
0x6b: {  	[sflag:s0] =	ssyncset.done $0x0  }
0x6c: {  	[sflag:s0] =	ssyncadd.s32 $0xFFFFE000  }
0x6d: {  	_ =	swait.ge [sflag:s0], $0x2000  }
0x6e: {  	[sflag:s0] =	ssyncset.done $0x0  }
0x6f: {  	[sflag:s0] =	ssyncadd.s32 $0xFFFFE000  }
0x70: {  	_ =	swait.ge [sflag:s0], $0x2000  }
0x71: {  	[sflag:s0] =	ssyncset.done $0x0  }
0x72: {  	s23 =	simm.s32 $0x600;
	[sflag:s0] =	ssyncadd.s32 $0xFFFFE000  }
0x73: {  	[tilespmem:s17], [sflag:$0x2] =	stream.indirect.gather [hbm4b:s4+s14], $0x40, s23, s14, $0xb8;
	[tilespmem:$0x1F000] =	vst v63  }
0x74: {  	s21 =	simm.s32 $0x680  }
0x75: {  	[tilespmem:s20], [sflag:$0x2] =	stream.indirect.gather [hbm4b:s4+s14], $0x40, s21, s14, $0xb8;
	[tilespmem:$0x1F000] =	vst v63  }
0x76: {  	s19 =	simm.s32 $0x1000;
	s23 =	simm.s32 $0x700;
	s21 =	simm.s32 $0x780  }
0x77: {  	[tilespmem:s24], [sflag:$0x2] =	stream.indirect.gather [hbm4b:s4+s14], $0x40, s23, s14, $0xb8;
	[tilespmem:$0x1F000] =	vst v63  }
.LBB2_2:
0x78: {  	[tilespmem:s29], [sflag:$0x2] =	stream.indirect.gather [hbm4b:s4+s14], $0x40, s21, s14, $0xb8;
	[tilespmem:$0x1F000] =	vst v63  }
0x79: {  	s21 =	smov.u32 s19  }
0x7a: {  	p0 =	sne.s32 s19, $0x8000;
	s19 =	sadd.s32 $0x1000, s19;
	_ =	swait.ge [sflag:s30], $0x2000  }
0x7b: {  	[sflag:s30] =	ssyncset.done $0x0  }
0x7c: {  	[sflag:s30] =	ssyncadd.s32 $0xFFFFE000  }
0x7d: {  	_ =	swait.ge [sflag:s30], $0x2000  }
0x7e: {  	[sflag:s30] =	ssyncset.done $0x0  }
0x7f: {  	[sflag:s30] =	ssyncadd.s32 $0xFFFFE000  }
0x80: {  	_ =	swait.ge [sflag:s30], $0x2000  }
0x81: {  	[sflag:s30] =	ssyncset.done $0x0  }
0x82: {  	[sflag:s30] =	ssyncadd.s32 $0xFFFFE000  }
0x83: {  	_ =	swait.ge [sflag:s30], $0x2000  }
0x84: {  	s21 =	sshra.s32 s21, $0x2;
	[sflag:s30] =	ssyncset.done $0x0  }
0x85: {  	s23 =	sadd.s32 $0x2800, s21;
	[sflag:s30] =	ssyncadd.s32 $0xFFFFE000  }
0x86: {  	[spmem:s2] =	stream.indirect.scatter.add.f32 [tilespmem:s15], [sflag:$0x3], $0x40, s23, s14, $0xb8;
	[tilespmem:$0x1F000] =	vst v63  }
0x87: {  	s23 =	sadd.s32 $0x2880, s21  }
0x88: {  	[spmem:s2] =	stream.indirect.scatter.add.f32 [tilespmem:s18], [sflag:$0x3], $0x40, s23, s14, $0xb8;
	[tilespmem:$0x1F000] =	vst v63  }
0x89: {  	s23 =	sadd.s32 $0x2900, s21  }
0x8a: {  	[spmem:s2] =	stream.indirect.scatter.add.f32 [tilespmem:s22], [sflag:$0x3], $0x40, s23, s14, $0xb8;
	[tilespmem:$0x1F000] =	vst v63  }
0x8b: {  	s23 =	sadd.s32 $0x2980, s21  }
0x8c: {  	[spmem:s2] =	stream.indirect.scatter.add.f32 [tilespmem:s26], [sflag:$0x3], $0x40, s23, s14, $0xb8;
	[tilespmem:$0x1F000] =	vst v63  }
0x8d: {  	_ =	swait.ge [sflag:s31], $0x2000  }
0x8e: {  	[sflag:s31] =	ssyncset.done $0x0  }
0x8f: {  	[sflag:s31] =	ssyncadd.s32 $0xFFFFE000  }
0x90: {  	_ =	swait.ge [sflag:s31], $0x2000  }
0x91: {  	[sflag:s31] =	ssyncset.done $0x0  }
0x92: {  	[sflag:s31] =	ssyncadd.s32 $0xFFFFE000  }
0x93: {  	_ =	swait.ge [sflag:s31], $0x2000  }
0x94: {  	[sflag:s31] =	ssyncset.done $0x0  }
0x95: {  	[sflag:s31] =	ssyncadd.s32 $0xFFFFE000  }
0x96: {  	_ =	swait.ge [sflag:s31], $0x2000  }
0x97: {  	[sflag:s31] =	ssyncset.done $0x0  }
0x98: {  	s23 =	sadd.s32 $0x2A00, s21;
	[sflag:s31] =	ssyncadd.s32 $0xFFFFE000  }
0x99: {  	[spmem:s2] =	stream.indirect.scatter.add.f32 [tilespmem:s17], [sflag:$0x4], $0x40, s23, s14, $0xb8;
	[tilespmem:$0x1F000] =	vst v63  }
0x9a: {  	s23 =	sadd.s32 $0x2A80, s21  }
0x9b: {  	[spmem:s2] =	stream.indirect.scatter.add.f32 [tilespmem:s20], [sflag:$0x4], $0x40, s23, s14, $0xb8;
	[tilespmem:$0x1F000] =	vst v63  }
0x9c: {  	s23 =	sadd.s32 $0x2B00, s21  }
0x9d: {  	[spmem:s2] =	stream.indirect.scatter.add.f32 [tilespmem:s24], [sflag:$0x4], $0x40, s23, s14, $0xb8;
	[tilespmem:$0x1F000] =	vst v63  }
0x9e: {  	s23 =	sadd.s32 $0x2B80, s21  }
0x9f: {  	[spmem:s2] =	stream.indirect.scatter.add.f32 [tilespmem:s29], [sflag:$0x4], $0x40, s23, s14, $0xb8;
	[tilespmem:$0x1F000] =	vst v63  }
0xa0: {  	_ =	swait.ge [sflag:s1], $0x2000  }
0xa1: {  	[sflag:s1] =	ssyncset.done $0x0  }
0xa2: {  	[sflag:s1] =	ssyncadd.s32 $0xFFFFE000  }
0xa3: {  	_ =	swait.ge [sflag:s1], $0x2000  }
0xa4: {  	[sflag:s1] =	ssyncset.done $0x0  }
0xa5: {  	[sflag:s1] =	ssyncadd.s32 $0xFFFFE000  }
0xa6: {  	_ =	swait.ge [sflag:s1], $0x2000  }
0xa7: {  	[sflag:s1] =	ssyncset.done $0x0  }
0xa8: {  	[sflag:s1] =	ssyncadd.s32 $0xFFFFE000  }
0xa9: {  	_ =	swait.ge [sflag:s1], $0x2000  }
0xaa: {  	[sflag:s1] =	ssyncset.done $0x0  }
0xab: {  	s23 =	sadd.s32 $0x400, s21;
	[sflag:s1] =	ssyncadd.s32 $0xFFFFE000  }
0xac: {  	[tilespmem:s15], [sflag:$0x1] =	stream.indirect.gather [hbm4b:s4+s14], $0x40, s23, s14, $0xb8;
	[tilespmem:$0x1F000] =	vst v63  }
0xad: {  	s23 =	sadd.s32 $0x480, s21  }
0xae: {  	[tilespmem:s18], [sflag:$0x1] =	stream.indirect.gather [hbm4b:s4+s14], $0x40, s23, s14, $0xb8;
	[tilespmem:$0x1F000] =	vst v63  }
0xaf: {  	s23 =	sadd.s32 $0x500, s21  }
0xb0: {  	[tilespmem:s22], [sflag:$0x1] =	stream.indirect.gather [hbm4b:s4+s14], $0x40, s23, s14, $0xb8;
	[tilespmem:$0x1F000] =	vst v63  }
0xb1: {  	s23 =	sadd.s32 $0x580, s21  }
0xb2: {  	[tilespmem:s26], [sflag:$0x1] =	stream.indirect.gather [hbm4b:s4+s14], $0x40, s23, s14, $0xb8;
	[tilespmem:$0x1F000] =	vst v63  }
0xb3: {  	_ =	swait.ge [sflag:s0], $0x2000  }
0xb4: {  	[sflag:s0] =	ssyncset.done $0x0  }
0xb5: {  	[sflag:s0] =	ssyncadd.s32 $0xFFFFE000  }
0xb6: {  	_ =	swait.ge [sflag:s0], $0x2000  }
0xb7: {  	[sflag:s0] =	ssyncset.done $0x0  }
0xb8: {  	[sflag:s0] =	ssyncadd.s32 $0xFFFFE000  }
0xb9: {  	_ =	swait.ge [sflag:s0], $0x2000  }
0xba: {  	[sflag:s0] =	ssyncset.done $0x0  }
0xbb: {  	[sflag:s0] =	ssyncadd.s32 $0xFFFFE000  }
0xbc: {  	_ =	swait.ge [sflag:s0], $0x2000  }
0xbd: {  	[sflag:s0] =	ssyncset.done $0x0  }
0xbe: {  	s23 =	sadd.s32 $0x600, s21;
	[sflag:s0] =	ssyncadd.s32 $0xFFFFE000  }
0xbf: {  	[tilespmem:s17], [sflag:$0x2] =	stream.indirect.gather [hbm4b:s4+s14], $0x40, s23, s14, $0xb8;
	[tilespmem:$0x1F000] =	vst v63  }
.Ltmp0:
0xc0: {  	s23 =	sadd.s32 $0x680, s21;
	(pc) =	sbr.rel @p0 .LBB2_2-.Ltmp0, $4  }
0xc1: {  	[tilespmem:s20], [sflag:$0x2] =	stream.indirect.gather [hbm4b:s4+s14], $0x40, s23, s14, $0xb8;
	[tilespmem:$0x1F000] =	vst v63  }
0xc2: {  	s23 =	sadd.s32 $0x700, s21  }
0xc3: {  	[tilespmem:s24], [sflag:$0x2] =	stream.indirect.gather [hbm4b:s4+s14], $0x40, s23, s14, $0xb8;
	[tilespmem:$0x1F000] =	vst v63  }
0xc4: {  	s21 =	sadd.s32 $0x780, s21  }
0xc5: {  	[tilespmem:s29], [sflag:$0x2] =	stream.indirect.gather [hbm4b:s4+s14], $0x40, s21, s14, $0xb8;
	[tilespmem:$0x1F000] =	vst v63  }
0xc6: {  	_ =	swait.ge [sflag:s30], $0x2000  }
0xc7: {  	[sflag:s30] =	ssyncset.done $0x0  }
0xc8: {  	[sflag:s30] =	ssyncadd.s32 $0xFFFFE000  }
0xc9: {  	_ =	swait.ge [sflag:s30], $0x2000  }
0xca: {  	[sflag:s30] =	ssyncset.done $0x0  }
0xcb: {  	[sflag:s30] =	ssyncadd.s32 $0xFFFFE000  }
0xcc: {  	_ =	swait.ge [sflag:s30], $0x2000  }
0xcd: {  	[sflag:s30] =	ssyncset.done $0x0  }
0xce: {  	[sflag:s30] =	ssyncadd.s32 $0xFFFFE000  }
0xcf: {  	_ =	swait.ge [sflag:s30], $0x2000  }
0xd0: {  	[sflag:s30] =	ssyncset.done $0x0  }
0xd1: {  	s19 =	simm.s32 $0x4C00;
	[sflag:s30] =	ssyncadd.s32 $0xFFFFE000  }
0xd2: {  	[spmem:s2] =	stream.indirect.scatter.add.f32 [tilespmem:s15], [sflag:$0x3], $0x40, s19, s14, $0xb8;
	[tilespmem:$0x1F000] =	vst v63  }
0xd3: {  	s21 =	simm.s32 $0x4C80  }
0xd4: {  	[spmem:s2] =	stream.indirect.scatter.add.f32 [tilespmem:s18], [sflag:$0x3], $0x40, s21, s14, $0xb8;
	[tilespmem:$0x1F000] =	vst v63  }
0xd5: {  	s23 =	simm.s32 $0x4D00  }
0xd6: {  	[spmem:s2] =	stream.indirect.scatter.add.f32 [tilespmem:s22], [sflag:$0x3], $0x40, s23, s14, $0xb8;
	[tilespmem:$0x1F000] =	vst v63  }
0xd7: {  	s21 =	simm.s32 $0x4D80  }
0xd8: {  	[spmem:s2] =	stream.indirect.scatter.add.f32 [tilespmem:s26], [sflag:$0x3], $0x40, s21, s14, $0xb8;
	[tilespmem:$0x1F000] =	vst v63  }
0xd9: {  	_ =	swait.ge [sflag:s31], $0x2000  }
0xda: {  	[sflag:s31] =	ssyncset.done $0x0  }
0xdb: {  	[sflag:s31] =	ssyncadd.s32 $0xFFFFE000  }
0xdc: {  	_ =	swait.ge [sflag:s31], $0x2000  }
0xdd: {  	[sflag:s31] =	ssyncset.done $0x0  }
0xde: {  	[sflag:s31] =	ssyncadd.s32 $0xFFFFE000  }
0xdf: {  	_ =	swait.ge [sflag:s31], $0x2000  }
0xe0: {  	[sflag:s31] =	ssyncset.done $0x0  }
0xe1: {  	[sflag:s31] =	ssyncadd.s32 $0xFFFFE000  }
0xe2: {  	_ =	swait.ge [sflag:s31], $0x2000  }
0xe3: {  	[sflag:s31] =	ssyncset.done $0x0  }
0xe4: {  	s23 =	simm.s32 $0x4E00;
	[sflag:s31] =	ssyncadd.s32 $0xFFFFE000  }
0xe5: {  	[spmem:s2] =	stream.indirect.scatter.add.f32 [tilespmem:s17], [sflag:$0x4], $0x40, s23, s14, $0xb8;
	[tilespmem:$0x1F000] =	vst v63  }
0xe6: {  	_ = 	snop  }
0xe7: {  	[spmem:s2] =	stream.indirect.scatter.add.f32 [tilespmem:s20], [sflag:$0x4], $0x40, s25, s14, $0xb8;
	[tilespmem:$0x1F000] =	vst v63  }
0xe8: {  	_ = 	snop  }
0xe9: {  	[spmem:s2] =	stream.indirect.scatter.add.f32 [tilespmem:s24], [sflag:$0x4], $0x40, s28, s14, $0xb8;
	[tilespmem:$0x1F000] =	vst v63  }
0xea: {  	_ = 	snop  }
0xeb: {  	[spmem:s2] =	stream.indirect.scatter.add.f32 [tilespmem:s29], [sflag:$0x4], $0x40, s13, s14, $0xb8;
	[tilespmem:$0x1F000] =	vst v63  }
0xec: {  	_ =	swait.ge [sflag:s1], $0x2000  }
0xed: {  	[sflag:s1] =	ssyncset.done $0x0  }
0xee: {  	[sflag:s1] =	ssyncadd.s32 $0xFFFFE000  }
0xef: {  	_ =	swait.ge [sflag:s1], $0x2000  }
0xf0: {  	[sflag:s1] =	ssyncset.done $0x0  }
0xf1: {  	[sflag:s1] =	ssyncadd.s32 $0xFFFFE000  }
0xf2: {  	_ =	swait.ge [sflag:s1], $0x2000  }
0xf3: {  	[sflag:s1] =	ssyncset.done $0x0  }
0xf4: {  	[sflag:s1] =	ssyncadd.s32 $0xFFFFE000  }
0xf5: {  	_ =	swait.ge [sflag:s1], $0x2000  }
0xf6: {  	[sflag:s1] =	ssyncset.done $0x0  }
0xf7: {  	[sflag:s1] =	ssyncadd.s32 $0xFFFFE000  }
0xf8: {  	_ =	swait.ge [sflag:s0], $0x2000  }
0xf9: {  	[sflag:s0] =	ssyncset.done $0x0  }
0xfa: {  	[sflag:s0] =	ssyncadd.s32 $0xFFFFE000  }
0xfb: {  	_ =	swait.ge [sflag:s0], $0x2000  }
0xfc: {  	[sflag:s0] =	ssyncset.done $0x0  }
0xfd: {  	[sflag:s0] =	ssyncadd.s32 $0xFFFFE000  }
0xfe: {  	_ =	swait.ge [sflag:s0], $0x2000  }
0xff: {  	[sflag:s0] =	ssyncset.done $0x0  }
0x100: {  	[sflag:s0] =	ssyncadd.s32 $0xFFFFE000  }
0x101: {  	_ =	swait.ge [sflag:s0], $0x2000  }
0x102: {  	s16 =	sadd.s32 $0x1, s16;
	[sflag:s0] =	ssyncset.done $0x0  }
0x103: {  	p0 =	sne.s32 s16, s10;
	[sflag:s0] =	ssyncadd.s32 $0xFFFFE000  }
.Ltmp1:
0x104: {  	[bflag:$0x0] =	sbarrier.arrive $0xFFFF;
	(pc) =	sbr.rel @p0 .LBB2_1-.Ltmp1, $4  }
0x105: {  	[hbm:s9], [sflag:s6] =	dma.local [spmem:s11], $0x1400  }
0x106: {  	_ =	swait.ge [sflag:s12], $0x1400  }
0x107: {  	[sflag:s12] =	ssyncset.done $0x0  }
0x108: {  	[sflag:s12] =	ssyncadd.s32 $0xFFFFEC00  }
0x109: {  	_ =	sfence.sel $0x180000  }
0x10a: {  	[bflag:$0x0] =	sbarrier.arrive $0xFFFF  }
0x10b: {  	_ =	strace $0x90000053  }
0x10c: {  	s0 =	stileid.u32;
	[bflag:$0x2] =	sbarrier.arrive $0xFFFF  }
0x10d: {  	p0 =	sne.s32 s0, $0x0;
	s0 =	rddreg [dreg:$0x2]  }
0x10e: {  	s0 =	sadd.s32 @!p0 $0x100000, s0  }
0x10f: {  	[sflag:s0] =	ssyncadd.tile.s32 @!p0 $0x1;
	_ =	shalt  }
.Lfunc_end2:
_tile_overlayer_lowered:
.L_overlay_start_2:
0x110: {  	(tag) =	ssettag $0x2  }
0x111: {  	s0 =	rddreg [dreg:$0x0];
	s2 =	stileid.u32  }
0x112: {  	s1 =	rddreg [dreg:$0x1];
	p0 =	sne.s32 s2, $0x0  }
0x113: {  	s3 =	rddreg [dreg:$0x2];
	[bflag:$0x3] =	sbarrier.arrive $0xFFFF;
	s2 =	simm.s32 @!p0 $0x1C05  }
0x114: {  	[timem:s3], [sflag:s2] =	dma.local @!p0 [hbm:s0], s1  }
0x115: {  	s0 =	simm.s32 @!p0 $0x5  }
0x116: {  	_ =	swait.ge @!p0 [sflag:s0], s1  }
0x117: {  	s1 =	ssub.s32 @!p0 $0x0, s1;
	[sflag:s0] =	ssyncset.done @!p0 $0x0  }
0x118: {  	[sflag:s0] =	ssyncadd.s32 @!p0 s1  }
0x119: {  	[bflag:$0x3] =	sbarrier.arrive $0xFFFF  }
0x11a: {  	_ =	shalt  }

</sc_bundles>
